<compile_context>
chip_gen: v7x
topology: tpu7x:2x2x1
jax: 0.10.2.dev20260603
libtpu: 0.0.44.dev20260713+nightly
codegen_flags: <defaults>
</compile_context>

<pallas_src>
import functools

import jax
import jax.numpy as jnp
from jax import lax
from jax.experimental import pallas as pl
from jax.experimental.pallas import tpu as pltpu
from jax.experimental.pallas import tpu_sc as plsc

N = 10000
E = 160000
B = 64
EMB = 128
NUM_LAYER = 5

NW = 32
CHUNK = 128
EPT = 5120
E_PAD = NW * EPT
NCHUNK = EPT // CHUNK
NODE_PAD = 10112
RPT = NODE_PAD // 16
RB = 5000
NB = N // RB



def _idx_body(src_ref, ea_ref, out_ref):
    out_ref[...] = ea_ref[...] * N + src_ref[...]


_idx_kernel = pl.pallas_call(
    _idx_body,
    out_shape=jax.ShapeDtypeStruct((E_PAD // 128, 128), jnp.int32),
)


def _embed_body(x_ref, xemb_ref, eemb_ref, h_ref, t_ref):
    xb = x_ref[0, 0, :]
    oh = (xb[:, None] == lax.broadcasted_iota(jnp.int32, (RB, 120), 1))
    h = jnp.dot(oh.astype(jnp.float32), xemb_ref[...],
                preferred_element_type=jnp.float32)
    h_ref[...] = h
    for j in range(6):
        t_ref[j] = jnp.maximum(h + eemb_ref[j, :], 0.0)


_embed_kernel = pl.pallas_call(
    _embed_body,
    grid=(NB,),
    in_specs=[
        pl.BlockSpec((1, 1, RB), lambda b: (b, 0, 0)),
        pl.BlockSpec((120, 128), lambda b: (0, 0)),
        pl.BlockSpec((8, 128), lambda b: (0, 0)),
    ],
    out_specs=[
        pl.BlockSpec((RB, 128), lambda b: (b, 0)),
        pl.BlockSpec((6, RB, 128), lambda b: (0, b, 0)),
    ],
    out_shape=[
        jax.ShapeDtypeStruct((N, 128), jnp.float32),
        jax.ShapeDtypeStruct((6, N, 128), jnp.float32),
    ],
)


def _mlp_body(h_ref, a0_ref, a1_ref, w1_ref, b1_ref, w2_ref, b2_ref,
              u_ref, st_ref):
    z = h_ref[...] + a0_ref[...] + a1_ref[...]
    t = jnp.maximum(
        jnp.dot(z, w1_ref[...], preferred_element_type=jnp.float32)
        + b1_ref[0, :], 0.0)
    u = (jnp.dot(t, w2_ref[...], preferred_element_type=jnp.float32)
         + b2_ref[0, :])
    u_ref[...] = u
    s1 = jnp.sum(u, axis=0, keepdims=True)
    s2 = jnp.sum(u * u, axis=0, keepdims=True)
    st_ref[0] = jnp.concatenate([s1, s2, jnp.zeros((6, 128), jnp.float32)], 0)


_mlp_kernel = pl.pallas_call(
    _mlp_body,
    grid=(NB,),
    in_specs=[
        pl.BlockSpec((RB, 128), lambda b: (b, 0)),
        pl.BlockSpec((RB, 128), lambda b: (b, 0)),
        pl.BlockSpec((RB, 128), lambda b: (b, 0)),
        pl.BlockSpec((128, 256), lambda b: (0, 0)),
        pl.BlockSpec((1, 256), lambda b: (0, 0)),
        pl.BlockSpec((256, 128), lambda b: (0, 0)),
        pl.BlockSpec((1, 128), lambda b: (0, 0)),
    ],
    out_specs=[
        pl.BlockSpec((RB, 128), lambda b: (b, 0)),
        pl.BlockSpec((1, 8, 128), lambda b: (b, 0, 0)),
    ],
    out_shape=[
        jax.ShapeDtypeStruct((N, 128), jnp.float32),
        jax.ShapeDtypeStruct((NB, 8, 128), jnp.float32),
    ],
)


def _bn_scale_shift(st_ref, g_ref, be_ref):
    s = st_ref[...]
    mu = jnp.sum(s[:, 0, :], axis=0) / N
    ex2 = jnp.sum(s[:, 1, :], axis=0) / N
    var = ex2 - mu * mu
    scale = g_ref[0, :] * lax.rsqrt(var + 1e-5)
    shift = be_ref[0, :] - mu * scale
    return scale, shift


def _bn_next_body(u_ref, st_ref, g_ref, be_ref, eemb_ref, h_ref, t_ref):
    scale, shift = _bn_scale_shift(st_ref, g_ref, be_ref)
    hn = jnp.maximum(u_ref[...] * scale + shift, 0.0)
    h_ref[...] = hn
    for j in range(6):
        t_ref[j] = jnp.maximum(hn + eemb_ref[j, :], 0.0)


_bn_next_kernel = pl.pallas_call(
    _bn_next_body,
    grid=(NB,),
    in_specs=[
        pl.BlockSpec((RB, 128), lambda b: (b, 0)),
        pl.BlockSpec((NB, 8, 128), lambda b: (0, 0, 0)),
        pl.BlockSpec((1, 128), lambda b: (0, 0)),
        pl.BlockSpec((1, 128), lambda b: (0, 0)),
        pl.BlockSpec((8, 128), lambda b: (0, 0)),
    ],
    out_specs=[
        pl.BlockSpec((RB, 128), lambda b: (b, 0)),
        pl.BlockSpec((6, RB, 128), lambda b: (0, b, 0)),
    ],
    out_shape=[
        jax.ShapeDtypeStruct((N, 128), jnp.float32),
        jax.ShapeDtypeStruct((6, N, 128), jnp.float32),
    ],
)


def _bn_pool_body(u_ref, st_ref, g_ref, be_ref, batch_ref,
                  pooled_ref, cnt_ref):
    scale, shift = _bn_scale_shift(st_ref, g_ref, be_ref)
    hn = u_ref[...] * scale + shift
    b = pl.program_id(0)

    @pl.when(b == 0)
    def _():
        pooled_ref[...] = jnp.zeros((B, 128), jnp.float32)
        cnt_ref[...] = jnp.zeros((B, 128), jnp.float32)

    bb = batch_ref[0, 0, :]
    mask = (lax.broadcasted_iota(jnp.int32, (B, RB), 0)
            == bb[None, :]).astype(jnp.float32)
    pooled_ref[...] += jnp.dot(mask, hn, preferred_element_type=jnp.float32)
    cnt_ref[...] += jnp.broadcast_to(jnp.sum(mask, axis=1)[:, None], (B, 128))


_bn_pool_kernel = pl.pallas_call(
    _bn_pool_body,
    grid=(NB,),
    in_specs=[
        pl.BlockSpec((RB, 128), lambda b: (b, 0)),
        pl.BlockSpec((NB, 8, 128), lambda b: (0, 0, 0)),
        pl.BlockSpec((1, 128), lambda b: (0, 0)),
        pl.BlockSpec((1, 128), lambda b: (0, 0)),
        pl.BlockSpec((1, 1, RB), lambda b: (b, 0, 0)),
    ],
    out_specs=[
        pl.BlockSpec((B, 128), lambda b: (0, 0)),
        pl.BlockSpec((B, 128), lambda b: (0, 0)),
    ],
    out_shape=[
        jax.ShapeDtypeStruct((B, 128), jnp.float32),
        jax.ShapeDtypeStruct((B, 128), jnp.float32),
    ],
)


def _tail_body(pa_ref, ca_ref, pb_ref, cb_ref, ctx_ref,
               wc1_ref, bc1_ref, wc2_ref, bc2_ref,
               wo1_ref, bo1_ref, wo2_ref, bo2_ref,
               wm1_ref, bm1_ref, wm2_ref, bm2_ref, wm3_ref, bm3_ref,
               out_ref):
    def dense(x, w_ref, b_ref, act):
        y = (jnp.dot(x, w_ref[...], preferred_element_type=jnp.float32)
             + b_ref[0, :])
        return jnp.maximum(y, 0.0) if act else y

    pa = pa_ref[...] / jnp.maximum(ca_ref[...], 1.0)
    pb = pb_ref[...] / jnp.maximum(cb_ref[...], 1.0)
    ha = dense(dense(pa, wo1_ref, bo1_ref, True), wo2_ref, bo2_ref, False)
    hb = dense(dense(pb, wo1_ref, bo1_ref, True), wo2_ref, bo2_ref, False)
    ctx = dense(dense(ctx_ref[...], wc1_ref, bc1_ref, True),
                wc2_ref, bc2_ref, False)
    z = jnp.concatenate([ha, hb, ctx], axis=1)
    z = dense(z, wm1_ref, bm1_ref, True)
    z = dense(z, wm2_ref, bm2_ref, True)
    out_ref[...] = dense(z, wm3_ref, bm3_ref, False)


_tail_kernel = pl.pallas_call(
    _tail_body,
    out_shape=jax.ShapeDtypeStruct((B, 128), jnp.float32),
)



_sc_mesh = plsc.VectorSubcoreMesh(core_axis_name="c", subcore_axis_name="s")


def _sc_aggr_body(t_hbm, comb_hbm, dst_hbm, zeros_hbm, out_hbm,
                  idxv, dstv, buf0, buf1, shared,
                  sg0, sg1, ss0, ss1):
    c = lax.axis_index("c")
    s = lax.axis_index("s")
    wid = s * 2 + c
    bufs = (buf0, buf1)
    sgs = (sg0, sg1)
    sss = (ss0, ss1)

    def gather(j, b):
        return pltpu.async_copy(t_hbm.at[idxv.at[j]], bufs[b], sgs[b])

    def scatter(j, b):
        return pltpu.async_copy(bufs[b], shared.at[dstv.at[j]], sss[b],
                                add=True)

    def wait_gather(j, b):
        pltpu.make_async_copy(t_hbm.at[idxv.at[j]], bufs[b], sgs[b]).wait()

    def wait_scatter(j, b):
        pltpu.make_async_copy(bufs[b], shared.at[dstv.at[j]], sss[b]).wait()

    pltpu.sync_copy(zeros_hbm.at[pl.ds(s * RPT, RPT)],
                    shared.at[pl.ds(s * RPT, RPT)])
    pltpu.sync_copy(comb_hbm.at[wid], idxv)
    pltpu.sync_copy(dst_hbm.at[wid], dstv)
    plsc.subcore_barrier()

    for b in range(2):
        gather(jnp.int32(b), b)

    def body(k, carry):
        j = 2 * k
        wait_gather(j, 0)
        scatter(j, 0)
        wait_gather(j + 1, 1)
        scatter(j + 1, 1)
        wait_scatter(j, 0)
        gather(jnp.minimum(j + 2, NCHUNK - 1), 0)
        wait_scatter(j + 1, 1)
        gather(jnp.minimum(j + 3, NCHUNK - 1), 1)
        return carry

    lax.fori_loop(0, NCHUNK // 2, body, jnp.int32(0))
    for b in range(2):
        wait_gather(jnp.int32(NCHUNK - 1), b)
    plsc.subcore_barrier()
    pltpu.sync_copy(shared.at[pl.ds(s * RPT, RPT)],
                    out_hbm.at[c, pl.ds(s * RPT, RPT)])


_sc_aggr = functools.partial(
    pl.kernel,
    out_type=jax.ShapeDtypeStruct((2, NODE_PAD, 128), jnp.float32),
    mesh=_sc_mesh,
    scratch_types=[
        pltpu.VMEM((NCHUNK, CHUNK), jnp.int32),
        pltpu.VMEM((NCHUNK, CHUNK), jnp.int32),
        pltpu.VMEM((CHUNK, 128), jnp.float32),
        pltpu.VMEM((CHUNK, 128), jnp.float32),
        pltpu.VMEM_SHARED((NODE_PAD, 128), jnp.float32),
        pltpu.SemaphoreType.DMA,
        pltpu.SemaphoreType.DMA,
        pltpu.SemaphoreType.DMA,
        pltpu.SemaphoreType.DMA,
    ],
)(_sc_aggr_body)



def _pad_edges(v, fill):
    return jnp.concatenate(
        [v.astype(jnp.int32), jnp.full((E_PAD - E,), fill, jnp.int32)])


def kernel(xA, edge_indexA, edge_attrA, batchA, xB, edge_indexB, edge_attrB,
           batchB, context, params):
    x_emb = params['x_emb']
    e_emb8 = jnp.concatenate(
        [params['e_emb'], jnp.zeros((2, 128), jnp.float32)], axis=0)
    zeros = jnp.zeros((NODE_PAD, 128), jnp.float32)

    def prep(x, ei, ea, batch):
        src = _pad_edges(ei[0], 0).reshape(E_PAD // 128, 128)
        eav = _pad_edges(ea[:, 0], 0).reshape(E_PAD // 128, 128)
        dst3 = _pad_edges(ei[1], N).reshape(NW, NCHUNK, CHUNK)
        comb3 = _idx_kernel(src, eav).reshape(NW, NCHUNK, CHUNK)
        x3 = x[:, 0].astype(jnp.int32).reshape(NB, 1, RB)
        batch3 = batch.astype(jnp.int32).reshape(NB, 1, RB)
        h, t = _embed_kernel(x3, x_emb, e_emb8)
        return {'comb': comb3, 'dst': dst3, 'batch': batch3, 'h': h, 't': t}

    sA = prep(xA, edge_indexA, edge_attrA, batchA)
    sB = prep(xB, edge_indexB, edge_attrB, batchB)
    for l in range(NUM_LAYER):
        p = params['gnn'][l]
        b1 = p['b1'].reshape(1, 256)
        b2 = p['b2'].reshape(1, 128)
        g = p['gamma'].reshape(1, 128)
        be = p['beta'].reshape(1, 128)
        for st_ in (sA, sB):
            st_['aggr'] = _sc_aggr(st_['t'].reshape(6 * N, 128),
                                   st_['comb'], st_['dst'], zeros)
        for st_ in (sA, sB):
            aggr = st_['aggr']
            u, st = _mlp_kernel(st_['h'], aggr[0], aggr[1],
                                p['W1'], b1, p['W2'], b2)
            if l < NUM_LAYER - 1:
                st_['h'], st_['t'] = _bn_next_kernel(u, st, g, be, e_emb8)
            else:
                st_['pooled'], st_['cnt'] = _bn_pool_kernel(
                    u, st, g, be, st_['batch'])
    pooledA, cntA = sA['pooled'], sA['cnt']
    pooledB, cntB = sB['pooled'], sB['cnt']

    ctx_pad = jnp.pad(context, ((0, 0), (0, 1024 - context.shape[1])))
    wc1_pad = jnp.pad(params['Wc1'], ((0, 1024 - params['Wc1'].shape[0]),
                                      (0, 0)))
    wm3_pad = jnp.pad(params['Wm3'], ((0, 0), (0, 127)))
    bm3_pad = jnp.pad(params['bm3'], ((0, 127),))

    out = _tail_kernel(
        pooledA, cntA, pooledB, cntB, ctx_pad,
        wc1_pad, params['bc1'].reshape(1, 512),
        params['Wc2'], params['bc2'].reshape(1, 128),
        params['Wo1'], params['bo1'].reshape(1, 512),
        params['Wo2'], params['bo2'].reshape(1, 256),
        params['Wm1'], params['bm1'].reshape(1, 256),
        params['Wm2'], params['bm2'].reshape(1, 64),
        wm3_pad, bm3_pad.reshape(1, 128))
    return out[:, :1]

# --- scband reference (transcript-rebuilt; emitter-appended) ---
"""Pipeline reference for scband-fusion-gnn-16484084483814 (READ-ONLY COPY).

The authoritative reference and input builder live on the scoring server;
editing this copy changes nothing except your own understanding.
"""

import jax, jax.numpy as jnp
import numpy as np

N = 10000
E = 160000
B = 64
EMB = 128
FEAT = 512
CTX = 908
NUM_ATOM = 120
NUM_BOND = 6
NUM_LAYER = 5


def _init_params(key):
    ks = jax.random.split(key, 32)
    def nrm(k, shape, s=0.05):
        return jax.random.normal(k, shape, dtype=jnp.float32) * s
    p = {}
    p['x_emb'] = nrm(ks[0], (NUM_ATOM, EMB))
    p['e_emb'] = nrm(ks[1], (NUM_BOND, EMB))
    gnn = []
    i = 2
    for _ in range(NUM_LAYER):
        gnn.append({
            'W1': nrm(ks[i], (EMB, 2 * EMB)), 'b1': jnp.zeros((2 * EMB,), jnp.float32),
            'W2': nrm(ks[i + 1], (2 * EMB, EMB)), 'b2': jnp.zeros((EMB,), jnp.float32),
            'gamma': jnp.ones((EMB,), jnp.float32), 'beta': jnp.zeros((EMB,), jnp.float32),
        })
        i += 2
    p['gnn'] = gnn
    p['Wc1'] = nrm(ks[i], (CTX, FEAT)); p['bc1'] = jnp.zeros((FEAT,), jnp.float32)
    p['Wc2'] = nrm(ks[i + 1], (FEAT, EMB)); p['bc2'] = jnp.zeros((EMB,), jnp.float32)
    p['Wo1'] = nrm(ks[i + 2], (EMB, FEAT)); p['bo1'] = jnp.zeros((FEAT,), jnp.float32)
    p['Wo2'] = nrm(ks[i + 3], (FEAT, FEAT // 2)); p['bo2'] = jnp.zeros((FEAT // 2,), jnp.float32)
    din = FEAT // 2 * 2 + EMB
    p['Wm1'] = nrm(ks[i + 4], (din, 256)); p['bm1'] = jnp.zeros((256,), jnp.float32)
    p['Wm2'] = nrm(ks[i + 5], (256, 64)); p['bm2'] = jnp.zeros((64,), jnp.float32)
    p['Wm3'] = nrm(ks[i + 6], (64, 1)); p['bm3'] = jnp.zeros((1,), jnp.float32)
    return p


def setup_inputs(seed: int = 0):
    key = jax.random.key(seed)
    ks = jax.random.split(key, 10)
    xA = jax.random.randint(ks[0], (N, 2), 0, 119)
    edge_indexA = jax.random.randint(ks[1], (2, E), 0, N)
    edge_attrA = jax.random.randint(ks[2], (E, 2), 0, 5)
    batchA = jnp.sort(jax.random.randint(ks[3], (N,), 0, B))
    xB = jax.random.randint(ks[4], (N, 2), 0, 119)
    edge_indexB = jax.random.randint(ks[5], (2, E), 0, N)
    edge_attrB = jax.random.randint(ks[6], (E, 2), 0, 5)
    batchB = jnp.sort(jax.random.randint(ks[7], (N,), 0, B))
    context = jax.random.normal(ks[8], (B, CTX), dtype=jnp.float32)
    params = _init_params(ks[9])
    return {'xA': xA, 'edge_indexA': edge_indexA, 'edge_attrA': edge_attrA, 'batchA': batchA,
            'xB': xB, 'edge_indexB': edge_indexB, 'edge_attrB': edge_attrB, 'batchB': batchB,
            'context': context, 'params': params}


def reference(xA, edge_indexA, edge_attrA, batchA, xB, edge_indexB, edge_attrB, batchB, context, params):
    def bn(h, g, b):
        mu = jnp.mean(h, axis=0)
        var = jnp.mean((h - mu) ** 2, axis=0)
        return g * (h - mu) / jnp.sqrt(var + 1e-5) + b

    def drug_branch(x, ei, ea, batch):
        h = jnp.take(params['x_emb'], x[:, 0], axis=0)
        ee = jnp.take(params['e_emb'], ea[:, 0], axis=0)
        src, dst = ei[0], ei[1]
        for l in range(NUM_LAYER):
            pl = params['gnn'][l]
            msg = jax.nn.relu(jnp.take(h, src, axis=0) + ee)
            aggr = jax.ops.segment_sum(msg, dst, num_segments=N)
            z = h + aggr
            z = jax.nn.relu(z @ pl['W1'] + pl['b1']) @ pl['W2'] + pl['b2']
            h = bn(z, pl['gamma'], pl['beta'])
            if l != NUM_LAYER - 1:
                h = jax.nn.relu(h)
        counts = jnp.maximum(jax.ops.segment_sum(jnp.ones((N,), jnp.float32), batch, num_segments=B), 1.0)
        pooled = jax.ops.segment_sum(h, batch, num_segments=B) / counts[:, None]
        return jax.nn.relu(pooled @ params['Wo1'] + params['bo1']) @ params['Wo2'] + params['bo2']

    hA = drug_branch(xA, edge_indexA, edge_attrA, batchA)
    hB = drug_branch(xB, edge_indexB, edge_attrB, batchB)
    ctx = jax.nn.relu(context @ params['Wc1'] + params['bc1']) @ params['Wc2'] + params['bc2']
    z = jnp.concatenate([hA, hB, ctx], axis=1)
    z = jax.nn.relu(z @ params['Wm1'] + params['bm1'])
    z = jax.nn.relu(z @ params['Wm2'] + params['bm2'])
    return z @ params['Wm3'] + params['bm3']

if __name__ == "__main__":
    import jax
    _d = setup_inputs()
    print(jax.jit(kernel)(*tuple(_d.values())))

</pallas_src>

<mosaic_0001>
#map = affine_map<(d0, d1) -> (0, 0)>
#map1 = affine_map<(d0, d1) -> (0, 0, 0)>
module attributes {stable_mosaic.version = 14 : i64} {
  func.func @_sc_aggr_body(%arg0: i32, %arg1: i32, %arg2: memref<60000x128xf32, #tpu.memory_space<hbm>>, %arg3: memref<32x40x128xi32, #tpu.memory_space<hbm>>, %arg4: memref<32x40x128xi32, #tpu.memory_space<hbm>>, %arg5: memref<10112x128xf32, #tpu.memory_space<hbm>>, %arg6: memref<2x10112x128xf32, #tpu.memory_space<hbm>>, %arg7: memref<40x128xi32, #tpu.memory_space<vmem>>, %arg8: memref<40x128xi32, #tpu.memory_space<vmem>>, %arg9: memref<128x128xf32, #tpu.memory_space<vmem>>, %arg10: memref<128x128xf32, #tpu.memory_space<vmem>>, %arg11: memref<10112x128xf32, #tpu.memory_space<vmem_shared>>, %arg12: memref<!tpu.dma_semaphore, #tpu.memory_space<semaphore_mem>>, %arg13: memref<!tpu.dma_semaphore, #tpu.memory_space<semaphore_mem>>, %arg14: memref<!tpu.dma_semaphore, #tpu.memory_space<semaphore_mem>>, %arg15: memref<!tpu.dma_semaphore, #tpu.memory_space<semaphore_mem>>) attributes {dimension_semantics = [#tpu.dimension_semantics<core_parallel>, #tpu.dimension_semantics<subcore_parallel>], iteration_bounds = array<i64: 2, 16>, scalar_prefetch = 0 : i64, scratch_operands = 9 : i64, tpu.core_type = #tpu.core_type<sc_vector_subcore>, window_params = [{transform_indices = #map}, {transform_indices = #map1}, {transform_indices = #map1}, {transform_indices = #map}, {transform_indices = #map1}]} {
    %mul3A = arith.constant 2 : i32
    %mul3A_0 = arith.muli %arg1, %mul3A : i32
    %add3A = arith.addi %mul3A_0, %arg0 : i32
    %mul3A_1 = arith.constant 632 : i32
    %mul3A_2 = arith.muli %arg1, %mul3A_1 : i32
    %mul3A_3 = arith.constant 632 : i32
    %mul3A_4 = arith.muli %arg1, %mul3A_3 : i32
    "tpu.region"() ({
      %run_scoped3A = tpu.sem_alloc : memref<!tpu.dma_semaphore, #tpu.memory_space<semaphore_mem>>
      %dma_start3A_41 = arith.constant 0 : i32
      %dma_start3A_42 = tpu.memref_slice %arg11[%mul3A_4, %dma_start3A_41] : memref<10112x128xf32, #tpu.memory_space<vmem_shared>> -> memref<632x128xf32, #tpu.memory_space<vmem_shared>>
      %dma_start3A_43 = arith.constant 0 : i32
      %dma_start3A_44 = tpu.memref_slice %arg5[%mul3A_2, %dma_start3A_43] : memref<10112x128xf32, #tpu.memory_space<hbm>> -> memref<632x128xf32, #tpu.memory_space<hbm>>
      tpu.enqueue_dma source(%dma_start3A_44 : memref<632x128xf32, #tpu.memory_space<hbm>>) target(%dma_start3A_42 : memref<632x128xf32, #tpu.memory_space<vmem_shared>>) target_semaphore(%run_scoped3A : memref<!tpu.dma_semaphore, #tpu.memory_space<semaphore_mem>>)
      %dma_wait3A_45 = arith.constant 0 : i32
      %dma_wait3A_46 = tpu.memref_slice %arg11[%mul3A_4, %dma_wait3A_45] : memref<10112x128xf32, #tpu.memory_space<vmem_shared>> -> memref<632x128xf32, #tpu.memory_space<vmem_shared>>
      %dma_wait3A_47 = arith.constant 0 : i32
      %dma_wait3A_48 = tpu.memref_slice %arg5[%mul3A_2, %dma_wait3A_47] : memref<10112x128xf32, #tpu.memory_space<hbm>> -> memref<632x128xf32, #tpu.memory_space<hbm>>
      tpu.wait_dma2 semaphore(%run_scoped3A : memref<!tpu.dma_semaphore, #tpu.memory_space<semaphore_mem>>) src(%dma_wait3A_48 : memref<632x128xf32, #tpu.memory_space<hbm>>) dst(%dma_wait3A_46 : memref<632x128xf32, #tpu.memory_space<vmem_shared>>)
      tpu.yield
    }) : () -> ()
    "tpu.region"() ({
      %run_scoped3A = tpu.sem_alloc : memref<!tpu.dma_semaphore, #tpu.memory_space<semaphore_mem>>
      %dma_start3A_41 = arith.constant 0 : i32
      %dma_start3A_42 = arith.constant 0 : i32
      %dma_start3A_43 = tpu.memref_slice %arg3[%add3A, %dma_start3A_41, %dma_start3A_42] : memref<32x40x128xi32, #tpu.memory_space<hbm>> -> memref<1x40x128xi32, #tpu.memory_space<hbm>>
      %dma_start3A_44 = tpu.memref_squeeze %dma_start3A_43 : memref<1x40x128xi32, #tpu.memory_space<hbm>> -> memref<40x128xi32, #tpu.memory_space<hbm>>
      %dma_start3A_45 = arith.constant 0 : i32
      %dma_start3A_46 = arith.constant 0 : i32
      %dma_start3A_47 = tpu.memref_slice %arg3[%add3A, %dma_start3A_45, %dma_start3A_46] : memref<32x40x128xi32, #tpu.memory_space<hbm>> -> memref<1x40x128xi32, #tpu.memory_space<hbm>>
      %dma_start3A_48 = tpu.memref_squeeze %dma_start3A_47 : memref<1x40x128xi32, #tpu.memory_space<hbm>> -> memref<40x128xi32, #tpu.memory_space<hbm>>
      tpu.enqueue_dma source(%dma_start3A_48 : memref<40x128xi32, #tpu.memory_space<hbm>>) target(%arg7 : memref<40x128xi32, #tpu.memory_space<vmem>>) target_semaphore(%run_scoped3A : memref<!tpu.dma_semaphore, #tpu.memory_space<semaphore_mem>>)
      %dma_wait3A_49 = arith.constant 0 : i32
      %dma_wait3A_50 = arith.constant 0 : i32
      %dma_wait3A_51 = tpu.memref_slice %arg3[%add3A, %dma_wait3A_49, %dma_wait3A_50] : memref<32x40x128xi32, #tpu.memory_space<hbm>> -> memref<1x40x128xi32, #tpu.memory_space<hbm>>
      %dma_wait3A_52 = tpu.memref_squeeze %dma_wait3A_51 : memref<1x40x128xi32, #tpu.memory_space<hbm>> -> memref<40x128xi32, #tpu.memory_space<hbm>>
      %dma_wait3A_53 = arith.constant 0 : i32
      %dma_wait3A_54 = arith.constant 0 : i32
      %dma_wait3A_55 = tpu.memref_slice %arg3[%add3A, %dma_wait3A_53, %dma_wait3A_54] : memref<32x40x128xi32, #tpu.memory_space<hbm>> -> memref<1x40x128xi32, #tpu.memory_space<hbm>>
      %dma_wait3A_56 = tpu.memref_squeeze %dma_wait3A_55 : memref<1x40x128xi32, #tpu.memory_space<hbm>> -> memref<40x128xi32, #tpu.memory_space<hbm>>
      tpu.wait_dma2 semaphore(%run_scoped3A : memref<!tpu.dma_semaphore, #tpu.memory_space<semaphore_mem>>) src(%dma_wait3A_56 : memref<40x128xi32, #tpu.memory_space<hbm>>) dst(%arg7 : memref<40x128xi32, #tpu.memory_space<vmem>>)
      tpu.yield
    }) : () -> ()
    "tpu.region"() ({
      %run_scoped3A = tpu.sem_alloc : memref<!tpu.dma_semaphore, #tpu.memory_space<semaphore_mem>>
      %dma_start3A_41 = arith.constant 0 : i32
      %dma_start3A_42 = arith.constant 0 : i32
      %dma_start3A_43 = tpu.memref_slice %arg4[%add3A, %dma_start3A_41, %dma_start3A_42] : memref<32x40x128xi32, #tpu.memory_space<hbm>> -> memref<1x40x128xi32, #tpu.memory_space<hbm>>
      %dma_start3A_44 = tpu.memref_squeeze %dma_start3A_43 : memref<1x40x128xi32, #tpu.memory_space<hbm>> -> memref<40x128xi32, #tpu.memory_space<hbm>>
      %dma_start3A_45 = arith.constant 0 : i32
      %dma_start3A_46 = arith.constant 0 : i32
      %dma_start3A_47 = tpu.memref_slice %arg4[%add3A, %dma_start3A_45, %dma_start3A_46] : memref<32x40x128xi32, #tpu.memory_space<hbm>> -> memref<1x40x128xi32, #tpu.memory_space<hbm>>
      %dma_start3A_48 = tpu.memref_squeeze %dma_start3A_47 : memref<1x40x128xi32, #tpu.memory_space<hbm>> -> memref<40x128xi32, #tpu.memory_space<hbm>>
      tpu.enqueue_dma source(%dma_start3A_48 : memref<40x128xi32, #tpu.memory_space<hbm>>) target(%arg8 : memref<40x128xi32, #tpu.memory_space<vmem>>) target_semaphore(%run_scoped3A : memref<!tpu.dma_semaphore, #tpu.memory_space<semaphore_mem>>)
      %dma_wait3A_49 = arith.constant 0 : i32
      %dma_wait3A_50 = arith.constant 0 : i32
      %dma_wait3A_51 = tpu.memref_slice %arg4[%add3A, %dma_wait3A_49, %dma_wait3A_50] : memref<32x40x128xi32, #tpu.memory_space<hbm>> -> memref<1x40x128xi32, #tpu.memory_space<hbm>>
      %dma_wait3A_52 = tpu.memref_squeeze %dma_wait3A_51 : memref<1x40x128xi32, #tpu.memory_space<hbm>> -> memref<40x128xi32, #tpu.memory_space<hbm>>
      %dma_wait3A_53 = arith.constant 0 : i32
      %dma_wait3A_54 = arith.constant 0 : i32
      %dma_wait3A_55 = tpu.memref_slice %arg4[%add3A, %dma_wait3A_53, %dma_wait3A_54] : memref<32x40x128xi32, #tpu.memory_space<hbm>> -> memref<1x40x128xi32, #tpu.memory_space<hbm>>
      %dma_wait3A_56 = tpu.memref_squeeze %dma_wait3A_55 : memref<1x40x128xi32, #tpu.memory_space<hbm>> -> memref<40x128xi32, #tpu.memory_space<hbm>>
      tpu.wait_dma2 semaphore(%run_scoped3A : memref<!tpu.dma_semaphore, #tpu.memory_space<semaphore_mem>>) src(%dma_wait3A_56 : memref<40x128xi32, #tpu.memory_space<hbm>>) dst(%arg8 : memref<40x128xi32, #tpu.memory_space<vmem>>)
      tpu.yield
    }) : () -> ()
    %barrier3A = arith.constant 0 : index
    tpu.barrier barrier_id(%barrier3A)
    %dma_start3A = arith.constant 0 : i32
    %dma_start3A_5 = arith.constant 0 : i32
    %dma_start3A_6 = tpu.memref_slice %arg7[%dma_start3A, %dma_start3A_5] : memref<40x128xi32, #tpu.memory_space<vmem>> -> memref<1x128xi32, #tpu.memory_space<vmem>>
    %dma_start3A_7 = tpu.memref_squeeze %dma_start3A_6 : memref<1x128xi32, #tpu.memory_space<vmem>> -> memref<128xi32, #tpu.memory_space<vmem>>
    %dma_start3A_8 = arith.constant 0 : i32
    %dma_start3A_9 = arith.constant 0 : i32
    %dma_start3A_10 = tpu.memref_slice %arg2[%dma_start3A_8, %dma_start3A_9] : memref<60000x128xf32, #tpu.memory_space<hbm>> -> memref<60000x128xf32, #tpu.memory_space<hbm>>
    tpu.enqueue_indirect_dma source(%dma_start3A_10 : memref<60000x128xf32, #tpu.memory_space<hbm>>) target(%arg9 : memref<128x128xf32, #tpu.memory_space<vmem>>) offsets(%dma_start3A_7 : memref<128xi32, #tpu.memory_space<vmem>>) semaphore(%arg12 : memref<!tpu.dma_semaphore, #tpu.memory_space<semaphore_mem>>)
    %dma_start3A_11 = arith.constant 1 : i32
    %dma_start3A_12 = arith.constant 0 : i32
    %dma_start3A_13 = tpu.memref_slice %arg7[%dma_start3A_11, %dma_start3A_12] : memref<40x128xi32, #tpu.memory_space<vmem>> -> memref<1x128xi32, #tpu.memory_space<vmem>>
    %dma_start3A_14 = tpu.memref_squeeze %dma_start3A_13 : memref<1x128xi32, #tpu.memory_space<vmem>> -> memref<128xi32, #tpu.memory_space<vmem>>
    %dma_start3A_15 = arith.constant 0 : i32
    %dma_start3A_16 = arith.constant 0 : i32
    %dma_start3A_17 = tpu.memref_slice %arg2[%dma_start3A_15, %dma_start3A_16] : memref<60000x128xf32, #tpu.memory_space<hbm>> -> memref<60000x128xf32, #tpu.memory_space<hbm>>
    tpu.enqueue_indirect_dma source(%dma_start3A_17 : memref<60000x128xf32, #tpu.memory_space<hbm>>) target(%arg10 : memref<128x128xf32, #tpu.memory_space<vmem>>) offsets(%dma_start3A_14 : memref<128xi32, #tpu.memory_space<vmem>>) semaphore(%arg13 : memref<!tpu.dma_semaphore, #tpu.memory_space<semaphore_mem>>)
    %scan3A = arith.constant 0 : i32
    %scan3A_18 = arith.constant 0 : i32
    %scan3A_19 = arith.constant 20 : i32
    %scan3A_20 = arith.addi %scan3A_18, %scan3A_19 : i32
    %scan3A_21 = arith.constant 1 : i32
    scf.for %scan3A_41 = %scan3A_18 to %scan3A_20 step %scan3A_21  : i32 {
      %mul3A_42 = arith.constant 2 : i32
      %mul3A_43 = arith.muli %mul3A_42, %scan3A_41 : i32
      %dma_wait3A_44 = arith.constant 0 : i32
      %dma_wait3A_45 = tpu.memref_slice %arg7[%mul3A_43, %dma_wait3A_44] : memref<40x128xi32, #tpu.memory_space<vmem>> -> memref<1x128xi32, #tpu.memory_space<vmem>>
      %dma_wait3A_46 = tpu.memref_squeeze %dma_wait3A_45 : memref<1x128xi32, #tpu.memory_space<vmem>> -> memref<128xi32, #tpu.memory_space<vmem>>
      %dma_wait3A_47 = arith.constant 0 : i32
      %dma_wait3A_48 = arith.constant 0 : i32
      %dma_wait3A_49 = tpu.memref_slice %arg2[%dma_wait3A_47, %dma_wait3A_48] : memref<60000x128xf32, #tpu.memory_space<hbm>> -> memref<60000x128xf32, #tpu.memory_space<hbm>>
      tpu.wait_indirect_dma semaphore(%arg12 : memref<!tpu.dma_semaphore, #tpu.memory_space<semaphore_mem>>) src(%dma_wait3A_49 : memref<60000x128xf32, #tpu.memory_space<hbm>>) dst(%arg9 : memref<128x128xf32, #tpu.memory_space<vmem>>)
      %dma_start3A_50 = arith.constant 0 : i32
      %dma_start3A_51 = tpu.memref_slice %arg8[%mul3A_43, %dma_start3A_50] : memref<40x128xi32, #tpu.memory_space<vmem>> -> memref<1x128xi32, #tpu.memory_space<vmem>>
      %dma_start3A_52 = tpu.memref_squeeze %dma_start3A_51 : memref<1x128xi32, #tpu.memory_space<vmem>> -> memref<128xi32, #tpu.memory_space<vmem>>
      %dma_start3A_53 = arith.constant 0 : i32
      %dma_start3A_54 = arith.constant 0 : i32
      %dma_start3A_55 = tpu.memref_slice %arg11[%dma_start3A_53, %dma_start3A_54] : memref<10112x128xf32, #tpu.memory_space<vmem_shared>> -> memref<10112x128xf32, #tpu.memory_space<vmem_shared>>
      tpu.enqueue_indirect_dma source(%arg9 : memref<128x128xf32, #tpu.memory_space<vmem>>) target(%dma_start3A_55 : memref<10112x128xf32, #tpu.memory_space<vmem_shared>>) offsets(%dma_start3A_52 : memref<128xi32, #tpu.memory_space<vmem>>) semaphore(%arg14 : memref<!tpu.dma_semaphore, #tpu.memory_space<semaphore_mem>>) {add = true}
      %add3A_56 = arith.constant 1 : i32
      %add3A_57 = arith.addi %mul3A_43, %add3A_56 : i32
      %dma_wait3A_58 = arith.constant 0 : i32
      %dma_wait3A_59 = tpu.memref_slice %arg7[%add3A_57, %dma_wait3A_58] : memref<40x128xi32, #tpu.memory_space<vmem>> -> memref<1x128xi32, #tpu.memory_space<vmem>>
      %dma_wait3A_60 = tpu.memref_squeeze %dma_wait3A_59 : memref<1x128xi32, #tpu.memory_space<vmem>> -> memref<128xi32, #tpu.memory_space<vmem>>
      %dma_wait3A_61 = arith.constant 0 : i32
      %dma_wait3A_62 = arith.constant 0 : i32
      %dma_wait3A_63 = tpu.memref_slice %arg2[%dma_wait3A_61, %dma_wait3A_62] : memref<60000x128xf32, #tpu.memory_space<hbm>> -> memref<60000x128xf32, #tpu.memory_space<hbm>>
      tpu.wait_indirect_dma semaphore(%arg13 : memref<!tpu.dma_semaphore, #tpu.memory_space<semaphore_mem>>) src(%dma_wait3A_63 : memref<60000x128xf32, #tpu.memory_space<hbm>>) dst(%arg10 : memref<128x128xf32, #tpu.memory_space<vmem>>)
      %add3A_64 = arith.constant 1 : i32
      %add3A_65 = arith.addi %mul3A_43, %add3A_64 : i32
      %dma_start3A_66 = arith.constant 0 : i32
      %dma_start3A_67 = tpu.memref_slice %arg8[%add3A_65, %dma_start3A_66] : memref<40x128xi32, #tpu.memory_space<vmem>> -> memref<1x128xi32, #tpu.memory_space<vmem>>
      %dma_start3A_68 = tpu.memref_squeeze %dma_start3A_67 : memref<1x128xi32, #tpu.memory_space<vmem>> -> memref<128xi32, #tpu.memory_space<vmem>>
      %dma_start3A_69 = arith.constant 0 : i32
      %dma_start3A_70 = arith.constant 0 : i32
      %dma_start3A_71 = tpu.memref_slice %arg11[%dma_start3A_69, %dma_start3A_70] : memref<10112x128xf32, #tpu.memory_space<vmem_shared>> -> memref<10112x128xf32, #tpu.memory_space<vmem_shared>>
      tpu.enqueue_indirect_dma source(%arg10 : memref<128x128xf32, #tpu.memory_space<vmem>>) target(%dma_start3A_71 : memref<10112x128xf32, #tpu.memory_space<vmem_shared>>) offsets(%dma_start3A_68 : memref<128xi32, #tpu.memory_space<vmem>>) semaphore(%arg15 : memref<!tpu.dma_semaphore, #tpu.memory_space<semaphore_mem>>) {add = true}
      %dma_wait3A_72 = arith.constant 0 : i32
      %dma_wait3A_73 = tpu.memref_slice %arg8[%mul3A_43, %dma_wait3A_72] : memref<40x128xi32, #tpu.memory_space<vmem>> -> memref<1x128xi32, #tpu.memory_space<vmem>>
      %dma_wait3A_74 = tpu.memref_squeeze %dma_wait3A_73 : memref<1x128xi32, #tpu.memory_space<vmem>> -> memref<128xi32, #tpu.memory_space<vmem>>
      %dma_wait3A_75 = arith.constant 0 : i32
      %dma_wait3A_76 = arith.constant 0 : i32
      %dma_wait3A_77 = tpu.memref_slice %arg11[%dma_wait3A_75, %dma_wait3A_76] : memref<10112x128xf32, #tpu.memory_space<vmem_shared>> -> memref<10112x128xf32, #tpu.memory_space<vmem_shared>>
      tpu.wait_indirect_dma semaphore(%arg14 : memref<!tpu.dma_semaphore, #tpu.memory_space<semaphore_mem>>) src(%arg9 : memref<128x128xf32, #tpu.memory_space<vmem>>) dst(%dma_wait3A_77 : memref<10112x128xf32, #tpu.memory_space<vmem_shared>>)
      %add3A_78 = arith.constant 2 : i32
      %add3A_79 = arith.addi %mul3A_43, %add3A_78 : i32
      %min3A = arith.constant 39 : i32
      %min3A_80 = arith.minsi %add3A_79, %min3A : i32
      %dma_start3A_81 = arith.constant 0 : i32
      %dma_start3A_82 = tpu.memref_slice %arg7[%min3A_80, %dma_start3A_81] : memref<40x128xi32, #tpu.memory_space<vmem>> -> memref<1x128xi32, #tpu.memory_space<vmem>>
      %dma_start3A_83 = tpu.memref_squeeze %dma_start3A_82 : memref<1x128xi32, #tpu.memory_space<vmem>> -> memref<128xi32, #tpu.memory_space<vmem>>
      %dma_start3A_84 = arith.constant 0 : i32
      %dma_start3A_85 = arith.constant 0 : i32
      %dma_start3A_86 = tpu.memref_slice %arg2[%dma_start3A_84, %dma_start3A_85] : memref<60000x128xf32, #tpu.memory_space<hbm>> -> memref<60000x128xf32, #tpu.memory_space<hbm>>
      tpu.enqueue_indirect_dma source(%dma_start3A_86 : memref<60000x128xf32, #tpu.memory_space<hbm>>) target(%arg9 : memref<128x128xf32, #tpu.memory_space<vmem>>) offsets(%dma_start3A_83 : memref<128xi32, #tpu.memory_space<vmem>>) semaphore(%arg12 : memref<!tpu.dma_semaphore, #tpu.memory_space<semaphore_mem>>)
      %add3A_87 = arith.constant 1 : i32
      %add3A_88 = arith.addi %mul3A_43, %add3A_87 : i32
      %dma_wait3A_89 = arith.constant 0 : i32
      %dma_wait3A_90 = tpu.memref_slice %arg8[%add3A_88, %dma_wait3A_89] : memref<40x128xi32, #tpu.memory_space<vmem>> -> memref<1x128xi32, #tpu.memory_space<vmem>>
      %dma_wait3A_91 = tpu.memref_squeeze %dma_wait3A_90 : memref<1x128xi32, #tpu.memory_space<vmem>> -> memref<128xi32, #tpu.memory_space<vmem>>
      %dma_wait3A_92 = arith.constant 0 : i32
      %dma_wait3A_93 = arith.constant 0 : i32
      %dma_wait3A_94 = tpu.memref_slice %arg11[%dma_wait3A_92, %dma_wait3A_93] : memref<10112x128xf32, #tpu.memory_space<vmem_shared>> -> memref<10112x128xf32, #tpu.memory_space<vmem_shared>>
      tpu.wait_indirect_dma semaphore(%arg15 : memref<!tpu.dma_semaphore, #tpu.memory_space<semaphore_mem>>) src(%arg10 : memref<128x128xf32, #tpu.memory_space<vmem>>) dst(%dma_wait3A_94 : memref<10112x128xf32, #tpu.memory_space<vmem_shared>>)
      %add3A_95 = arith.constant 3 : i32
      %add3A_96 = arith.addi %mul3A_43, %add3A_95 : i32
      %min3A_97 = arith.constant 39 : i32
      %min3A_98 = arith.minsi %add3A_96, %min3A_97 : i32
      %dma_start3A_99 = arith.constant 0 : i32
      %dma_start3A_100 = tpu.memref_slice %arg7[%min3A_98, %dma_start3A_99] : memref<40x128xi32, #tpu.memory_space<vmem>> -> memref<1x128xi32, #tpu.memory_space<vmem>>
      %dma_start3A_101 = tpu.memref_squeeze %dma_start3A_100 : memref<1x128xi32, #tpu.memory_space<vmem>> -> memref<128xi32, #tpu.memory_space<vmem>>
      %dma_start3A_102 = arith.constant 0 : i32
      %dma_start3A_103 = arith.constant 0 : i32
      %dma_start3A_104 = tpu.memref_slice %arg2[%dma_start3A_102, %dma_start3A_103] : memref<60000x128xf32, #tpu.memory_space<hbm>> -> memref<60000x128xf32, #tpu.memory_space<hbm>>
      tpu.enqueue_indirect_dma source(%dma_start3A_104 : memref<60000x128xf32, #tpu.memory_space<hbm>>) target(%arg10 : memref<128x128xf32, #tpu.memory_space<vmem>>) offsets(%dma_start3A_101 : memref<128xi32, #tpu.memory_space<vmem>>) semaphore(%arg13 : memref<!tpu.dma_semaphore, #tpu.memory_space<semaphore_mem>>)
    }
    %scan3A_22 = arith.constant 20 : i32
    %dma_wait3A = arith.constant 39 : i32
    %dma_wait3A_23 = arith.constant 0 : i32
    %dma_wait3A_24 = tpu.memref_slice %arg7[%dma_wait3A, %dma_wait3A_23] : memref<40x128xi32, #tpu.memory_space<vmem>> -> memref<1x128xi32, #tpu.memory_space<vmem>>
    %dma_wait3A_25 = tpu.memref_squeeze %dma_wait3A_24 : memref<1x128xi32, #tpu.memory_space<vmem>> -> memref<128xi32, #tpu.memory_space<vmem>>
    %dma_wait3A_26 = arith.constant 0 : i32
    %dma_wait3A_27 = arith.constant 0 : i32
    %dma_wait3A_28 = tpu.memref_slice %arg2[%dma_wait3A_26, %dma_wait3A_27] : memref<60000x128xf32, #tpu.memory_space<hbm>> -> memref<60000x128xf32, #tpu.memory_space<hbm>>
    tpu.wait_indirect_dma semaphore(%arg12 : memref<!tpu.dma_semaphore, #tpu.memory_space<semaphore_mem>>) src(%dma_wait3A_28 : memref<60000x128xf32, #tpu.memory_space<hbm>>) dst(%arg9 : memref<128x128xf32, #tpu.memory_space<vmem>>)
    %dma_wait3A_29 = arith.constant 39 : i32
    %dma_wait3A_30 = arith.constant 0 : i32
    %dma_wait3A_31 = tpu.memref_slice %arg7[%dma_wait3A_29, %dma_wait3A_30] : memref<40x128xi32, #tpu.memory_space<vmem>> -> memref<1x128xi32, #tpu.memory_space<vmem>>
    %dma_wait3A_32 = tpu.memref_squeeze %dma_wait3A_31 : memref<1x128xi32, #tpu.memory_space<vmem>> -> memref<128xi32, #tpu.memory_space<vmem>>
    %dma_wait3A_33 = arith.constant 0 : i32
    %dma_wait3A_34 = arith.constant 0 : i32
    %dma_wait3A_35 = tpu.memref_slice %arg2[%dma_wait3A_33, %dma_wait3A_34] : memref<60000x128xf32, #tpu.memory_space<hbm>> -> memref<60000x128xf32, #tpu.memory_space<hbm>>
    tpu.wait_indirect_dma semaphore(%arg13 : memref<!tpu.dma_semaphore, #tpu.memory_space<semaphore_mem>>) src(%dma_wait3A_35 : memref<60000x128xf32, #tpu.memory_space<hbm>>) dst(%arg10 : memref<128x128xf32, #tpu.memory_space<vmem>>)
    %barrier3A_36 = arith.constant 0 : index
    tpu.barrier barrier_id(%barrier3A_36)
    %mul3A_37 = arith.constant 632 : i32
    %mul3A_38 = arith.muli %arg1, %mul3A_37 : i32
    %mul3A_39 = arith.constant 632 : i32
    %mul3A_40 = arith.muli %arg1, %mul3A_39 : i32
    "tpu.region"() ({
      %run_scoped3A = tpu.sem_alloc : memref<!tpu.dma_semaphore, #tpu.memory_space<semaphore_mem>>
      %dma_start3A_41 = arith.constant 0 : i32
      %dma_start3A_42 = tpu.memref_slice %arg6[%arg0, %mul3A_40, %dma_start3A_41] : memref<2x10112x128xf32, #tpu.memory_space<hbm>> -> memref<1x632x128xf32, #tpu.memory_space<hbm>>
      %dma_start3A_43 = tpu.memref_squeeze %dma_start3A_42 : memref<1x632x128xf32, #tpu.memory_space<hbm>> -> memref<632x128xf32, #tpu.memory_space<hbm>>
      %dma_start3A_44 = arith.constant 0 : i32
      %dma_start3A_45 = tpu.memref_slice %arg11[%mul3A_38, %dma_start3A_44] : memref<10112x128xf32, #tpu.memory_space<vmem_shared>> -> memref<632x128xf32, #tpu.memory_space<vmem_shared>>
      tpu.enqueue_dma source(%dma_start3A_45 : memref<632x128xf32, #tpu.memory_space<vmem_shared>>) target(%dma_start3A_43 : memref<632x128xf32, #tpu.memory_space<hbm>>) target_semaphore(%run_scoped3A : memref<!tpu.dma_semaphore, #tpu.memory_space<semaphore_mem>>)
      %dma_wait3A_46 = arith.constant 0 : i32
      %dma_wait3A_47 = tpu.memref_slice %arg6[%arg0, %mul3A_40, %dma_wait3A_46] : memref<2x10112x128xf32, #tpu.memory_space<hbm>> -> memref<1x632x128xf32, #tpu.memory_space<hbm>>
      %dma_wait3A_48 = tpu.memref_squeeze %dma_wait3A_47 : memref<1x632x128xf32, #tpu.memory_space<hbm>> -> memref<632x128xf32, #tpu.memory_space<hbm>>
      %dma_wait3A_49 = arith.constant 0 : i32
      %dma_wait3A_50 = tpu.memref_slice %arg11[%mul3A_38, %dma_wait3A_49] : memref<10112x128xf32, #tpu.memory_space<vmem_shared>> -> memref<632x128xf32, #tpu.memory_space<vmem_shared>>
      tpu.wait_dma2 semaphore(%run_scoped3A : memref<!tpu.dma_semaphore, #tpu.memory_space<semaphore_mem>>) src(%dma_wait3A_50 : memref<632x128xf32, #tpu.memory_space<vmem_shared>>) dst(%dma_wait3A_48 : memref<632x128xf32, #tpu.memory_space<hbm>>)
      tpu.yield
    }) : () -> ()
    return
  }
}

#map = affine_map<(d0, d1) -> (0, 0)>
#map1 = affine_map<(d0, d1) -> (0, 0, 0)>
module attributes {stable_mosaic.version = 14 : i64} {
  func.func @_sc_aggr_body(%arg0: i32, %arg1: i32, %arg2: memref<60000x128xf32, #tpu.memory_space<hbm>>, %arg3: memref<32x40x128xi32, #tpu.memory_space<hbm>>, %arg4: memref<32x40x128xi32, #tpu.memory_space<hbm>>, %arg5: memref<10112x128xf32, #tpu.memory_space<hbm>>, %arg6: memref<2x10112x128xf32, #tpu.memory_space<hbm>>, %arg7: memref<40x128xi32, #tpu.memory_space<vmem>>, %arg8: memref<40x128xi32, #tpu.memory_space<vmem>>, %arg9: memref<128x128xf32, #tpu.memory_space<vmem>>, %arg10: memref<128x128xf32, #tpu.memory_space<vmem>>, %arg11: memref<10112x128xf32, #tpu.memory_space<vmem_shared>>, %arg12: memref<!tpu.dma_semaphore, #tpu.memory_space<semaphore_mem>>, %arg13: memref<!tpu.dma_semaphore, #tpu.memory_space<semaphore_mem>>, %arg14: memref<!tpu.dma_semaphore, #tpu.memory_space<semaphore_mem>>, %arg15: memref<!tpu.dma_semaphore, #tpu.memory_space<semaphore_mem>>) attributes {dimension_semantics = [#tpu.dimension_semantics<core_parallel>, #tpu.dimension_semantics<subcore_parallel>], iteration_bounds = array<i64: 2, 16>, scalar_prefetch = 0 : i64, scratch_operands = 9 : i64, tpu.core_type = #tpu.core_type<sc_vector_subcore>, window_params = [{transform_indices = #map}, {transform_indices = #map1}, {transform_indices = #map1}, {transform_indices = #map}, {transform_indices = #map1}]} {
    %mul3A = arith.constant 2 : i32
    %mul3A_0 = arith.muli %arg1, %mul3A : i32
    %add3A = arith.addi %mul3A_0, %arg0 : i32
    %mul3A_1 = arith.constant 632 : i32
    %mul3A_2 = arith.muli %arg1, %mul3A_1 : i32
    %mul3A_3 = arith.constant 632 : i32
    %mul3A_4 = arith.muli %arg1, %mul3A_3 : i32
    "tpu.region"() ({
      %run_scoped3A = tpu.sem_alloc : memref<!tpu.dma_semaphore, #tpu.memory_space<semaphore_mem>>
      %dma_start3A_41 = arith.constant 0 : i32
      %dma_start3A_42 = tpu.memref_slice %arg11[%mul3A_4, %dma_start3A_41] : memref<10112x128xf32, #tpu.memory_space<vmem_shared>> -> memref<632x128xf32, #tpu.memory_space<vmem_shared>>
      %dma_start3A_43 = arith.constant 0 : i32
      %dma_start3A_44 = tpu.memref_slice %arg5[%mul3A_2, %dma_start3A_43] : memref<10112x128xf32, #tpu.memory_space<hbm>> -> memref<632x128xf32, #tpu.memory_space<hbm>>
      tpu.enqueue_dma source(%dma_start3A_44 : memref<632x128xf32, #tpu.memory_space<hbm>>) target(%dma_start3A_42 : memref<632x128xf32, #tpu.memory_space<vmem_shared>>) target_semaphore(%run_scoped3A : memref<!tpu.dma_semaphore, #tpu.memory_space<semaphore_mem>>)
      %dma_wait3A_45 = arith.constant 0 : i32
      %dma_wait3A_46 = tpu.memref_slice %arg11[%mul3A_4, %dma_wait3A_45] : memref<10112x128xf32, #tpu.memory_space<vmem_shared>> -> memref<632x128xf32, #tpu.memory_space<vmem_shared>>
      %dma_wait3A_47 = arith.constant 0 : i32
      %dma_wait3A_48 = tpu.memref_slice %arg5[%mul3A_2, %dma_wait3A_47] : memref<10112x128xf32, #tpu.memory_space<hbm>> -> memref<632x128xf32, #tpu.memory_space<hbm>>
      tpu.wait_dma2 semaphore(%run_scoped3A : memref<!tpu.dma_semaphore, #tpu.memory_space<semaphore_mem>>) src(%dma_wait3A_48 : memref<632x128xf32, #tpu.memory_space<hbm>>) dst(%dma_wait3A_46 : memref<632x128xf32, #tpu.memory_space<vmem_shared>>)
      tpu.yield
    }) : () -> ()
    "tpu.region"() ({
      %run_scoped3A = tpu.sem_alloc : memref<!tpu.dma_semaphore, #tpu.memory_space<semaphore_mem>>
      %dma_start3A_41 = arith.constant 0 : i32
      %dma_start3A_42 = arith.constant 0 : i32
      %dma_start3A_43 = tpu.memref_slice %arg3[%add3A, %dma_start3A_41, %dma_start3A_42] : memref<32x40x128xi32, #tpu.memory_space<hbm>> -> memref<1x40x128xi32, #tpu.memory_space<hbm>>
      %dma_start3A_44 = tpu.memref_squeeze %dma_start3A_43 : memref<1x40x128xi32, #tpu.memory_space<hbm>> -> memref<40x128xi32, #tpu.memory_space<hbm>>
      %dma_start3A_45 = arith.constant 0 : i32
      %dma_start3A_46 = arith.constant 0 : i32
      %dma_start3A_47 = tpu.memref_slice %arg3[%add3A, %dma_start3A_45, %dma_start3A_46] : memref<32x40x128xi32, #tpu.memory_space<hbm>> -> memref<1x40x128xi32, #tpu.memory_space<hbm>>
      %dma_start3A_48 = tpu.memref_squeeze %dma_start3A_47 : memref<1x40x128xi32, #tpu.memory_space<hbm>> -> memref<40x128xi32, #tpu.memory_space<hbm>>
      tpu.enqueue_dma source(%dma_start3A_48 : memref<40x128xi32, #tpu.memory_space<hbm>>) target(%arg7 : memref<40x128xi32, #tpu.memory_space<vmem>>) target_semaphore(%run_scoped3A : memref<!tpu.dma_semaphore, #tpu.memory_space<semaphore_mem>>)
      %dma_wait3A_49 = arith.constant 0 : i32
      %dma_wait3A_50 = arith.constant 0 : i32
      %dma_wait3A_51 = tpu.memref_slice %arg3[%add3A, %dma_wait3A_49, %dma_wait3A_50] : memref<32x40x128xi32, #tpu.memory_space<hbm>> -> memref<1x40x128xi32, #tpu.memory_space<hbm>>
      %dma_wait3A_52 = tpu.memref_squeeze %dma_wait3A_51 : memref<1x40x128xi32, #tpu.memory_space<hbm>> -> memref<40x128xi32, #tpu.memory_space<hbm>>
      %dma_wait3A_53 = arith.constant 0 : i32
      %dma_wait3A_54 = arith.constant 0 : i32
      %dma_wait3A_55 = tpu.memref_slice %arg3[%add3A, %dma_wait3A_53, %dma_wait3A_54] : memref<32x40x128xi32, #tpu.memory_space<hbm>> -> memref<1x40x128xi32, #tpu.memory_space<hbm>>
      %dma_wait3A_56 = tpu.memref_squeeze %dma_wait3A_55 : memref<1x40x128xi32, #tpu.memory_space<hbm>> -> memref<40x128xi32, #tpu.memory_space<hbm>>
      tpu.wait_dma2 semaphore(%run_scoped3A : memref<!tpu.dma_semaphore, #tpu.memory_space<semaphore_mem>>) src(%dma_wait3A_56 : memref<40x128xi32, #tpu.memory_space<hbm>>) dst(%arg7 : memref<40x128xi32, #tpu.memory_space<vmem>>)
      tpu.yield
    }) : () -> ()
    "tpu.region"() ({
      %run_scoped3A = tpu.sem_alloc : memref<!tpu.dma_semaphore, #tpu.memory_space<semaphore_mem>>
      %dma_start3A_41 = arith.constant 0 : i32
      %dma_start3A_42 = arith.constant 0 : i32
      %dma_start3A_43 = tpu.memref_slice %arg4[%add3A, %dma_start3A_41, %dma_start3A_42] : memref<32x40x128xi32, #tpu.memory_space<hbm>> -> memref<1x40x128xi32, #tpu.memory_space<hbm>>
      %dma_start3A_44 = tpu.memref_squeeze %dma_start3A_43 : memref<1x40x128xi32, #tpu.memory_space<hbm>> -> memref<40x128xi32, #tpu.memory_space<hbm>>
      %dma_start3A_45 = arith.constant 0 : i32
      %dma_start3A_46 = arith.constant 0 : i32
      %dma_start3A_47 = tpu.memref_slice %arg4[%add3A, %dma_start3A_45, %dma_start3A_46] : memref<32x40x128xi32, #tpu.memory_space<hbm>> -> memref<1x40x128xi32, #tpu.memory_space<hbm>>
      %dma_start3A_48 = tpu.memref_squeeze %dma_start3A_47 : memref<1x40x128xi32, #tpu.memory_space<hbm>> -> memref<40x128xi32, #tpu.memory_space<hbm>>
      tpu.enqueue_dma source(%dma_start3A_48 : memref<40x128xi32, #tpu.memory_space<hbm>>) target(%arg8 : memref<40x128xi32, #tpu.memory_space<vmem>>) target_semaphore(%run_scoped3A : memref<!tpu.dma_semaphore, #tpu.memory_space<semaphore_mem>>)
      %dma_wait3A_49 = arith.constant 0 : i32
      %dma_wait3A_50 = arith.constant 0 : i32
      %dma_wait3A_51 = tpu.memref_slice %arg4[%add3A, %dma_wait3A_49, %dma_wait3A_50] : memref<32x40x128xi32, #tpu.memory_space<hbm>> -> memref<1x40x128xi32, #tpu.memory_space<hbm>>
      %dma_wait3A_52 = tpu.memref_squeeze %dma_wait3A_51 : memref<1x40x128xi32, #tpu.memory_space<hbm>> -> memref<40x128xi32, #tpu.memory_space<hbm>>
      %dma_wait3A_53 = arith.constant 0 : i32
      %dma_wait3A_54 = arith.constant 0 : i32
      %dma_wait3A_55 = tpu.memref_slice %arg4[%add3A, %dma_wait3A_53, %dma_wait3A_54] : memref<32x40x128xi32, #tpu.memory_space<hbm>> -> memref<1x40x128xi32, #tpu.memory_space<hbm>>
      %dma_wait3A_56 = tpu.memref_squeeze %dma_wait3A_55 : memref<1x40x128xi32, #tpu.memory_space<hbm>> -> memref<40x128xi32, #tpu.memory_space<hbm>>
      tpu.wait_dma2 semaphore(%run_scoped3A : memref<!tpu.dma_semaphore, #tpu.memory_space<semaphore_mem>>) src(%dma_wait3A_56 : memref<40x128xi32, #tpu.memory_space<hbm>>) dst(%arg8 : memref<40x128xi32, #tpu.memory_space<vmem>>)
      tpu.yield
    }) : () -> ()
    %barrier3A = arith.constant 0 : index
    tpu.barrier barrier_id(%barrier3A)
    %dma_start3A = arith.constant 0 : i32
    %dma_start3A_5 = arith.constant 0 : i32
    %dma_start3A_6 = tpu.memref_slice %arg7[%dma_start3A, %dma_start3A_5] : memref<40x128xi32, #tpu.memory_space<vmem>> -> memref<1x128xi32, #tpu.memory_space<vmem>>
    %dma_start3A_7 = tpu.memref_squeeze %dma_start3A_6 : memref<1x128xi32, #tpu.memory_space<vmem>> -> memref<128xi32, #tpu.memory_space<vmem>>
    %dma_start3A_8 = arith.constant 0 : i32
    %dma_start3A_9 = arith.constant 0 : i32
    %dma_start3A_10 = tpu.memref_slice %arg2[%dma_start3A_8, %dma_start3A_9] : memref<60000x128xf32, #tpu.memory_space<hbm>> -> memref<60000x128xf32, #tpu.memory_space<hbm>>
    tpu.enqueue_indirect_dma source(%dma_start3A_10 : memref<60000x128xf32, #tpu.memory_space<hbm>>) target(%arg9 : memref<128x128xf32, #tpu.memory_space<vmem>>) offsets(%dma_start3A_7 : memref<128xi32, #tpu.memory_space<vmem>>) semaphore(%arg12 : memref<!tpu.dma_semaphore, #tpu.memory_space<semaphore_mem>>)
    %dma_start3A_11 = arith.constant 1 : i32
    %dma_start3A_12 = arith.constant 0 : i32
    %dma_start3A_13 = tpu.memref_slice %arg7[%dma_start3A_11, %dma_start3A_12] : memref<40x128xi32, #tpu.memory_space<vmem>> -> memref<1x128xi32, #tpu.memory_space<vmem>>
    %dma_start3A_14 = tpu.memref_squeeze %dma_start3A_13 : memref<1x128xi32, #tpu.memory_space<vmem>> -> memref<128xi32, #tpu.memory_space<vmem>>
    %dma_start3A_15 = arith.constant 0 : i32
    %dma_start3A_16 = arith.constant 0 : i32
    %dma_start3A_17 = tpu.memref_slice %arg2[%dma_start3A_15, %dma_start3A_16] : memref<60000x128xf32, #tpu.memory_space<hbm>> -> memref<60000x128xf32, #tpu.memory_space<hbm>>
    tpu.enqueue_indirect_dma source(%dma_start3A_17 : memref<60000x128xf32, #tpu.memory_space<hbm>>) target(%arg10 : memref<128x128xf32, #tpu.memory_space<vmem>>) offsets(%dma_start3A_14 : memref<128xi32, #tpu.memory_space<vmem>>) semaphore(%arg13 : memref<!tpu.dma_semaphore, #tpu.memory_space<semaphore_mem>>)
    %scan3A = arith.constant 0 : i32
    %scan3A_18 = arith.constant 0 : i32
    %scan3A_19 = arith.constant 20 : i32
    %scan3A_20 = arith.addi %scan3A_18, %scan3A_19 : i32
    %scan3A_21 = arith.constant 1 : i32
    scf.for %scan3A_41 = %scan3A_18 to %scan3A_20 step %scan3A_21  : i32 {
      %mul3A_42 = arith.constant 2 : i32
      %mul3A_43 = arith.muli %mul3A_42, %scan3A_41 : i32
      %dma_wait3A_44 = arith.constant 0 : i32
      %dma_wait3A_45 = tpu.memref_slice %arg7[%mul3A_43, %dma_wait3A_44] : memref<40x128xi32, #tpu.memory_space<vmem>> -> memref<1x128xi32, #tpu.memory_space<vmem>>
      %dma_wait3A_46 = tpu.memref_squeeze %dma_wait3A_45 : memref<1x128xi32, #tpu.memory_space<vmem>> -> memref<128xi32, #tpu.memory_space<vmem>>
      %dma_wait3A_47 = arith.constant 0 : i32
      %dma_wait3A_48 = arith.constant 0 : i32
      %dma_wait3A_49 = tpu.memref_slice %arg2[%dma_wait3A_47, %dma_wait3A_48] : memref<60000x128xf32, #tpu.memory_space<hbm>> -> memref<60000x128xf32, #tpu.memory_space<hbm>>
      tpu.wait_indirect_dma semaphore(%arg12 : memref<!tpu.dma_semaphore, #tpu.memory_space<semaphore_mem>>) src(%dma_wait3A_49 : memref<60000x128xf32, #tpu.memory_space<hbm>>) dst(%arg9 : memref<128x128xf32, #tpu.memory_space<vmem>>)
      %dma_start3A_50 = arith.constant 0 : i32
      %dma_start3A_51 = tpu.memref_slice %arg8[%mul3A_43, %dma_start3A_50] : memref<40x128xi32, #tpu.memory_space<vmem>> -> memref<1x128xi32, #tpu.memory_space<vmem>>
      %dma_start3A_52 = tpu.memref_squeeze %dma_start3A_51 : memref<1x128xi32, #tpu.memory_space<vmem>> -> memref<128xi32, #tpu.memory_space<vmem>>
      %dma_start3A_53 = arith.constant 0 : i32
      %dma_start3A_54 = arith.constant 0 : i32
      %dma_start3A_55 = tpu.memref_slice %arg11[%dma_start3A_53, %dma_start3A_54] : memref<10112x128xf32, #tpu.memory_space<vmem_shared>> -> memref<10112x128xf32, #tpu.memory_space<vmem_shared>>
      tpu.enqueue_indirect_dma source(%arg9 : memref<128x128xf32, #tpu.memory_space<vmem>>) target(%dma_start3A_55 : memref<10112x128xf32, #tpu.memory_space<vmem_shared>>) offsets(%dma_start3A_52 : memref<128xi32, #tpu.memory_space<vmem>>) semaphore(%arg14 : memref<!tpu.dma_semaphore, #tpu.memory_space<semaphore_mem>>) {add = true}
      %add3A_56 = arith.constant 1 : i32
      %add3A_57 = arith.addi %mul3A_43, %add3A_56 : i32
      %dma_wait3A_58 = arith.constant 0 : i32
      %dma_wait3A_59 = tpu.memref_slice %arg7[%add3A_57, %dma_wait3A_58] : memref<40x128xi32, #tpu.memory_space<vmem>> -> memref<1x128xi32, #tpu.memory_space<vmem>>
      %dma_wait3A_60 = tpu.memref_squeeze %dma_wait3A_59 : memref<1x128xi32, #tpu.memory_space<vmem>> -> memref<128xi32, #tpu.memory_space<vmem>>
      %dma_wait3A_61 = arith.constant 0 : i32
      %dma_wait3A_62 = arith.constant 0 : i32
      %dma_wait3A_63 = tpu.memref_slice %arg2[%dma_wait3A_61, %dma_wait3A_62] : memref<60000x128xf32, #tpu.memory_space<hbm>> -> memref<60000x128xf32, #tpu.memory_space<hbm>>
      tpu.wait_indirect_dma semaphore(%arg13 : memref<!tpu.dma_semaphore, #tpu.memory_space<semaphore_mem>>) src(%dma_wait3A_63 : memref<60000x128xf32, #tpu.memory_space<hbm>>) dst(%arg10 : memref<128x128xf32, #tpu.memory_space<vmem>>)
      %add3A_64 = arith.constant 1 : i32
      %add3A_65 = arith.addi %mul3A_43, %add3A_64 : i32
      %dma_start3A_66 = arith.constant 0 : i32
      %dma_start3A_67 = tpu.memref_slice %arg8[%add3A_65, %dma_start3A_66] : memref<40x128xi32, #tpu.memory_space<vmem>> -> memref<1x128xi32, #tpu.memory_space<vmem>>
      %dma_start3A_68 = tpu.memref_squeeze %dma_start3A_67 : memref<1x128xi32, #tpu.memory_space<vmem>> -> memref<128xi32, #tpu.memory_space<vmem>>
      %dma_start3A_69 = arith.constant 0 : i32
      %dma_start3A_70 = arith.constant 0 : i32
      %dma_start3A_71 = tpu.memref_slice %arg11[%dma_start3A_69, %dma_start3A_70] : memref<10112x128xf32, #tpu.memory_space<vmem_shared>> -> memref<10112x128xf32, #tpu.memory_space<vmem_shared>>
      tpu.enqueue_indirect_dma source(%arg10 : memref<128x128xf32, #tpu.memory_space<vmem>>) target(%dma_start3A_71 : memref<10112x128xf32, #tpu.memory_space<vmem_shared>>) offsets(%dma_start3A_68 : memref<128xi32, #tpu.memory_space<vmem>>) semaphore(%arg15 : memref<!tpu.dma_semaphore, #tpu.memory_space<semaphore_mem>>) {add = true}
      %dma_wait3A_72 = arith.constant 0 : i32
      %dma_wait3A_73 = tpu.memref_slice %arg8[%mul3A_43, %dma_wait3A_72] : memref<40x128xi32, #tpu.memory_space<vmem>> -> memref<1x128xi32, #tpu.memory_space<vmem>>
      %dma_wait3A_74 = tpu.memref_squeeze %dma_wait3A_73 : memref<1x128xi32, #tpu.memory_space<vmem>> -> memref<128xi32, #tpu.memory_space<vmem>>
      %dma_wait3A_75 = arith.constant 0 : i32
      %dma_wait3A_76 = arith.constant 0 : i32
      %dma_wait3A_77 = tpu.memref_slice %arg11[%dma_wait3A_75, %dma_wait3A_76] : memref<10112x128xf32, #tpu.memory_space<vmem_shared>> -> memref<10112x128xf32, #tpu.memory_space<vmem_shared>>
      tpu.wait_indirect_dma semaphore(%arg14 : memref<!tpu.dma_semaphore, #tpu.memory_space<semaphore_mem>>) src(%arg9 : memref<128x128xf32, #tpu.memory_space<vmem>>) dst(%dma_wait3A_77 : memref<10112x128xf32, #tpu.memory_space<vmem_shared>>)
      %add3A_78 = arith.constant 2 : i32
      %add3A_79 = arith.addi %mul3A_43, %add3A_78 : i32
      %min3A = arith.constant 39 : i32
      %min3A_80 = arith.minsi %add3A_79, %min3A : i32
      %dma_start3A_81 = arith.constant 0 : i32
      %dma_start3A_82 = tpu.memref_slice %arg7[%min3A_80, %dma_start3A_81] : memref<40x128xi32, #tpu.memory_space<vmem>> -> memref<1x128xi32, #tpu.memory_space<vmem>>
      %dma_start3A_83 = tpu.memref_squeeze %dma_start3A_82 : memref<1x128xi32, #tpu.memory_space<vmem>> -> memref<128xi32, #tpu.memory_space<vmem>>
      %dma_start3A_84 = arith.constant 0 : i32
      %dma_start3A_85 = arith.constant 0 : i32
      %dma_start3A_86 = tpu.memref_slice %arg2[%dma_start3A_84, %dma_start3A_85] : memref<60000x128xf32, #tpu.memory_space<hbm>> -> memref<60000x128xf32, #tpu.memory_space<hbm>>
      tpu.enqueue_indirect_dma source(%dma_start3A_86 : memref<60000x128xf32, #tpu.memory_space<hbm>>) target(%arg9 : memref<128x128xf32, #tpu.memory_space<vmem>>) offsets(%dma_start3A_83 : memref<128xi32, #tpu.memory_space<vmem>>) semaphore(%arg12 : memref<!tpu.dma_semaphore, #tpu.memory_space<semaphore_mem>>)
      %add3A_87 = arith.constant 1 : i32
      %add3A_88 = arith.addi %mul3A_43, %add3A_87 : i32
      %dma_wait3A_89 = arith.constant 0 : i32
      %dma_wait3A_90 = tpu.memref_slice %arg8[%add3A_88, %dma_wait3A_89] : memref<40x128xi32, #tpu.memory_space<vmem>> -> memref<1x128xi32, #tpu.memory_space<vmem>>
      %dma_wait3A_91 = tpu.memref_squeeze %dma_wait3A_90 : memref<1x128xi32, #tpu.memory_space<vmem>> -> memref<128xi32, #tpu.memory_space<vmem>>
      %dma_wait3A_92 = arith.constant 0 : i32
      %dma_wait3A_93 = arith.constant 0 : i32
      %dma_wait3A_94 = tpu.memref_slice %arg11[%dma_wait3A_92, %dma_wait3A_93] : memref<10112x128xf32, #tpu.memory_space<vmem_shared>> -> memref<10112x128xf32, #tpu.memory_space<vmem_shared>>
      tpu.wait_indirect_dma semaphore(%arg15 : memref<!tpu.dma_semaphore, #tpu.memory_space<semaphore_mem>>) src(%arg10 : memref<128x128xf32, #tpu.memory_space<vmem>>) dst(%dma_wait3A_94 : memref<10112x128xf32, #tpu.memory_space<vmem_shared>>)
      %add3A_95 = arith.constant 3 : i32
      %add3A_96 = arith.addi %mul3A_43, %add3A_95 : i32
      %min3A_97 = arith.constant 39 : i32
      %min3A_98 = arith.minsi %add3A_96, %min3A_97 : i32
      %dma_start3A_99 = arith.constant 0 : i32
      %dma_start3A_100 = tpu.memref_slice %arg7[%min3A_98, %dma_start3A_99] : memref<40x128xi32, #tpu.memory_space<vmem>> -> memref<1x128xi32, #tpu.memory_space<vmem>>
      %dma_start3A_101 = tpu.memref_squeeze %dma_start3A_100 : memref<1x128xi32, #tpu.memory_space<vmem>> -> memref<128xi32, #tpu.memory_space<vmem>>
      %dma_start3A_102 = arith.constant 0 : i32
      %dma_start3A_103 = arith.constant 0 : i32
      %dma_start3A_104 = tpu.memref_slice %arg2[%dma_start3A_102, %dma_start3A_103] : memref<60000x128xf32, #tpu.memory_space<hbm>> -> memref<60000x128xf32, #tpu.memory_space<hbm>>
      tpu.enqueue_indirect_dma source(%dma_start3A_104 : memref<60000x128xf32, #tpu.memory_space<hbm>>) target(%arg10 : memref<128x128xf32, #tpu.memory_space<vmem>>) offsets(%dma_start3A_101 : memref<128xi32, #tpu.memory_space<vmem>>) semaphore(%arg13 : memref<!tpu.dma_semaphore, #tpu.memory_space<semaphore_mem>>)
    }
    %scan3A_22 = arith.constant 20 : i32
    %dma_wait3A = arith.constant 39 : i32
    %dma_wait3A_23 = arith.constant 0 : i32
    %dma_wait3A_24 = tpu.memref_slice %arg7[%dma_wait3A, %dma_wait3A_23] : memref<40x128xi32, #tpu.memory_space<vmem>> -> memref<1x128xi32, #tpu.memory_space<vmem>>
    %dma_wait3A_25 = tpu.memref_squeeze %dma_wait3A_24 : memref<1x128xi32, #tpu.memory_space<vmem>> -> memref<128xi32, #tpu.memory_space<vmem>>
    %dma_wait3A_26 = arith.constant 0 : i32
    %dma_wait3A_27 = arith.constant 0 : i32
    %dma_wait3A_28 = tpu.memref_slice %arg2[%dma_wait3A_26, %dma_wait3A_27] : memref<60000x128xf32, #tpu.memory_space<hbm>> -> memref<60000x128xf32, #tpu.memory_space<hbm>>
    tpu.wait_indirect_dma semaphore(%arg12 : memref<!tpu.dma_semaphore, #tpu.memory_space<semaphore_mem>>) src(%dma_wait3A_28 : memref<60000x128xf32, #tpu.memory_space<hbm>>) dst(%arg9 : memref<128x128xf32, #tpu.memory_space<vmem>>)
    %dma_wait3A_29 = arith.constant 39 : i32
    %dma_wait3A_30 = arith.constant 0 : i32
    %dma_wait3A_31 = tpu.memref_slice %arg7[%dma_wait3A_29, %dma_wait3A_30] : memref<40x128xi32, #tpu.memory_space<vmem>> -> memref<1x128xi32, #tpu.memory_space<vmem>>
    %dma_wait3A_32 = tpu.memref_squeeze %dma_wait3A_31 : memref<1x128xi32, #tpu.memory_space<vmem>> -> memref<128xi32, #tpu.memory_space<vmem>>
    %dma_wait3A_33 = arith.constant 0 : i32
    %dma_wait3A_34 = arith.constant 0 : i32
    %dma_wait3A_35 = tpu.memref_slice %arg2[%dma_wait3A_33, %dma_wait3A_34] : memref<60000x128xf32, #tpu.memory_space<hbm>> -> memref<60000x128xf32, #tpu.memory_space<hbm>>
    tpu.wait_indirect_dma semaphore(%arg13 : memref<!tpu.dma_semaphore, #tpu.memory_space<semaphore_mem>>) src(%dma_wait3A_35 : memref<60000x128xf32, #tpu.memory_space<hbm>>) dst(%arg10 : memref<128x128xf32, #tpu.memory_space<vmem>>)
    %barrier3A_36 = arith.constant 0 : index
    tpu.barrier barrier_id(%barrier3A_36)
    %mul3A_37 = arith.constant 632 : i32
    %mul3A_38 = arith.muli %arg1, %mul3A_37 : i32
    %mul3A_39 = arith.constant 632 : i32
    %mul3A_40 = arith.muli %arg1, %mul3A_39 : i32
    "tpu.region"() ({
      %run_scoped3A = tpu.sem_alloc : memref<!tpu.dma_semaphore, #tpu.memory_space<semaphore_mem>>
      %dma_start3A_41 = arith.constant 0 : i32
      %dma_start3A_42 = tpu.memref_slice %arg6[%arg0, %mul3A_40, %dma_start3A_41] : memref<2x10112x128xf32, #tpu.memory_space<hbm>> -> memref<1x632x128xf32, #tpu.memory_space<hbm>>
      %dma_start3A_43 = tpu.memref_squeeze %dma_start3A_42 : memref<1x632x128xf32, #tpu.memory_space<hbm>> -> memref<632x128xf32, #tpu.memory_space<hbm>>
      %dma_start3A_44 = arith.constant 0 : i32
      %dma_start3A_45 = tpu.memref_slice %arg11[%mul3A_38, %dma_start3A_44] : memref<10112x128xf32, #tpu.memory_space<vmem_shared>> -> memref<632x128xf32, #tpu.memory_space<vmem_shared>>
      tpu.enqueue_dma source(%dma_start3A_45 : memref<632x128xf32, #tpu.memory_space<vmem_shared>>) target(%dma_start3A_43 : memref<632x128xf32, #tpu.memory_space<hbm>>) target_semaphore(%run_scoped3A : memref<!tpu.dma_semaphore, #tpu.memory_space<semaphore_mem>>)
      %dma_wait3A_46 = arith.constant 0 : i32
      %dma_wait3A_47 = tpu.memref_slice %arg6[%arg0, %mul3A_40, %dma_wait3A_46] : memref<2x10112x128xf32, #tpu.memory_space<hbm>> -> memref<1x632x128xf32, #tpu.memory_space<hbm>>
      %dma_wait3A_48 = tpu.memref_squeeze %dma_wait3A_47 : memref<1x632x128xf32, #tpu.memory_space<hbm>> -> memref<632x128xf32, #tpu.memory_space<hbm>>
      %dma_wait3A_49 = arith.constant 0 : i32
      %dma_wait3A_50 = tpu.memref_slice %arg11[%mul3A_38, %dma_wait3A_49] : memref<10112x128xf32, #tpu.memory_space<vmem_shared>> -> memref<632x128xf32, #tpu.memory_space<vmem_shared>>
      tpu.wait_dma2 semaphore(%run_scoped3A : memref<!tpu.dma_semaphore, #tpu.memory_space<semaphore_mem>>) src(%dma_wait3A_50 : memref<632x128xf32, #tpu.memory_space<vmem_shared>>) dst(%dma_wait3A_48 : memref<632x128xf32, #tpu.memory_space<hbm>>)
      tpu.yield
    }) : () -> ()
    return
  }
}

#map = affine_map<(d0, d1) -> (0, 0)>
#map1 = affine_map<(d0, d1) -> (0, 0, 0)>
module attributes {stable_mosaic.version = 14 : i64} {
  func.func @_sc_aggr_body(%arg0: i32, %arg1: i32, %arg2: memref<60000x128xf32, #tpu.memory_space<hbm>>, %arg3: memref<32x40x128xi32, #tpu.memory_space<hbm>>, %arg4: memref<32x40x128xi32, #tpu.memory_space<hbm>>, %arg5: memref<10112x128xf32, #tpu.memory_space<hbm>>, %arg6: memref<2x10112x128xf32, #tpu.memory_space<hbm>>, %arg7: memref<40x128xi32, #tpu.memory_space<vmem>>, %arg8: memref<40x128xi32, #tpu.memory_space<vmem>>, %arg9: memref<128x128xf32, #tpu.memory_space<vmem>>, %arg10: memref<128x128xf32, #tpu.memory_space<vmem>>, %arg11: memref<10112x128xf32, #tpu.memory_space<vmem_shared>>, %arg12: memref<!tpu.dma_semaphore, #tpu.memory_space<semaphore_mem>>, %arg13: memref<!tpu.dma_semaphore, #tpu.memory_space<semaphore_mem>>, %arg14: memref<!tpu.dma_semaphore, #tpu.memory_space<semaphore_mem>>, %arg15: memref<!tpu.dma_semaphore, #tpu.memory_space<semaphore_mem>>) attributes {dimension_semantics = [#tpu.dimension_semantics<core_parallel>, #tpu.dimension_semantics<subcore_parallel>], iteration_bounds = array<i64: 2, 16>, scalar_prefetch = 0 : i64, scratch_operands = 9 : i64, tpu.core_type = #tpu.core_type<sc_vector_subcore>, window_params = [{transform_indices = #map}, {transform_indices = #map1}, {transform_indices = #map1}, {transform_indices = #map}, {transform_indices = #map1}]} {
    %mul3A = arith.constant 2 : i32
    %mul3A_0 = arith.muli %arg1, %mul3A : i32
    %add3A = arith.addi %mul3A_0, %arg0 : i32
    %mul3A_1 = arith.constant 632 : i32
    %mul3A_2 = arith.muli %arg1, %mul3A_1 : i32
    %mul3A_3 = arith.constant 632 : i32
    %mul3A_4 = arith.muli %arg1, %mul3A_3 : i32
    "tpu.region"() ({
      %run_scoped3A = tpu.sem_alloc : memref<!tpu.dma_semaphore, #tpu.memory_space<semaphore_mem>>
      %dma_start3A_41 = arith.constant 0 : i32
      %dma_start3A_42 = tpu.memref_slice %arg11[%mul3A_4, %dma_start3A_41] : memref<10112x128xf32, #tpu.memory_space<vmem_shared>> -> memref<632x128xf32, #tpu.memory_space<vmem_shared>>
      %dma_start3A_43 = arith.constant 0 : i32
      %dma_start3A_44 = tpu.memref_slice %arg5[%mul3A_2, %dma_start3A_43] : memref<10112x128xf32, #tpu.memory_space<hbm>> -> memref<632x128xf32, #tpu.memory_space<hbm>>
      tpu.enqueue_dma source(%dma_start3A_44 : memref<632x128xf32, #tpu.memory_space<hbm>>) target(%dma_start3A_42 : memref<632x128xf32, #tpu.memory_space<vmem_shared>>) target_semaphore(%run_scoped3A : memref<!tpu.dma_semaphore, #tpu.memory_space<semaphore_mem>>)
      %dma_wait3A_45 = arith.constant 0 : i32
      %dma_wait3A_46 = tpu.memref_slice %arg11[%mul3A_4, %dma_wait3A_45] : memref<10112x128xf32, #tpu.memory_space<vmem_shared>> -> memref<632x128xf32, #tpu.memory_space<vmem_shared>>
      %dma_wait3A_47 = arith.constant 0 : i32
      %dma_wait3A_48 = tpu.memref_slice %arg5[%mul3A_2, %dma_wait3A_47] : memref<10112x128xf32, #tpu.memory_space<hbm>> -> memref<632x128xf32, #tpu.memory_space<hbm>>
      tpu.wait_dma2 semaphore(%run_scoped3A : memref<!tpu.dma_semaphore, #tpu.memory_space<semaphore_mem>>) src(%dma_wait3A_48 : memref<632x128xf32, #tpu.memory_space<hbm>>) dst(%dma_wait3A_46 : memref<632x128xf32, #tpu.memory_space<vmem_shared>>)
      tpu.yield
    }) : () -> ()
    "tpu.region"() ({
      %run_scoped3A = tpu.sem_alloc : memref<!tpu.dma_semaphore, #tpu.memory_space<semaphore_mem>>
      %dma_start3A_41 = arith.constant 0 : i32
      %dma_start3A_42 = arith.constant 0 : i32
      %dma_start3A_43 = tpu.memref_slice %arg3[%add3A, %dma_start3A_41, %dma_start3A_42] : memref<32x40x128xi32, #tpu.memory_space<hbm>> -> memref<1x40x128xi32, #tpu.memory_space<hbm>>
      %dma_start3A_44 = tpu.memref_squeeze %dma_start3A_43 : memref<1x40x128xi32, #tpu.memory_space<hbm>> -> memref<40x128xi32, #tpu.memory_space<hbm>>
      %dma_start3A_45 = arith.constant 0 : i32
      %dma_start3A_46 = arith.constant 0 : i32
      %dma_start3A_47 = tpu.memref_slice %arg3[%add3A, %dma_start3A_45, %dma_start3A_46] : memref<32x40x128xi32, #tpu.memory_space<hbm>> -> memref<1x40x128xi32, #tpu.memory_space<hbm>>
      %dma_start3A_48 = tpu.memref_squeeze %dma_start3A_47 : memref<1x40x128xi32, #tpu.memory_space<hbm>> -> memref<40x128xi32, #tpu.memory_space<hbm>>
      tpu.enqueue_dma source(%dma_start3A_48 : memref<40x128xi32, #tpu.memory_space<hbm>>) target(%arg7 : memref<40x128xi32, #tpu.memory_space<vmem>>) target_semaphore(%run_scoped3A : memref<!tpu.dma_semaphore, #tpu.memory_space<semaphore_mem>>)
      %dma_wait3A_49 = arith.constant 0 : i32
      %dma_wait3A_50 = arith.constant 0 : i32
      %dma_wait3A_51 = tpu.memref_slice %arg3[%add3A, %dma_wait3A_49, %dma_wait3A_50] : memref<32x40x128xi32, #tpu.memory_space<hbm>> -> memref<1x40x128xi32, #tpu.memory_space<hbm>>
      %dma_wait3A_52 = tpu.memref_squeeze %dma_wait3A_51 : memref<1x40x128xi32, #tpu.memory_space<hbm>> -> memref<40x128xi32, #tpu.memory_space<hbm>>
      %dma_wait3A_53 = arith.constant 0 : i32
      %dma_wait3A_54 = arith.constant 0 : i32
      %dma_wait3A_55 = tpu.memref_slice %arg3[%add3A, %dma_wait3A_53, %dma_wait3A_54] : memref<32x40x128xi32, #tpu.memory_space<hbm>> -> memref<1x40x128xi32, #tpu.memory_space<hbm>>
      %dma_wait3A_56 = tpu.memref_squeeze %dma_wait3A_55 : memref<1x40x128xi32, #tpu.memory_space<hbm>> -> memref<40x128xi32, #tpu.memory_space<hbm>>
      tpu.wait_dma2 semaphore(%run_scoped3A : memref<!tpu.dma_semaphore, #tpu.memory_space<semaphore_mem>>) src(%dma_wait3A_56 : memref<40x128xi32, #tpu.memory_space<hbm>>) dst(%arg7 : memref<40x128xi32, #tpu.memory_space<vmem>>)
      tpu.yield
    }) : () -> ()
    "tpu.region"() ({
      %run_scoped3A = tpu.sem_alloc : memref<!tpu.dma_semaphore, #tpu.memory_space<semaphore_mem>>
      %dma_start3A_41 = arith.constant 0 : i32
      %dma_start3A_42 = arith.constant 0 : i32
      %dma_start3A_43 = tpu.memref_slice %arg4[%add3A, %dma_start3A_41, %dma_start3A_42] : memref<32x40x128xi32, #tpu.memory_space<hbm>> -> memref<1x40x128xi32, #tpu.memory_space<hbm>>
      %dma_start3A_44 = tpu.memref_squeeze %dma_start3A_43 : memref<1x40x128xi32, #tpu.memory_space<hbm>> -> memref<40x128xi32, #tpu.memory_space<hbm>>
      %dma_start3A_45 = arith.constant 0 : i32
      %dma_start3A_46 = arith.constant 0 : i32
      %dma_start3A_47 = tpu.memref_slice %arg4[%add3A, %dma_start3A_45, %dma_start3A_46] : memref<32x40x128xi32, #tpu.memory_space<hbm>> -> memref<1x40x128xi32, #tpu.memory_space<hbm>>
      %dma_start3A_48 = tpu.memref_squeeze %dma_start3A_47 : memref<1x40x128xi32, #tpu.memory_space<hbm>> -> memref<40x128xi32, #tpu.memory_space<hbm>>
      tpu.enqueue_dma source(%dma_start3A_48 : memref<40x128xi32, #tpu.memory_space<hbm>>) target(%arg8 : memref<40x128xi32, #tpu.memory_space<vmem>>) target_semaphore(%run_scoped3A : memref<!tpu.dma_semaphore, #tpu.memory_space<semaphore_mem>>)
      %dma_wait3A_49 = arith.constant 0 : i32
      %dma_wait3A_50 = arith.constant 0 : i32
      %dma_wait3A_51 = tpu.memref_slice %arg4[%add3A, %dma_wait3A_49, %dma_wait3A_50] : memref<32x40x128xi32, #tpu.memory_space<hbm>> -> memref<1x40x128xi32, #tpu.memory_space<hbm>>
      %dma_wait3A_52 = tpu.memref_squeeze %dma_wait3A_51 : memref<1x40x128xi32, #tpu.memory_space<hbm>> -> memref<40x128xi32, #tpu.memory_space<hbm>>
      %dma_wait3A_53 = arith.constant 0 : i32
      %dma_wait3A_54 = arith.constant 0 : i32
      %dma_wait3A_55 = tpu.memref_slice %arg4[%add3A, %dma_wait3A_53, %dma_wait3A_54] : memref<32x40x128xi32, #tpu.memory_space<hbm>> -> memref<1x40x128xi32, #tpu.memory_space<hbm>>
      %dma_wait3A_56 = tpu.memref_squeeze %dma_wait3A_55 : memref<1x40x128xi32, #tpu.memory_space<hbm>> -> memref<40x128xi32, #tpu.memory_space<hbm>>
      tpu.wait_dma2 semaphore(%run_scoped3A : memref<!tpu.dma_semaphore, #tpu.memory_space<semaphore_mem>>) src(%dma_wait3A_56 : memref<40x128xi32, #tpu.memory_space<hbm>>) dst(%arg8 : memref<40x128xi32, #tpu.memory_space<vmem>>)
      tpu.yield
    }) : () -> ()
    %barrier3A = arith.constant 0 : index
    tpu.barrier barrier_id(%barrier3A)
    %dma_start3A = arith.constant 0 : i32
    %dma_start3A_5 = arith.constant 0 : i32
    %dma_start3A_6 = tpu.memref_slice %arg7[%dma_start3A, %dma_start3A_5] : memref<40x128xi32, #tpu.memory_space<vmem>> -> memref<1x128xi32, #tpu.memory_space<vmem>>
    %dma_start3A_7 = tpu.memref_squeeze %dma_start3A_6 : memref<1x128xi32, #tpu.memory_space<vmem>> -> memref<128xi32, #tpu.memory_space<vmem>>
    %dma_start3A_8 = arith.constant 0 : i32
    %dma_start3A_9 = arith.constant 0 : i32
    %dma_start3A_10 = tpu.memref_slice %arg2[%dma_start3A_8, %dma_start3A_9] : memref<60000x128xf32, #tpu.memory_space<hbm>> -> memref<60000x128xf32, #tpu.memory_space<hbm>>
    tpu.enqueue_indirect_dma source(%dma_start3A_10 : memref<60000x128xf32, #tpu.memory_space<hbm>>) target(%arg9 : memref<128x128xf32, #tpu.memory_space<vmem>>) offsets(%dma_start3A_7 : memref<128xi32, #tpu.memory_space<vmem>>) semaphore(%arg12 : memref<!tpu.dma_semaphore, #tpu.memory_space<semaphore_mem>>)
    %dma_start3A_11 = arith.constant 1 : i32
    %dma_start3A_12 = arith.constant 0 : i32
    %dma_start3A_13 = tpu.memref_slice %arg7[%dma_start3A_11, %dma_start3A_12] : memref<40x128xi32, #tpu.memory_space<vmem>> -> memref<1x128xi32, #tpu.memory_space<vmem>>
    %dma_start3A_14 = tpu.memref_squeeze %dma_start3A_13 : memref<1x128xi32, #tpu.memory_space<vmem>> -> memref<128xi32, #tpu.memory_space<vmem>>
    %dma_start3A_15 = arith.constant 0 : i32
    %dma_start3A_16 = arith.constant 0 : i32
    %dma_start3A_17 = tpu.memref_slice %arg2[%dma_start3A_15, %dma_start3A_16] : memref<60000x128xf32, #tpu.memory_space<hbm>> -> memref<60000x128xf32, #tpu.memory_space<hbm>>
    tpu.enqueue_indirect_dma source(%dma_start3A_17 : memref<60000x128xf32, #tpu.memory_space<hbm>>) target(%arg10 : memref<128x128xf32, #tpu.memory_space<vmem>>) offsets(%dma_start3A_14 : memref<128xi32, #tpu.memory_space<vmem>>) semaphore(%arg13 : memref<!tpu.dma_semaphore, #tpu.memory_space<semaphore_mem>>)
    %scan3A = arith.constant 0 : i32
    %scan3A_18 = arith.constant 0 : i32
    %scan3A_19 = arith.constant 20 : i32
    %scan3A_20 = arith.addi %scan3A_18, %scan3A_19 : i32
    %scan3A_21 = arith.constant 1 : i32
    scf.for %scan3A_41 = %scan3A_18 to %scan3A_20 step %scan3A_21  : i32 {
      %mul3A_42 = arith.constant 2 : i32
      %mul3A_43 = arith.muli %mul3A_42, %scan3A_41 : i32
      %dma_wait3A_44 = arith.constant 0 : i32
      %dma_wait3A_45 = tpu.memref_slice %arg7[%mul3A_43, %dma_wait3A_44] : memref<40x128xi32, #tpu.memory_space<vmem>> -> memref<1x128xi32, #tpu.memory_space<vmem>>
      %dma_wait3A_46 = tpu.memref_squeeze %dma_wait3A_45 : memref<1x128xi32, #tpu.memory_space<vmem>> -> memref<128xi32, #tpu.memory_space<vmem>>
      %dma_wait3A_47 = arith.constant 0 : i32
      %dma_wait3A_48 = arith.constant 0 : i32
      %dma_wait3A_49 = tpu.memref_slice %arg2[%dma_wait3A_47, %dma_wait3A_48] : memref<60000x128xf32, #tpu.memory_space<hbm>> -> memref<60000x128xf32, #tpu.memory_space<hbm>>
      tpu.wait_indirect_dma semaphore(%arg12 : memref<!tpu.dma_semaphore, #tpu.memory_space<semaphore_mem>>) src(%dma_wait3A_49 : memref<60000x128xf32, #tpu.memory_space<hbm>>) dst(%arg9 : memref<128x128xf32, #tpu.memory_space<vmem>>)
      %dma_start3A_50 = arith.constant 0 : i32
      %dma_start3A_51 = tpu.memref_slice %arg8[%mul3A_43, %dma_start3A_50] : memref<40x128xi32, #tpu.memory_space<vmem>> -> memref<1x128xi32, #tpu.memory_space<vmem>>
      %dma_start3A_52 = tpu.memref_squeeze %dma_start3A_51 : memref<1x128xi32, #tpu.memory_space<vmem>> -> memref<128xi32, #tpu.memory_space<vmem>>
      %dma_start3A_53 = arith.constant 0 : i32
      %dma_start3A_54 = arith.constant 0 : i32
      %dma_start3A_55 = tpu.memref_slice %arg11[%dma_start3A_53, %dma_start3A_54] : memref<10112x128xf32, #tpu.memory_space<vmem_shared>> -> memref<10112x128xf32, #tpu.memory_space<vmem_shared>>
      tpu.enqueue_indirect_dma source(%arg9 : memref<128x128xf32, #tpu.memory_space<vmem>>) target(%dma_start3A_55 : memref<10112x128xf32, #tpu.memory_space<vmem_shared>>) offsets(%dma_start3A_52 : memref<128xi32, #tpu.memory_space<vmem>>) semaphore(%arg14 : memref<!tpu.dma_semaphore, #tpu.memory_space<semaphore_mem>>) {add = true}
      %add3A_56 = arith.constant 1 : i32
      %add3A_57 = arith.addi %mul3A_43, %add3A_56 : i32
      %dma_wait3A_58 = arith.constant 0 : i32
      %dma_wait3A_59 = tpu.memref_slice %arg7[%add3A_57, %dma_wait3A_58] : memref<40x128xi32, #tpu.memory_space<vmem>> -> memref<1x128xi32, #tpu.memory_space<vmem>>
      %dma_wait3A_60 = tpu.memref_squeeze %dma_wait3A_59 : memref<1x128xi32, #tpu.memory_space<vmem>> -> memref<128xi32, #tpu.memory_space<vmem>>
      %dma_wait3A_61 = arith.constant 0 : i32
      %dma_wait3A_62 = arith.constant 0 : i32
      %dma_wait3A_63 = tpu.memref_slice %arg2[%dma_wait3A_61, %dma_wait3A_62] : memref<60000x128xf32, #tpu.memory_space<hbm>> -> memref<60000x128xf32, #tpu.memory_space<hbm>>
      tpu.wait_indirect_dma semaphore(%arg13 : memref<!tpu.dma_semaphore, #tpu.memory_space<semaphore_mem>>) src(%dma_wait3A_63 : memref<60000x128xf32, #tpu.memory_space<hbm>>) dst(%arg10 : memref<128x128xf32, #tpu.memory_space<vmem>>)
      %add3A_64 = arith.constant 1 : i32
      %add3A_65 = arith.addi %mul3A_43, %add3A_64 : i32
      %dma_start3A_66 = arith.constant 0 : i32
      %dma_start3A_67 = tpu.memref_slice %arg8[%add3A_65, %dma_start3A_66] : memref<40x128xi32, #tpu.memory_space<vmem>> -> memref<1x128xi32, #tpu.memory_space<vmem>>
      %dma_start3A_68 = tpu.memref_squeeze %dma_start3A_67 : memref<1x128xi32, #tpu.memory_space<vmem>> -> memref<128xi32, #tpu.memory_space<vmem>>
      %dma_start3A_69 = arith.constant 0 : i32
      %dma_start3A_70 = arith.constant 0 : i32
      %dma_start3A_71 = tpu.memref_slice %arg11[%dma_start3A_69, %dma_start3A_70] : memref<10112x128xf32, #tpu.memory_space<vmem_shared>> -> memref<10112x128xf32, #tpu.memory_space<vmem_shared>>
      tpu.enqueue_indirect_dma source(%arg10 : memref<128x128xf32, #tpu.memory_space<vmem>>) target(%dma_start3A_71 : memref<10112x128xf32, #tpu.memory_space<vmem_shared>>) offsets(%dma_start3A_68 : memref<128xi32, #tpu.memory_space<vmem>>) semaphore(%arg15 : memref<!tpu.dma_semaphore, #tpu.memory_space<semaphore_mem>>) {add = true}
      %dma_wait3A_72 = arith.constant 0 : i32
      %dma_wait3A_73 = tpu.memref_slice %arg8[%mul3A_43, %dma_wait3A_72] : memref<40x128xi32, #tpu.memory_space<vmem>> -> memref<1x128xi32, #tpu.memory_space<vmem>>
      %dma_wait3A_74 = tpu.memref_squeeze %dma_wait3A_73 : memref<1x128xi32, #tpu.memory_space<vmem>> -> memref<128xi32, #tpu.memory_space<vmem>>
      %dma_wait3A_75 = arith.constant 0 : i32
      %dma_wait3A_76 = arith.constant 0 : i32
      %dma_wait3A_77 = tpu.memref_slice %arg11[%dma_wait3A_75, %dma_wait3A_76] : memref<10112x128xf32, #tpu.memory_space<vmem_shared>> -> memref<10112x128xf32, #tpu.memory_space<vmem_shared>>
      tpu.wait_indirect_dma semaphore(%arg14 : memref<!tpu.dma_semaphore, #tpu.memory_space<semaphore_mem>>) src(%arg9 : memref<128x128xf32, #tpu.memory_space<vmem>>) dst(%dma_wait3A_77 : memref<10112x128xf32, #tpu.memory_space<vmem_shared>>)
      %add3A_78 = arith.constant 2 : i32
      %add3A_79 = arith.addi %mul3A_43, %add3A_78 : i32
      %min3A = arith.constant 39 : i32
      %min3A_80 = arith.minsi %add3A_79, %min3A : i32
      %dma_start3A_81 = arith.constant 0 : i32
      %dma_start3A_82 = tpu.memref_slice %arg7[%min3A_80, %dma_start3A_81] : memref<40x128xi32, #tpu.memory_space<vmem>> -> memref<1x128xi32, #tpu.memory_space<vmem>>
      %dma_start3A_83 = tpu.memref_squeeze %dma_start3A_82 : memref<1x128xi32, #tpu.memory_space<vmem>> -> memref<128xi32, #tpu.memory_space<vmem>>
      %dma_start3A_84 = arith.constant 0 : i32
      %dma_start3A_85 = arith.constant 0 : i32
      %dma_start3A_86 = tpu.memref_slice %arg2[%dma_start3A_84, %dma_start3A_85] : memref<60000x128xf32, #tpu.memory_space<hbm>> -> memref<60000x128xf32, #tpu.memory_space<hbm>>
      tpu.enqueue_indirect_dma source(%dma_start3A_86 : memref<60000x128xf32, #tpu.memory_space<hbm>>) target(%arg9 : memref<128x128xf32, #tpu.memory_space<vmem>>) offsets(%dma_start3A_83 : memref<128xi32, #tpu.memory_space<vmem>>) semaphore(%arg12 : memref<!tpu.dma_semaphore, #tpu.memory_space<semaphore_mem>>)
      %add3A_87 = arith.constant 1 : i32
      %add3A_88 = arith.addi %mul3A_43, %add3A_87 : i32
      %dma_wait3A_89 = arith.constant 0 : i32
      %dma_wait3A_90 = tpu.memref_slice %arg8[%add3A_88, %dma_wait3A_89] : memref<40x128xi32, #tpu.memory_space<vmem>> -> memref<1x128xi32, #tpu.memory_space<vmem>>
      %dma_wait3A_91 = tpu.memref_squeeze %dma_wait3A_90 : memref<1x128xi32, #tpu.memory_space<vmem>> -> memref<128xi32, #tpu.memory_space<vmem>>
      %dma_wait3A_92 = arith.constant 0 : i32
      %dma_wait3A_93 = arith.constant 0 : i32
      %dma_wait3A_94 = tpu.memref_slice %arg11[%dma_wait3A_92, %dma_wait3A_93] : memref<10112x128xf32, #tpu.memory_space<vmem_shared>> -> memref<10112x128xf32, #tpu.memory_space<vmem_shared>>
      tpu.wait_indirect_dma semaphore(%arg15 : memref<!tpu.dma_semaphore, #tpu.memory_space<semaphore_mem>>) src(%arg10 : memref<128x128xf32, #tpu.memory_space<vmem>>) dst(%dma_wait3A_94 : memref<10112x128xf32, #tpu.memory_space<vmem_shared>>)
      %add3A_95 = arith.constant 3 : i32
      %add3A_96 = arith.addi %mul3A_43, %add3A_95 : i32
      %min3A_97 = arith.constant 39 : i32
      %min3A_98 = arith.minsi %add3A_96, %min3A_97 : i32
      %dma_start3A_99 = arith.constant 0 : i32
      %dma_start3A_100 = tpu.memref_slice %arg7[%min3A_98, %dma_start3A_99] : memref<40x128xi32, #tpu.memory_space<vmem>> -> memref<1x128xi32, #tpu.memory_space<vmem>>
      %dma_start3A_101 = tpu.memref_squeeze %dma_start3A_100 : memref<1x128xi32, #tpu.memory_space<vmem>> -> memref<128xi32, #tpu.memory_space<vmem>>
      %dma_start3A_102 = arith.constant 0 : i32
      %dma_start3A_103 = arith.constant 0 : i32
      %dma_start3A_104 = tpu.memref_slice %arg2[%dma_start3A_102, %dma_start3A_103] : memref<60000x128xf32, #tpu.memory_space<hbm>> -> memref<60000x128xf32, #tpu.memory_space<hbm>>
      tpu.enqueue_indirect_dma source(%dma_start3A_104 : memref<60000x128xf32, #tpu.memory_space<hbm>>) target(%arg10 : memref<128x128xf32, #tpu.memory_space<vmem>>) offsets(%dma_start3A_101 : memref<128xi32, #tpu.memory_space<vmem>>) semaphore(%arg13 : memref<!tpu.dma_semaphore, #tpu.memory_space<semaphore_mem>>)
    }
    %scan3A_22 = arith.constant 20 : i32
    %dma_wait3A = arith.constant 39 : i32
    %dma_wait3A_23 = arith.constant 0 : i32
    %dma_wait3A_24 = tpu.memref_slice %arg7[%dma_wait3A, %dma_wait3A_23] : memref<40x128xi32, #tpu.memory_space<vmem>> -> memref<1x128xi32, #tpu.memory_space<vmem>>
    %dma_wait3A_25 = tpu.memref_squeeze %dma_wait3A_24 : memref<1x128xi32, #tpu.memory_space<vmem>> -> memref<128xi32, #tpu.memory_space<vmem>>
    %dma_wait3A_26 = arith.constant 0 : i32
    %dma_wait3A_27 = arith.constant 0 : i32
    %dma_wait3A_28 = tpu.memref_slice %arg2[%dma_wait3A_26, %dma_wait3A_27] : memref<60000x128xf32, #tpu.memory_space<hbm>> -> memref<60000x128xf32, #tpu.memory_space<hbm>>
    tpu.wait_indirect_dma semaphore(%arg12 : memref<!tpu.dma_semaphore, #tpu.memory_space<semaphore_mem>>) src(%dma_wait3A_28 : memref<60000x128xf32, #tpu.memory_space<hbm>>) dst(%arg9 : memref<128x128xf32, #tpu.memory_space<vmem>>)
    %dma_wait3A_29 = arith.constant 39 : i32
    %dma_wait3A_30 = arith.constant 0 : i32
    %dma_wait3A_31 = tpu.memref_slice %arg7[%dma_wait3A_29, %dma_wait3A_30] : memref<40x128xi32, #tpu.memory_space<vmem>> -> memref<1x128xi32, #tpu.memory_space<vmem>>
    %dma_wait3A_32 = tpu.memref_squeeze %dma_wait3A_31 : memref<1x128xi32, #tpu.memory_space<vmem>> -> memref<128xi32, #tpu.memory_space<vmem>>
    %dma_wait3A_33 = arith.constant 0 : i32
    %dma_wait3A_34 = arith.constant 0 : i32
    %dma_wait3A_35 = tpu.memref_slice %arg2[%dma_wait3A_33, %dma_wait3A_34] : memref<60000x128xf32, #tpu.memory_space<hbm>> -> memref<60000x128xf32, #tpu.memory_space<hbm>>
    tpu.wait_indirect_dma semaphore(%arg13 : memref<!tpu.dma_semaphore, #tpu.memory_space<semaphore_mem>>) src(%dma_wait3A_35 : memref<60000x128xf32, #tpu.memory_space<hbm>>) dst(%arg10 : memref<128x128xf32, #tpu.memory_space<vmem>>)
    %barrier3A_36 = arith.constant 0 : index
    tpu.barrier barrier_id(%barrier3A_36)
    %mul3A_37 = arith.constant 632 : i32
    %mul3A_38 = arith.muli %arg1, %mul3A_37 : i32
    %mul3A_39 = arith.constant 632 : i32
    %mul3A_40 = arith.muli %arg1, %mul3A_39 : i32
    "tpu.region"() ({
      %run_scoped3A = tpu.sem_alloc : memref<!tpu.dma_semaphore, #tpu.memory_space<semaphore_mem>>
      %dma_start3A_41 = arith.constant 0 : i32
      %dma_start3A_42 = tpu.memref_slice %arg6[%arg0, %mul3A_40, %dma_start3A_41] : memref<2x10112x128xf32, #tpu.memory_space<hbm>> -> memref<1x632x128xf32, #tpu.memory_space<hbm>>
      %dma_start3A_43 = tpu.memref_squeeze %dma_start3A_42 : memref<1x632x128xf32, #tpu.memory_space<hbm>> -> memref<632x128xf32, #tpu.memory_space<hbm>>
      %dma_start3A_44 = arith.constant 0 : i32
      %dma_start3A_45 = tpu.memref_slice %arg11[%mul3A_38, %dma_start3A_44] : memref<10112x128xf32, #tpu.memory_space<vmem_shared>> -> memref<632x128xf32, #tpu.memory_space<vmem_shared>>
      tpu.enqueue_dma source(%dma_start3A_45 : memref<632x128xf32, #tpu.memory_space<vmem_shared>>) target(%dma_start3A_43 : memref<632x128xf32, #tpu.memory_space<hbm>>) target_semaphore(%run_scoped3A : memref<!tpu.dma_semaphore, #tpu.memory_space<semaphore_mem>>)
      %dma_wait3A_46 = arith.constant 0 : i32
      %dma_wait3A_47 = tpu.memref_slice %arg6[%arg0, %mul3A_40, %dma_wait3A_46] : memref<2x10112x128xf32, #tpu.memory_space<hbm>> -> memref<1x632x128xf32, #tpu.memory_space<hbm>>
      %dma_wait3A_48 = tpu.memref_squeeze %dma_wait3A_47 : memref<1x632x128xf32, #tpu.memory_space<hbm>> -> memref<632x128xf32, #tpu.memory_space<hbm>>
      %dma_wait3A_49 = arith.constant 0 : i32
      %dma_wait3A_50 = tpu.memref_slice %arg11[%mul3A_38, %dma_wait3A_49] : memref<10112x128xf32, #tpu.memory_space<vmem_shared>> -> memref<632x128xf32, #tpu.memory_space<vmem_shared>>
      tpu.wait_dma2 semaphore(%run_scoped3A : memref<!tpu.dma_semaphore, #tpu.memory_space<semaphore_mem>>) src(%dma_wait3A_50 : memref<632x128xf32, #tpu.memory_space<vmem_shared>>) dst(%dma_wait3A_48 : memref<632x128xf32, #tpu.memory_space<hbm>>)
      tpu.yield
    }) : () -> ()
    return
  }
}

#map = affine_map<(d0, d1) -> (0, 0)>
#map1 = affine_map<(d0, d1) -> (0, 0, 0)>
module attributes {stable_mosaic.version = 14 : i64} {
  func.func @_sc_aggr_body(%arg0: i32, %arg1: i32, %arg2: memref<60000x128xf32, #tpu.memory_space<hbm>>, %arg3: memref<32x40x128xi32, #tpu.memory_space<hbm>>, %arg4: memref<32x40x128xi32, #tpu.memory_space<hbm>>, %arg5: memref<10112x128xf32, #tpu.memory_space<hbm>>, %arg6: memref<2x10112x128xf32, #tpu.memory_space<hbm>>, %arg7: memref<40x128xi32, #tpu.memory_space<vmem>>, %arg8: memref<40x128xi32, #tpu.memory_space<vmem>>, %arg9: memref<128x128xf32, #tpu.memory_space<vmem>>, %arg10: memref<128x128xf32, #tpu.memory_space<vmem>>, %arg11: memref<10112x128xf32, #tpu.memory_space<vmem_shared>>, %arg12: memref<!tpu.dma_semaphore, #tpu.memory_space<semaphore_mem>>, %arg13: memref<!tpu.dma_semaphore, #tpu.memory_space<semaphore_mem>>, %arg14: memref<!tpu.dma_semaphore, #tpu.memory_space<semaphore_mem>>, %arg15: memref<!tpu.dma_semaphore, #tpu.memory_space<semaphore_mem>>) attributes {dimension_semantics = [#tpu.dimension_semantics<core_parallel>, #tpu.dimension_semantics<subcore_parallel>], iteration_bounds = array<i64: 2, 16>, scalar_prefetch = 0 : i64, scratch_operands = 9 : i64, tpu.core_type = #tpu.core_type<sc_vector_subcore>, window_params = [{transform_indices = #map}, {transform_indices = #map1}, {transform_indices = #map1}, {transform_indices = #map}, {transform_indices = #map1}]} {
    %mul3A = arith.constant 2 : i32
    %mul3A_0 = arith.muli %arg1, %mul3A : i32
    %add3A = arith.addi %mul3A_0, %arg0 : i32
    %mul3A_1 = arith.constant 632 : i32
    %mul3A_2 = arith.muli %arg1, %mul3A_1 : i32
    %mul3A_3 = arith.constant 632 : i32
    %mul3A_4 = arith.muli %arg1, %mul3A_3 : i32
    "tpu.region"() ({
      %run_scoped3A = tpu.sem_alloc : memref<!tpu.dma_semaphore, #tpu.memory_space<semaphore_mem>>
      %dma_start3A_41 = arith.constant 0 : i32
      %dma_start3A_42 = tpu.memref_slice %arg11[%mul3A_4, %dma_start3A_41] : memref<10112x128xf32, #tpu.memory_space<vmem_shared>> -> memref<632x128xf32, #tpu.memory_space<vmem_shared>>
      %dma_start3A_43 = arith.constant 0 : i32
      %dma_start3A_44 = tpu.memref_slice %arg5[%mul3A_2, %dma_start3A_43] : memref<10112x128xf32, #tpu.memory_space<hbm>> -> memref<632x128xf32, #tpu.memory_space<hbm>>
      tpu.enqueue_dma source(%dma_start3A_44 : memref<632x128xf32, #tpu.memory_space<hbm>>) target(%dma_start3A_42 : memref<632x128xf32, #tpu.memory_space<vmem_shared>>) target_semaphore(%run_scoped3A : memref<!tpu.dma_semaphore, #tpu.memory_space<semaphore_mem>>)
      %dma_wait3A_45 = arith.constant 0 : i32
      %dma_wait3A_46 = tpu.memref_slice %arg11[%mul3A_4, %dma_wait3A_45] : memref<10112x128xf32, #tpu.memory_space<vmem_shared>> -> memref<632x128xf32, #tpu.memory_space<vmem_shared>>
      %dma_wait3A_47 = arith.constant 0 : i32
      %dma_wait3A_48 = tpu.memref_slice %arg5[%mul3A_2, %dma_wait3A_47] : memref<10112x128xf32, #tpu.memory_space<hbm>> -> memref<632x128xf32, #tpu.memory_space<hbm>>
      tpu.wait_dma2 semaphore(%run_scoped3A : memref<!tpu.dma_semaphore, #tpu.memory_space<semaphore_mem>>) src(%dma_wait3A_48 : memref<632x128xf32, #tpu.memory_space<hbm>>) dst(%dma_wait3A_46 : memref<632x128xf32, #tpu.memory_space<vmem_shared>>)
      tpu.yield
    }) : () -> ()
    "tpu.region"() ({
      %run_scoped3A = tpu.sem_alloc : memref<!tpu.dma_semaphore, #tpu.memory_space<semaphore_mem>>
      %dma_start3A_41 = arith.constant 0 : i32
      %dma_start3A_42 = arith.constant 0 : i32
      %dma_start3A_43 = tpu.memref_slice %arg3[%add3A, %dma_start3A_41, %dma_start3A_42] : memref<32x40x128xi32, #tpu.memory_space<hbm>> -> memref<1x40x128xi32, #tpu.memory_space<hbm>>
      %dma_start3A_44 = tpu.memref_squeeze %dma_start3A_43 : memref<1x40x128xi32, #tpu.memory_space<hbm>> -> memref<40x128xi32, #tpu.memory_space<hbm>>
      %dma_start3A_45 = arith.constant 0 : i32
      %dma_start3A_46 = arith.constant 0 : i32
      %dma_start3A_47 = tpu.memref_slice %arg3[%add3A, %dma_start3A_45, %dma_start3A_46] : memref<32x40x128xi32, #tpu.memory_space<hbm>> -> memref<1x40x128xi32, #tpu.memory_space<hbm>>
      %dma_start3A_48 = tpu.memref_squeeze %dma_start3A_47 : memref<1x40x128xi32, #tpu.memory_space<hbm>> -> memref<40x128xi32, #tpu.memory_space<hbm>>
      tpu.enqueue_dma source(%dma_start3A_48 : memref<40x128xi32, #tpu.memory_space<hbm>>) target(%arg7 : memref<40x128xi32, #tpu.memory_space<vmem>>) target_semaphore(%run_scoped3A : memref<!tpu.dma_semaphore, #tpu.memory_space<semaphore_mem>>)
      %dma_wait3A_49 = arith.constant 0 : i32
      %dma_wait3A_50 = arith.constant 0 : i32
      %dma_wait3A_51 = tpu.memref_slice %arg3[%add3A, %dma_wait3A_49, %dma_wait3A_50] : memref<32x40x128xi32, #tpu.memory_space<hbm>> -> memref<1x40x128xi32, #tpu.memory_space<hbm>>
      %dma_wait3A_52 = tpu.memref_squeeze %dma_wait3A_51 : memref<1x40x128xi32, #tpu.memory_space<hbm>> -> memref<40x128xi32, #tpu.memory_space<hbm>>
      %dma_wait3A_53 = arith.constant 0 : i32
      %dma_wait3A_54 = arith.constant 0 : i32
      %dma_wait3A_55 = tpu.memref_slice %arg3[%add3A, %dma_wait3A_53, %dma_wait3A_54] : memref<32x40x128xi32, #tpu.memory_space<hbm>> -> memref<1x40x128xi32, #tpu.memory_space<hbm>>
      %dma_wait3A_56 = tpu.memref_squeeze %dma_wait3A_55 : memref<1x40x128xi32, #tpu.memory_space<hbm>> -> memref<40x128xi32, #tpu.memory_space<hbm>>
      tpu.wait_dma2 semaphore(%run_scoped3A : memref<!tpu.dma_semaphore, #tpu.memory_space<semaphore_mem>>) src(%dma_wait3A_56 : memref<40x128xi32, #tpu.memory_space<hbm>>) dst(%arg7 : memref<40x128xi32, #tpu.memory_space<vmem>>)
      tpu.yield
    }) : () -> ()
    "tpu.region"() ({
      %run_scoped3A = tpu.sem_alloc : memref<!tpu.dma_semaphore, #tpu.memory_space<semaphore_mem>>
      %dma_start3A_41 = arith.constant 0 : i32
      %dma_start3A_42 = arith.constant 0 : i32
      %dma_start3A_43 = tpu.memref_slice %arg4[%add3A, %dma_start3A_41, %dma_start3A_42] : memref<32x40x128xi32, #tpu.memory_space<hbm>> -> memref<1x40x128xi32, #tpu.memory_space<hbm>>
      %dma_start3A_44 = tpu.memref_squeeze %dma_start3A_43 : memref<1x40x128xi32, #tpu.memory_space<hbm>> -> memref<40x128xi32, #tpu.memory_space<hbm>>
      %dma_start3A_45 = arith.constant 0 : i32
      %dma_start3A_46 = arith.constant 0 : i32
      %dma_start3A_47 = tpu.memref_slice %arg4[%add3A, %dma_start3A_45, %dma_start3A_46] : memref<32x40x128xi32, #tpu.memory_space<hbm>> -> memref<1x40x128xi32, #tpu.memory_space<hbm>>
      %dma_start3A_48 = tpu.memref_squeeze %dma_start3A_47 : memref<1x40x128xi32, #tpu.memory_space<hbm>> -> memref<40x128xi32, #tpu.memory_space<hbm>>
      tpu.enqueue_dma source(%dma_start3A_48 : memref<40x128xi32, #tpu.memory_space<hbm>>) target(%arg8 : memref<40x128xi32, #tpu.memory_space<vmem>>) target_semaphore(%run_scoped3A : memref<!tpu.dma_semaphore, #tpu.memory_space<semaphore_mem>>)
      %dma_wait3A_49 = arith.constant 0 : i32
      %dma_wait3A_50 = arith.constant 0 : i32
      %dma_wait3A_51 = tpu.memref_slice %arg4[%add3A, %dma_wait3A_49, %dma_wait3A_50] : memref<32x40x128xi32, #tpu.memory_space<hbm>> -> memref<1x40x128xi32, #tpu.memory_space<hbm>>
      %dma_wait3A_52 = tpu.memref_squeeze %dma_wait3A_51 : memref<1x40x128xi32, #tpu.memory_space<hbm>> -> memref<40x128xi32, #tpu.memory_space<hbm>>
      %dma_wait3A_53 = arith.constant 0 : i32
      %dma_wait3A_54 = arith.constant 0 : i32
      %dma_wait3A_55 = tpu.memref_slice %arg4[%add3A, %dma_wait3A_53, %dma_wait3A_54] : memref<32x40x128xi32, #tpu.memory_space<hbm>> -> memref<1x40x128xi32, #tpu.memory_space<hbm>>
      %dma_wait3A_56 = tpu.memref_squeeze %dma_wait3A_55 : memref<1x40x128xi32, #tpu.memory_space<hbm>> -> memref<40x128xi32, #tpu.memory_space<hbm>>
      tpu.wait_dma2 semaphore(%run_scoped3A : memref<!tpu.dma_semaphore, #tpu.memory_space<semaphore_mem>>) src(%dma_wait3A_56 : memref<40x128xi32, #tpu.memory_space<hbm>>) dst(%arg8 : memref<40x128xi32, #tpu.memory_space<vmem>>)
      tpu.yield
    }) : () -> ()
    %barrier3A = arith.constant 0 : index
    tpu.barrier barrier_id(%barrier3A)
    %dma_start3A = arith.constant 0 : i32
    %dma_start3A_5 = arith.constant 0 : i32
    %dma_start3A_6 = tpu.memref_slice %arg7[%dma_start3A, %dma_start3A_5] : memref<40x128xi32, #tpu.memory_space<vmem>> -> memref<1x128xi32, #tpu.memory_space<vmem>>
    %dma_start3A_7 = tpu.memref_squeeze %dma_start3A_6 : memref<1x128xi32, #tpu.memory_space<vmem>> -> memref<128xi32, #tpu.memory_space<vmem>>
    %dma_start3A_8 = arith.constant 0 : i32
    %dma_start3A_9 = arith.constant 0 : i32
    %dma_start3A_10 = tpu.memref_slice %arg2[%dma_start3A_8, %dma_start3A_9] : memref<60000x128xf32, #tpu.memory_space<hbm>> -> memref<60000x128xf32, #tpu.memory_space<hbm>>
    tpu.enqueue_indirect_dma source(%dma_start3A_10 : memref<60000x128xf32, #tpu.memory_space<hbm>>) target(%arg9 : memref<128x128xf32, #tpu.memory_space<vmem>>) offsets(%dma_start3A_7 : memref<128xi32, #tpu.memory_space<vmem>>) semaphore(%arg12 : memref<!tpu.dma_semaphore, #tpu.memory_space<semaphore_mem>>)
    %dma_start3A_11 = arith.constant 1 : i32
    %dma_start3A_12 = arith.constant 0 : i32
    %dma_start3A_13 = tpu.memref_slice %arg7[%dma_start3A_11, %dma_start3A_12] : memref<40x128xi32, #tpu.memory_space<vmem>> -> memref<1x128xi32, #tpu.memory_space<vmem>>
    %dma_start3A_14 = tpu.memref_squeeze %dma_start3A_13 : memref<1x128xi32, #tpu.memory_space<vmem>> -> memref<128xi32, #tpu.memory_space<vmem>>
    %dma_start3A_15 = arith.constant 0 : i32
    %dma_start3A_16 = arith.constant 0 : i32
    %dma_start3A_17 = tpu.memref_slice %arg2[%dma_start3A_15, %dma_start3A_16] : memref<60000x128xf32, #tpu.memory_space<hbm>> -> memref<60000x128xf32, #tpu.memory_space<hbm>>
    tpu.enqueue_indirect_dma source(%dma_start3A_17 : memref<60000x128xf32, #tpu.memory_space<hbm>>) target(%arg10 : memref<128x128xf32, #tpu.memory_space<vmem>>) offsets(%dma_start3A_14 : memref<128xi32, #tpu.memory_space<vmem>>) semaphore(%arg13 : memref<!tpu.dma_semaphore, #tpu.memory_space<semaphore_mem>>)
    %scan3A = arith.constant 0 : i32
    %scan3A_18 = arith.constant 0 : i32
    %scan3A_19 = arith.constant 20 : i32
    %scan3A_20 = arith.addi %scan3A_18, %scan3A_19 : i32
    %scan3A_21 = arith.constant 1 : i32
    scf.for %scan3A_41 = %scan3A_18 to %scan3A_20 step %scan3A_21  : i32 {
      %mul3A_42 = arith.constant 2 : i32
      %mul3A_43 = arith.muli %mul3A_42, %scan3A_41 : i32
      %dma_wait3A_44 = arith.constant 0 : i32
      %dma_wait3A_45 = tpu.memref_slice %arg7[%mul3A_43, %dma_wait3A_44] : memref<40x128xi32, #tpu.memory_space<vmem>> -> memref<1x128xi32, #tpu.memory_space<vmem>>
      %dma_wait3A_46 = tpu.memref_squeeze %dma_wait3A_45 : memref<1x128xi32, #tpu.memory_space<vmem>> -> memref<128xi32, #tpu.memory_space<vmem>>
      %dma_wait3A_47 = arith.constant 0 : i32
      %dma_wait3A_48 = arith.constant 0 : i32
      %dma_wait3A_49 = tpu.memref_slice %arg2[%dma_wait3A_47, %dma_wait3A_48] : memref<60000x128xf32, #tpu.memory_space<hbm>> -> memref<60000x128xf32, #tpu.memory_space<hbm>>
      tpu.wait_indirect_dma semaphore(%arg12 : memref<!tpu.dma_semaphore, #tpu.memory_space<semaphore_mem>>) src(%dma_wait3A_49 : memref<60000x128xf32, #tpu.memory_space<hbm>>) dst(%arg9 : memref<128x128xf32, #tpu.memory_space<vmem>>)
      %dma_start3A_50 = arith.constant 0 : i32
      %dma_start3A_51 = tpu.memref_slice %arg8[%mul3A_43, %dma_start3A_50] : memref<40x128xi32, #tpu.memory_space<vmem>> -> memref<1x128xi32, #tpu.memory_space<vmem>>
      %dma_start3A_52 = tpu.memref_squeeze %dma_start3A_51 : memref<1x128xi32, #tpu.memory_space<vmem>> -> memref<128xi32, #tpu.memory_space<vmem>>
      %dma_start3A_53 = arith.constant 0 : i32
      %dma_start3A_54 = arith.constant 0 : i32
      %dma_start3A_55 = tpu.memref_slice %arg11[%dma_start3A_53, %dma_start3A_54] : memref<10112x128xf32, #tpu.memory_space<vmem_shared>> -> memref<10112x128xf32, #tpu.memory_space<vmem_shared>>
      tpu.enqueue_indirect_dma source(%arg9 : memref<128x128xf32, #tpu.memory_space<vmem>>) target(%dma_start3A_55 : memref<10112x128xf32, #tpu.memory_space<vmem_shared>>) offsets(%dma_start3A_52 : memref<128xi32, #tpu.memory_space<vmem>>) semaphore(%arg14 : memref<!tpu.dma_semaphore, #tpu.memory_space<semaphore_mem>>) {add = true}
      %add3A_56 = arith.constant 1 : i32
      %add3A_57 = arith.addi %mul3A_43, %add3A_56 : i32
      %dma_wait3A_58 = arith.constant 0 : i32
      %dma_wait3A_59 = tpu.memref_slice %arg7[%add3A_57, %dma_wait3A_58] : memref<40x128xi32, #tpu.memory_space<vmem>> -> memref<1x128xi32, #tpu.memory_space<vmem>>
      %dma_wait3A_60 = tpu.memref_squeeze %dma_wait3A_59 : memref<1x128xi32, #tpu.memory_space<vmem>> -> memref<128xi32, #tpu.memory_space<vmem>>
      %dma_wait3A_61 = arith.constant 0 : i32
      %dma_wait3A_62 = arith.constant 0 : i32
      %dma_wait3A_63 = tpu.memref_slice %arg2[%dma_wait3A_61, %dma_wait3A_62] : memref<60000x128xf32, #tpu.memory_space<hbm>> -> memref<60000x128xf32, #tpu.memory_space<hbm>>
      tpu.wait_indirect_dma semaphore(%arg13 : memref<!tpu.dma_semaphore, #tpu.memory_space<semaphore_mem>>) src(%dma_wait3A_63 : memref<60000x128xf32, #tpu.memory_space<hbm>>) dst(%arg10 : memref<128x128xf32, #tpu.memory_space<vmem>>)
      %add3A_64 = arith.constant 1 : i32
      %add3A_65 = arith.addi %mul3A_43, %add3A_64 : i32
      %dma_start3A_66 = arith.constant 0 : i32
      %dma_start3A_67 = tpu.memref_slice %arg8[%add3A_65, %dma_start3A_66] : memref<40x128xi32, #tpu.memory_space<vmem>> -> memref<1x128xi32, #tpu.memory_space<vmem>>
      %dma_start3A_68 = tpu.memref_squeeze %dma_start3A_67 : memref<1x128xi32, #tpu.memory_space<vmem>> -> memref<128xi32, #tpu.memory_space<vmem>>
      %dma_start3A_69 = arith.constant 0 : i32
      %dma_start3A_70 = arith.constant 0 : i32
      %dma_start3A_71 = tpu.memref_slice %arg11[%dma_start3A_69, %dma_start3A_70] : memref<10112x128xf32, #tpu.memory_space<vmem_shared>> -> memref<10112x128xf32, #tpu.memory_space<vmem_shared>>
      tpu.enqueue_indirect_dma source(%arg10 : memref<128x128xf32, #tpu.memory_space<vmem>>) target(%dma_start3A_71 : memref<10112x128xf32, #tpu.memory_space<vmem_shared>>) offsets(%dma_start3A_68 : memref<128xi32, #tpu.memory_space<vmem>>) semaphore(%arg15 : memref<!tpu.dma_semaphore, #tpu.memory_space<semaphore_mem>>) {add = true}
      %dma_wait3A_72 = arith.constant 0 : i32
      %dma_wait3A_73 = tpu.memref_slice %arg8[%mul3A_43, %dma_wait3A_72] : memref<40x128xi32, #tpu.memory_space<vmem>> -> memref<1x128xi32, #tpu.memory_space<vmem>>
      %dma_wait3A_74 = tpu.memref_squeeze %dma_wait3A_73 : memref<1x128xi32, #tpu.memory_space<vmem>> -> memref<128xi32, #tpu.memory_space<vmem>>
      %dma_wait3A_75 = arith.constant 0 : i32
      %dma_wait3A_76 = arith.constant 0 : i32
      %dma_wait3A_77 = tpu.memref_slice %arg11[%dma_wait3A_75, %dma_wait3A_76] : memref<10112x128xf32, #tpu.memory_space<vmem_shared>> -> memref<10112x128xf32, #tpu.memory_space<vmem_shared>>
      tpu.wait_indirect_dma semaphore(%arg14 : memref<!tpu.dma_semaphore, #tpu.memory_space<semaphore_mem>>) src(%arg9 : memref<128x128xf32, #tpu.memory_space<vmem>>) dst(%dma_wait3A_77 : memref<10112x128xf32, #tpu.memory_space<vmem_shared>>)
      %add3A_78 = arith.constant 2 : i32
      %add3A_79 = arith.addi %mul3A_43, %add3A_78 : i32
      %min3A = arith.constant 39 : i32
      %min3A_80 = arith.minsi %add3A_79, %min3A : i32
      %dma_start3A_81 = arith.constant 0 : i32
      %dma_start3A_82 = tpu.memref_slice %arg7[%min3A_80, %dma_start3A_81] : memref<40x128xi32, #tpu.memory_space<vmem>> -> memref<1x128xi32, #tpu.memory_space<vmem>>
      %dma_start3A_83 = tpu.memref_squeeze %dma_start3A_82 : memref<1x128xi32, #tpu.memory_space<vmem>> -> memref<128xi32, #tpu.memory_space<vmem>>
      %dma_start3A_84 = arith.constant 0 : i32
      %dma_start3A_85 = arith.constant 0 : i32
      %dma_start3A_86 = tpu.memref_slice %arg2[%dma_start3A_84, %dma_start3A_85] : memref<60000x128xf32, #tpu.memory_space<hbm>> -> memref<60000x128xf32, #tpu.memory_space<hbm>>
      tpu.enqueue_indirect_dma source(%dma_start3A_86 : memref<60000x128xf32, #tpu.memory_space<hbm>>) target(%arg9 : memref<128x128xf32, #tpu.memory_space<vmem>>) offsets(%dma_start3A_83 : memref<128xi32, #tpu.memory_space<vmem>>) semaphore(%arg12 : memref<!tpu.dma_semaphore, #tpu.memory_space<semaphore_mem>>)
      %add3A_87 = arith.constant 1 : i32
      %add3A_88 = arith.addi %mul3A_43, %add3A_87 : i32
      %dma_wait3A_89 = arith.constant 0 : i32
      %dma_wait3A_90 = tpu.memref_slice %arg8[%add3A_88, %dma_wait3A_89] : memref<40x128xi32, #tpu.memory_space<vmem>> -> memref<1x128xi32, #tpu.memory_space<vmem>>
      %dma_wait3A_91 = tpu.memref_squeeze %dma_wait3A_90 : memref<1x128xi32, #tpu.memory_space<vmem>> -> memref<128xi32, #tpu.memory_space<vmem>>
      %dma_wait3A_92 = arith.constant 0 : i32
      %dma_wait3A_93 = arith.constant 0 : i32
      %dma_wait3A_94 = tpu.memref_slice %arg11[%dma_wait3A_92, %dma_wait3A_93] : memref<10112x128xf32, #tpu.memory_space<vmem_shared>> -> memref<10112x128xf32, #tpu.memory_space<vmem_shared>>
      tpu.wait_indirect_dma semaphore(%arg15 : memref<!tpu.dma_semaphore, #tpu.memory_space<semaphore_mem>>) src(%arg10 : memref<128x128xf32, #tpu.memory_space<vmem>>) dst(%dma_wait3A_94 : memref<10112x128xf32, #tpu.memory_space<vmem_shared>>)
      %add3A_95 = arith.constant 3 : i32
      %add3A_96 = arith.addi %mul3A_43, %add3A_95 : i32
      %min3A_97 = arith.constant 39 : i32
      %min3A_98 = arith.minsi %add3A_96, %min3A_97 : i32
      %dma_start3A_99 = arith.constant 0 : i32
      %dma_start3A_100 = tpu.memref_slice %arg7[%min3A_98, %dma_start3A_99] : memref<40x128xi32, #tpu.memory_space<vmem>> -> memref<1x128xi32, #tpu.memory_space<vmem>>
      %dma_start3A_101 = tpu.memref_squeeze %dma_start3A_100 : memref<1x128xi32, #tpu.memory_space<vmem>> -> memref<128xi32, #tpu.memory_space<vmem>>
      %dma_start3A_102 = arith.constant 0 : i32
      %dma_start3A_103 = arith.constant 0 : i32
      %dma_start3A_104 = tpu.memref_slice %arg2[%dma_start3A_102, %dma_start3A_103] : memref<60000x128xf32, #tpu.memory_space<hbm>> -> memref<60000x128xf32, #tpu.memory_space<hbm>>
      tpu.enqueue_indirect_dma source(%dma_start3A_104 : memref<60000x128xf32, #tpu.memory_space<hbm>>) target(%arg10 : memref<128x128xf32, #tpu.memory_space<vmem>>) offsets(%dma_start3A_101 : memref<128xi32, #tpu.memory_space<vmem>>) semaphore(%arg13 : memref<!tpu.dma_semaphore, #tpu.memory_space<semaphore_mem>>)
    }
    %scan3A_22 = arith.constant 20 : i32
    %dma_wait3A = arith.constant 39 : i32
    %dma_wait3A_23 = arith.constant 0 : i32
    %dma_wait3A_24 = tpu.memref_slice %arg7[%dma_wait3A, %dma_wait3A_23] : memref<40x128xi32, #tpu.memory_space<vmem>> -> memref<1x128xi32, #tpu.memory_space<vmem>>
    %dma_wait3A_25 = tpu.memref_squeeze %dma_wait3A_24 : memref<1x128xi32, #tpu.memory_space<vmem>> -> memref<128xi32, #tpu.memory_space<vmem>>
    %dma_wait3A_26 = arith.constant 0 : i32
    %dma_wait3A_27 = arith.constant 0 : i32
    %dma_wait3A_28 = tpu.memref_slice %arg2[%dma_wait3A_26, %dma_wait3A_27] : memref<60000x128xf32, #tpu.memory_space<hbm>> -> memref<60000x128xf32, #tpu.memory_space<hbm>>
    tpu.wait_indirect_dma semaphore(%arg12 : memref<!tpu.dma_semaphore, #tpu.memory_space<semaphore_mem>>) src(%dma_wait3A_28 : memref<60000x128xf32, #tpu.memory_space<hbm>>) dst(%arg9 : memref<128x128xf32, #tpu.memory_space<vmem>>)
    %dma_wait3A_29 = arith.constant 39 : i32
    %dma_wait3A_30 = arith.constant 0 : i32
    %dma_wait3A_31 = tpu.memref_slice %arg7[%dma_wait3A_29, %dma_wait3A_30] : memref<40x128xi32, #tpu.memory_space<vmem>> -> memref<1x128xi32, #tpu.memory_space<vmem>>
    %dma_wait3A_32 = tpu.memref_squeeze %dma_wait3A_31 : memref<1x128xi32, #tpu.memory_space<vmem>> -> memref<128xi32, #tpu.memory_space<vmem>>
    %dma_wait3A_33 = arith.constant 0 : i32
    %dma_wait3A_34 = arith.constant 0 : i32
    %dma_wait3A_35 = tpu.memref_slice %arg2[%dma_wait3A_33, %dma_wait3A_34] : memref<60000x128xf32, #tpu.memory_space<hbm>> -> memref<60000x128xf32, #tpu.memory_space<hbm>>
    tpu.wait_indirect_dma semaphore(%arg13 : memref<!tpu.dma_semaphore, #tpu.memory_space<semaphore_mem>>) src(%dma_wait3A_35 : memref<60000x128xf32, #tpu.memory_space<hbm>>) dst(%arg10 : memref<128x128xf32, #tpu.memory_space<vmem>>)
    %barrier3A_36 = arith.constant 0 : index
    tpu.barrier barrier_id(%barrier3A_36)
    %mul3A_37 = arith.constant 632 : i32
    %mul3A_38 = arith.muli %arg1, %mul3A_37 : i32
    %mul3A_39 = arith.constant 632 : i32
    %mul3A_40 = arith.muli %arg1, %mul3A_39 : i32
    "tpu.region"() ({
      %run_scoped3A = tpu.sem_alloc : memref<!tpu.dma_semaphore, #tpu.memory_space<semaphore_mem>>
      %dma_start3A_41 = arith.constant 0 : i32
      %dma_start3A_42 = tpu.memref_slice %arg6[%arg0, %mul3A_40, %dma_start3A_41] : memref<2x10112x128xf32, #tpu.memory_space<hbm>> -> memref<1x632x128xf32, #tpu.memory_space<hbm>>
      %dma_start3A_43 = tpu.memref_squeeze %dma_start3A_42 : memref<1x632x128xf32, #tpu.memory_space<hbm>> -> memref<632x128xf32, #tpu.memory_space<hbm>>
      %dma_start3A_44 = arith.constant 0 : i32
      %dma_start3A_45 = tpu.memref_slice %arg11[%mul3A_38, %dma_start3A_44] : memref<10112x128xf32, #tpu.memory_space<vmem_shared>> -> memref<632x128xf32, #tpu.memory_space<vmem_shared>>
      tpu.enqueue_dma source(%dma_start3A_45 : memref<632x128xf32, #tpu.memory_space<vmem_shared>>) target(%dma_start3A_43 : memref<632x128xf32, #tpu.memory_space<hbm>>) target_semaphore(%run_scoped3A : memref<!tpu.dma_semaphore, #tpu.memory_space<semaphore_mem>>)
      %dma_wait3A_46 = arith.constant 0 : i32
      %dma_wait3A_47 = tpu.memref_slice %arg6[%arg0, %mul3A_40, %dma_wait3A_46] : memref<2x10112x128xf32, #tpu.memory_space<hbm>> -> memref<1x632x128xf32, #tpu.memory_space<hbm>>
      %dma_wait3A_48 = tpu.memref_squeeze %dma_wait3A_47 : memref<1x632x128xf32, #tpu.memory_space<hbm>> -> memref<632x128xf32, #tpu.memory_space<hbm>>
      %dma_wait3A_49 = arith.constant 0 : i32
      %dma_wait3A_50 = tpu.memref_slice %arg11[%mul3A_38, %dma_wait3A_49] : memref<10112x128xf32, #tpu.memory_space<vmem_shared>> -> memref<632x128xf32, #tpu.memory_space<vmem_shared>>
      tpu.wait_dma2 semaphore(%run_scoped3A : memref<!tpu.dma_semaphore, #tpu.memory_space<semaphore_mem>>) src(%dma_wait3A_50 : memref<632x128xf32, #tpu.memory_space<vmem_shared>>) dst(%dma_wait3A_48 : memref<632x128xf32, #tpu.memory_space<hbm>>)
      tpu.yield
    }) : () -> ()
    return
  }
}

#map = affine_map<(d0, d1) -> (0, 0)>
#map1 = affine_map<(d0, d1) -> (0, 0, 0)>
module attributes {stable_mosaic.version = 14 : i64} {
  func.func @_sc_aggr_body(%arg0: i32, %arg1: i32, %arg2: memref<60000x128xf32, #tpu.memory_space<hbm>>, %arg3: memref<32x40x128xi32, #tpu.memory_space<hbm>>, %arg4: memref<32x40x128xi32, #tpu.memory_space<hbm>>, %arg5: memref<10112x128xf32, #tpu.memory_space<hbm>>, %arg6: memref<2x10112x128xf32, #tpu.memory_space<hbm>>, %arg7: memref<40x128xi32, #tpu.memory_space<vmem>>, %arg8: memref<40x128xi32, #tpu.memory_space<vmem>>, %arg9: memref<128x128xf32, #tpu.memory_space<vmem>>, %arg10: memref<128x128xf32, #tpu.memory_space<vmem>>, %arg11: memref<10112x128xf32, #tpu.memory_space<vmem_shared>>, %arg12: memref<!tpu.dma_semaphore, #tpu.memory_space<semaphore_mem>>, %arg13: memref<!tpu.dma_semaphore, #tpu.memory_space<semaphore_mem>>, %arg14: memref<!tpu.dma_semaphore, #tpu.memory_space<semaphore_mem>>, %arg15: memref<!tpu.dma_semaphore, #tpu.memory_space<semaphore_mem>>) attributes {dimension_semantics = [#tpu.dimension_semantics<core_parallel>, #tpu.dimension_semantics<subcore_parallel>], iteration_bounds = array<i64: 2, 16>, scalar_prefetch = 0 : i64, scratch_operands = 9 : i64, tpu.core_type = #tpu.core_type<sc_vector_subcore>, window_params = [{transform_indices = #map}, {transform_indices = #map1}, {transform_indices = #map1}, {transform_indices = #map}, {transform_indices = #map1}]} {
    %mul3A = arith.constant 2 : i32
    %mul3A_0 = arith.muli %arg1, %mul3A : i32
    %add3A = arith.addi %mul3A_0, %arg0 : i32
    %mul3A_1 = arith.constant 632 : i32
    %mul3A_2 = arith.muli %arg1, %mul3A_1 : i32
    %mul3A_3 = arith.constant 632 : i32
    %mul3A_4 = arith.muli %arg1, %mul3A_3 : i32
    "tpu.region"() ({
      %run_scoped3A = tpu.sem_alloc : memref<!tpu.dma_semaphore, #tpu.memory_space<semaphore_mem>>
      %dma_start3A_41 = arith.constant 0 : i32
      %dma_start3A_42 = tpu.memref_slice %arg11[%mul3A_4, %dma_start3A_41] : memref<10112x128xf32, #tpu.memory_space<vmem_shared>> -> memref<632x128xf32, #tpu.memory_space<vmem_shared>>
      %dma_start3A_43 = arith.constant 0 : i32
      %dma_start3A_44 = tpu.memref_slice %arg5[%mul3A_2, %dma_start3A_43] : memref<10112x128xf32, #tpu.memory_space<hbm>> -> memref<632x128xf32, #tpu.memory_space<hbm>>
      tpu.enqueue_dma source(%dma_start3A_44 : memref<632x128xf32, #tpu.memory_space<hbm>>) target(%dma_start3A_42 : memref<632x128xf32, #tpu.memory_space<vmem_shared>>) target_semaphore(%run_scoped3A : memref<!tpu.dma_semaphore, #tpu.memory_space<semaphore_mem>>)
      %dma_wait3A_45 = arith.constant 0 : i32
      %dma_wait3A_46 = tpu.memref_slice %arg11[%mul3A_4, %dma_wait3A_45] : memref<10112x128xf32, #tpu.memory_space<vmem_shared>> -> memref<632x128xf32, #tpu.memory_space<vmem_shared>>
      %dma_wait3A_47 = arith.constant 0 : i32
      %dma_wait3A_48 = tpu.memref_slice %arg5[%mul3A_2, %dma_wait3A_47] : memref<10112x128xf32, #tpu.memory_space<hbm>> -> memref<632x128xf32, #tpu.memory_space<hbm>>
      tpu.wait_dma2 semaphore(%run_scoped3A : memref<!tpu.dma_semaphore, #tpu.memory_space<semaphore_mem>>) src(%dma_wait3A_48 : memref<632x128xf32, #tpu.memory_space<hbm>>) dst(%dma_wait3A_46 : memref<632x128xf32, #tpu.memory_space<vmem_shared>>)
      tpu.yield
    }) : () -> ()
    "tpu.region"() ({
      %run_scoped3A = tpu.sem_alloc : memref<!tpu.dma_semaphore, #tpu.memory_space<semaphore_mem>>
      %dma_start3A_41 = arith.constant 0 : i32
      %dma_start3A_42 = arith.constant 0 : i32
      %dma_start3A_43 = tpu.memref_slice %arg3[%add3A, %dma_start3A_41, %dma_start3A_42] : memref<32x40x128xi32, #tpu.memory_space<hbm>> -> memref<1x40x128xi32, #tpu.memory_space<hbm>>
      %dma_start3A_44 = tpu.memref_squeeze %dma_start3A_43 : memref<1x40x128xi32, #tpu.memory_space<hbm>> -> memref<40x128xi32, #tpu.memory_space<hbm>>
      %dma_start3A_45 = arith.constant 0 : i32
      %dma_start3A_46 = arith.constant 0 : i32
      %dma_start3A_47 = tpu.memref_slice %arg3[%add3A, %dma_start3A_45, %dma_start3A_46] : memref<32x40x128xi32, #tpu.memory_space<hbm>> -> memref<1x40x128xi32, #tpu.memory_space<hbm>>
      %dma_start3A_48 = tpu.memref_squeeze %dma_start3A_47 : memref<1x40x128xi32, #tpu.memory_space<hbm>> -> memref<40x128xi32, #tpu.memory_space<hbm>>
      tpu.enqueue_dma source(%dma_start3A_48 : memref<40x128xi32, #tpu.memory_space<hbm>>) target(%arg7 : memref<40x128xi32, #tpu.memory_space<vmem>>) target_semaphore(%run_scoped3A : memref<!tpu.dma_semaphore, #tpu.memory_space<semaphore_mem>>)
      %dma_wait3A_49 = arith.constant 0 : i32
      %dma_wait3A_50 = arith.constant 0 : i32
      %dma_wait3A_51 = tpu.memref_slice %arg3[%add3A, %dma_wait3A_49, %dma_wait3A_50] : memref<32x40x128xi32, #tpu.memory_space<hbm>> -> memref<1x40x128xi32, #tpu.memory_space<hbm>>
      %dma_wait3A_52 = tpu.memref_squeeze %dma_wait3A_51 : memref<1x40x128xi32, #tpu.memory_space<hbm>> -> memref<40x128xi32, #tpu.memory_space<hbm>>
      %dma_wait3A_53 = arith.constant 0 : i32
      %dma_wait3A_54 = arith.constant 0 : i32
      %dma_wait3A_55 = tpu.memref_slice %arg3[%add3A, %dma_wait3A_53, %dma_wait3A_54] : memref<32x40x128xi32, #tpu.memory_space<hbm>> -> memref<1x40x128xi32, #tpu.memory_space<hbm>>
      %dma_wait3A_56 = tpu.memref_squeeze %dma_wait3A_55 : memref<1x40x128xi32, #tpu.memory_space<hbm>> -> memref<40x128xi32, #tpu.memory_space<hbm>>
      tpu.wait_dma2 semaphore(%run_scoped3A : memref<!tpu.dma_semaphore, #tpu.memory_space<semaphore_mem>>) src(%dma_wait3A_56 : memref<40x128xi32, #tpu.memory_space<hbm>>) dst(%arg7 : memref<40x128xi32, #tpu.memory_space<vmem>>)
      tpu.yield
    }) : () -> ()
    "tpu.region"() ({
      %run_scoped3A = tpu.sem_alloc : memref<!tpu.dma_semaphore, #tpu.memory_space<semaphore_mem>>
      %dma_start3A_41 = arith.constant 0 : i32
      %dma_start3A_42 = arith.constant 0 : i32
      %dma_start3A_43 = tpu.memref_slice %arg4[%add3A, %dma_start3A_41, %dma_start3A_42] : memref<32x40x128xi32, #tpu.memory_space<hbm>> -> memref<1x40x128xi32, #tpu.memory_space<hbm>>
      %dma_start3A_44 = tpu.memref_squeeze %dma_start3A_43 : memref<1x40x128xi32, #tpu.memory_space<hbm>> -> memref<40x128xi32, #tpu.memory_space<hbm>>
      %dma_start3A_45 = arith.constant 0 : i32
      %dma_start3A_46 = arith.constant 0 : i32
      %dma_start3A_47 = tpu.memref_slice %arg4[%add3A, %dma_start3A_45, %dma_start3A_46] : memref<32x40x128xi32, #tpu.memory_space<hbm>> -> memref<1x40x128xi32, #tpu.memory_space<hbm>>
      %dma_start3A_48 = tpu.memref_squeeze %dma_start3A_47 : memref<1x40x128xi32, #tpu.memory_space<hbm>> -> memref<40x128xi32, #tpu.memory_space<hbm>>
      tpu.enqueue_dma source(%dma_start3A_48 : memref<40x128xi32, #tpu.memory_space<hbm>>) target(%arg8 : memref<40x128xi32, #tpu.memory_space<vmem>>) target_semaphore(%run_scoped3A : memref<!tpu.dma_semaphore, #tpu.memory_space<semaphore_mem>>)
      %dma_wait3A_49 = arith.constant 0 : i32
      %dma_wait3A_50 = arith.constant 0 : i32
      %dma_wait3A_51 = tpu.memref_slice %arg4[%add3A, %dma_wait3A_49, %dma_wait3A_50] : memref<32x40x128xi32, #tpu.memory_space<hbm>> -> memref<1x40x128xi32, #tpu.memory_space<hbm>>
      %dma_wait3A_52 = tpu.memref_squeeze %dma_wait3A_51 : memref<1x40x128xi32, #tpu.memory_space<hbm>> -> memref<40x128xi32, #tpu.memory_space<hbm>>
      %dma_wait3A_53 = arith.constant 0 : i32
      %dma_wait3A_54 = arith.constant 0 : i32
      %dma_wait3A_55 = tpu.memref_slice %arg4[%add3A, %dma_wait3A_53, %dma_wait3A_54] : memref<32x40x128xi32, #tpu.memory_space<hbm>> -> memref<1x40x128xi32, #tpu.memory_space<hbm>>
      %dma_wait3A_56 = tpu.memref_squeeze %dma_wait3A_55 : memref<1x40x128xi32, #tpu.memory_space<hbm>> -> memref<40x128xi32, #tpu.memory_space<hbm>>
      tpu.wait_dma2 semaphore(%run_scoped3A : memref<!tpu.dma_semaphore, #tpu.memory_space<semaphore_mem>>) src(%dma_wait3A_56 : memref<40x128xi32, #tpu.memory_space<hbm>>) dst(%arg8 : memref<40x128xi32, #tpu.memory_space<vmem>>)
      tpu.yield
    }) : () -> ()
    %barrier3A = arith.constant 0 : index
    tpu.barrier barrier_id(%barrier3A)
    %dma_start3A = arith.constant 0 : i32
    %dma_start3A_5 = arith.constant 0 : i32
    %dma_start3A_6 = tpu.memref_slice %arg7[%dma_start3A, %dma_start3A_5] : memref<40x128xi32, #tpu.memory_space<vmem>> -> memref<1x128xi32, #tpu.memory_space<vmem>>
    %dma_start3A_7 = tpu.memref_squeeze %dma_start3A_6 : memref<1x128xi32, #tpu.memory_space<vmem>> -> memref<128xi32, #tpu.memory_space<vmem>>
    %dma_start3A_8 = arith.constant 0 : i32
    %dma_start3A_9 = arith.constant 0 : i32
    %dma_start3A_10 = tpu.memref_slice %arg2[%dma_start3A_8, %dma_start3A_9] : memref<60000x128xf32, #tpu.memory_space<hbm>> -> memref<60000x128xf32, #tpu.memory_space<hbm>>
    tpu.enqueue_indirect_dma source(%dma_start3A_10 : memref<60000x128xf32, #tpu.memory_space<hbm>>) target(%arg9 : memref<128x128xf32, #tpu.memory_space<vmem>>) offsets(%dma_start3A_7 : memref<128xi32, #tpu.memory_space<vmem>>) semaphore(%arg12 : memref<!tpu.dma_semaphore, #tpu.memory_space<semaphore_mem>>)
    %dma_start3A_11 = arith.constant 1 : i32
    %dma_start3A_12 = arith.constant 0 : i32
    %dma_start3A_13 = tpu.memref_slice %arg7[%dma_start3A_11, %dma_start3A_12] : memref<40x128xi32, #tpu.memory_space<vmem>> -> memref<1x128xi32, #tpu.memory_space<vmem>>
    %dma_start3A_14 = tpu.memref_squeeze %dma_start3A_13 : memref<1x128xi32, #tpu.memory_space<vmem>> -> memref<128xi32, #tpu.memory_space<vmem>>
    %dma_start3A_15 = arith.constant 0 : i32
    %dma_start3A_16 = arith.constant 0 : i32
    %dma_start3A_17 = tpu.memref_slice %arg2[%dma_start3A_15, %dma_start3A_16] : memref<60000x128xf32, #tpu.memory_space<hbm>> -> memref<60000x128xf32, #tpu.memory_space<hbm>>
    tpu.enqueue_indirect_dma source(%dma_start3A_17 : memref<60000x128xf32, #tpu.memory_space<hbm>>) target(%arg10 : memref<128x128xf32, #tpu.memory_space<vmem>>) offsets(%dma_start3A_14 : memref<128xi32, #tpu.memory_space<vmem>>) semaphore(%arg13 : memref<!tpu.dma_semaphore, #tpu.memory_space<semaphore_mem>>)
    %scan3A = arith.constant 0 : i32
    %scan3A_18 = arith.constant 0 : i32
    %scan3A_19 = arith.constant 20 : i32
    %scan3A_20 = arith.addi %scan3A_18, %scan3A_19 : i32
    %scan3A_21 = arith.constant 1 : i32
    scf.for %scan3A_41 = %scan3A_18 to %scan3A_20 step %scan3A_21  : i32 {
      %mul3A_42 = arith.constant 2 : i32
      %mul3A_43 = arith.muli %mul3A_42, %scan3A_41 : i32
      %dma_wait3A_44 = arith.constant 0 : i32
      %dma_wait3A_45 = tpu.memref_slice %arg7[%mul3A_43, %dma_wait3A_44] : memref<40x128xi32, #tpu.memory_space<vmem>> -> memref<1x128xi32, #tpu.memory_space<vmem>>
      %dma_wait3A_46 = tpu.memref_squeeze %dma_wait3A_45 : memref<1x128xi32, #tpu.memory_space<vmem>> -> memref<128xi32, #tpu.memory_space<vmem>>
      %dma_wait3A_47 = arith.constant 0 : i32
      %dma_wait3A_48 = arith.constant 0 : i32
      %dma_wait3A_49 = tpu.memref_slice %arg2[%dma_wait3A_47, %dma_wait3A_48] : memref<60000x128xf32, #tpu.memory_space<hbm>> -> memref<60000x128xf32, #tpu.memory_space<hbm>>
      tpu.wait_indirect_dma semaphore(%arg12 : memref<!tpu.dma_semaphore, #tpu.memory_space<semaphore_mem>>) src(%dma_wait3A_49 : memref<60000x128xf32, #tpu.memory_space<hbm>>) dst(%arg9 : memref<128x128xf32, #tpu.memory_space<vmem>>)
      %dma_start3A_50 = arith.constant 0 : i32
      %dma_start3A_51 = tpu.memref_slice %arg8[%mul3A_43, %dma_start3A_50] : memref<40x128xi32, #tpu.memory_space<vmem>> -> memref<1x128xi32, #tpu.memory_space<vmem>>
      %dma_start3A_52 = tpu.memref_squeeze %dma_start3A_51 : memref<1x128xi32, #tpu.memory_space<vmem>> -> memref<128xi32, #tpu.memory_space<vmem>>
      %dma_start3A_53 = arith.constant 0 : i32
      %dma_start3A_54 = arith.constant 0 : i32
      %dma_start3A_55 = tpu.memref_slice %arg11[%dma_start3A_53, %dma_start3A_54] : memref<10112x128xf32, #tpu.memory_space<vmem_shared>> -> memref<10112x128xf32, #tpu.memory_space<vmem_shared>>
      tpu.enqueue_indirect_dma source(%arg9 : memref<128x128xf32, #tpu.memory_space<vmem>>) target(%dma_start3A_55 : memref<10112x128xf32, #tpu.memory_space<vmem_shared>>) offsets(%dma_start3A_52 : memref<128xi32, #tpu.memory_space<vmem>>) semaphore(%arg14 : memref<!tpu.dma_semaphore, #tpu.memory_space<semaphore_mem>>) {add = true}
      %add3A_56 = arith.constant 1 : i32
      %add3A_57 = arith.addi %mul3A_43, %add3A_56 : i32
      %dma_wait3A_58 = arith.constant 0 : i32
      %dma_wait3A_59 = tpu.memref_slice %arg7[%add3A_57, %dma_wait3A_58] : memref<40x128xi32, #tpu.memory_space<vmem>> -> memref<1x128xi32, #tpu.memory_space<vmem>>
      %dma_wait3A_60 = tpu.memref_squeeze %dma_wait3A_59 : memref<1x128xi32, #tpu.memory_space<vmem>> -> memref<128xi32, #tpu.memory_space<vmem>>
      %dma_wait3A_61 = arith.constant 0 : i32
      %dma_wait3A_62 = arith.constant 0 : i32
      %dma_wait3A_63 = tpu.memref_slice %arg2[%dma_wait3A_61, %dma_wait3A_62] : memref<60000x128xf32, #tpu.memory_space<hbm>> -> memref<60000x128xf32, #tpu.memory_space<hbm>>
      tpu.wait_indirect_dma semaphore(%arg13 : memref<!tpu.dma_semaphore, #tpu.memory_space<semaphore_mem>>) src(%dma_wait3A_63 : memref<60000x128xf32, #tpu.memory_space<hbm>>) dst(%arg10 : memref<128x128xf32, #tpu.memory_space<vmem>>)
      %add3A_64 = arith.constant 1 : i32
      %add3A_65 = arith.addi %mul3A_43, %add3A_64 : i32
      %dma_start3A_66 = arith.constant 0 : i32
      %dma_start3A_67 = tpu.memref_slice %arg8[%add3A_65, %dma_start3A_66] : memref<40x128xi32, #tpu.memory_space<vmem>> -> memref<1x128xi32, #tpu.memory_space<vmem>>
      %dma_start3A_68 = tpu.memref_squeeze %dma_start3A_67 : memref<1x128xi32, #tpu.memory_space<vmem>> -> memref<128xi32, #tpu.memory_space<vmem>>
      %dma_start3A_69 = arith.constant 0 : i32
      %dma_start3A_70 = arith.constant 0 : i32
      %dma_start3A_71 = tpu.memref_slice %arg11[%dma_start3A_69, %dma_start3A_70] : memref<10112x128xf32, #tpu.memory_space<vmem_shared>> -> memref<10112x128xf32, #tpu.memory_space<vmem_shared>>
      tpu.enqueue_indirect_dma source(%arg10 : memref<128x128xf32, #tpu.memory_space<vmem>>) target(%dma_start3A_71 : memref<10112x128xf32, #tpu.memory_space<vmem_shared>>) offsets(%dma_start3A_68 : memref<128xi32, #tpu.memory_space<vmem>>) semaphore(%arg15 : memref<!tpu.dma_semaphore, #tpu.memory_space<semaphore_mem>>) {add = true}
      %dma_wait3A_72 = arith.constant 0 : i32
      %dma_wait3A_73 = tpu.memref_slice %arg8[%mul3A_43, %dma_wait3A_72] : memref<40x128xi32, #tpu.memory_space<vmem>> -> memref<1x128xi32, #tpu.memory_space<vmem>>
      %dma_wait3A_74 = tpu.memref_squeeze %dma_wait3A_73 : memref<1x128xi32, #tpu.memory_space<vmem>> -> memref<128xi32, #tpu.memory_space<vmem>>
      %dma_wait3A_75 = arith.constant 0 : i32
      %dma_wait3A_76 = arith.constant 0 : i32
      %dma_wait3A_77 = tpu.memref_slice %arg11[%dma_wait3A_75, %dma_wait3A_76] : memref<10112x128xf32, #tpu.memory_space<vmem_shared>> -> memref<10112x128xf32, #tpu.memory_space<vmem_shared>>
      tpu.wait_indirect_dma semaphore(%arg14 : memref<!tpu.dma_semaphore, #tpu.memory_space<semaphore_mem>>) src(%arg9 : memref<128x128xf32, #tpu.memory_space<vmem>>) dst(%dma_wait3A_77 : memref<10112x128xf32, #tpu.memory_space<vmem_shared>>)
      %add3A_78 = arith.constant 2 : i32
      %add3A_79 = arith.addi %mul3A_43, %add3A_78 : i32
      %min3A = arith.constant 39 : i32
      %min3A_80 = arith.minsi %add3A_79, %min3A : i32
      %dma_start3A_81 = arith.constant 0 : i32
      %dma_start3A_82 = tpu.memref_slice %arg7[%min3A_80, %dma_start3A_81] : memref<40x128xi32, #tpu.memory_space<vmem>> -> memref<1x128xi32, #tpu.memory_space<vmem>>
      %dma_start3A_83 = tpu.memref_squeeze %dma_start3A_82 : memref<1x128xi32, #tpu.memory_space<vmem>> -> memref<128xi32, #tpu.memory_space<vmem>>
      %dma_start3A_84 = arith.constant 0 : i32
      %dma_start3A_85 = arith.constant 0 : i32
      %dma_start3A_86 = tpu.memref_slice %arg2[%dma_start3A_84, %dma_start3A_85] : memref<60000x128xf32, #tpu.memory_space<hbm>> -> memref<60000x128xf32, #tpu.memory_space<hbm>>
      tpu.enqueue_indirect_dma source(%dma_start3A_86 : memref<60000x128xf32, #tpu.memory_space<hbm>>) target(%arg9 : memref<128x128xf32, #tpu.memory_space<vmem>>) offsets(%dma_start3A_83 : memref<128xi32, #tpu.memory_space<vmem>>) semaphore(%arg12 : memref<!tpu.dma_semaphore, #tpu.memory_space<semaphore_mem>>)
      %add3A_87 = arith.constant 1 : i32
      %add3A_88 = arith.addi %mul3A_43, %add3A_87 : i32
      %dma_wait3A_89 = arith.constant 0 : i32
      %dma_wait3A_90 = tpu.memref_slice %arg8[%add3A_88, %dma_wait3A_89] : memref<40x128xi32, #tpu.memory_space<vmem>> -> memref<1x128xi32, #tpu.memory_space<vmem>>
      %dma_wait3A_91 = tpu.memref_squeeze %dma_wait3A_90 : memref<1x128xi32, #tpu.memory_space<vmem>> -> memref<128xi32, #tpu.memory_space<vmem>>
      %dma_wait3A_92 = arith.constant 0 : i32
      %dma_wait3A_93 = arith.constant 0 : i32
      %dma_wait3A_94 = tpu.memref_slice %arg11[%dma_wait3A_92, %dma_wait3A_93] : memref<10112x128xf32, #tpu.memory_space<vmem_shared>> -> memref<10112x128xf32, #tpu.memory_space<vmem_shared>>
      tpu.wait_indirect_dma semaphore(%arg15 : memref<!tpu.dma_semaphore, #tpu.memory_space<semaphore_mem>>) src(%arg10 : memref<128x128xf32, #tpu.memory_space<vmem>>) dst(%dma_wait3A_94 : memref<10112x128xf32, #tpu.memory_space<vmem_shared>>)
      %add3A_95 = arith.constant 3 : i32
      %add3A_96 = arith.addi %mul3A_43, %add3A_95 : i32
      %min3A_97 = arith.constant 39 : i32
      %min3A_98 = arith.minsi %add3A_96, %min3A_97 : i32
      %dma_start3A_99 = arith.constant 0 : i32
      %dma_start3A_100 = tpu.memref_slice %arg7[%min3A_98, %dma_start3A_99] : memref<40x128xi32, #tpu.memory_space<vmem>> -> memref<1x128xi32, #tpu.memory_space<vmem>>
      %dma_start3A_101 = tpu.memref_squeeze %dma_start3A_100 : memref<1x128xi32, #tpu.memory_space<vmem>> -> memref<128xi32, #tpu.memory_space<vmem>>
      %dma_start3A_102 = arith.constant 0 : i32
      %dma_start3A_103 = arith.constant 0 : i32
      %dma_start3A_104 = tpu.memref_slice %arg2[%dma_start3A_102, %dma_start3A_103] : memref<60000x128xf32, #tpu.memory_space<hbm>> -> memref<60000x128xf32, #tpu.memory_space<hbm>>
      tpu.enqueue_indirect_dma source(%dma_start3A_104 : memref<60000x128xf32, #tpu.memory_space<hbm>>) target(%arg10 : memref<128x128xf32, #tpu.memory_space<vmem>>) offsets(%dma_start3A_101 : memref<128xi32, #tpu.memory_space<vmem>>) semaphore(%arg13 : memref<!tpu.dma_semaphore, #tpu.memory_space<semaphore_mem>>)
    }
    %scan3A_22 = arith.constant 20 : i32
    %dma_wait3A = arith.constant 39 : i32
    %dma_wait3A_23 = arith.constant 0 : i32
    %dma_wait3A_24 = tpu.memref_slice %arg7[%dma_wait3A, %dma_wait3A_23] : memref<40x128xi32, #tpu.memory_space<vmem>> -> memref<1x128xi32, #tpu.memory_space<vmem>>
    %dma_wait3A_25 = tpu.memref_squeeze %dma_wait3A_24 : memref<1x128xi32, #tpu.memory_space<vmem>> -> memref<128xi32, #tpu.memory_space<vmem>>
    %dma_wait3A_26 = arith.constant 0 : i32
    %dma_wait3A_27 = arith.constant 0 : i32
    %dma_wait3A_28 = tpu.memref_slice %arg2[%dma_wait3A_26, %dma_wait3A_27] : memref<60000x128xf32, #tpu.memory_space<hbm>> -> memref<60000x128xf32, #tpu.memory_space<hbm>>
    tpu.wait_indirect_dma semaphore(%arg12 : memref<!tpu.dma_semaphore, #tpu.memory_space<semaphore_mem>>) src(%dma_wait3A_28 : memref<60000x128xf32, #tpu.memory_space<hbm>>) dst(%arg9 : memref<128x128xf32, #tpu.memory_space<vmem>>)
    %dma_wait3A_29 = arith.constant 39 : i32
    %dma_wait3A_30 = arith.constant 0 : i32
    %dma_wait3A_31 = tpu.memref_slice %arg7[%dma_wait3A_29, %dma_wait3A_30] : memref<40x128xi32, #tpu.memory_space<vmem>> -> memref<1x128xi32, #tpu.memory_space<vmem>>
    %dma_wait3A_32 = tpu.memref_squeeze %dma_wait3A_31 : memref<1x128xi32, #tpu.memory_space<vmem>> -> memref<128xi32, #tpu.memory_space<vmem>>
    %dma_wait3A_33 = arith.constant 0 : i32
    %dma_wait3A_34 = arith.constant 0 : i32
    %dma_wait3A_35 = tpu.memref_slice %arg2[%dma_wait3A_33, %dma_wait3A_34] : memref<60000x128xf32, #tpu.memory_space<hbm>> -> memref<60000x128xf32, #tpu.memory_space<hbm>>
    tpu.wait_indirect_dma semaphore(%arg13 : memref<!tpu.dma_semaphore, #tpu.memory_space<semaphore_mem>>) src(%dma_wait3A_35 : memref<60000x128xf32, #tpu.memory_space<hbm>>) dst(%arg10 : memref<128x128xf32, #tpu.memory_space<vmem>>)
    %barrier3A_36 = arith.constant 0 : index
    tpu.barrier barrier_id(%barrier3A_36)
    %mul3A_37 = arith.constant 632 : i32
    %mul3A_38 = arith.muli %arg1, %mul3A_37 : i32
    %mul3A_39 = arith.constant 632 : i32
    %mul3A_40 = arith.muli %arg1, %mul3A_39 : i32
    "tpu.region"() ({
      %run_scoped3A = tpu.sem_alloc : memref<!tpu.dma_semaphore, #tpu.memory_space<semaphore_mem>>
      %dma_start3A_41 = arith.constant 0 : i32
      %dma_start3A_42 = tpu.memref_slice %arg6[%arg0, %mul3A_40, %dma_start3A_41] : memref<2x10112x128xf32, #tpu.memory_space<hbm>> -> memref<1x632x128xf32, #tpu.memory_space<hbm>>
      %dma_start3A_43 = tpu.memref_squeeze %dma_start3A_42 : memref<1x632x128xf32, #tpu.memory_space<hbm>> -> memref<632x128xf32, #tpu.memory_space<hbm>>
      %dma_start3A_44 = arith.constant 0 : i32
      %dma_start3A_45 = tpu.memref_slice %arg11[%mul3A_38, %dma_start3A_44] : memref<10112x128xf32, #tpu.memory_space<vmem_shared>> -> memref<632x128xf32, #tpu.memory_space<vmem_shared>>
      tpu.enqueue_dma source(%dma_start3A_45 : memref<632x128xf32, #tpu.memory_space<vmem_shared>>) target(%dma_start3A_43 : memref<632x128xf32, #tpu.memory_space<hbm>>) target_semaphore(%run_scoped3A : memref<!tpu.dma_semaphore, #tpu.memory_space<semaphore_mem>>)
      %dma_wait3A_46 = arith.constant 0 : i32
      %dma_wait3A_47 = tpu.memref_slice %arg6[%arg0, %mul3A_40, %dma_wait3A_46] : memref<2x10112x128xf32, #tpu.memory_space<hbm>> -> memref<1x632x128xf32, #tpu.memory_space<hbm>>
      %dma_wait3A_48 = tpu.memref_squeeze %dma_wait3A_47 : memref<1x632x128xf32, #tpu.memory_space<hbm>> -> memref<632x128xf32, #tpu.memory_space<hbm>>
      %dma_wait3A_49 = arith.constant 0 : i32
      %dma_wait3A_50 = tpu.memref_slice %arg11[%mul3A_38, %dma_wait3A_49] : memref<10112x128xf32, #tpu.memory_space<vmem_shared>> -> memref<632x128xf32, #tpu.memory_space<vmem_shared>>
      tpu.wait_dma2 semaphore(%run_scoped3A : memref<!tpu.dma_semaphore, #tpu.memory_space<semaphore_mem>>) src(%dma_wait3A_50 : memref<632x128xf32, #tpu.memory_space<vmem_shared>>) dst(%dma_wait3A_48 : memref<632x128xf32, #tpu.memory_space<hbm>>)
      tpu.yield
    }) : () -> ()
    return
  }
}

#map = affine_map<(d0, d1) -> (0, 0)>
#map1 = affine_map<(d0, d1) -> (0, 0, 0)>
module attributes {stable_mosaic.version = 14 : i64} {
  func.func @_sc_aggr_body(%arg0: i32, %arg1: i32, %arg2: memref<60000x128xf32, #tpu.memory_space<hbm>>, %arg3: memref<32x40x128xi32, #tpu.memory_space<hbm>>, %arg4: memref<32x40x128xi32, #tpu.memory_space<hbm>>, %arg5: memref<10112x128xf32, #tpu.memory_space<hbm>>, %arg6: memref<2x10112x128xf32, #tpu.memory_space<hbm>>, %arg7: memref<40x128xi32, #tpu.memory_space<vmem>>, %arg8: memref<40x128xi32, #tpu.memory_space<vmem>>, %arg9: memref<128x128xf32, #tpu.memory_space<vmem>>, %arg10: memref<128x128xf32, #tpu.memory_space<vmem>>, %arg11: memref<10112x128xf32, #tpu.memory_space<vmem_shared>>, %arg12: memref<!tpu.dma_semaphore, #tpu.memory_space<semaphore_mem>>, %arg13: memref<!tpu.dma_semaphore, #tpu.memory_space<semaphore_mem>>, %arg14: memref<!tpu.dma_semaphore, #tpu.memory_space<semaphore_mem>>, %arg15: memref<!tpu.dma_semaphore, #tpu.memory_space<semaphore_mem>>) attributes {dimension_semantics = [#tpu.dimension_semantics<core_parallel>, #tpu.dimension_semantics<subcore_parallel>], iteration_bounds = array<i64: 2, 16>, scalar_prefetch = 0 : i64, scratch_operands = 9 : i64, tpu.core_type = #tpu.core_type<sc_vector_subcore>, window_params = [{transform_indices = #map}, {transform_indices = #map1}, {transform_indices = #map1}, {transform_indices = #map}, {transform_indices = #map1}]} {
    %mul3A = arith.constant 2 : i32
    %mul3A_0 = arith.muli %arg1, %mul3A : i32
    %add3A = arith.addi %mul3A_0, %arg0 : i32
    %mul3A_1 = arith.constant 632 : i32
    %mul3A_2 = arith.muli %arg1, %mul3A_1 : i32
    %mul3A_3 = arith.constant 632 : i32
    %mul3A_4 = arith.muli %arg1, %mul3A_3 : i32
    "tpu.region"() ({
      %run_scoped3A = tpu.sem_alloc : memref<!tpu.dma_semaphore, #tpu.memory_space<semaphore_mem>>
      %dma_start3A_41 = arith.constant 0 : i32
      %dma_start3A_42 = tpu.memref_slice %arg11[%mul3A_4, %dma_start3A_41] : memref<10112x128xf32, #tpu.memory_space<vmem_shared>> -> memref<632x128xf32, #tpu.memory_space<vmem_shared>>
      %dma_start3A_43 = arith.constant 0 : i32
      %dma_start3A_44 = tpu.memref_slice %arg5[%mul3A_2, %dma_start3A_43] : memref<10112x128xf32, #tpu.memory_space<hbm>> -> memref<632x128xf32, #tpu.memory_space<hbm>>
      tpu.enqueue_dma source(%dma_start3A_44 : memref<632x128xf32, #tpu.memory_space<hbm>>) target(%dma_start3A_42 : memref<632x128xf32, #tpu.memory_space<vmem_shared>>) target_semaphore(%run_scoped3A : memref<!tpu.dma_semaphore, #tpu.memory_space<semaphore_mem>>)
      %dma_wait3A_45 = arith.constant 0 : i32
      %dma_wait3A_46 = tpu.memref_slice %arg11[%mul3A_4, %dma_wait3A_45] : memref<10112x128xf32, #tpu.memory_space<vmem_shared>> -> memref<632x128xf32, #tpu.memory_space<vmem_shared>>
      %dma_wait3A_47 = arith.constant 0 : i32
      %dma_wait3A_48 = tpu.memref_slice %arg5[%mul3A_2, %dma_wait3A_47] : memref<10112x128xf32, #tpu.memory_space<hbm>> -> memref<632x128xf32, #tpu.memory_space<hbm>>
      tpu.wait_dma2 semaphore(%run_scoped3A : memref<!tpu.dma_semaphore, #tpu.memory_space<semaphore_mem>>) src(%dma_wait3A_48 : memref<632x128xf32, #tpu.memory_space<hbm>>) dst(%dma_wait3A_46 : memref<632x128xf32, #tpu.memory_space<vmem_shared>>)
      tpu.yield
    }) : () -> ()
    "tpu.region"() ({
      %run_scoped3A = tpu.sem_alloc : memref<!tpu.dma_semaphore, #tpu.memory_space<semaphore_mem>>
      %dma_start3A_41 = arith.constant 0 : i32
      %dma_start3A_42 = arith.constant 0 : i32
      %dma_start3A_43 = tpu.memref_slice %arg3[%add3A, %dma_start3A_41, %dma_start3A_42] : memref<32x40x128xi32, #tpu.memory_space<hbm>> -> memref<1x40x128xi32, #tpu.memory_space<hbm>>
      %dma_start3A_44 = tpu.memref_squeeze %dma_start3A_43 : memref<1x40x128xi32, #tpu.memory_space<hbm>> -> memref<40x128xi32, #tpu.memory_space<hbm>>
      %dma_start3A_45 = arith.constant 0 : i32
      %dma_start3A_46 = arith.constant 0 : i32
      %dma_start3A_47 = tpu.memref_slice %arg3[%add3A, %dma_start3A_45, %dma_start3A_46] : memref<32x40x128xi32, #tpu.memory_space<hbm>> -> memref<1x40x128xi32, #tpu.memory_space<hbm>>
      %dma_start3A_48 = tpu.memref_squeeze %dma_start3A_47 : memref<1x40x128xi32, #tpu.memory_space<hbm>> -> memref<40x128xi32, #tpu.memory_space<hbm>>
      tpu.enqueue_dma source(%dma_start3A_48 : memref<40x128xi32, #tpu.memory_space<hbm>>) target(%arg7 : memref<40x128xi32, #tpu.memory_space<vmem>>) target_semaphore(%run_scoped3A : memref<!tpu.dma_semaphore, #tpu.memory_space<semaphore_mem>>)
      %dma_wait3A_49 = arith.constant 0 : i32
      %dma_wait3A_50 = arith.constant 0 : i32
      %dma_wait3A_51 = tpu.memref_slice %arg3[%add3A, %dma_wait3A_49, %dma_wait3A_50] : memref<32x40x128xi32, #tpu.memory_space<hbm>> -> memref<1x40x128xi32, #tpu.memory_space<hbm>>
      %dma_wait3A_52 = tpu.memref_squeeze %dma_wait3A_51 : memref<1x40x128xi32, #tpu.memory_space<hbm>> -> memref<40x128xi32, #tpu.memory_space<hbm>>
      %dma_wait3A_53 = arith.constant 0 : i32
      %dma_wait3A_54 = arith.constant 0 : i32
      %dma_wait3A_55 = tpu.memref_slice %arg3[%add3A, %dma_wait3A_53, %dma_wait3A_54] : memref<32x40x128xi32, #tpu.memory_space<hbm>> -> memref<1x40x128xi32, #tpu.memory_space<hbm>>
      %dma_wait3A_56 = tpu.memref_squeeze %dma_wait3A_55 : memref<1x40x128xi32, #tpu.memory_space<hbm>> -> memref<40x128xi32, #tpu.memory_space<hbm>>
      tpu.wait_dma2 semaphore(%run_scoped3A : memref<!tpu.dma_semaphore, #tpu.memory_space<semaphore_mem>>) src(%dma_wait3A_56 : memref<40x128xi32, #tpu.memory_space<hbm>>) dst(%arg7 : memref<40x128xi32, #tpu.memory_space<vmem>>)
      tpu.yield
    }) : () -> ()
    "tpu.region"() ({
      %run_scoped3A = tpu.sem_alloc : memref<!tpu.dma_semaphore, #tpu.memory_space<semaphore_mem>>
      %dma_start3A_41 = arith.constant 0 : i32
      %dma_start3A_42 = arith.constant 0 : i32
      %dma_start3A_43 = tpu.memref_slice %arg4[%add3A, %dma_start3A_41, %dma_start3A_42] : memref<32x40x128xi32, #tpu.memory_space<hbm>> -> memref<1x40x128xi32, #tpu.memory_space<hbm>>
      %dma_start3A_44 = tpu.memref_squeeze %dma_start3A_43 : memref<1x40x128xi32, #tpu.memory_space<hbm>> -> memref<40x128xi32, #tpu.memory_space<hbm>>
      %dma_start3A_45 = arith.constant 0 : i32
      %dma_start3A_46 = arith.constant 0 : i32
      %dma_start3A_47 = tpu.memref_slice %arg4[%add3A, %dma_start3A_45, %dma_start3A_46] : memref<32x40x128xi32, #tpu.memory_space<hbm>> -> memref<1x40x128xi32, #tpu.memory_space<hbm>>
      %dma_start3A_48 = tpu.memref_squeeze %dma_start3A_47 : memref<1x40x128xi32, #tpu.memory_space<hbm>> -> memref<40x128xi32, #tpu.memory_space<hbm>>
      tpu.enqueue_dma source(%dma_start3A_48 : memref<40x128xi32, #tpu.memory_space<hbm>>) target(%arg8 : memref<40x128xi32, #tpu.memory_space<vmem>>) target_semaphore(%run_scoped3A : memref<!tpu.dma_semaphore, #tpu.memory_space<semaphore_mem>>)
      %dma_wait3A_49 = arith.constant 0 : i32
      %dma_wait3A_50 = arith.constant 0 : i32
      %dma_wait3A_51 = tpu.memref_slice %arg4[%add3A, %dma_wait3A_49, %dma_wait3A_50] : memref<32x40x128xi32, #tpu.memory_space<hbm>> -> memref<1x40x128xi32, #tpu.memory_space<hbm>>
      %dma_wait3A_52 = tpu.memref_squeeze %dma_wait3A_51 : memref<1x40x128xi32, #tpu.memory_space<hbm>> -> memref<40x128xi32, #tpu.memory_space<hbm>>
      %dma_wait3A_53 = arith.constant 0 : i32
      %dma_wait3A_54 = arith.constant 0 : i32
      %dma_wait3A_55 = tpu.memref_slice %arg4[%add3A, %dma_wait3A_53, %dma_wait3A_54] : memref<32x40x128xi32, #tpu.memory_space<hbm>> -> memref<1x40x128xi32, #tpu.memory_space<hbm>>
      %dma_wait3A_56 = tpu.memref_squeeze %dma_wait3A_55 : memref<1x40x128xi32, #tpu.memory_space<hbm>> -> memref<40x128xi32, #tpu.memory_space<hbm>>
      tpu.wait_dma2 semaphore(%run_scoped3A : memref<!tpu.dma_semaphore, #tpu.memory_space<semaphore_mem>>) src(%dma_wait3A_56 : memref<40x128xi32, #tpu.memory_space<hbm>>) dst(%arg8 : memref<40x128xi32, #tpu.memory_space<vmem>>)
      tpu.yield
    }) : () -> ()
    %barrier3A = arith.constant 0 : index
    tpu.barrier barrier_id(%barrier3A)
    %dma_start3A = arith.constant 0 : i32
    %dma_start3A_5 = arith.constant 0 : i32
    %dma_start3A_6 = tpu.memref_slice %arg7[%dma_start3A, %dma_start3A_5] : memref<40x128xi32, #tpu.memory_space<vmem>> -> memref<1x128xi32, #tpu.memory_space<vmem>>
    %dma_start3A_7 = tpu.memref_squeeze %dma_start3A_6 : memref<1x128xi32, #tpu.memory_space<vmem>> -> memref<128xi32, #tpu.memory_space<vmem>>
    %dma_start3A_8 = arith.constant 0 : i32
    %dma_start3A_9 = arith.constant 0 : i32
    %dma_start3A_10 = tpu.memref_slice %arg2[%dma_start3A_8, %dma_start3A_9] : memref<60000x128xf32, #tpu.memory_space<hbm>> -> memref<60000x128xf32, #tpu.memory_space<hbm>>
    tpu.enqueue_indirect_dma source(%dma_start3A_10 : memref<60000x128xf32, #tpu.memory_space<hbm>>) target(%arg9 : memref<128x128xf32, #tpu.memory_space<vmem>>) offsets(%dma_start3A_7 : memref<128xi32, #tpu.memory_space<vmem>>) semaphore(%arg12 : memref<!tpu.dma_semaphore, #tpu.memory_space<semaphore_mem>>)
    %dma_start3A_11 = arith.constant 1 : i32
    %dma_start3A_12 = arith.constant 0 : i32
    %dma_start3A_13 = tpu.memref_slice %arg7[%dma_start3A_11, %dma_start3A_12] : memref<40x128xi32, #tpu.memory_space<vmem>> -> memref<1x128xi32, #tpu.memory_space<vmem>>
    %dma_start3A_14 = tpu.memref_squeeze %dma_start3A_13 : memref<1x128xi32, #tpu.memory_space<vmem>> -> memref<128xi32, #tpu.memory_space<vmem>>
    %dma_start3A_15 = arith.constant 0 : i32
    %dma_start3A_16 = arith.constant 0 : i32
    %dma_start3A_17 = tpu.memref_slice %arg2[%dma_start3A_15, %dma_start3A_16] : memref<60000x128xf32, #tpu.memory_space<hbm>> -> memref<60000x128xf32, #tpu.memory_space<hbm>>
    tpu.enqueue_indirect_dma source(%dma_start3A_17 : memref<60000x128xf32, #tpu.memory_space<hbm>>) target(%arg10 : memref<128x128xf32, #tpu.memory_space<vmem>>) offsets(%dma_start3A_14 : memref<128xi32, #tpu.memory_space<vmem>>) semaphore(%arg13 : memref<!tpu.dma_semaphore, #tpu.memory_space<semaphore_mem>>)
    %scan3A = arith.constant 0 : i32
    %scan3A_18 = arith.constant 0 : i32
    %scan3A_19 = arith.constant 20 : i32
    %scan3A_20 = arith.addi %scan3A_18, %scan3A_19 : i32
    %scan3A_21 = arith.constant 1 : i32
    scf.for %scan3A_41 = %scan3A_18 to %scan3A_20 step %scan3A_21  : i32 {
      %mul3A_42 = arith.constant 2 : i32
      %mul3A_43 = arith.muli %mul3A_42, %scan3A_41 : i32
      %dma_wait3A_44 = arith.constant 0 : i32
      %dma_wait3A_45 = tpu.memref_slice %arg7[%mul3A_43, %dma_wait3A_44] : memref<40x128xi32, #tpu.memory_space<vmem>> -> memref<1x128xi32, #tpu.memory_space<vmem>>
      %dma_wait3A_46 = tpu.memref_squeeze %dma_wait3A_45 : memref<1x128xi32, #tpu.memory_space<vmem>> -> memref<128xi32, #tpu.memory_space<vmem>>
      %dma_wait3A_47 = arith.constant 0 : i32
      %dma_wait3A_48 = arith.constant 0 : i32
      %dma_wait3A_49 = tpu.memref_slice %arg2[%dma_wait3A_47, %dma_wait3A_48] : memref<60000x128xf32, #tpu.memory_space<hbm>> -> memref<60000x128xf32, #tpu.memory_space<hbm>>
      tpu.wait_indirect_dma semaphore(%arg12 : memref<!tpu.dma_semaphore, #tpu.memory_space<semaphore_mem>>) src(%dma_wait3A_49 : memref<60000x128xf32, #tpu.memory_space<hbm>>) dst(%arg9 : memref<128x128xf32, #tpu.memory_space<vmem>>)
      %dma_start3A_50 = arith.constant 0 : i32
      %dma_start3A_51 = tpu.memref_slice %arg8[%mul3A_43, %dma_start3A_50] : memref<40x128xi32, #tpu.memory_space<vmem>> -> memref<1x128xi32, #tpu.memory_space<vmem>>
      %dma_start3A_52 = tpu.memref_squeeze %dma_start3A_51 : memref<1x128xi32, #tpu.memory_space<vmem>> -> memref<128xi32, #tpu.memory_space<vmem>>
      %dma_start3A_53 = arith.constant 0 : i32
      %dma_start3A_54 = arith.constant 0 : i32
      %dma_start3A_55 = tpu.memref_slice %arg11[%dma_start3A_53, %dma_start3A_54] : memref<10112x128xf32, #tpu.memory_space<vmem_shared>> -> memref<10112x128xf32, #tpu.memory_space<vmem_shared>>
      tpu.enqueue_indirect_dma source(%arg9 : memref<128x128xf32, #tpu.memory_space<vmem>>) target(%dma_start3A_55 : memref<10112x128xf32, #tpu.memory_space<vmem_shared>>) offsets(%dma_start3A_52 : memref<128xi32, #tpu.memory_space<vmem>>) semaphore(%arg14 : memref<!tpu.dma_semaphore, #tpu.memory_space<semaphore_mem>>) {add = true}
      %add3A_56 = arith.constant 1 : i32
      %add3A_57 = arith.addi %mul3A_43, %add3A_56 : i32
      %dma_wait3A_58 = arith.constant 0 : i32
      %dma_wait3A_59 = tpu.memref_slice %arg7[%add3A_57, %dma_wait3A_58] : memref<40x128xi32, #tpu.memory_space<vmem>> -> memref<1x128xi32, #tpu.memory_space<vmem>>
      %dma_wait3A_60 = tpu.memref_squeeze %dma_wait3A_59 : memref<1x128xi32, #tpu.memory_space<vmem>> -> memref<128xi32, #tpu.memory_space<vmem>>
      %dma_wait3A_61 = arith.constant 0 : i32
      %dma_wait3A_62 = arith.constant 0 : i32
      %dma_wait3A_63 = tpu.memref_slice %arg2[%dma_wait3A_61, %dma_wait3A_62] : memref<60000x128xf32, #tpu.memory_space<hbm>> -> memref<60000x128xf32, #tpu.memory_space<hbm>>
      tpu.wait_indirect_dma semaphore(%arg13 : memref<!tpu.dma_semaphore, #tpu.memory_space<semaphore_mem>>) src(%dma_wait3A_63 : memref<60000x128xf32, #tpu.memory_space<hbm>>) dst(%arg10 : memref<128x128xf32, #tpu.memory_space<vmem>>)
      %add3A_64 = arith.constant 1 : i32
      %add3A_65 = arith.addi %mul3A_43, %add3A_64 : i32
      %dma_start3A_66 = arith.constant 0 : i32
      %dma_start3A_67 = tpu.memref_slice %arg8[%add3A_65, %dma_start3A_66] : memref<40x128xi32, #tpu.memory_space<vmem>> -> memref<1x128xi32, #tpu.memory_space<vmem>>
      %dma_start3A_68 = tpu.memref_squeeze %dma_start3A_67 : memref<1x128xi32, #tpu.memory_space<vmem>> -> memref<128xi32, #tpu.memory_space<vmem>>
      %dma_start3A_69 = arith.constant 0 : i32
      %dma_start3A_70 = arith.constant 0 : i32
      %dma_start3A_71 = tpu.memref_slice %arg11[%dma_start3A_69, %dma_start3A_70] : memref<10112x128xf32, #tpu.memory_space<vmem_shared>> -> memref<10112x128xf32, #tpu.memory_space<vmem_shared>>
      tpu.enqueue_indirect_dma source(%arg10 : memref<128x128xf32, #tpu.memory_space<vmem>>) target(%dma_start3A_71 : memref<10112x128xf32, #tpu.memory_space<vmem_shared>>) offsets(%dma_start3A_68 : memref<128xi32, #tpu.memory_space<vmem>>) semaphore(%arg15 : memref<!tpu.dma_semaphore, #tpu.memory_space<semaphore_mem>>) {add = true}
      %dma_wait3A_72 = arith.constant 0 : i32
      %dma_wait3A_73 = tpu.memref_slice %arg8[%mul3A_43, %dma_wait3A_72] : memref<40x128xi32, #tpu.memory_space<vmem>> -> memref<1x128xi32, #tpu.memory_space<vmem>>
      %dma_wait3A_74 = tpu.memref_squeeze %dma_wait3A_73 : memref<1x128xi32, #tpu.memory_space<vmem>> -> memref<128xi32, #tpu.memory_space<vmem>>
      %dma_wait3A_75 = arith.constant 0 : i32
      %dma_wait3A_76 = arith.constant 0 : i32
      %dma_wait3A_77 = tpu.memref_slice %arg11[%dma_wait3A_75, %dma_wait3A_76] : memref<10112x128xf32, #tpu.memory_space<vmem_shared>> -> memref<10112x128xf32, #tpu.memory_space<vmem_shared>>
      tpu.wait_indirect_dma semaphore(%arg14 : memref<!tpu.dma_semaphore, #tpu.memory_space<semaphore_mem>>) src(%arg9 : memref<128x128xf32, #tpu.memory_space<vmem>>) dst(%dma_wait3A_77 : memref<10112x128xf32, #tpu.memory_space<vmem_shared>>)
      %add3A_78 = arith.constant 2 : i32
      %add3A_79 = arith.addi %mul3A_43, %add3A_78 : i32
      %min3A = arith.constant 39 : i32
      %min3A_80 = arith.minsi %add3A_79, %min3A : i32
      %dma_start3A_81 = arith.constant 0 : i32
      %dma_start3A_82 = tpu.memref_slice %arg7[%min3A_80, %dma_start3A_81] : memref<40x128xi32, #tpu.memory_space<vmem>> -> memref<1x128xi32, #tpu.memory_space<vmem>>
      %dma_start3A_83 = tpu.memref_squeeze %dma_start3A_82 : memref<1x128xi32, #tpu.memory_space<vmem>> -> memref<128xi32, #tpu.memory_space<vmem>>
      %dma_start3A_84 = arith.constant 0 : i32
      %dma_start3A_85 = arith.constant 0 : i32
      %dma_start3A_86 = tpu.memref_slice %arg2[%dma_start3A_84, %dma_start3A_85] : memref<60000x128xf32, #tpu.memory_space<hbm>> -> memref<60000x128xf32, #tpu.memory_space<hbm>>
      tpu.enqueue_indirect_dma source(%dma_start3A_86 : memref<60000x128xf32, #tpu.memory_space<hbm>>) target(%arg9 : memref<128x128xf32, #tpu.memory_space<vmem>>) offsets(%dma_start3A_83 : memref<128xi32, #tpu.memory_space<vmem>>) semaphore(%arg12 : memref<!tpu.dma_semaphore, #tpu.memory_space<semaphore_mem>>)
      %add3A_87 = arith.constant 1 : i32
      %add3A_88 = arith.addi %mul3A_43, %add3A_87 : i32
      %dma_wait3A_89 = arith.constant 0 : i32
      %dma_wait3A_90 = tpu.memref_slice %arg8[%add3A_88, %dma_wait3A_89] : memref<40x128xi32, #tpu.memory_space<vmem>> -> memref<1x128xi32, #tpu.memory_space<vmem>>
      %dma_wait3A_91 = tpu.memref_squeeze %dma_wait3A_90 : memref<1x128xi32, #tpu.memory_space<vmem>> -> memref<128xi32, #tpu.memory_space<vmem>>
      %dma_wait3A_92 = arith.constant 0 : i32
      %dma_wait3A_93 = arith.constant 0 : i32
      %dma_wait3A_94 = tpu.memref_slice %arg11[%dma_wait3A_92, %dma_wait3A_93] : memref<10112x128xf32, #tpu.memory_space<vmem_shared>> -> memref<10112x128xf32, #tpu.memory_space<vmem_shared>>
      tpu.wait_indirect_dma semaphore(%arg15 : memref<!tpu.dma_semaphore, #tpu.memory_space<semaphore_mem>>) src(%arg10 : memref<128x128xf32, #tpu.memory_space<vmem>>) dst(%dma_wait3A_94 : memref<10112x128xf32, #tpu.memory_space<vmem_shared>>)
      %add3A_95 = arith.constant 3 : i32
      %add3A_96 = arith.addi %mul3A_43, %add3A_95 : i32
      %min3A_97 = arith.constant 39 : i32
      %min3A_98 = arith.minsi %add3A_96, %min3A_97 : i32
      %dma_start3A_99 = arith.constant 0 : i32
      %dma_start3A_100 = tpu.memref_slice %arg7[%min3A_98, %dma_start3A_99] : memref<40x128xi32, #tpu.memory_space<vmem>> -> memref<1x128xi32, #tpu.memory_space<vmem>>
      %dma_start3A_101 = tpu.memref_squeeze %dma_start3A_100 : memref<1x128xi32, #tpu.memory_space<vmem>> -> memref<128xi32, #tpu.memory_space<vmem>>
      %dma_start3A_102 = arith.constant 0 : i32
      %dma_start3A_103 = arith.constant 0 : i32
      %dma_start3A_104 = tpu.memref_slice %arg2[%dma_start3A_102, %dma_start3A_103] : memref<60000x128xf32, #tpu.memory_space<hbm>> -> memref<60000x128xf32, #tpu.memory_space<hbm>>
      tpu.enqueue_indirect_dma source(%dma_start3A_104 : memref<60000x128xf32, #tpu.memory_space<hbm>>) target(%arg10 : memref<128x128xf32, #tpu.memory_space<vmem>>) offsets(%dma_start3A_101 : memref<128xi32, #tpu.memory_space<vmem>>) semaphore(%arg13 : memref<!tpu.dma_semaphore, #tpu.memory_space<semaphore_mem>>)
    }
    %scan3A_22 = arith.constant 20 : i32
    %dma_wait3A = arith.constant 39 : i32
    %dma_wait3A_23 = arith.constant 0 : i32
    %dma_wait3A_24 = tpu.memref_slice %arg7[%dma_wait3A, %dma_wait3A_23] : memref<40x128xi32, #tpu.memory_space<vmem>> -> memref<1x128xi32, #tpu.memory_space<vmem>>
    %dma_wait3A_25 = tpu.memref_squeeze %dma_wait3A_24 : memref<1x128xi32, #tpu.memory_space<vmem>> -> memref<128xi32, #tpu.memory_space<vmem>>
    %dma_wait3A_26 = arith.constant 0 : i32
    %dma_wait3A_27 = arith.constant 0 : i32
    %dma_wait3A_28 = tpu.memref_slice %arg2[%dma_wait3A_26, %dma_wait3A_27] : memref<60000x128xf32, #tpu.memory_space<hbm>> -> memref<60000x128xf32, #tpu.memory_space<hbm>>
    tpu.wait_indirect_dma semaphore(%arg12 : memref<!tpu.dma_semaphore, #tpu.memory_space<semaphore_mem>>) src(%dma_wait3A_28 : memref<60000x128xf32, #tpu.memory_space<hbm>>) dst(%arg9 : memref<128x128xf32, #tpu.memory_space<vmem>>)
    %dma_wait3A_29 = arith.constant 39 : i32
    %dma_wait3A_30 = arith.constant 0 : i32
    %dma_wait3A_31 = tpu.memref_slice %arg7[%dma_wait3A_29, %dma_wait3A_30] : memref<40x128xi32, #tpu.memory_space<vmem>> -> memref<1x128xi32, #tpu.memory_space<vmem>>
    %dma_wait3A_32 = tpu.memref_squeeze %dma_wait3A_31 : memref<1x128xi32, #tpu.memory_space<vmem>> -> memref<128xi32, #tpu.memory_space<vmem>>
    %dma_wait3A_33 = arith.constant 0 : i32
    %dma_wait3A_34 = arith.constant 0 : i32
    %dma_wait3A_35 = tpu.memref_slice %arg2[%dma_wait3A_33, %dma_wait3A_34] : memref<60000x128xf32, #tpu.memory_space<hbm>> -> memref<60000x128xf32, #tpu.memory_space<hbm>>
    tpu.wait_indirect_dma semaphore(%arg13 : memref<!tpu.dma_semaphore, #tpu.memory_space<semaphore_mem>>) src(%dma_wait3A_35 : memref<60000x128xf32, #tpu.memory_space<hbm>>) dst(%arg10 : memref<128x128xf32, #tpu.memory_space<vmem>>)
    %barrier3A_36 = arith.constant 0 : index
    tpu.barrier barrier_id(%barrier3A_36)
    %mul3A_37 = arith.constant 632 : i32
    %mul3A_38 = arith.muli %arg1, %mul3A_37 : i32
    %mul3A_39 = arith.constant 632 : i32
    %mul3A_40 = arith.muli %arg1, %mul3A_39 : i32
    "tpu.region"() ({
      %run_scoped3A = tpu.sem_alloc : memref<!tpu.dma_semaphore, #tpu.memory_space<semaphore_mem>>
      %dma_start3A_41 = arith.constant 0 : i32
      %dma_start3A_42 = tpu.memref_slice %arg6[%arg0, %mul3A_40, %dma_start3A_41] : memref<2x10112x128xf32, #tpu.memory_space<hbm>> -> memref<1x632x128xf32, #tpu.memory_space<hbm>>
      %dma_start3A_43 = tpu.memref_squeeze %dma_start3A_42 : memref<1x632x128xf32, #tpu.memory_space<hbm>> -> memref<632x128xf32, #tpu.memory_space<hbm>>
      %dma_start3A_44 = arith.constant 0 : i32
      %dma_start3A_45 = tpu.memref_slice %arg11[%mul3A_38, %dma_start3A_44] : memref<10112x128xf32, #tpu.memory_space<vmem_shared>> -> memref<632x128xf32, #tpu.memory_space<vmem_shared>>
      tpu.enqueue_dma source(%dma_start3A_45 : memref<632x128xf32, #tpu.memory_space<vmem_shared>>) target(%dma_start3A_43 : memref<632x128xf32, #tpu.memory_space<hbm>>) target_semaphore(%run_scoped3A : memref<!tpu.dma_semaphore, #tpu.memory_space<semaphore_mem>>)
      %dma_wait3A_46 = arith.constant 0 : i32
      %dma_wait3A_47 = tpu.memref_slice %arg6[%arg0, %mul3A_40, %dma_wait3A_46] : memref<2x10112x128xf32, #tpu.memory_space<hbm>> -> memref<1x632x128xf32, #tpu.memory_space<hbm>>
      %dma_wait3A_48 = tpu.memref_squeeze %dma_wait3A_47 : memref<1x632x128xf32, #tpu.memory_space<hbm>> -> memref<632x128xf32, #tpu.memory_space<hbm>>
      %dma_wait3A_49 = arith.constant 0 : i32
      %dma_wait3A_50 = tpu.memref_slice %arg11[%mul3A_38, %dma_wait3A_49] : memref<10112x128xf32, #tpu.memory_space<vmem_shared>> -> memref<632x128xf32, #tpu.memory_space<vmem_shared>>
      tpu.wait_dma2 semaphore(%run_scoped3A : memref<!tpu.dma_semaphore, #tpu.memory_space<semaphore_mem>>) src(%dma_wait3A_50 : memref<632x128xf32, #tpu.memory_space<vmem_shared>>) dst(%dma_wait3A_48 : memref<632x128xf32, #tpu.memory_space<hbm>>)
      tpu.yield
    }) : () -> ()
    return
  }
}

#map = affine_map<(d0, d1) -> (0, 0)>
#map1 = affine_map<(d0, d1) -> (0, 0, 0)>
module attributes {stable_mosaic.version = 14 : i64} {
  func.func @_sc_aggr_body(%arg0: i32, %arg1: i32, %arg2: memref<60000x128xf32, #tpu.memory_space<hbm>>, %arg3: memref<32x40x128xi32, #tpu.memory_space<hbm>>, %arg4: memref<32x40x128xi32, #tpu.memory_space<hbm>>, %arg5: memref<10112x128xf32, #tpu.memory_space<hbm>>, %arg6: memref<2x10112x128xf32, #tpu.memory_space<hbm>>, %arg7: memref<40x128xi32, #tpu.memory_space<vmem>>, %arg8: memref<40x128xi32, #tpu.memory_space<vmem>>, %arg9: memref<128x128xf32, #tpu.memory_space<vmem>>, %arg10: memref<128x128xf32, #tpu.memory_space<vmem>>, %arg11: memref<10112x128xf32, #tpu.memory_space<vmem_shared>>, %arg12: memref<!tpu.dma_semaphore, #tpu.memory_space<semaphore_mem>>, %arg13: memref<!tpu.dma_semaphore, #tpu.memory_space<semaphore_mem>>, %arg14: memref<!tpu.dma_semaphore, #tpu.memory_space<semaphore_mem>>, %arg15: memref<!tpu.dma_semaphore, #tpu.memory_space<semaphore_mem>>) attributes {dimension_semantics = [#tpu.dimension_semantics<core_parallel>, #tpu.dimension_semantics<subcore_parallel>], iteration_bounds = array<i64: 2, 16>, scalar_prefetch = 0 : i64, scratch_operands = 9 : i64, tpu.core_type = #tpu.core_type<sc_vector_subcore>, window_params = [{transform_indices = #map}, {transform_indices = #map1}, {transform_indices = #map1}, {transform_indices = #map}, {transform_indices = #map1}]} {
    %mul3A = arith.constant 2 : i32
    %mul3A_0 = arith.muli %arg1, %mul3A : i32
    %add3A = arith.addi %mul3A_0, %arg0 : i32
    %mul3A_1 = arith.constant 632 : i32
    %mul3A_2 = arith.muli %arg1, %mul3A_1 : i32
    %mul3A_3 = arith.constant 632 : i32
    %mul3A_4 = arith.muli %arg1, %mul3A_3 : i32
    "tpu.region"() ({
      %run_scoped3A = tpu.sem_alloc : memref<!tpu.dma_semaphore, #tpu.memory_space<semaphore_mem>>
      %dma_start3A_41 = arith.constant 0 : i32
      %dma_start3A_42 = tpu.memref_slice %arg11[%mul3A_4, %dma_start3A_41] : memref<10112x128xf32, #tpu.memory_space<vmem_shared>> -> memref<632x128xf32, #tpu.memory_space<vmem_shared>>
      %dma_start3A_43 = arith.constant 0 : i32
      %dma_start3A_44 = tpu.memref_slice %arg5[%mul3A_2, %dma_start3A_43] : memref<10112x128xf32, #tpu.memory_space<hbm>> -> memref<632x128xf32, #tpu.memory_space<hbm>>
      tpu.enqueue_dma source(%dma_start3A_44 : memref<632x128xf32, #tpu.memory_space<hbm>>) target(%dma_start3A_42 : memref<632x128xf32, #tpu.memory_space<vmem_shared>>) target_semaphore(%run_scoped3A : memref<!tpu.dma_semaphore, #tpu.memory_space<semaphore_mem>>)
      %dma_wait3A_45 = arith.constant 0 : i32
      %dma_wait3A_46 = tpu.memref_slice %arg11[%mul3A_4, %dma_wait3A_45] : memref<10112x128xf32, #tpu.memory_space<vmem_shared>> -> memref<632x128xf32, #tpu.memory_space<vmem_shared>>
      %dma_wait3A_47 = arith.constant 0 : i32
      %dma_wait3A_48 = tpu.memref_slice %arg5[%mul3A_2, %dma_wait3A_47] : memref<10112x128xf32, #tpu.memory_space<hbm>> -> memref<632x128xf32, #tpu.memory_space<hbm>>
      tpu.wait_dma2 semaphore(%run_scoped3A : memref<!tpu.dma_semaphore, #tpu.memory_space<semaphore_mem>>) src(%dma_wait3A_48 : memref<632x128xf32, #tpu.memory_space<hbm>>) dst(%dma_wait3A_46 : memref<632x128xf32, #tpu.memory_space<vmem_shared>>)
      tpu.yield
    }) : () -> ()
    "tpu.region"() ({
      %run_scoped3A = tpu.sem_alloc : memref<!tpu.dma_semaphore, #tpu.memory_space<semaphore_mem>>
      %dma_start3A_41 = arith.constant 0 : i32
      %dma_start3A_42 = arith.constant 0 : i32
      %dma_start3A_43 = tpu.memref_slice %arg3[%add3A, %dma_start3A_41, %dma_start3A_42] : memref<32x40x128xi32, #tpu.memory_space<hbm>> -> memref<1x40x128xi32, #tpu.memory_space<hbm>>
      %dma_start3A_44 = tpu.memref_squeeze %dma_start3A_43 : memref<1x40x128xi32, #tpu.memory_space<hbm>> -> memref<40x128xi32, #tpu.memory_space<hbm>>
      %dma_start3A_45 = arith.constant 0 : i32
      %dma_start3A_46 = arith.constant 0 : i32
      %dma_start3A_47 = tpu.memref_slice %arg3[%add3A, %dma_start3A_45, %dma_start3A_46] : memref<32x40x128xi32, #tpu.memory_space<hbm>> -> memref<1x40x128xi32, #tpu.memory_space<hbm>>
      %dma_start3A_48 = tpu.memref_squeeze %dma_start3A_47 : memref<1x40x128xi32, #tpu.memory_space<hbm>> -> memref<40x128xi32, #tpu.memory_space<hbm>>
      tpu.enqueue_dma source(%dma_start3A_48 : memref<40x128xi32, #tpu.memory_space<hbm>>) target(%arg7 : memref<40x128xi32, #tpu.memory_space<vmem>>) target_semaphore(%run_scoped3A : memref<!tpu.dma_semaphore, #tpu.memory_space<semaphore_mem>>)
      %dma_wait3A_49 = arith.constant 0 : i32
      %dma_wait3A_50 = arith.constant 0 : i32
      %dma_wait3A_51 = tpu.memref_slice %arg3[%add3A, %dma_wait3A_49, %dma_wait3A_50] : memref<32x40x128xi32, #tpu.memory_space<hbm>> -> memref<1x40x128xi32, #tpu.memory_space<hbm>>
      %dma_wait3A_52 = tpu.memref_squeeze %dma_wait3A_51 : memref<1x40x128xi32, #tpu.memory_space<hbm>> -> memref<40x128xi32, #tpu.memory_space<hbm>>
      %dma_wait3A_53 = arith.constant 0 : i32
      %dma_wait3A_54 = arith.constant 0 : i32
      %dma_wait3A_55 = tpu.memref_slice %arg3[%add3A, %dma_wait3A_53, %dma_wait3A_54] : memref<32x40x128xi32, #tpu.memory_space<hbm>> -> memref<1x40x128xi32, #tpu.memory_space<hbm>>
      %dma_wait3A_56 = tpu.memref_squeeze %dma_wait3A_55 : memref<1x40x128xi32, #tpu.memory_space<hbm>> -> memref<40x128xi32, #tpu.memory_space<hbm>>
      tpu.wait_dma2 semaphore(%run_scoped3A : memref<!tpu.dma_semaphore, #tpu.memory_space<semaphore_mem>>) src(%dma_wait3A_56 : memref<40x128xi32, #tpu.memory_space<hbm>>) dst(%arg7 : memref<40x128xi32, #tpu.memory_space<vmem>>)
      tpu.yield
    }) : () -> ()
    "tpu.region"() ({
      %run_scoped3A = tpu.sem_alloc : memref<!tpu.dma_semaphore, #tpu.memory_space<semaphore_mem>>
      %dma_start3A_41 = arith.constant 0 : i32
      %dma_start3A_42 = arith.constant 0 : i32
      %dma_start3A_43 = tpu.memref_slice %arg4[%add3A, %dma_start3A_41, %dma_start3A_42] : memref<32x40x128xi32, #tpu.memory_space<hbm>> -> memref<1x40x128xi32, #tpu.memory_space<hbm>>
      %dma_start3A_44 = tpu.memref_squeeze %dma_start3A_43 : memref<1x40x128xi32, #tpu.memory_space<hbm>> -> memref<40x128xi32, #tpu.memory_space<hbm>>
      %dma_start3A_45 = arith.constant 0 : i32
      %dma_start3A_46 = arith.constant 0 : i32
      %dma_start3A_47 = tpu.memref_slice %arg4[%add3A, %dma_start3A_45, %dma_start3A_46] : memref<32x40x128xi32, #tpu.memory_space<hbm>> -> memref<1x40x128xi32, #tpu.memory_space<hbm>>
      %dma_start3A_48 = tpu.memref_squeeze %dma_start3A_47 : memref<1x40x128xi32, #tpu.memory_space<hbm>> -> memref<40x128xi32, #tpu.memory_space<hbm>>
      tpu.enqueue_dma source(%dma_start3A_48 : memref<40x128xi32, #tpu.memory_space<hbm>>) target(%arg8 : memref<40x128xi32, #tpu.memory_space<vmem>>) target_semaphore(%run_scoped3A : memref<!tpu.dma_semaphore, #tpu.memory_space<semaphore_mem>>)
      %dma_wait3A_49 = arith.constant 0 : i32
      %dma_wait3A_50 = arith.constant 0 : i32
      %dma_wait3A_51 = tpu.memref_slice %arg4[%add3A, %dma_wait3A_49, %dma_wait3A_50] : memref<32x40x128xi32, #tpu.memory_space<hbm>> -> memref<1x40x128xi32, #tpu.memory_space<hbm>>
      %dma_wait3A_52 = tpu.memref_squeeze %dma_wait3A_51 : memref<1x40x128xi32, #tpu.memory_space<hbm>> -> memref<40x128xi32, #tpu.memory_space<hbm>>
      %dma_wait3A_53 = arith.constant 0 : i32
      %dma_wait3A_54 = arith.constant 0 : i32
      %dma_wait3A_55 = tpu.memref_slice %arg4[%add3A, %dma_wait3A_53, %dma_wait3A_54] : memref<32x40x128xi32, #tpu.memory_space<hbm>> -> memref<1x40x128xi32, #tpu.memory_space<hbm>>
      %dma_wait3A_56 = tpu.memref_squeeze %dma_wait3A_55 : memref<1x40x128xi32, #tpu.memory_space<hbm>> -> memref<40x128xi32, #tpu.memory_space<hbm>>
      tpu.wait_dma2 semaphore(%run_scoped3A : memref<!tpu.dma_semaphore, #tpu.memory_space<semaphore_mem>>) src(%dma_wait3A_56 : memref<40x128xi32, #tpu.memory_space<hbm>>) dst(%arg8 : memref<40x128xi32, #tpu.memory_space<vmem>>)
      tpu.yield
    }) : () -> ()
    %barrier3A = arith.constant 0 : index
    tpu.barrier barrier_id(%barrier3A)
    %dma_start3A = arith.constant 0 : i32
    %dma_start3A_5 = arith.constant 0 : i32
    %dma_start3A_6 = tpu.memref_slice %arg7[%dma_start3A, %dma_start3A_5] : memref<40x128xi32, #tpu.memory_space<vmem>> -> memref<1x128xi32, #tpu.memory_space<vmem>>
    %dma_start3A_7 = tpu.memref_squeeze %dma_start3A_6 : memref<1x128xi32, #tpu.memory_space<vmem>> -> memref<128xi32, #tpu.memory_space<vmem>>
    %dma_start3A_8 = arith.constant 0 : i32
    %dma_start3A_9 = arith.constant 0 : i32
    %dma_start3A_10 = tpu.memref_slice %arg2[%dma_start3A_8, %dma_start3A_9] : memref<60000x128xf32, #tpu.memory_space<hbm>> -> memref<60000x128xf32, #tpu.memory_space<hbm>>
    tpu.enqueue_indirect_dma source(%dma_start3A_10 : memref<60000x128xf32, #tpu.memory_space<hbm>>) target(%arg9 : memref<128x128xf32, #tpu.memory_space<vmem>>) offsets(%dma_start3A_7 : memref<128xi32, #tpu.memory_space<vmem>>) semaphore(%arg12 : memref<!tpu.dma_semaphore, #tpu.memory_space<semaphore_mem>>)
    %dma_start3A_11 = arith.constant 1 : i32
    %dma_start3A_12 = arith.constant 0 : i32
    %dma_start3A_13 = tpu.memref_slice %arg7[%dma_start3A_11, %dma_start3A_12] : memref<40x128xi32, #tpu.memory_space<vmem>> -> memref<1x128xi32, #tpu.memory_space<vmem>>
    %dma_start3A_14 = tpu.memref_squeeze %dma_start3A_13 : memref<1x128xi32, #tpu.memory_space<vmem>> -> memref<128xi32, #tpu.memory_space<vmem>>
    %dma_start3A_15 = arith.constant 0 : i32
    %dma_start3A_16 = arith.constant 0 : i32
    %dma_start3A_17 = tpu.memref_slice %arg2[%dma_start3A_15, %dma_start3A_16] : memref<60000x128xf32, #tpu.memory_space<hbm>> -> memref<60000x128xf32, #tpu.memory_space<hbm>>
    tpu.enqueue_indirect_dma source(%dma_start3A_17 : memref<60000x128xf32, #tpu.memory_space<hbm>>) target(%arg10 : memref<128x128xf32, #tpu.memory_space<vmem>>) offsets(%dma_start3A_14 : memref<128xi32, #tpu.memory_space<vmem>>) semaphore(%arg13 : memref<!tpu.dma_semaphore, #tpu.memory_space<semaphore_mem>>)
    %scan3A = arith.constant 0 : i32
    %scan3A_18 = arith.constant 0 : i32
    %scan3A_19 = arith.constant 20 : i32
    %scan3A_20 = arith.addi %scan3A_18, %scan3A_19 : i32
    %scan3A_21 = arith.constant 1 : i32
    scf.for %scan3A_41 = %scan3A_18 to %scan3A_20 step %scan3A_21  : i32 {
      %mul3A_42 = arith.constant 2 : i32
      %mul3A_43 = arith.muli %mul3A_42, %scan3A_41 : i32
      %dma_wait3A_44 = arith.constant 0 : i32
      %dma_wait3A_45 = tpu.memref_slice %arg7[%mul3A_43, %dma_wait3A_44] : memref<40x128xi32, #tpu.memory_space<vmem>> -> memref<1x128xi32, #tpu.memory_space<vmem>>
      %dma_wait3A_46 = tpu.memref_squeeze %dma_wait3A_45 : memref<1x128xi32, #tpu.memory_space<vmem>> -> memref<128xi32, #tpu.memory_space<vmem>>
      %dma_wait3A_47 = arith.constant 0 : i32
      %dma_wait3A_48 = arith.constant 0 : i32
      %dma_wait3A_49 = tpu.memref_slice %arg2[%dma_wait3A_47, %dma_wait3A_48] : memref<60000x128xf32, #tpu.memory_space<hbm>> -> memref<60000x128xf32, #tpu.memory_space<hbm>>
      tpu.wait_indirect_dma semaphore(%arg12 : memref<!tpu.dma_semaphore, #tpu.memory_space<semaphore_mem>>) src(%dma_wait3A_49 : memref<60000x128xf32, #tpu.memory_space<hbm>>) dst(%arg9 : memref<128x128xf32, #tpu.memory_space<vmem>>)
      %dma_start3A_50 = arith.constant 0 : i32
      %dma_start3A_51 = tpu.memref_slice %arg8[%mul3A_43, %dma_start3A_50] : memref<40x128xi32, #tpu.memory_space<vmem>> -> memref<1x128xi32, #tpu.memory_space<vmem>>
      %dma_start3A_52 = tpu.memref_squeeze %dma_start3A_51 : memref<1x128xi32, #tpu.memory_space<vmem>> -> memref<128xi32, #tpu.memory_space<vmem>>
      %dma_start3A_53 = arith.constant 0 : i32
      %dma_start3A_54 = arith.constant 0 : i32
      %dma_start3A_55 = tpu.memref_slice %arg11[%dma_start3A_53, %dma_start3A_54] : memref<10112x128xf32, #tpu.memory_space<vmem_shared>> -> memref<10112x128xf32, #tpu.memory_space<vmem_shared>>
      tpu.enqueue_indirect_dma source(%arg9 : memref<128x128xf32, #tpu.memory_space<vmem>>) target(%dma_start3A_55 : memref<10112x128xf32, #tpu.memory_space<vmem_shared>>) offsets(%dma_start3A_52 : memref<128xi32, #tpu.memory_space<vmem>>) semaphore(%arg14 : memref<!tpu.dma_semaphore, #tpu.memory_space<semaphore_mem>>) {add = true}
      %add3A_56 = arith.constant 1 : i32
      %add3A_57 = arith.addi %mul3A_43, %add3A_56 : i32
      %dma_wait3A_58 = arith.constant 0 : i32
      %dma_wait3A_59 = tpu.memref_slice %arg7[%add3A_57, %dma_wait3A_58] : memref<40x128xi32, #tpu.memory_space<vmem>> -> memref<1x128xi32, #tpu.memory_space<vmem>>
      %dma_wait3A_60 = tpu.memref_squeeze %dma_wait3A_59 : memref<1x128xi32, #tpu.memory_space<vmem>> -> memref<128xi32, #tpu.memory_space<vmem>>
      %dma_wait3A_61 = arith.constant 0 : i32
      %dma_wait3A_62 = arith.constant 0 : i32
      %dma_wait3A_63 = tpu.memref_slice %arg2[%dma_wait3A_61, %dma_wait3A_62] : memref<60000x128xf32, #tpu.memory_space<hbm>> -> memref<60000x128xf32, #tpu.memory_space<hbm>>
      tpu.wait_indirect_dma semaphore(%arg13 : memref<!tpu.dma_semaphore, #tpu.memory_space<semaphore_mem>>) src(%dma_wait3A_63 : memref<60000x128xf32, #tpu.memory_space<hbm>>) dst(%arg10 : memref<128x128xf32, #tpu.memory_space<vmem>>)
      %add3A_64 = arith.constant 1 : i32
      %add3A_65 = arith.addi %mul3A_43, %add3A_64 : i32
      %dma_start3A_66 = arith.constant 0 : i32
      %dma_start3A_67 = tpu.memref_slice %arg8[%add3A_65, %dma_start3A_66] : memref<40x128xi32, #tpu.memory_space<vmem>> -> memref<1x128xi32, #tpu.memory_space<vmem>>
      %dma_start3A_68 = tpu.memref_squeeze %dma_start3A_67 : memref<1x128xi32, #tpu.memory_space<vmem>> -> memref<128xi32, #tpu.memory_space<vmem>>
      %dma_start3A_69 = arith.constant 0 : i32
      %dma_start3A_70 = arith.constant 0 : i32
      %dma_start3A_71 = tpu.memref_slice %arg11[%dma_start3A_69, %dma_start3A_70] : memref<10112x128xf32, #tpu.memory_space<vmem_shared>> -> memref<10112x128xf32, #tpu.memory_space<vmem_shared>>
      tpu.enqueue_indirect_dma source(%arg10 : memref<128x128xf32, #tpu.memory_space<vmem>>) target(%dma_start3A_71 : memref<10112x128xf32, #tpu.memory_space<vmem_shared>>) offsets(%dma_start3A_68 : memref<128xi32, #tpu.memory_space<vmem>>) semaphore(%arg15 : memref<!tpu.dma_semaphore, #tpu.memory_space<semaphore_mem>>) {add = true}
      %dma_wait3A_72 = arith.constant 0 : i32
      %dma_wait3A_73 = tpu.memref_slice %arg8[%mul3A_43, %dma_wait3A_72] : memref<40x128xi32, #tpu.memory_space<vmem>> -> memref<1x128xi32, #tpu.memory_space<vmem>>
      %dma_wait3A_74 = tpu.memref_squeeze %dma_wait3A_73 : memref<1x128xi32, #tpu.memory_space<vmem>> -> memref<128xi32, #tpu.memory_space<vmem>>
      %dma_wait3A_75 = arith.constant 0 : i32
      %dma_wait3A_76 = arith.constant 0 : i32
      %dma_wait3A_77 = tpu.memref_slice %arg11[%dma_wait3A_75, %dma_wait3A_76] : memref<10112x128xf32, #tpu.memory_space<vmem_shared>> -> memref<10112x128xf32, #tpu.memory_space<vmem_shared>>
      tpu.wait_indirect_dma semaphore(%arg14 : memref<!tpu.dma_semaphore, #tpu.memory_space<semaphore_mem>>) src(%arg9 : memref<128x128xf32, #tpu.memory_space<vmem>>) dst(%dma_wait3A_77 : memref<10112x128xf32, #tpu.memory_space<vmem_shared>>)
      %add3A_78 = arith.constant 2 : i32
      %add3A_79 = arith.addi %mul3A_43, %add3A_78 : i32
      %min3A = arith.constant 39 : i32
      %min3A_80 = arith.minsi %add3A_79, %min3A : i32
      %dma_start3A_81 = arith.constant 0 : i32
      %dma_start3A_82 = tpu.memref_slice %arg7[%min3A_80, %dma_start3A_81] : memref<40x128xi32, #tpu.memory_space<vmem>> -> memref<1x128xi32, #tpu.memory_space<vmem>>
      %dma_start3A_83 = tpu.memref_squeeze %dma_start3A_82 : memref<1x128xi32, #tpu.memory_space<vmem>> -> memref<128xi32, #tpu.memory_space<vmem>>
      %dma_start3A_84 = arith.constant 0 : i32
      %dma_start3A_85 = arith.constant 0 : i32
      %dma_start3A_86 = tpu.memref_slice %arg2[%dma_start3A_84, %dma_start3A_85] : memref<60000x128xf32, #tpu.memory_space<hbm>> -> memref<60000x128xf32, #tpu.memory_space<hbm>>
      tpu.enqueue_indirect_dma source(%dma_start3A_86 : memref<60000x128xf32, #tpu.memory_space<hbm>>) target(%arg9 : memref<128x128xf32, #tpu.memory_space<vmem>>) offsets(%dma_start3A_83 : memref<128xi32, #tpu.memory_space<vmem>>) semaphore(%arg12 : memref<!tpu.dma_semaphore, #tpu.memory_space<semaphore_mem>>)
      %add3A_87 = arith.constant 1 : i32
      %add3A_88 = arith.addi %mul3A_43, %add3A_87 : i32
      %dma_wait3A_89 = arith.constant 0 : i32
      %dma_wait3A_90 = tpu.memref_slice %arg8[%add3A_88, %dma_wait3A_89] : memref<40x128xi32, #tpu.memory_space<vmem>> -> memref<1x128xi32, #tpu.memory_space<vmem>>
      %dma_wait3A_91 = tpu.memref_squeeze %dma_wait3A_90 : memref<1x128xi32, #tpu.memory_space<vmem>> -> memref<128xi32, #tpu.memory_space<vmem>>
      %dma_wait3A_92 = arith.constant 0 : i32
      %dma_wait3A_93 = arith.constant 0 : i32
      %dma_wait3A_94 = tpu.memref_slice %arg11[%dma_wait3A_92, %dma_wait3A_93] : memref<10112x128xf32, #tpu.memory_space<vmem_shared>> -> memref<10112x128xf32, #tpu.memory_space<vmem_shared>>
      tpu.wait_indirect_dma semaphore(%arg15 : memref<!tpu.dma_semaphore, #tpu.memory_space<semaphore_mem>>) src(%arg10 : memref<128x128xf32, #tpu.memory_space<vmem>>) dst(%dma_wait3A_94 : memref<10112x128xf32, #tpu.memory_space<vmem_shared>>)
      %add3A_95 = arith.constant 3 : i32
      %add3A_96 = arith.addi %mul3A_43, %add3A_95 : i32
      %min3A_97 = arith.constant 39 : i32
      %min3A_98 = arith.minsi %add3A_96, %min3A_97 : i32
      %dma_start3A_99 = arith.constant 0 : i32
      %dma_start3A_100 = tpu.memref_slice %arg7[%min3A_98, %dma_start3A_99] : memref<40x128xi32, #tpu.memory_space<vmem>> -> memref<1x128xi32, #tpu.memory_space<vmem>>
      %dma_start3A_101 = tpu.memref_squeeze %dma_start3A_100 : memref<1x128xi32, #tpu.memory_space<vmem>> -> memref<128xi32, #tpu.memory_space<vmem>>
      %dma_start3A_102 = arith.constant 0 : i32
      %dma_start3A_103 = arith.constant 0 : i32
      %dma_start3A_104 = tpu.memref_slice %arg2[%dma_start3A_102, %dma_start3A_103] : memref<60000x128xf32, #tpu.memory_space<hbm>> -> memref<60000x128xf32, #tpu.memory_space<hbm>>
      tpu.enqueue_indirect_dma source(%dma_start3A_104 : memref<60000x128xf32, #tpu.memory_space<hbm>>) target(%arg10 : memref<128x128xf32, #tpu.memory_space<vmem>>) offsets(%dma_start3A_101 : memref<128xi32, #tpu.memory_space<vmem>>) semaphore(%arg13 : memref<!tpu.dma_semaphore, #tpu.memory_space<semaphore_mem>>)
    }
    %scan3A_22 = arith.constant 20 : i32
    %dma_wait3A = arith.constant 39 : i32
    %dma_wait3A_23 = arith.constant 0 : i32
    %dma_wait3A_24 = tpu.memref_slice %arg7[%dma_wait3A, %dma_wait3A_23] : memref<40x128xi32, #tpu.memory_space<vmem>> -> memref<1x128xi32, #tpu.memory_space<vmem>>
    %dma_wait3A_25 = tpu.memref_squeeze %dma_wait3A_24 : memref<1x128xi32, #tpu.memory_space<vmem>> -> memref<128xi32, #tpu.memory_space<vmem>>
    %dma_wait3A_26 = arith.constant 0 : i32
    %dma_wait3A_27 = arith.constant 0 : i32
    %dma_wait3A_28 = tpu.memref_slice %arg2[%dma_wait3A_26, %dma_wait3A_27] : memref<60000x128xf32, #tpu.memory_space<hbm>> -> memref<60000x128xf32, #tpu.memory_space<hbm>>
    tpu.wait_indirect_dma semaphore(%arg12 : memref<!tpu.dma_semaphore, #tpu.memory_space<semaphore_mem>>) src(%dma_wait3A_28 : memref<60000x128xf32, #tpu.memory_space<hbm>>) dst(%arg9 : memref<128x128xf32, #tpu.memory_space<vmem>>)
    %dma_wait3A_29 = arith.constant 39 : i32
    %dma_wait3A_30 = arith.constant 0 : i32
    %dma_wait3A_31 = tpu.memref_slice %arg7[%dma_wait3A_29, %dma_wait3A_30] : memref<40x128xi32, #tpu.memory_space<vmem>> -> memref<1x128xi32, #tpu.memory_space<vmem>>
    %dma_wait3A_32 = tpu.memref_squeeze %dma_wait3A_31 : memref<1x128xi32, #tpu.memory_space<vmem>> -> memref<128xi32, #tpu.memory_space<vmem>>
    %dma_wait3A_33 = arith.constant 0 : i32
    %dma_wait3A_34 = arith.constant 0 : i32
    %dma_wait3A_35 = tpu.memref_slice %arg2[%dma_wait3A_33, %dma_wait3A_34] : memref<60000x128xf32, #tpu.memory_space<hbm>> -> memref<60000x128xf32, #tpu.memory_space<hbm>>
    tpu.wait_indirect_dma semaphore(%arg13 : memref<!tpu.dma_semaphore, #tpu.memory_space<semaphore_mem>>) src(%dma_wait3A_35 : memref<60000x128xf32, #tpu.memory_space<hbm>>) dst(%arg10 : memref<128x128xf32, #tpu.memory_space<vmem>>)
    %barrier3A_36 = arith.constant 0 : index
    tpu.barrier barrier_id(%barrier3A_36)
    %mul3A_37 = arith.constant 632 : i32
    %mul3A_38 = arith.muli %arg1, %mul3A_37 : i32
    %mul3A_39 = arith.constant 632 : i32
    %mul3A_40 = arith.muli %arg1, %mul3A_39 : i32
    "tpu.region"() ({
      %run_scoped3A = tpu.sem_alloc : memref<!tpu.dma_semaphore, #tpu.memory_space<semaphore_mem>>
      %dma_start3A_41 = arith.constant 0 : i32
      %dma_start3A_42 = tpu.memref_slice %arg6[%arg0, %mul3A_40, %dma_start3A_41] : memref<2x10112x128xf32, #tpu.memory_space<hbm>> -> memref<1x632x128xf32, #tpu.memory_space<hbm>>
      %dma_start3A_43 = tpu.memref_squeeze %dma_start3A_42 : memref<1x632x128xf32, #tpu.memory_space<hbm>> -> memref<632x128xf32, #tpu.memory_space<hbm>>
      %dma_start3A_44 = arith.constant 0 : i32
      %dma_start3A_45 = tpu.memref_slice %arg11[%mul3A_38, %dma_start3A_44] : memref<10112x128xf32, #tpu.memory_space<vmem_shared>> -> memref<632x128xf32, #tpu.memory_space<vmem_shared>>
      tpu.enqueue_dma source(%dma_start3A_45 : memref<632x128xf32, #tpu.memory_space<vmem_shared>>) target(%dma_start3A_43 : memref<632x128xf32, #tpu.memory_space<hbm>>) target_semaphore(%run_scoped3A : memref<!tpu.dma_semaphore, #tpu.memory_space<semaphore_mem>>)
      %dma_wait3A_46 = arith.constant 0 : i32
      %dma_wait3A_47 = tpu.memref_slice %arg6[%arg0, %mul3A_40, %dma_wait3A_46] : memref<2x10112x128xf32, #tpu.memory_space<hbm>> -> memref<1x632x128xf32, #tpu.memory_space<hbm>>
      %dma_wait3A_48 = tpu.memref_squeeze %dma_wait3A_47 : memref<1x632x128xf32, #tpu.memory_space<hbm>> -> memref<632x128xf32, #tpu.memory_space<hbm>>
      %dma_wait3A_49 = arith.constant 0 : i32
      %dma_wait3A_50 = tpu.memref_slice %arg11[%mul3A_38, %dma_wait3A_49] : memref<10112x128xf32, #tpu.memory_space<vmem_shared>> -> memref<632x128xf32, #tpu.memory_space<vmem_shared>>
      tpu.wait_dma2 semaphore(%run_scoped3A : memref<!tpu.dma_semaphore, #tpu.memory_space<semaphore_mem>>) src(%dma_wait3A_50 : memref<632x128xf32, #tpu.memory_space<vmem_shared>>) dst(%dma_wait3A_48 : memref<632x128xf32, #tpu.memory_space<hbm>>)
      tpu.yield
    }) : () -> ()
    return
  }
}

#map = affine_map<(d0, d1) -> (0, 0)>
#map1 = affine_map<(d0, d1) -> (0, 0, 0)>
module attributes {stable_mosaic.version = 14 : i64} {
  func.func @_sc_aggr_body(%arg0: i32, %arg1: i32, %arg2: memref<60000x128xf32, #tpu.memory_space<hbm>>, %arg3: memref<32x40x128xi32, #tpu.memory_space<hbm>>, %arg4: memref<32x40x128xi32, #tpu.memory_space<hbm>>, %arg5: memref<10112x128xf32, #tpu.memory_space<hbm>>, %arg6: memref<2x10112x128xf32, #tpu.memory_space<hbm>>, %arg7: memref<40x128xi32, #tpu.memory_space<vmem>>, %arg8: memref<40x128xi32, #tpu.memory_space<vmem>>, %arg9: memref<128x128xf32, #tpu.memory_space<vmem>>, %arg10: memref<128x128xf32, #tpu.memory_space<vmem>>, %arg11: memref<10112x128xf32, #tpu.memory_space<vmem_shared>>, %arg12: memref<!tpu.dma_semaphore, #tpu.memory_space<semaphore_mem>>, %arg13: memref<!tpu.dma_semaphore, #tpu.memory_space<semaphore_mem>>, %arg14: memref<!tpu.dma_semaphore, #tpu.memory_space<semaphore_mem>>, %arg15: memref<!tpu.dma_semaphore, #tpu.memory_space<semaphore_mem>>) attributes {dimension_semantics = [#tpu.dimension_semantics<core_parallel>, #tpu.dimension_semantics<subcore_parallel>], iteration_bounds = array<i64: 2, 16>, scalar_prefetch = 0 : i64, scratch_operands = 9 : i64, tpu.core_type = #tpu.core_type<sc_vector_subcore>, window_params = [{transform_indices = #map}, {transform_indices = #map1}, {transform_indices = #map1}, {transform_indices = #map}, {transform_indices = #map1}]} {
    %mul3A = arith.constant 2 : i32
    %mul3A_0 = arith.muli %arg1, %mul3A : i32
    %add3A = arith.addi %mul3A_0, %arg0 : i32
    %mul3A_1 = arith.constant 632 : i32
    %mul3A_2 = arith.muli %arg1, %mul3A_1 : i32
    %mul3A_3 = arith.constant 632 : i32
    %mul3A_4 = arith.muli %arg1, %mul3A_3 : i32
    "tpu.region"() ({
      %run_scoped3A = tpu.sem_alloc : memref<!tpu.dma_semaphore, #tpu.memory_space<semaphore_mem>>
      %dma_start3A_41 = arith.constant 0 : i32
      %dma_start3A_42 = tpu.memref_slice %arg11[%mul3A_4, %dma_start3A_41] : memref<10112x128xf32, #tpu.memory_space<vmem_shared>> -> memref<632x128xf32, #tpu.memory_space<vmem_shared>>
      %dma_start3A_43 = arith.constant 0 : i32
      %dma_start3A_44 = tpu.memref_slice %arg5[%mul3A_2, %dma_start3A_43] : memref<10112x128xf32, #tpu.memory_space<hbm>> -> memref<632x128xf32, #tpu.memory_space<hbm>>
      tpu.enqueue_dma source(%dma_start3A_44 : memref<632x128xf32, #tpu.memory_space<hbm>>) target(%dma_start3A_42 : memref<632x128xf32, #tpu.memory_space<vmem_shared>>) target_semaphore(%run_scoped3A : memref<!tpu.dma_semaphore, #tpu.memory_space<semaphore_mem>>)
      %dma_wait3A_45 = arith.constant 0 : i32
      %dma_wait3A_46 = tpu.memref_slice %arg11[%mul3A_4, %dma_wait3A_45] : memref<10112x128xf32, #tpu.memory_space<vmem_shared>> -> memref<632x128xf32, #tpu.memory_space<vmem_shared>>
      %dma_wait3A_47 = arith.constant 0 : i32
      %dma_wait3A_48 = tpu.memref_slice %arg5[%mul3A_2, %dma_wait3A_47] : memref<10112x128xf32, #tpu.memory_space<hbm>> -> memref<632x128xf32, #tpu.memory_space<hbm>>
      tpu.wait_dma2 semaphore(%run_scoped3A : memref<!tpu.dma_semaphore, #tpu.memory_space<semaphore_mem>>) src(%dma_wait3A_48 : memref<632x128xf32, #tpu.memory_space<hbm>>) dst(%dma_wait3A_46 : memref<632x128xf32, #tpu.memory_space<vmem_shared>>)
      tpu.yield
    }) : () -> ()
    "tpu.region"() ({
      %run_scoped3A = tpu.sem_alloc : memref<!tpu.dma_semaphore, #tpu.memory_space<semaphore_mem>>
      %dma_start3A_41 = arith.constant 0 : i32
      %dma_start3A_42 = arith.constant 0 : i32
      %dma_start3A_43 = tpu.memref_slice %arg3[%add3A, %dma_start3A_41, %dma_start3A_42] : memref<32x40x128xi32, #tpu.memory_space<hbm>> -> memref<1x40x128xi32, #tpu.memory_space<hbm>>
      %dma_start3A_44 = tpu.memref_squeeze %dma_start3A_43 : memref<1x40x128xi32, #tpu.memory_space<hbm>> -> memref<40x128xi32, #tpu.memory_space<hbm>>
      %dma_start3A_45 = arith.constant 0 : i32
      %dma_start3A_46 = arith.constant 0 : i32
      %dma_start3A_47 = tpu.memref_slice %arg3[%add3A, %dma_start3A_45, %dma_start3A_46] : memref<32x40x128xi32, #tpu.memory_space<hbm>> -> memref<1x40x128xi32, #tpu.memory_space<hbm>>
      %dma_start3A_48 = tpu.memref_squeeze %dma_start3A_47 : memref<1x40x128xi32, #tpu.memory_space<hbm>> -> memref<40x128xi32, #tpu.memory_space<hbm>>
      tpu.enqueue_dma source(%dma_start3A_48 : memref<40x128xi32, #tpu.memory_space<hbm>>) target(%arg7 : memref<40x128xi32, #tpu.memory_space<vmem>>) target_semaphore(%run_scoped3A : memref<!tpu.dma_semaphore, #tpu.memory_space<semaphore_mem>>)
      %dma_wait3A_49 = arith.constant 0 : i32
      %dma_wait3A_50 = arith.constant 0 : i32
      %dma_wait3A_51 = tpu.memref_slice %arg3[%add3A, %dma_wait3A_49, %dma_wait3A_50] : memref<32x40x128xi32, #tpu.memory_space<hbm>> -> memref<1x40x128xi32, #tpu.memory_space<hbm>>
      %dma_wait3A_52 = tpu.memref_squeeze %dma_wait3A_51 : memref<1x40x128xi32, #tpu.memory_space<hbm>> -> memref<40x128xi32, #tpu.memory_space<hbm>>
      %dma_wait3A_53 = arith.constant 0 : i32
      %dma_wait3A_54 = arith.constant 0 : i32
      %dma_wait3A_55 = tpu.memref_slice %arg3[%add3A, %dma_wait3A_53, %dma_wait3A_54] : memref<32x40x128xi32, #tpu.memory_space<hbm>> -> memref<1x40x128xi32, #tpu.memory_space<hbm>>
      %dma_wait3A_56 = tpu.memref_squeeze %dma_wait3A_55 : memref<1x40x128xi32, #tpu.memory_space<hbm>> -> memref<40x128xi32, #tpu.memory_space<hbm>>
      tpu.wait_dma2 semaphore(%run_scoped3A : memref<!tpu.dma_semaphore, #tpu.memory_space<semaphore_mem>>) src(%dma_wait3A_56 : memref<40x128xi32, #tpu.memory_space<hbm>>) dst(%arg7 : memref<40x128xi32, #tpu.memory_space<vmem>>)
      tpu.yield
    }) : () -> ()
    "tpu.region"() ({
      %run_scoped3A = tpu.sem_alloc : memref<!tpu.dma_semaphore, #tpu.memory_space<semaphore_mem>>
      %dma_start3A_41 = arith.constant 0 : i32
      %dma_start3A_42 = arith.constant 0 : i32
      %dma_start3A_43 = tpu.memref_slice %arg4[%add3A, %dma_start3A_41, %dma_start3A_42] : memref<32x40x128xi32, #tpu.memory_space<hbm>> -> memref<1x40x128xi32, #tpu.memory_space<hbm>>
      %dma_start3A_44 = tpu.memref_squeeze %dma_start3A_43 : memref<1x40x128xi32, #tpu.memory_space<hbm>> -> memref<40x128xi32, #tpu.memory_space<hbm>>
      %dma_start3A_45 = arith.constant 0 : i32
      %dma_start3A_46 = arith.constant 0 : i32
      %dma_start3A_47 = tpu.memref_slice %arg4[%add3A, %dma_start3A_45, %dma_start3A_46] : memref<32x40x128xi32, #tpu.memory_space<hbm>> -> memref<1x40x128xi32, #tpu.memory_space<hbm>>
      %dma_start3A_48 = tpu.memref_squeeze %dma_start3A_47 : memref<1x40x128xi32, #tpu.memory_space<hbm>> -> memref<40x128xi32, #tpu.memory_space<hbm>>
      tpu.enqueue_dma source(%dma_start3A_48 : memref<40x128xi32, #tpu.memory_space<hbm>>) target(%arg8 : memref<40x128xi32, #tpu.memory_space<vmem>>) target_semaphore(%run_scoped3A : memref<!tpu.dma_semaphore, #tpu.memory_space<semaphore_mem>>)
      %dma_wait3A_49 = arith.constant 0 : i32
      %dma_wait3A_50 = arith.constant 0 : i32
      %dma_wait3A_51 = tpu.memref_slice %arg4[%add3A, %dma_wait3A_49, %dma_wait3A_50] : memref<32x40x128xi32, #tpu.memory_space<hbm>> -> memref<1x40x128xi32, #tpu.memory_space<hbm>>
      %dma_wait3A_52 = tpu.memref_squeeze %dma_wait3A_51 : memref<1x40x128xi32, #tpu.memory_space<hbm>> -> memref<40x128xi32, #tpu.memory_space<hbm>>
      %dma_wait3A_53 = arith.constant 0 : i32
      %dma_wait3A_54 = arith.constant 0 : i32
      %dma_wait3A_55 = tpu.memref_slice %arg4[%add3A, %dma_wait3A_53, %dma_wait3A_54] : memref<32x40x128xi32, #tpu.memory_space<hbm>> -> memref<1x40x128xi32, #tpu.memory_space<hbm>>
      %dma_wait3A_56 = tpu.memref_squeeze %dma_wait3A_55 : memref<1x40x128xi32, #tpu.memory_space<hbm>> -> memref<40x128xi32, #tpu.memory_space<hbm>>
      tpu.wait_dma2 semaphore(%run_scoped3A : memref<!tpu.dma_semaphore, #tpu.memory_space<semaphore_mem>>) src(%dma_wait3A_56 : memref<40x128xi32, #tpu.memory_space<hbm>>) dst(%arg8 : memref<40x128xi32, #tpu.memory_space<vmem>>)
      tpu.yield
    }) : () -> ()
    %barrier3A = arith.constant 0 : index
    tpu.barrier barrier_id(%barrier3A)
    %dma_start3A = arith.constant 0 : i32
    %dma_start3A_5 = arith.constant 0 : i32
    %dma_start3A_6 = tpu.memref_slice %arg7[%dma_start3A, %dma_start3A_5] : memref<40x128xi32, #tpu.memory_space<vmem>> -> memref<1x128xi32, #tpu.memory_space<vmem>>
    %dma_start3A_7 = tpu.memref_squeeze %dma_start3A_6 : memref<1x128xi32, #tpu.memory_space<vmem>> -> memref<128xi32, #tpu.memory_space<vmem>>
    %dma_start3A_8 = arith.constant 0 : i32
    %dma_start3A_9 = arith.constant 0 : i32
    %dma_start3A_10 = tpu.memref_slice %arg2[%dma_start3A_8, %dma_start3A_9] : memref<60000x128xf32, #tpu.memory_space<hbm>> -> memref<60000x128xf32, #tpu.memory_space<hbm>>
    tpu.enqueue_indirect_dma source(%dma_start3A_10 : memref<60000x128xf32, #tpu.memory_space<hbm>>) target(%arg9 : memref<128x128xf32, #tpu.memory_space<vmem>>) offsets(%dma_start3A_7 : memref<128xi32, #tpu.memory_space<vmem>>) semaphore(%arg12 : memref<!tpu.dma_semaphore, #tpu.memory_space<semaphore_mem>>)
    %dma_start3A_11 = arith.constant 1 : i32
    %dma_start3A_12 = arith.constant 0 : i32
    %dma_start3A_13 = tpu.memref_slice %arg7[%dma_start3A_11, %dma_start3A_12] : memref<40x128xi32, #tpu.memory_space<vmem>> -> memref<1x128xi32, #tpu.memory_space<vmem>>
    %dma_start3A_14 = tpu.memref_squeeze %dma_start3A_13 : memref<1x128xi32, #tpu.memory_space<vmem>> -> memref<128xi32, #tpu.memory_space<vmem>>
    %dma_start3A_15 = arith.constant 0 : i32
    %dma_start3A_16 = arith.constant 0 : i32
    %dma_start3A_17 = tpu.memref_slice %arg2[%dma_start3A_15, %dma_start3A_16] : memref<60000x128xf32, #tpu.memory_space<hbm>> -> memref<60000x128xf32, #tpu.memory_space<hbm>>
    tpu.enqueue_indirect_dma source(%dma_start3A_17 : memref<60000x128xf32, #tpu.memory_space<hbm>>) target(%arg10 : memref<128x128xf32, #tpu.memory_space<vmem>>) offsets(%dma_start3A_14 : memref<128xi32, #tpu.memory_space<vmem>>) semaphore(%arg13 : memref<!tpu.dma_semaphore, #tpu.memory_space<semaphore_mem>>)
    %scan3A = arith.constant 0 : i32
    %scan3A_18 = arith.constant 0 : i32
    %scan3A_19 = arith.constant 20 : i32
    %scan3A_20 = arith.addi %scan3A_18, %scan3A_19 : i32
    %scan3A_21 = arith.constant 1 : i32
    scf.for %scan3A_41 = %scan3A_18 to %scan3A_20 step %scan3A_21  : i32 {
      %mul3A_42 = arith.constant 2 : i32
      %mul3A_43 = arith.muli %mul3A_42, %scan3A_41 : i32
      %dma_wait3A_44 = arith.constant 0 : i32
      %dma_wait3A_45 = tpu.memref_slice %arg7[%mul3A_43, %dma_wait3A_44] : memref<40x128xi32, #tpu.memory_space<vmem>> -> memref<1x128xi32, #tpu.memory_space<vmem>>
      %dma_wait3A_46 = tpu.memref_squeeze %dma_wait3A_45 : memref<1x128xi32, #tpu.memory_space<vmem>> -> memref<128xi32, #tpu.memory_space<vmem>>
      %dma_wait3A_47 = arith.constant 0 : i32
      %dma_wait3A_48 = arith.constant 0 : i32
      %dma_wait3A_49 = tpu.memref_slice %arg2[%dma_wait3A_47, %dma_wait3A_48] : memref<60000x128xf32, #tpu.memory_space<hbm>> -> memref<60000x128xf32, #tpu.memory_space<hbm>>
      tpu.wait_indirect_dma semaphore(%arg12 : memref<!tpu.dma_semaphore, #tpu.memory_space<semaphore_mem>>) src(%dma_wait3A_49 : memref<60000x128xf32, #tpu.memory_space<hbm>>) dst(%arg9 : memref<128x128xf32, #tpu.memory_space<vmem>>)
      %dma_start3A_50 = arith.constant 0 : i32
      %dma_start3A_51 = tpu.memref_slice %arg8[%mul3A_43, %dma_start3A_50] : memref<40x128xi32, #tpu.memory_space<vmem>> -> memref<1x128xi32, #tpu.memory_space<vmem>>
      %dma_start3A_52 = tpu.memref_squeeze %dma_start3A_51 : memref<1x128xi32, #tpu.memory_space<vmem>> -> memref<128xi32, #tpu.memory_space<vmem>>
      %dma_start3A_53 = arith.constant 0 : i32
      %dma_start3A_54 = arith.constant 0 : i32
      %dma_start3A_55 = tpu.memref_slice %arg11[%dma_start3A_53, %dma_start3A_54] : memref<10112x128xf32, #tpu.memory_space<vmem_shared>> -> memref<10112x128xf32, #tpu.memory_space<vmem_shared>>
      tpu.enqueue_indirect_dma source(%arg9 : memref<128x128xf32, #tpu.memory_space<vmem>>) target(%dma_start3A_55 : memref<10112x128xf32, #tpu.memory_space<vmem_shared>>) offsets(%dma_start3A_52 : memref<128xi32, #tpu.memory_space<vmem>>) semaphore(%arg14 : memref<!tpu.dma_semaphore, #tpu.memory_space<semaphore_mem>>) {add = true}
      %add3A_56 = arith.constant 1 : i32
      %add3A_57 = arith.addi %mul3A_43, %add3A_56 : i32
      %dma_wait3A_58 = arith.constant 0 : i32
      %dma_wait3A_59 = tpu.memref_slice %arg7[%add3A_57, %dma_wait3A_58] : memref<40x128xi32, #tpu.memory_space<vmem>> -> memref<1x128xi32, #tpu.memory_space<vmem>>
      %dma_wait3A_60 = tpu.memref_squeeze %dma_wait3A_59 : memref<1x128xi32, #tpu.memory_space<vmem>> -> memref<128xi32, #tpu.memory_space<vmem>>
      %dma_wait3A_61 = arith.constant 0 : i32
      %dma_wait3A_62 = arith.constant 0 : i32
      %dma_wait3A_63 = tpu.memref_slice %arg2[%dma_wait3A_61, %dma_wait3A_62] : memref<60000x128xf32, #tpu.memory_space<hbm>> -> memref<60000x128xf32, #tpu.memory_space<hbm>>
      tpu.wait_indirect_dma semaphore(%arg13 : memref<!tpu.dma_semaphore, #tpu.memory_space<semaphore_mem>>) src(%dma_wait3A_63 : memref<60000x128xf32, #tpu.memory_space<hbm>>) dst(%arg10 : memref<128x128xf32, #tpu.memory_space<vmem>>)
      %add3A_64 = arith.constant 1 : i32
      %add3A_65 = arith.addi %mul3A_43, %add3A_64 : i32
      %dma_start3A_66 = arith.constant 0 : i32
      %dma_start3A_67 = tpu.memref_slice %arg8[%add3A_65, %dma_start3A_66] : memref<40x128xi32, #tpu.memory_space<vmem>> -> memref<1x128xi32, #tpu.memory_space<vmem>>
      %dma_start3A_68 = tpu.memref_squeeze %dma_start3A_67 : memref<1x128xi32, #tpu.memory_space<vmem>> -> memref<128xi32, #tpu.memory_space<vmem>>
      %dma_start3A_69 = arith.constant 0 : i32
      %dma_start3A_70 = arith.constant 0 : i32
      %dma_start3A_71 = tpu.memref_slice %arg11[%dma_start3A_69, %dma_start3A_70] : memref<10112x128xf32, #tpu.memory_space<vmem_shared>> -> memref<10112x128xf32, #tpu.memory_space<vmem_shared>>
      tpu.enqueue_indirect_dma source(%arg10 : memref<128x128xf32, #tpu.memory_space<vmem>>) target(%dma_start3A_71 : memref<10112x128xf32, #tpu.memory_space<vmem_shared>>) offsets(%dma_start3A_68 : memref<128xi32, #tpu.memory_space<vmem>>) semaphore(%arg15 : memref<!tpu.dma_semaphore, #tpu.memory_space<semaphore_mem>>) {add = true}
      %dma_wait3A_72 = arith.constant 0 : i32
      %dma_wait3A_73 = tpu.memref_slice %arg8[%mul3A_43, %dma_wait3A_72] : memref<40x128xi32, #tpu.memory_space<vmem>> -> memref<1x128xi32, #tpu.memory_space<vmem>>
      %dma_wait3A_74 = tpu.memref_squeeze %dma_wait3A_73 : memref<1x128xi32, #tpu.memory_space<vmem>> -> memref<128xi32, #tpu.memory_space<vmem>>
      %dma_wait3A_75 = arith.constant 0 : i32
      %dma_wait3A_76 = arith.constant 0 : i32
      %dma_wait3A_77 = tpu.memref_slice %arg11[%dma_wait3A_75, %dma_wait3A_76] : memref<10112x128xf32, #tpu.memory_space<vmem_shared>> -> memref<10112x128xf32, #tpu.memory_space<vmem_shared>>
      tpu.wait_indirect_dma semaphore(%arg14 : memref<!tpu.dma_semaphore, #tpu.memory_space<semaphore_mem>>) src(%arg9 : memref<128x128xf32, #tpu.memory_space<vmem>>) dst(%dma_wait3A_77 : memref<10112x128xf32, #tpu.memory_space<vmem_shared>>)
      %add3A_78 = arith.constant 2 : i32
      %add3A_79 = arith.addi %mul3A_43, %add3A_78 : i32
      %min3A = arith.constant 39 : i32
      %min3A_80 = arith.minsi %add3A_79, %min3A : i32
      %dma_start3A_81 = arith.constant 0 : i32
      %dma_start3A_82 = tpu.memref_slice %arg7[%min3A_80, %dma_start3A_81] : memref<40x128xi32, #tpu.memory_space<vmem>> -> memref<1x128xi32, #tpu.memory_space<vmem>>
      %dma_start3A_83 = tpu.memref_squeeze %dma_start3A_82 : memref<1x128xi32, #tpu.memory_space<vmem>> -> memref<128xi32, #tpu.memory_space<vmem>>
      %dma_start3A_84 = arith.constant 0 : i32
      %dma_start3A_85 = arith.constant 0 : i32
      %dma_start3A_86 = tpu.memref_slice %arg2[%dma_start3A_84, %dma_start3A_85] : memref<60000x128xf32, #tpu.memory_space<hbm>> -> memref<60000x128xf32, #tpu.memory_space<hbm>>
      tpu.enqueue_indirect_dma source(%dma_start3A_86 : memref<60000x128xf32, #tpu.memory_space<hbm>>) target(%arg9 : memref<128x128xf32, #tpu.memory_space<vmem>>) offsets(%dma_start3A_83 : memref<128xi32, #tpu.memory_space<vmem>>) semaphore(%arg12 : memref<!tpu.dma_semaphore, #tpu.memory_space<semaphore_mem>>)
      %add3A_87 = arith.constant 1 : i32
      %add3A_88 = arith.addi %mul3A_43, %add3A_87 : i32
      %dma_wait3A_89 = arith.constant 0 : i32
      %dma_wait3A_90 = tpu.memref_slice %arg8[%add3A_88, %dma_wait3A_89] : memref<40x128xi32, #tpu.memory_space<vmem>> -> memref<1x128xi32, #tpu.memory_space<vmem>>
      %dma_wait3A_91 = tpu.memref_squeeze %dma_wait3A_90 : memref<1x128xi32, #tpu.memory_space<vmem>> -> memref<128xi32, #tpu.memory_space<vmem>>
      %dma_wait3A_92 = arith.constant 0 : i32
      %dma_wait3A_93 = arith.constant 0 : i32
      %dma_wait3A_94 = tpu.memref_slice %arg11[%dma_wait3A_92, %dma_wait3A_93] : memref<10112x128xf32, #tpu.memory_space<vmem_shared>> -> memref<10112x128xf32, #tpu.memory_space<vmem_shared>>
      tpu.wait_indirect_dma semaphore(%arg15 : memref<!tpu.dma_semaphore, #tpu.memory_space<semaphore_mem>>) src(%arg10 : memref<128x128xf32, #tpu.memory_space<vmem>>) dst(%dma_wait3A_94 : memref<10112x128xf32, #tpu.memory_space<vmem_shared>>)
      %add3A_95 = arith.constant 3 : i32
      %add3A_96 = arith.addi %mul3A_43, %add3A_95 : i32
      %min3A_97 = arith.constant 39 : i32
      %min3A_98 = arith.minsi %add3A_96, %min3A_97 : i32
      %dma_start3A_99 = arith.constant 0 : i32
      %dma_start3A_100 = tpu.memref_slice %arg7[%min3A_98, %dma_start3A_99] : memref<40x128xi32, #tpu.memory_space<vmem>> -> memref<1x128xi32, #tpu.memory_space<vmem>>
      %dma_start3A_101 = tpu.memref_squeeze %dma_start3A_100 : memref<1x128xi32, #tpu.memory_space<vmem>> -> memref<128xi32, #tpu.memory_space<vmem>>
      %dma_start3A_102 = arith.constant 0 : i32
      %dma_start3A_103 = arith.constant 0 : i32
      %dma_start3A_104 = tpu.memref_slice %arg2[%dma_start3A_102, %dma_start3A_103] : memref<60000x128xf32, #tpu.memory_space<hbm>> -> memref<60000x128xf32, #tpu.memory_space<hbm>>
      tpu.enqueue_indirect_dma source(%dma_start3A_104 : memref<60000x128xf32, #tpu.memory_space<hbm>>) target(%arg10 : memref<128x128xf32, #tpu.memory_space<vmem>>) offsets(%dma_start3A_101 : memref<128xi32, #tpu.memory_space<vmem>>) semaphore(%arg13 : memref<!tpu.dma_semaphore, #tpu.memory_space<semaphore_mem>>)
    }
    %scan3A_22 = arith.constant 20 : i32
    %dma_wait3A = arith.constant 39 : i32
    %dma_wait3A_23 = arith.constant 0 : i32
    %dma_wait3A_24 = tpu.memref_slice %arg7[%dma_wait3A, %dma_wait3A_23] : memref<40x128xi32, #tpu.memory_space<vmem>> -> memref<1x128xi32, #tpu.memory_space<vmem>>
    %dma_wait3A_25 = tpu.memref_squeeze %dma_wait3A_24 : memref<1x128xi32, #tpu.memory_space<vmem>> -> memref<128xi32, #tpu.memory_space<vmem>>
    %dma_wait3A_26 = arith.constant 0 : i32
    %dma_wait3A_27 = arith.constant 0 : i32
    %dma_wait3A_28 = tpu.memref_slice %arg2[%dma_wait3A_26, %dma_wait3A_27] : memref<60000x128xf32, #tpu.memory_space<hbm>> -> memref<60000x128xf32, #tpu.memory_space<hbm>>
    tpu.wait_indirect_dma semaphore(%arg12 : memref<!tpu.dma_semaphore, #tpu.memory_space<semaphore_mem>>) src(%dma_wait3A_28 : memref<60000x128xf32, #tpu.memory_space<hbm>>) dst(%arg9 : memref<128x128xf32, #tpu.memory_space<vmem>>)
    %dma_wait3A_29 = arith.constant 39 : i32
    %dma_wait3A_30 = arith.constant 0 : i32
    %dma_wait3A_31 = tpu.memref_slice %arg7[%dma_wait3A_29, %dma_wait3A_30] : memref<40x128xi32, #tpu.memory_space<vmem>> -> memref<1x128xi32, #tpu.memory_space<vmem>>
    %dma_wait3A_32 = tpu.memref_squeeze %dma_wait3A_31 : memref<1x128xi32, #tpu.memory_space<vmem>> -> memref<128xi32, #tpu.memory_space<vmem>>
    %dma_wait3A_33 = arith.constant 0 : i32
    %dma_wait3A_34 = arith.constant 0 : i32
    %dma_wait3A_35 = tpu.memref_slice %arg2[%dma_wait3A_33, %dma_wait3A_34] : memref<60000x128xf32, #tpu.memory_space<hbm>> -> memref<60000x128xf32, #tpu.memory_space<hbm>>
    tpu.wait_indirect_dma semaphore(%arg13 : memref<!tpu.dma_semaphore, #tpu.memory_space<semaphore_mem>>) src(%dma_wait3A_35 : memref<60000x128xf32, #tpu.memory_space<hbm>>) dst(%arg10 : memref<128x128xf32, #tpu.memory_space<vmem>>)
    %barrier3A_36 = arith.constant 0 : index
    tpu.barrier barrier_id(%barrier3A_36)
    %mul3A_37 = arith.constant 632 : i32
    %mul3A_38 = arith.muli %arg1, %mul3A_37 : i32
    %mul3A_39 = arith.constant 632 : i32
    %mul3A_40 = arith.muli %arg1, %mul3A_39 : i32
    "tpu.region"() ({
      %run_scoped3A = tpu.sem_alloc : memref<!tpu.dma_semaphore, #tpu.memory_space<semaphore_mem>>
      %dma_start3A_41 = arith.constant 0 : i32
      %dma_start3A_42 = tpu.memref_slice %arg6[%arg0, %mul3A_40, %dma_start3A_41] : memref<2x10112x128xf32, #tpu.memory_space<hbm>> -> memref<1x632x128xf32, #tpu.memory_space<hbm>>
      %dma_start3A_43 = tpu.memref_squeeze %dma_start3A_42 : memref<1x632x128xf32, #tpu.memory_space<hbm>> -> memref<632x128xf32, #tpu.memory_space<hbm>>
      %dma_start3A_44 = arith.constant 0 : i32
      %dma_start3A_45 = tpu.memref_slice %arg11[%mul3A_38, %dma_start3A_44] : memref<10112x128xf32, #tpu.memory_space<vmem_shared>> -> memref<632x128xf32, #tpu.memory_space<vmem_shared>>
      tpu.enqueue_dma source(%dma_start3A_45 : memref<632x128xf32, #tpu.memory_space<vmem_shared>>) target(%dma_start3A_43 : memref<632x128xf32, #tpu.memory_space<hbm>>) target_semaphore(%run_scoped3A : memref<!tpu.dma_semaphore, #tpu.memory_space<semaphore_mem>>)
      %dma_wait3A_46 = arith.constant 0 : i32
      %dma_wait3A_47 = tpu.memref_slice %arg6[%arg0, %mul3A_40, %dma_wait3A_46] : memref<2x10112x128xf32, #tpu.memory_space<hbm>> -> memref<1x632x128xf32, #tpu.memory_space<hbm>>
      %dma_wait3A_48 = tpu.memref_squeeze %dma_wait3A_47 : memref<1x632x128xf32, #tpu.memory_space<hbm>> -> memref<632x128xf32, #tpu.memory_space<hbm>>
      %dma_wait3A_49 = arith.constant 0 : i32
      %dma_wait3A_50 = tpu.memref_slice %arg11[%mul3A_38, %dma_wait3A_49] : memref<10112x128xf32, #tpu.memory_space<vmem_shared>> -> memref<632x128xf32, #tpu.memory_space<vmem_shared>>
      tpu.wait_dma2 semaphore(%run_scoped3A : memref<!tpu.dma_semaphore, #tpu.memory_space<semaphore_mem>>) src(%dma_wait3A_50 : memref<632x128xf32, #tpu.memory_space<vmem_shared>>) dst(%dma_wait3A_48 : memref<632x128xf32, #tpu.memory_space<hbm>>)
      tpu.yield
    }) : () -> ()
    return
  }
}

#map = affine_map<(d0, d1) -> (0, 0)>
#map1 = affine_map<(d0, d1) -> (0, 0, 0)>
module attributes {stable_mosaic.version = 14 : i64} {
  func.func @_sc_aggr_body(%arg0: i32, %arg1: i32, %arg2: memref<60000x128xf32, #tpu.memory_space<hbm>>, %arg3: memref<32x40x128xi32, #tpu.memory_space<hbm>>, %arg4: memref<32x40x128xi32, #tpu.memory_space<hbm>>, %arg5: memref<10112x128xf32, #tpu.memory_space<hbm>>, %arg6: memref<2x10112x128xf32, #tpu.memory_space<hbm>>, %arg7: memref<40x128xi32, #tpu.memory_space<vmem>>, %arg8: memref<40x128xi32, #tpu.memory_space<vmem>>, %arg9: memref<128x128xf32, #tpu.memory_space<vmem>>, %arg10: memref<128x128xf32, #tpu.memory_space<vmem>>, %arg11: memref<10112x128xf32, #tpu.memory_space<vmem_shared>>, %arg12: memref<!tpu.dma_semaphore, #tpu.memory_space<semaphore_mem>>, %arg13: memref<!tpu.dma_semaphore, #tpu.memory_space<semaphore_mem>>, %arg14: memref<!tpu.dma_semaphore, #tpu.memory_space<semaphore_mem>>, %arg15: memref<!tpu.dma_semaphore, #tpu.memory_space<semaphore_mem>>) attributes {dimension_semantics = [#tpu.dimension_semantics<core_parallel>, #tpu.dimension_semantics<subcore_parallel>], iteration_bounds = array<i64: 2, 16>, scalar_prefetch = 0 : i64, scratch_operands = 9 : i64, tpu.core_type = #tpu.core_type<sc_vector_subcore>, window_params = [{transform_indices = #map}, {transform_indices = #map1}, {transform_indices = #map1}, {transform_indices = #map}, {transform_indices = #map1}]} {
    %mul3A = arith.constant 2 : i32
    %mul3A_0 = arith.muli %arg1, %mul3A : i32
    %add3A = arith.addi %mul3A_0, %arg0 : i32
    %mul3A_1 = arith.constant 632 : i32
    %mul3A_2 = arith.muli %arg1, %mul3A_1 : i32
    %mul3A_3 = arith.constant 632 : i32
    %mul3A_4 = arith.muli %arg1, %mul3A_3 : i32
    "tpu.region"() ({
      %run_scoped3A = tpu.sem_alloc : memref<!tpu.dma_semaphore, #tpu.memory_space<semaphore_mem>>
      %dma_start3A_41 = arith.constant 0 : i32
      %dma_start3A_42 = tpu.memref_slice %arg11[%mul3A_4, %dma_start3A_41] : memref<10112x128xf32, #tpu.memory_space<vmem_shared>> -> memref<632x128xf32, #tpu.memory_space<vmem_shared>>
      %dma_start3A_43 = arith.constant 0 : i32
      %dma_start3A_44 = tpu.memref_slice %arg5[%mul3A_2, %dma_start3A_43] : memref<10112x128xf32, #tpu.memory_space<hbm>> -> memref<632x128xf32, #tpu.memory_space<hbm>>
      tpu.enqueue_dma source(%dma_start3A_44 : memref<632x128xf32, #tpu.memory_space<hbm>>) target(%dma_start3A_42 : memref<632x128xf32, #tpu.memory_space<vmem_shared>>) target_semaphore(%run_scoped3A : memref<!tpu.dma_semaphore, #tpu.memory_space<semaphore_mem>>)
      %dma_wait3A_45 = arith.constant 0 : i32
      %dma_wait3A_46 = tpu.memref_slice %arg11[%mul3A_4, %dma_wait3A_45] : memref<10112x128xf32, #tpu.memory_space<vmem_shared>> -> memref<632x128xf32, #tpu.memory_space<vmem_shared>>
      %dma_wait3A_47 = arith.constant 0 : i32
      %dma_wait3A_48 = tpu.memref_slice %arg5[%mul3A_2, %dma_wait3A_47] : memref<10112x128xf32, #tpu.memory_space<hbm>> -> memref<632x128xf32, #tpu.memory_space<hbm>>
      tpu.wait_dma2 semaphore(%run_scoped3A : memref<!tpu.dma_semaphore, #tpu.memory_space<semaphore_mem>>) src(%dma_wait3A_48 : memref<632x128xf32, #tpu.memory_space<hbm>>) dst(%dma_wait3A_46 : memref<632x128xf32, #tpu.memory_space<vmem_shared>>)
      tpu.yield
    }) : () -> ()
    "tpu.region"() ({
      %run_scoped3A = tpu.sem_alloc : memref<!tpu.dma_semaphore, #tpu.memory_space<semaphore_mem>>
      %dma_start3A_41 = arith.constant 0 : i32
      %dma_start3A_42 = arith.constant 0 : i32
      %dma_start3A_43 = tpu.memref_slice %arg3[%add3A, %dma_start3A_41, %dma_start3A_42] : memref<32x40x128xi32, #tpu.memory_space<hbm>> -> memref<1x40x128xi32, #tpu.memory_space<hbm>>
      %dma_start3A_44 = tpu.memref_squeeze %dma_start3A_43 : memref<1x40x128xi32, #tpu.memory_space<hbm>> -> memref<40x128xi32, #tpu.memory_space<hbm>>
      %dma_start3A_45 = arith.constant 0 : i32
      %dma_start3A_46 = arith.constant 0 : i32
      %dma_start3A_47 = tpu.memref_slice %arg3[%add3A, %dma_start3A_45, %dma_start3A_46] : memref<32x40x128xi32, #tpu.memory_space<hbm>> -> memref<1x40x128xi32, #tpu.memory_space<hbm>>
      %dma_start3A_48 = tpu.memref_squeeze %dma_start3A_47 : memref<1x40x128xi32, #tpu.memory_space<hbm>> -> memref<40x128xi32, #tpu.memory_space<hbm>>
      tpu.enqueue_dma source(%dma_start3A_48 : memref<40x128xi32, #tpu.memory_space<hbm>>) target(%arg7 : memref<40x128xi32, #tpu.memory_space<vmem>>) target_semaphore(%run_scoped3A : memref<!tpu.dma_semaphore, #tpu.memory_space<semaphore_mem>>)
      %dma_wait3A_49 = arith.constant 0 : i32
      %dma_wait3A_50 = arith.constant 0 : i32
      %dma_wait3A_51 = tpu.memref_slice %arg3[%add3A, %dma_wait3A_49, %dma_wait3A_50] : memref<32x40x128xi32, #tpu.memory_space<hbm>> -> memref<1x40x128xi32, #tpu.memory_space<hbm>>
      %dma_wait3A_52 = tpu.memref_squeeze %dma_wait3A_51 : memref<1x40x128xi32, #tpu.memory_space<hbm>> -> memref<40x128xi32, #tpu.memory_space<hbm>>
      %dma_wait3A_53 = arith.constant 0 : i32
      %dma_wait3A_54 = arith.constant 0 : i32
      %dma_wait3A_55 = tpu.memref_slice %arg3[%add3A, %dma_wait3A_53, %dma_wait3A_54] : memref<32x40x128xi32, #tpu.memory_space<hbm>> -> memref<1x40x128xi32, #tpu.memory_space<hbm>>
      %dma_wait3A_56 = tpu.memref_squeeze %dma_wait3A_55 : memref<1x40x128xi32, #tpu.memory_space<hbm>> -> memref<40x128xi32, #tpu.memory_space<hbm>>
      tpu.wait_dma2 semaphore(%run_scoped3A : memref<!tpu.dma_semaphore, #tpu.memory_space<semaphore_mem>>) src(%dma_wait3A_56 : memref<40x128xi32, #tpu.memory_space<hbm>>) dst(%arg7 : memref<40x128xi32, #tpu.memory_space<vmem>>)
      tpu.yield
    }) : () -> ()
    "tpu.region"() ({
      %run_scoped3A = tpu.sem_alloc : memref<!tpu.dma_semaphore, #tpu.memory_space<semaphore_mem>>
      %dma_start3A_41 = arith.constant 0 : i32
      %dma_start3A_42 = arith.constant 0 : i32
      %dma_start3A_43 = tpu.memref_slice %arg4[%add3A, %dma_start3A_41, %dma_start3A_42] : memref<32x40x128xi32, #tpu.memory_space<hbm>> -> memref<1x40x128xi32, #tpu.memory_space<hbm>>
      %dma_start3A_44 = tpu.memref_squeeze %dma_start3A_43 : memref<1x40x128xi32, #tpu.memory_space<hbm>> -> memref<40x128xi32, #tpu.memory_space<hbm>>
      %dma_start3A_45 = arith.constant 0 : i32
      %dma_start3A_46 = arith.constant 0 : i32
      %dma_start3A_47 = tpu.memref_slice %arg4[%add3A, %dma_start3A_45, %dma_start3A_46] : memref<32x40x128xi32, #tpu.memory_space<hbm>> -> memref<1x40x128xi32, #tpu.memory_space<hbm>>
      %dma_start3A_48 = tpu.memref_squeeze %dma_start3A_47 : memref<1x40x128xi32, #tpu.memory_space<hbm>> -> memref<40x128xi32, #tpu.memory_space<hbm>>
      tpu.enqueue_dma source(%dma_start3A_48 : memref<40x128xi32, #tpu.memory_space<hbm>>) target(%arg8 : memref<40x128xi32, #tpu.memory_space<vmem>>) target_semaphore(%run_scoped3A : memref<!tpu.dma_semaphore, #tpu.memory_space<semaphore_mem>>)
      %dma_wait3A_49 = arith.constant 0 : i32
      %dma_wait3A_50 = arith.constant 0 : i32
      %dma_wait3A_51 = tpu.memref_slice %arg4[%add3A, %dma_wait3A_49, %dma_wait3A_50] : memref<32x40x128xi32, #tpu.memory_space<hbm>> -> memref<1x40x128xi32, #tpu.memory_space<hbm>>
      %dma_wait3A_52 = tpu.memref_squeeze %dma_wait3A_51 : memref<1x40x128xi32, #tpu.memory_space<hbm>> -> memref<40x128xi32, #tpu.memory_space<hbm>>
      %dma_wait3A_53 = arith.constant 0 : i32
      %dma_wait3A_54 = arith.constant 0 : i32
      %dma_wait3A_55 = tpu.memref_slice %arg4[%add3A, %dma_wait3A_53, %dma_wait3A_54] : memref<32x40x128xi32, #tpu.memory_space<hbm>> -> memref<1x40x128xi32, #tpu.memory_space<hbm>>
      %dma_wait3A_56 = tpu.memref_squeeze %dma_wait3A_55 : memref<1x40x128xi32, #tpu.memory_space<hbm>> -> memref<40x128xi32, #tpu.memory_space<hbm>>
      tpu.wait_dma2 semaphore(%run_scoped3A : memref<!tpu.dma_semaphore, #tpu.memory_space<semaphore_mem>>) src(%dma_wait3A_56 : memref<40x128xi32, #tpu.memory_space<hbm>>) dst(%arg8 : memref<40x128xi32, #tpu.memory_space<vmem>>)
      tpu.yield
    }) : () -> ()
    %barrier3A = arith.constant 0 : index
    tpu.barrier barrier_id(%barrier3A)
    %dma_start3A = arith.constant 0 : i32
    %dma_start3A_5 = arith.constant 0 : i32
    %dma_start3A_6 = tpu.memref_slice %arg7[%dma_start3A, %dma_start3A_5] : memref<40x128xi32, #tpu.memory_space<vmem>> -> memref<1x128xi32, #tpu.memory_space<vmem>>
    %dma_start3A_7 = tpu.memref_squeeze %dma_start3A_6 : memref<1x128xi32, #tpu.memory_space<vmem>> -> memref<128xi32, #tpu.memory_space<vmem>>
    %dma_start3A_8 = arith.constant 0 : i32
    %dma_start3A_9 = arith.constant 0 : i32
    %dma_start3A_10 = tpu.memref_slice %arg2[%dma_start3A_8, %dma_start3A_9] : memref<60000x128xf32, #tpu.memory_space<hbm>> -> memref<60000x128xf32, #tpu.memory_space<hbm>>
    tpu.enqueue_indirect_dma source(%dma_start3A_10 : memref<60000x128xf32, #tpu.memory_space<hbm>>) target(%arg9 : memref<128x128xf32, #tpu.memory_space<vmem>>) offsets(%dma_start3A_7 : memref<128xi32, #tpu.memory_space<vmem>>) semaphore(%arg12 : memref<!tpu.dma_semaphore, #tpu.memory_space<semaphore_mem>>)
    %dma_start3A_11 = arith.constant 1 : i32
    %dma_start3A_12 = arith.constant 0 : i32
    %dma_start3A_13 = tpu.memref_slice %arg7[%dma_start3A_11, %dma_start3A_12] : memref<40x128xi32, #tpu.memory_space<vmem>> -> memref<1x128xi32, #tpu.memory_space<vmem>>
    %dma_start3A_14 = tpu.memref_squeeze %dma_start3A_13 : memref<1x128xi32, #tpu.memory_space<vmem>> -> memref<128xi32, #tpu.memory_space<vmem>>
    %dma_start3A_15 = arith.constant 0 : i32
    %dma_start3A_16 = arith.constant 0 : i32
    %dma_start3A_17 = tpu.memref_slice %arg2[%dma_start3A_15, %dma_start3A_16] : memref<60000x128xf32, #tpu.memory_space<hbm>> -> memref<60000x128xf32, #tpu.memory_space<hbm>>
    tpu.enqueue_indirect_dma source(%dma_start3A_17 : memref<60000x128xf32, #tpu.memory_space<hbm>>) target(%arg10 : memref<128x128xf32, #tpu.memory_space<vmem>>) offsets(%dma_start3A_14 : memref<128xi32, #tpu.memory_space<vmem>>) semaphore(%arg13 : memref<!tpu.dma_semaphore, #tpu.memory_space<semaphore_mem>>)
    %scan3A = arith.constant 0 : i32
    %scan3A_18 = arith.constant 0 : i32
    %scan3A_19 = arith.constant 20 : i32
    %scan3A_20 = arith.addi %scan3A_18, %scan3A_19 : i32
    %scan3A_21 = arith.constant 1 : i32
    scf.for %scan3A_41 = %scan3A_18 to %scan3A_20 step %scan3A_21  : i32 {
      %mul3A_42 = arith.constant 2 : i32
      %mul3A_43 = arith.muli %mul3A_42, %scan3A_41 : i32
      %dma_wait3A_44 = arith.constant 0 : i32
      %dma_wait3A_45 = tpu.memref_slice %arg7[%mul3A_43, %dma_wait3A_44] : memref<40x128xi32, #tpu.memory_space<vmem>> -> memref<1x128xi32, #tpu.memory_space<vmem>>
      %dma_wait3A_46 = tpu.memref_squeeze %dma_wait3A_45 : memref<1x128xi32, #tpu.memory_space<vmem>> -> memref<128xi32, #tpu.memory_space<vmem>>
      %dma_wait3A_47 = arith.constant 0 : i32
      %dma_wait3A_48 = arith.constant 0 : i32
      %dma_wait3A_49 = tpu.memref_slice %arg2[%dma_wait3A_47, %dma_wait3A_48] : memref<60000x128xf32, #tpu.memory_space<hbm>> -> memref<60000x128xf32, #tpu.memory_space<hbm>>
      tpu.wait_indirect_dma semaphore(%arg12 : memref<!tpu.dma_semaphore, #tpu.memory_space<semaphore_mem>>) src(%dma_wait3A_49 : memref<60000x128xf32, #tpu.memory_space<hbm>>) dst(%arg9 : memref<128x128xf32, #tpu.memory_space<vmem>>)
      %dma_start3A_50 = arith.constant 0 : i32
      %dma_start3A_51 = tpu.memref_slice %arg8[%mul3A_43, %dma_start3A_50] : memref<40x128xi32, #tpu.memory_space<vmem>> -> memref<1x128xi32, #tpu.memory_space<vmem>>
      %dma_start3A_52 = tpu.memref_squeeze %dma_start3A_51 : memref<1x128xi32, #tpu.memory_space<vmem>> -> memref<128xi32, #tpu.memory_space<vmem>>
      %dma_start3A_53 = arith.constant 0 : i32
      %dma_start3A_54 = arith.constant 0 : i32
      %dma_start3A_55 = tpu.memref_slice %arg11[%dma_start3A_53, %dma_start3A_54] : memref<10112x128xf32, #tpu.memory_space<vmem_shared>> -> memref<10112x128xf32, #tpu.memory_space<vmem_shared>>
      tpu.enqueue_indirect_dma source(%arg9 : memref<128x128xf32, #tpu.memory_space<vmem>>) target(%dma_start3A_55 : memref<10112x128xf32, #tpu.memory_space<vmem_shared>>) offsets(%dma_start3A_52 : memref<128xi32, #tpu.memory_space<vmem>>) semaphore(%arg14 : memref<!tpu.dma_semaphore, #tpu.memory_space<semaphore_mem>>) {add = true}
      %add3A_56 = arith.constant 1 : i32
      %add3A_57 = arith.addi %mul3A_43, %add3A_56 : i32
      %dma_wait3A_58 = arith.constant 0 : i32
      %dma_wait3A_59 = tpu.memref_slice %arg7[%add3A_57, %dma_wait3A_58] : memref<40x128xi32, #tpu.memory_space<vmem>> -> memref<1x128xi32, #tpu.memory_space<vmem>>
      %dma_wait3A_60 = tpu.memref_squeeze %dma_wait3A_59 : memref<1x128xi32, #tpu.memory_space<vmem>> -> memref<128xi32, #tpu.memory_space<vmem>>
      %dma_wait3A_61 = arith.constant 0 : i32
      %dma_wait3A_62 = arith.constant 0 : i32
      %dma_wait3A_63 = tpu.memref_slice %arg2[%dma_wait3A_61, %dma_wait3A_62] : memref<60000x128xf32, #tpu.memory_space<hbm>> -> memref<60000x128xf32, #tpu.memory_space<hbm>>
      tpu.wait_indirect_dma semaphore(%arg13 : memref<!tpu.dma_semaphore, #tpu.memory_space<semaphore_mem>>) src(%dma_wait3A_63 : memref<60000x128xf32, #tpu.memory_space<hbm>>) dst(%arg10 : memref<128x128xf32, #tpu.memory_space<vmem>>)
      %add3A_64 = arith.constant 1 : i32
      %add3A_65 = arith.addi %mul3A_43, %add3A_64 : i32
      %dma_start3A_66 = arith.constant 0 : i32
      %dma_start3A_67 = tpu.memref_slice %arg8[%add3A_65, %dma_start3A_66] : memref<40x128xi32, #tpu.memory_space<vmem>> -> memref<1x128xi32, #tpu.memory_space<vmem>>
      %dma_start3A_68 = tpu.memref_squeeze %dma_start3A_67 : memref<1x128xi32, #tpu.memory_space<vmem>> -> memref<128xi32, #tpu.memory_space<vmem>>
      %dma_start3A_69 = arith.constant 0 : i32
      %dma_start3A_70 = arith.constant 0 : i32
      %dma_start3A_71 = tpu.memref_slice %arg11[%dma_start3A_69, %dma_start3A_70] : memref<10112x128xf32, #tpu.memory_space<vmem_shared>> -> memref<10112x128xf32, #tpu.memory_space<vmem_shared>>
      tpu.enqueue_indirect_dma source(%arg10 : memref<128x128xf32, #tpu.memory_space<vmem>>) target(%dma_start3A_71 : memref<10112x128xf32, #tpu.memory_space<vmem_shared>>) offsets(%dma_start3A_68 : memref<128xi32, #tpu.memory_space<vmem>>) semaphore(%arg15 : memref<!tpu.dma_semaphore, #tpu.memory_space<semaphore_mem>>) {add = true}
      %dma_wait3A_72 = arith.constant 0 : i32
      %dma_wait3A_73 = tpu.memref_slice %arg8[%mul3A_43, %dma_wait3A_72] : memref<40x128xi32, #tpu.memory_space<vmem>> -> memref<1x128xi32, #tpu.memory_space<vmem>>
      %dma_wait3A_74 = tpu.memref_squeeze %dma_wait3A_73 : memref<1x128xi32, #tpu.memory_space<vmem>> -> memref<128xi32, #tpu.memory_space<vmem>>
      %dma_wait3A_75 = arith.constant 0 : i32
      %dma_wait3A_76 = arith.constant 0 : i32
      %dma_wait3A_77 = tpu.memref_slice %arg11[%dma_wait3A_75, %dma_wait3A_76] : memref<10112x128xf32, #tpu.memory_space<vmem_shared>> -> memref<10112x128xf32, #tpu.memory_space<vmem_shared>>
      tpu.wait_indirect_dma semaphore(%arg14 : memref<!tpu.dma_semaphore, #tpu.memory_space<semaphore_mem>>) src(%arg9 : memref<128x128xf32, #tpu.memory_space<vmem>>) dst(%dma_wait3A_77 : memref<10112x128xf32, #tpu.memory_space<vmem_shared>>)
      %add3A_78 = arith.constant 2 : i32
      %add3A_79 = arith.addi %mul3A_43, %add3A_78 : i32
      %min3A = arith.constant 39 : i32
      %min3A_80 = arith.minsi %add3A_79, %min3A : i32
      %dma_start3A_81 = arith.constant 0 : i32
      %dma_start3A_82 = tpu.memref_slice %arg7[%min3A_80, %dma_start3A_81] : memref<40x128xi32, #tpu.memory_space<vmem>> -> memref<1x128xi32, #tpu.memory_space<vmem>>
      %dma_start3A_83 = tpu.memref_squeeze %dma_start3A_82 : memref<1x128xi32, #tpu.memory_space<vmem>> -> memref<128xi32, #tpu.memory_space<vmem>>
      %dma_start3A_84 = arith.constant 0 : i32
      %dma_start3A_85 = arith.constant 0 : i32
      %dma_start3A_86 = tpu.memref_slice %arg2[%dma_start3A_84, %dma_start3A_85] : memref<60000x128xf32, #tpu.memory_space<hbm>> -> memref<60000x128xf32, #tpu.memory_space<hbm>>
      tpu.enqueue_indirect_dma source(%dma_start3A_86 : memref<60000x128xf32, #tpu.memory_space<hbm>>) target(%arg9 : memref<128x128xf32, #tpu.memory_space<vmem>>) offsets(%dma_start3A_83 : memref<128xi32, #tpu.memory_space<vmem>>) semaphore(%arg12 : memref<!tpu.dma_semaphore, #tpu.memory_space<semaphore_mem>>)
      %add3A_87 = arith.constant 1 : i32
      %add3A_88 = arith.addi %mul3A_43, %add3A_87 : i32
      %dma_wait3A_89 = arith.constant 0 : i32
      %dma_wait3A_90 = tpu.memref_slice %arg8[%add3A_88, %dma_wait3A_89] : memref<40x128xi32, #tpu.memory_space<vmem>> -> memref<1x128xi32, #tpu.memory_space<vmem>>
      %dma_wait3A_91 = tpu.memref_squeeze %dma_wait3A_90 : memref<1x128xi32, #tpu.memory_space<vmem>> -> memref<128xi32, #tpu.memory_space<vmem>>
      %dma_wait3A_92 = arith.constant 0 : i32
      %dma_wait3A_93 = arith.constant 0 : i32
      %dma_wait3A_94 = tpu.memref_slice %arg11[%dma_wait3A_92, %dma_wait3A_93] : memref<10112x128xf32, #tpu.memory_space<vmem_shared>> -> memref<10112x128xf32, #tpu.memory_space<vmem_shared>>
      tpu.wait_indirect_dma semaphore(%arg15 : memref<!tpu.dma_semaphore, #tpu.memory_space<semaphore_mem>>) src(%arg10 : memref<128x128xf32, #tpu.memory_space<vmem>>) dst(%dma_wait3A_94 : memref<10112x128xf32, #tpu.memory_space<vmem_shared>>)
      %add3A_95 = arith.constant 3 : i32
      %add3A_96 = arith.addi %mul3A_43, %add3A_95 : i32
      %min3A_97 = arith.constant 39 : i32
      %min3A_98 = arith.minsi %add3A_96, %min3A_97 : i32
      %dma_start3A_99 = arith.constant 0 : i32
      %dma_start3A_100 = tpu.memref_slice %arg7[%min3A_98, %dma_start3A_99] : memref<40x128xi32, #tpu.memory_space<vmem>> -> memref<1x128xi32, #tpu.memory_space<vmem>>
      %dma_start3A_101 = tpu.memref_squeeze %dma_start3A_100 : memref<1x128xi32, #tpu.memory_space<vmem>> -> memref<128xi32, #tpu.memory_space<vmem>>
      %dma_start3A_102 = arith.constant 0 : i32
      %dma_start3A_103 = arith.constant 0 : i32
      %dma_start3A_104 = tpu.memref_slice %arg2[%dma_start3A_102, %dma_start3A_103] : memref<60000x128xf32, #tpu.memory_space<hbm>> -> memref<60000x128xf32, #tpu.memory_space<hbm>>
      tpu.enqueue_indirect_dma source(%dma_start3A_104 : memref<60000x128xf32, #tpu.memory_space<hbm>>) target(%arg10 : memref<128x128xf32, #tpu.memory_space<vmem>>) offsets(%dma_start3A_101 : memref<128xi32, #tpu.memory_space<vmem>>) semaphore(%arg13 : memref<!tpu.dma_semaphore, #tpu.memory_space<semaphore_mem>>)
    }
    %scan3A_22 = arith.constant 20 : i32
    %dma_wait3A = arith.constant 39 : i32
    %dma_wait3A_23 = arith.constant 0 : i32
    %dma_wait3A_24 = tpu.memref_slice %arg7[%dma_wait3A, %dma_wait3A_23] : memref<40x128xi32, #tpu.memory_space<vmem>> -> memref<1x128xi32, #tpu.memory_space<vmem>>
    %dma_wait3A_25 = tpu.memref_squeeze %dma_wait3A_24 : memref<1x128xi32, #tpu.memory_space<vmem>> -> memref<128xi32, #tpu.memory_space<vmem>>
    %dma_wait3A_26 = arith.constant 0 : i32
    %dma_wait3A_27 = arith.constant 0 : i32
    %dma_wait3A_28 = tpu.memref_slice %arg2[%dma_wait3A_26, %dma_wait3A_27] : memref<60000x128xf32, #tpu.memory_space<hbm>> -> memref<60000x128xf32, #tpu.memory_space<hbm>>
    tpu.wait_indirect_dma semaphore(%arg12 : memref<!tpu.dma_semaphore, #tpu.memory_space<semaphore_mem>>) src(%dma_wait3A_28 : memref<60000x128xf32, #tpu.memory_space<hbm>>) dst(%arg9 : memref<128x128xf32, #tpu.memory_space<vmem>>)
    %dma_wait3A_29 = arith.constant 39 : i32
    %dma_wait3A_30 = arith.constant 0 : i32
    %dma_wait3A_31 = tpu.memref_slice %arg7[%dma_wait3A_29, %dma_wait3A_30] : memref<40x128xi32, #tpu.memory_space<vmem>> -> memref<1x128xi32, #tpu.memory_space<vmem>>
    %dma_wait3A_32 = tpu.memref_squeeze %dma_wait3A_31 : memref<1x128xi32, #tpu.memory_space<vmem>> -> memref<128xi32, #tpu.memory_space<vmem>>
    %dma_wait3A_33 = arith.constant 0 : i32
    %dma_wait3A_34 = arith.constant 0 : i32
    %dma_wait3A_35 = tpu.memref_slice %arg2[%dma_wait3A_33, %dma_wait3A_34] : memref<60000x128xf32, #tpu.memory_space<hbm>> -> memref<60000x128xf32, #tpu.memory_space<hbm>>
    tpu.wait_indirect_dma semaphore(%arg13 : memref<!tpu.dma_semaphore, #tpu.memory_space<semaphore_mem>>) src(%dma_wait3A_35 : memref<60000x128xf32, #tpu.memory_space<hbm>>) dst(%arg10 : memref<128x128xf32, #tpu.memory_space<vmem>>)
    %barrier3A_36 = arith.constant 0 : index
    tpu.barrier barrier_id(%barrier3A_36)
    %mul3A_37 = arith.constant 632 : i32
    %mul3A_38 = arith.muli %arg1, %mul3A_37 : i32
    %mul3A_39 = arith.constant 632 : i32
    %mul3A_40 = arith.muli %arg1, %mul3A_39 : i32
    "tpu.region"() ({
      %run_scoped3A = tpu.sem_alloc : memref<!tpu.dma_semaphore, #tpu.memory_space<semaphore_mem>>
      %dma_start3A_41 = arith.constant 0 : i32
      %dma_start3A_42 = tpu.memref_slice %arg6[%arg0, %mul3A_40, %dma_start3A_41] : memref<2x10112x128xf32, #tpu.memory_space<hbm>> -> memref<1x632x128xf32, #tpu.memory_space<hbm>>
      %dma_start3A_43 = tpu.memref_squeeze %dma_start3A_42 : memref<1x632x128xf32, #tpu.memory_space<hbm>> -> memref<632x128xf32, #tpu.memory_space<hbm>>
      %dma_start3A_44 = arith.constant 0 : i32
      %dma_start3A_45 = tpu.memref_slice %arg11[%mul3A_38, %dma_start3A_44] : memref<10112x128xf32, #tpu.memory_space<vmem_shared>> -> memref<632x128xf32, #tpu.memory_space<vmem_shared>>
      tpu.enqueue_dma source(%dma_start3A_45 : memref<632x128xf32, #tpu.memory_space<vmem_shared>>) target(%dma_start3A_43 : memref<632x128xf32, #tpu.memory_space<hbm>>) target_semaphore(%run_scoped3A : memref<!tpu.dma_semaphore, #tpu.memory_space<semaphore_mem>>)
      %dma_wait3A_46 = arith.constant 0 : i32
      %dma_wait3A_47 = tpu.memref_slice %arg6[%arg0, %mul3A_40, %dma_wait3A_46] : memref<2x10112x128xf32, #tpu.memory_space<hbm>> -> memref<1x632x128xf32, #tpu.memory_space<hbm>>
      %dma_wait3A_48 = tpu.memref_squeeze %dma_wait3A_47 : memref<1x632x128xf32, #tpu.memory_space<hbm>> -> memref<632x128xf32, #tpu.memory_space<hbm>>
      %dma_wait3A_49 = arith.constant 0 : i32
      %dma_wait3A_50 = tpu.memref_slice %arg11[%mul3A_38, %dma_wait3A_49] : memref<10112x128xf32, #tpu.memory_space<vmem_shared>> -> memref<632x128xf32, #tpu.memory_space<vmem_shared>>
      tpu.wait_dma2 semaphore(%run_scoped3A : memref<!tpu.dma_semaphore, #tpu.memory_space<semaphore_mem>>) src(%dma_wait3A_50 : memref<632x128xf32, #tpu.memory_space<vmem_shared>>) dst(%dma_wait3A_48 : memref<632x128xf32, #tpu.memory_space<hbm>>)
      tpu.yield
    }) : () -> ()
    return
  }
}

#map = affine_map<(d0, d1) -> (0, 0)>
#map1 = affine_map<(d0, d1) -> (0, 0, 0)>
module attributes {stable_mosaic.version = 14 : i64} {
  func.func @_sc_aggr_body(%arg0: i32, %arg1: i32, %arg2: memref<60000x128xf32, #tpu.memory_space<hbm>>, %arg3: memref<32x40x128xi32, #tpu.memory_space<hbm>>, %arg4: memref<32x40x128xi32, #tpu.memory_space<hbm>>, %arg5: memref<10112x128xf32, #tpu.memory_space<hbm>>, %arg6: memref<2x10112x128xf32, #tpu.memory_space<hbm>>, %arg7: memref<40x128xi32, #tpu.memory_space<vmem>>, %arg8: memref<40x128xi32, #tpu.memory_space<vmem>>, %arg9: memref<128x128xf32, #tpu.memory_space<vmem>>, %arg10: memref<128x128xf32, #tpu.memory_space<vmem>>, %arg11: memref<10112x128xf32, #tpu.memory_space<vmem_shared>>, %arg12: memref<!tpu.dma_semaphore, #tpu.memory_space<semaphore_mem>>, %arg13: memref<!tpu.dma_semaphore, #tpu.memory_space<semaphore_mem>>, %arg14: memref<!tpu.dma_semaphore, #tpu.memory_space<semaphore_mem>>, %arg15: memref<!tpu.dma_semaphore, #tpu.memory_space<semaphore_mem>>) attributes {dimension_semantics = [#tpu.dimension_semantics<core_parallel>, #tpu.dimension_semantics<subcore_parallel>], iteration_bounds = array<i64: 2, 16>, scalar_prefetch = 0 : i64, scratch_operands = 9 : i64, tpu.core_type = #tpu.core_type<sc_vector_subcore>, window_params = [{transform_indices = #map}, {transform_indices = #map1}, {transform_indices = #map1}, {transform_indices = #map}, {transform_indices = #map1}]} {
    %mul3A = arith.constant 2 : i32
    %mul3A_0 = arith.muli %arg1, %mul3A : i32
    %add3A = arith.addi %mul3A_0, %arg0 : i32
    %mul3A_1 = arith.constant 632 : i32
    %mul3A_2 = arith.muli %arg1, %mul3A_1 : i32
    %mul3A_3 = arith.constant 632 : i32
    %mul3A_4 = arith.muli %arg1, %mul3A_3 : i32
    "tpu.region"() ({
      %run_scoped3A = tpu.sem_alloc : memref<!tpu.dma_semaphore, #tpu.memory_space<semaphore_mem>>
      %dma_start3A_41 = arith.constant 0 : i32
      %dma_start3A_42 = tpu.memref_slice %arg11[%mul3A_4, %dma_start3A_41] : memref<10112x128xf32, #tpu.memory_space<vmem_shared>> -> memref<632x128xf32, #tpu.memory_space<vmem_shared>>
      %dma_start3A_43 = arith.constant 0 : i32
      %dma_start3A_44 = tpu.memref_slice %arg5[%mul3A_2, %dma_start3A_43] : memref<10112x128xf32, #tpu.memory_space<hbm>> -> memref<632x128xf32, #tpu.memory_space<hbm>>
      tpu.enqueue_dma source(%dma_start3A_44 : memref<632x128xf32, #tpu.memory_space<hbm>>) target(%dma_start3A_42 : memref<632x128xf32, #tpu.memory_space<vmem_shared>>) target_semaphore(%run_scoped3A : memref<!tpu.dma_semaphore, #tpu.memory_space<semaphore_mem>>)
      %dma_wait3A_45 = arith.constant 0 : i32
      %dma_wait3A_46 = tpu.memref_slice %arg11[%mul3A_4, %dma_wait3A_45] : memref<10112x128xf32, #tpu.memory_space<vmem_shared>> -> memref<632x128xf32, #tpu.memory_space<vmem_shared>>
      %dma_wait3A_47 = arith.constant 0 : i32
      %dma_wait3A_48 = tpu.memref_slice %arg5[%mul3A_2, %dma_wait3A_47] : memref<10112x128xf32, #tpu.memory_space<hbm>> -> memref<632x128xf32, #tpu.memory_space<hbm>>
      tpu.wait_dma2 semaphore(%run_scoped3A : memref<!tpu.dma_semaphore, #tpu.memory_space<semaphore_mem>>) src(%dma_wait3A_48 : memref<632x128xf32, #tpu.memory_space<hbm>>) dst(%dma_wait3A_46 : memref<632x128xf32, #tpu.memory_space<vmem_shared>>)
      tpu.yield
    }) : () -> ()
    "tpu.region"() ({
      %run_scoped3A = tpu.sem_alloc : memref<!tpu.dma_semaphore, #tpu.memory_space<semaphore_mem>>
      %dma_start3A_41 = arith.constant 0 : i32
      %dma_start3A_42 = arith.constant 0 : i32
      %dma_start3A_43 = tpu.memref_slice %arg3[%add3A, %dma_start3A_41, %dma_start3A_42] : memref<32x40x128xi32, #tpu.memory_space<hbm>> -> memref<1x40x128xi32, #tpu.memory_space<hbm>>
      %dma_start3A_44 = tpu.memref_squeeze %dma_start3A_43 : memref<1x40x128xi32, #tpu.memory_space<hbm>> -> memref<40x128xi32, #tpu.memory_space<hbm>>
      %dma_start3A_45 = arith.constant 0 : i32
      %dma_start3A_46 = arith.constant 0 : i32
      %dma_start3A_47 = tpu.memref_slice %arg3[%add3A, %dma_start3A_45, %dma_start3A_46] : memref<32x40x128xi32, #tpu.memory_space<hbm>> -> memref<1x40x128xi32, #tpu.memory_space<hbm>>
      %dma_start3A_48 = tpu.memref_squeeze %dma_start3A_47 : memref<1x40x128xi32, #tpu.memory_space<hbm>> -> memref<40x128xi32, #tpu.memory_space<hbm>>
      tpu.enqueue_dma source(%dma_start3A_48 : memref<40x128xi32, #tpu.memory_space<hbm>>) target(%arg7 : memref<40x128xi32, #tpu.memory_space<vmem>>) target_semaphore(%run_scoped3A : memref<!tpu.dma_semaphore, #tpu.memory_space<semaphore_mem>>)
      %dma_wait3A_49 = arith.constant 0 : i32
      %dma_wait3A_50 = arith.constant 0 : i32
      %dma_wait3A_51 = tpu.memref_slice %arg3[%add3A, %dma_wait3A_49, %dma_wait3A_50] : memref<32x40x128xi32, #tpu.memory_space<hbm>> -> memref<1x40x128xi32, #tpu.memory_space<hbm>>
      %dma_wait3A_52 = tpu.memref_squeeze %dma_wait3A_51 : memref<1x40x128xi32, #tpu.memory_space<hbm>> -> memref<40x128xi32, #tpu.memory_space<hbm>>
      %dma_wait3A_53 = arith.constant 0 : i32
      %dma_wait3A_54 = arith.constant 0 : i32
      %dma_wait3A_55 = tpu.memref_slice %arg3[%add3A, %dma_wait3A_53, %dma_wait3A_54] : memref<32x40x128xi32, #tpu.memory_space<hbm>> -> memref<1x40x128xi32, #tpu.memory_space<hbm>>
      %dma_wait3A_56 = tpu.memref_squeeze %dma_wait3A_55 : memref<1x40x128xi32, #tpu.memory_space<hbm>> -> memref<40x128xi32, #tpu.memory_space<hbm>>
      tpu.wait_dma2 semaphore(%run_scoped3A : memref<!tpu.dma_semaphore, #tpu.memory_space<semaphore_mem>>) src(%dma_wait3A_56 : memref<40x128xi32, #tpu.memory_space<hbm>>) dst(%arg7 : memref<40x128xi32, #tpu.memory_space<vmem>>)
      tpu.yield
    }) : () -> ()
    "tpu.region"() ({
      %run_scoped3A = tpu.sem_alloc : memref<!tpu.dma_semaphore, #tpu.memory_space<semaphore_mem>>
      %dma_start3A_41 = arith.constant 0 : i32
      %dma_start3A_42 = arith.constant 0 : i32
      %dma_start3A_43 = tpu.memref_slice %arg4[%add3A, %dma_start3A_41, %dma_start3A_42] : memref<32x40x128xi32, #tpu.memory_space<hbm>> -> memref<1x40x128xi32, #tpu.memory_space<hbm>>
      %dma_start3A_44 = tpu.memref_squeeze %dma_start3A_43 : memref<1x40x128xi32, #tpu.memory_space<hbm>> -> memref<40x128xi32, #tpu.memory_space<hbm>>
      %dma_start3A_45 = arith.constant 0 : i32
      %dma_start3A_46 = arith.constant 0 : i32
      %dma_start3A_47 = tpu.memref_slice %arg4[%add3A, %dma_start3A_45, %dma_start3A_46] : memref<32x40x128xi32, #tpu.memory_space<hbm>> -> memref<1x40x128xi32, #tpu.memory_space<hbm>>
      %dma_start3A_48 = tpu.memref_squeeze %dma_start3A_47 : memref<1x40x128xi32, #tpu.memory_space<hbm>> -> memref<40x128xi32, #tpu.memory_space<hbm>>
      tpu.enqueue_dma source(%dma_start3A_48 : memref<40x128xi32, #tpu.memory_space<hbm>>) target(%arg8 : memref<40x128xi32, #tpu.memory_space<vmem>>) target_semaphore(%run_scoped3A : memref<!tpu.dma_semaphore, #tpu.memory_space<semaphore_mem>>)
      %dma_wait3A_49 = arith.constant 0 : i32
      %dma_wait3A_50 = arith.constant 0 : i32
      %dma_wait3A_51 = tpu.memref_slice %arg4[%add3A, %dma_wait3A_49, %dma_wait3A_50] : memref<32x40x128xi32, #tpu.memory_space<hbm>> -> memref<1x40x128xi32, #tpu.memory_space<hbm>>
      %dma_wait3A_52 = tpu.memref_squeeze %dma_wait3A_51 : memref<1x40x128xi32, #tpu.memory_space<hbm>> -> memref<40x128xi32, #tpu.memory_space<hbm>>
      %dma_wait3A_53 = arith.constant 0 : i32
      %dma_wait3A_54 = arith.constant 0 : i32
      %dma_wait3A_55 = tpu.memref_slice %arg4[%add3A, %dma_wait3A_53, %dma_wait3A_54] : memref<32x40x128xi32, #tpu.memory_space<hbm>> -> memref<1x40x128xi32, #tpu.memory_space<hbm>>
      %dma_wait3A_56 = tpu.memref_squeeze %dma_wait3A_55 : memref<1x40x128xi32, #tpu.memory_space<hbm>> -> memref<40x128xi32, #tpu.memory_space<hbm>>
      tpu.wait_dma2 semaphore(%run_scoped3A : memref<!tpu.dma_semaphore, #tpu.memory_space<semaphore_mem>>) src(%dma_wait3A_56 : memref<40x128xi32, #tpu.memory_space<hbm>>) dst(%arg8 : memref<40x128xi32, #tpu.memory_space<vmem>>)
      tpu.yield
    }) : () -> ()
    %barrier3A = arith.constant 0 : index
    tpu.barrier barrier_id(%barrier3A)
    %dma_start3A = arith.constant 0 : i32
    %dma_start3A_5 = arith.constant 0 : i32
    %dma_start3A_6 = tpu.memref_slice %arg7[%dma_start3A, %dma_start3A_5] : memref<40x128xi32, #tpu.memory_space<vmem>> -> memref<1x128xi32, #tpu.memory_space<vmem>>
    %dma_start3A_7 = tpu.memref_squeeze %dma_start3A_6 : memref<1x128xi32, #tpu.memory_space<vmem>> -> memref<128xi32, #tpu.memory_space<vmem>>
    %dma_start3A_8 = arith.constant 0 : i32
    %dma_start3A_9 = arith.constant 0 : i32
    %dma_start3A_10 = tpu.memref_slice %arg2[%dma_start3A_8, %dma_start3A_9] : memref<60000x128xf32, #tpu.memory_space<hbm>> -> memref<60000x128xf32, #tpu.memory_space<hbm>>
    tpu.enqueue_indirect_dma source(%dma_start3A_10 : memref<60000x128xf32, #tpu.memory_space<hbm>>) target(%arg9 : memref<128x128xf32, #tpu.memory_space<vmem>>) offsets(%dma_start3A_7 : memref<128xi32, #tpu.memory_space<vmem>>) semaphore(%arg12 : memref<!tpu.dma_semaphore, #tpu.memory_space<semaphore_mem>>)
    %dma_start3A_11 = arith.constant 1 : i32
    %dma_start3A_12 = arith.constant 0 : i32
    %dma_start3A_13 = tpu.memref_slice %arg7[%dma_start3A_11, %dma_start3A_12] : memref<40x128xi32, #tpu.memory_space<vmem>> -> memref<1x128xi32, #tpu.memory_space<vmem>>
    %dma_start3A_14 = tpu.memref_squeeze %dma_start3A_13 : memref<1x128xi32, #tpu.memory_space<vmem>> -> memref<128xi32, #tpu.memory_space<vmem>>
    %dma_start3A_15 = arith.constant 0 : i32
    %dma_start3A_16 = arith.constant 0 : i32
    %dma_start3A_17 = tpu.memref_slice %arg2[%dma_start3A_15, %dma_start3A_16] : memref<60000x128xf32, #tpu.memory_space<hbm>> -> memref<60000x128xf32, #tpu.memory_space<hbm>>
    tpu.enqueue_indirect_dma source(%dma_start3A_17 : memref<60000x128xf32, #tpu.memory_space<hbm>>) target(%arg10 : memref<128x128xf32, #tpu.memory_space<vmem>>) offsets(%dma_start3A_14 : memref<128xi32, #tpu.memory_space<vmem>>) semaphore(%arg13 : memref<!tpu.dma_semaphore, #tpu.memory_space<semaphore_mem>>)
    %scan3A = arith.constant 0 : i32
    %scan3A_18 = arith.constant 0 : i32
    %scan3A_19 = arith.constant 20 : i32
    %scan3A_20 = arith.addi %scan3A_18, %scan3A_19 : i32
    %scan3A_21 = arith.constant 1 : i32
    scf.for %scan3A_41 = %scan3A_18 to %scan3A_20 step %scan3A_21  : i32 {
      %mul3A_42 = arith.constant 2 : i32
      %mul3A_43 = arith.muli %mul3A_42, %scan3A_41 : i32
      %dma_wait3A_44 = arith.constant 0 : i32
      %dma_wait3A_45 = tpu.memref_slice %arg7[%mul3A_43, %dma_wait3A_44] : memref<40x128xi32, #tpu.memory_space<vmem>> -> memref<1x128xi32, #tpu.memory_space<vmem>>
      %dma_wait3A_46 = tpu.memref_squeeze %dma_wait3A_45 : memref<1x128xi32, #tpu.memory_space<vmem>> -> memref<128xi32, #tpu.memory_space<vmem>>
      %dma_wait3A_47 = arith.constant 0 : i32
      %dma_wait3A_48 = arith.constant 0 : i32
      %dma_wait3A_49 = tpu.memref_slice %arg2[%dma_wait3A_47, %dma_wait3A_48] : memref<60000x128xf32, #tpu.memory_space<hbm>> -> memref<60000x128xf32, #tpu.memory_space<hbm>>
      tpu.wait_indirect_dma semaphore(%arg12 : memref<!tpu.dma_semaphore, #tpu.memory_space<semaphore_mem>>) src(%dma_wait3A_49 : memref<60000x128xf32, #tpu.memory_space<hbm>>) dst(%arg9 : memref<128x128xf32, #tpu.memory_space<vmem>>)
      %dma_start3A_50 = arith.constant 0 : i32
      %dma_start3A_51 = tpu.memref_slice %arg8[%mul3A_43, %dma_start3A_50] : memref<40x128xi32, #tpu.memory_space<vmem>> -> memref<1x128xi32, #tpu.memory_space<vmem>>
      %dma_start3A_52 = tpu.memref_squeeze %dma_start3A_51 : memref<1x128xi32, #tpu.memory_space<vmem>> -> memref<128xi32, #tpu.memory_space<vmem>>
      %dma_start3A_53 = arith.constant 0 : i32
      %dma_start3A_54 = arith.constant 0 : i32
      %dma_start3A_55 = tpu.memref_slice %arg11[%dma_start3A_53, %dma_start3A_54] : memref<10112x128xf32, #tpu.memory_space<vmem_shared>> -> memref<10112x128xf32, #tpu.memory_space<vmem_shared>>
      tpu.enqueue_indirect_dma source(%arg9 : memref<128x128xf32, #tpu.memory_space<vmem>>) target(%dma_start3A_55 : memref<10112x128xf32, #tpu.memory_space<vmem_shared>>) offsets(%dma_start3A_52 : memref<128xi32, #tpu.memory_space<vmem>>) semaphore(%arg14 : memref<!tpu.dma_semaphore, #tpu.memory_space<semaphore_mem>>) {add = true}
      %add3A_56 = arith.constant 1 : i32
      %add3A_57 = arith.addi %mul3A_43, %add3A_56 : i32
      %dma_wait3A_58 = arith.constant 0 : i32
      %dma_wait3A_59 = tpu.memref_slice %arg7[%add3A_57, %dma_wait3A_58] : memref<40x128xi32, #tpu.memory_space<vmem>> -> memref<1x128xi32, #tpu.memory_space<vmem>>
      %dma_wait3A_60 = tpu.memref_squeeze %dma_wait3A_59 : memref<1x128xi32, #tpu.memory_space<vmem>> -> memref<128xi32, #tpu.memory_space<vmem>>
      %dma_wait3A_61 = arith.constant 0 : i32
      %dma_wait3A_62 = arith.constant 0 : i32
      %dma_wait3A_63 = tpu.memref_slice %arg2[%dma_wait3A_61, %dma_wait3A_62] : memref<60000x128xf32, #tpu.memory_space<hbm>> -> memref<60000x128xf32, #tpu.memory_space<hbm>>
      tpu.wait_indirect_dma semaphore(%arg13 : memref<!tpu.dma_semaphore, #tpu.memory_space<semaphore_mem>>) src(%dma_wait3A_63 : memref<60000x128xf32, #tpu.memory_space<hbm>>) dst(%arg10 : memref<128x128xf32, #tpu.memory_space<vmem>>)
      %add3A_64 = arith.constant 1 : i32
      %add3A_65 = arith.addi %mul3A_43, %add3A_64 : i32
      %dma_start3A_66 = arith.constant 0 : i32
      %dma_start3A_67 = tpu.memref_slice %arg8[%add3A_65, %dma_start3A_66] : memref<40x128xi32, #tpu.memory_space<vmem>> -> memref<1x128xi32, #tpu.memory_space<vmem>>
      %dma_start3A_68 = tpu.memref_squeeze %dma_start3A_67 : memref<1x128xi32, #tpu.memory_space<vmem>> -> memref<128xi32, #tpu.memory_space<vmem>>
      %dma_start3A_69 = arith.constant 0 : i32
      %dma_start3A_70 = arith.constant 0 : i32
      %dma_start3A_71 = tpu.memref_slice %arg11[%dma_start3A_69, %dma_start3A_70] : memref<10112x128xf32, #tpu.memory_space<vmem_shared>> -> memref<10112x128xf32, #tpu.memory_space<vmem_shared>>
      tpu.enqueue_indirect_dma source(%arg10 : memref<128x128xf32, #tpu.memory_space<vmem>>) target(%dma_start3A_71 : memref<10112x128xf32, #tpu.memory_space<vmem_shared>>) offsets(%dma_start3A_68 : memref<128xi32, #tpu.memory_space<vmem>>) semaphore(%arg15 : memref<!tpu.dma_semaphore, #tpu.memory_space<semaphore_mem>>) {add = true}
      %dma_wait3A_72 = arith.constant 0 : i32
      %dma_wait3A_73 = tpu.memref_slice %arg8[%mul3A_43, %dma_wait3A_72] : memref<40x128xi32, #tpu.memory_space<vmem>> -> memref<1x128xi32, #tpu.memory_space<vmem>>
      %dma_wait3A_74 = tpu.memref_squeeze %dma_wait3A_73 : memref<1x128xi32, #tpu.memory_space<vmem>> -> memref<128xi32, #tpu.memory_space<vmem>>
      %dma_wait3A_75 = arith.constant 0 : i32
      %dma_wait3A_76 = arith.constant 0 : i32
      %dma_wait3A_77 = tpu.memref_slice %arg11[%dma_wait3A_75, %dma_wait3A_76] : memref<10112x128xf32, #tpu.memory_space<vmem_shared>> -> memref<10112x128xf32, #tpu.memory_space<vmem_shared>>
      tpu.wait_indirect_dma semaphore(%arg14 : memref<!tpu.dma_semaphore, #tpu.memory_space<semaphore_mem>>) src(%arg9 : memref<128x128xf32, #tpu.memory_space<vmem>>) dst(%dma_wait3A_77 : memref<10112x128xf32, #tpu.memory_space<vmem_shared>>)
      %add3A_78 = arith.constant 2 : i32
      %add3A_79 = arith.addi %mul3A_43, %add3A_78 : i32
      %min3A = arith.constant 39 : i32
      %min3A_80 = arith.minsi %add3A_79, %min3A : i32
      %dma_start3A_81 = arith.constant 0 : i32
      %dma_start3A_82 = tpu.memref_slice %arg7[%min3A_80, %dma_start3A_81] : memref<40x128xi32, #tpu.memory_space<vmem>> -> memref<1x128xi32, #tpu.memory_space<vmem>>
      %dma_start3A_83 = tpu.memref_squeeze %dma_start3A_82 : memref<1x128xi32, #tpu.memory_space<vmem>> -> memref<128xi32, #tpu.memory_space<vmem>>
      %dma_start3A_84 = arith.constant 0 : i32
      %dma_start3A_85 = arith.constant 0 : i32
      %dma_start3A_86 = tpu.memref_slice %arg2[%dma_start3A_84, %dma_start3A_85] : memref<60000x128xf32, #tpu.memory_space<hbm>> -> memref<60000x128xf32, #tpu.memory_space<hbm>>
      tpu.enqueue_indirect_dma source(%dma_start3A_86 : memref<60000x128xf32, #tpu.memory_space<hbm>>) target(%arg9 : memref<128x128xf32, #tpu.memory_space<vmem>>) offsets(%dma_start3A_83 : memref<128xi32, #tpu.memory_space<vmem>>) semaphore(%arg12 : memref<!tpu.dma_semaphore, #tpu.memory_space<semaphore_mem>>)
      %add3A_87 = arith.constant 1 : i32
      %add3A_88 = arith.addi %mul3A_43, %add3A_87 : i32
      %dma_wait3A_89 = arith.constant 0 : i32
      %dma_wait3A_90 = tpu.memref_slice %arg8[%add3A_88, %dma_wait3A_89] : memref<40x128xi32, #tpu.memory_space<vmem>> -> memref<1x128xi32, #tpu.memory_space<vmem>>
      %dma_wait3A_91 = tpu.memref_squeeze %dma_wait3A_90 : memref<1x128xi32, #tpu.memory_space<vmem>> -> memref<128xi32, #tpu.memory_space<vmem>>
      %dma_wait3A_92 = arith.constant 0 : i32
      %dma_wait3A_93 = arith.constant 0 : i32
      %dma_wait3A_94 = tpu.memref_slice %arg11[%dma_wait3A_92, %dma_wait3A_93] : memref<10112x128xf32, #tpu.memory_space<vmem_shared>> -> memref<10112x128xf32, #tpu.memory_space<vmem_shared>>
      tpu.wait_indirect_dma semaphore(%arg15 : memref<!tpu.dma_semaphore, #tpu.memory_space<semaphore_mem>>) src(%arg10 : memref<128x128xf32, #tpu.memory_space<vmem>>) dst(%dma_wait3A_94 : memref<10112x128xf32, #tpu.memory_space<vmem_shared>>)
      %add3A_95 = arith.constant 3 : i32
      %add3A_96 = arith.addi %mul3A_43, %add3A_95 : i32
      %min3A_97 = arith.constant 39 : i32
      %min3A_98 = arith.minsi %add3A_96, %min3A_97 : i32
      %dma_start3A_99 = arith.constant 0 : i32
      %dma_start3A_100 = tpu.memref_slice %arg7[%min3A_98, %dma_start3A_99] : memref<40x128xi32, #tpu.memory_space<vmem>> -> memref<1x128xi32, #tpu.memory_space<vmem>>
      %dma_start3A_101 = tpu.memref_squeeze %dma_start3A_100 : memref<1x128xi32, #tpu.memory_space<vmem>> -> memref<128xi32, #tpu.memory_space<vmem>>
      %dma_start3A_102 = arith.constant 0 : i32
      %dma_start3A_103 = arith.constant 0 : i32
      %dma_start3A_104 = tpu.memref_slice %arg2[%dma_start3A_102, %dma_start3A_103] : memref<60000x128xf32, #tpu.memory_space<hbm>> -> memref<60000x128xf32, #tpu.memory_space<hbm>>
      tpu.enqueue_indirect_dma source(%dma_start3A_104 : memref<60000x128xf32, #tpu.memory_space<hbm>>) target(%arg10 : memref<128x128xf32, #tpu.memory_space<vmem>>) offsets(%dma_start3A_101 : memref<128xi32, #tpu.memory_space<vmem>>) semaphore(%arg13 : memref<!tpu.dma_semaphore, #tpu.memory_space<semaphore_mem>>)
    }
    %scan3A_22 = arith.constant 20 : i32
    %dma_wait3A = arith.constant 39 : i32
    %dma_wait3A_23 = arith.constant 0 : i32
    %dma_wait3A_24 = tpu.memref_slice %arg7[%dma_wait3A, %dma_wait3A_23] : memref<40x128xi32, #tpu.memory_space<vmem>> -> memref<1x128xi32, #tpu.memory_space<vmem>>
    %dma_wait3A_25 = tpu.memref_squeeze %dma_wait3A_24 : memref<1x128xi32, #tpu.memory_space<vmem>> -> memref<128xi32, #tpu.memory_space<vmem>>
    %dma_wait3A_26 = arith.constant 0 : i32
    %dma_wait3A_27 = arith.constant 0 : i32
    %dma_wait3A_28 = tpu.memref_slice %arg2[%dma_wait3A_26, %dma_wait3A_27] : memref<60000x128xf32, #tpu.memory_space<hbm>> -> memref<60000x128xf32, #tpu.memory_space<hbm>>
    tpu.wait_indirect_dma semaphore(%arg12 : memref<!tpu.dma_semaphore, #tpu.memory_space<semaphore_mem>>) src(%dma_wait3A_28 : memref<60000x128xf32, #tpu.memory_space<hbm>>) dst(%arg9 : memref<128x128xf32, #tpu.memory_space<vmem>>)
    %dma_wait3A_29 = arith.constant 39 : i32
    %dma_wait3A_30 = arith.constant 0 : i32
    %dma_wait3A_31 = tpu.memref_slice %arg7[%dma_wait3A_29, %dma_wait3A_30] : memref<40x128xi32, #tpu.memory_space<vmem>> -> memref<1x128xi32, #tpu.memory_space<vmem>>
    %dma_wait3A_32 = tpu.memref_squeeze %dma_wait3A_31 : memref<1x128xi32, #tpu.memory_space<vmem>> -> memref<128xi32, #tpu.memory_space<vmem>>
    %dma_wait3A_33 = arith.constant 0 : i32
    %dma_wait3A_34 = arith.constant 0 : i32
    %dma_wait3A_35 = tpu.memref_slice %arg2[%dma_wait3A_33, %dma_wait3A_34] : memref<60000x128xf32, #tpu.memory_space<hbm>> -> memref<60000x128xf32, #tpu.memory_space<hbm>>
    tpu.wait_indirect_dma semaphore(%arg13 : memref<!tpu.dma_semaphore, #tpu.memory_space<semaphore_mem>>) src(%dma_wait3A_35 : memref<60000x128xf32, #tpu.memory_space<hbm>>) dst(%arg10 : memref<128x128xf32, #tpu.memory_space<vmem>>)
    %barrier3A_36 = arith.constant 0 : index
    tpu.barrier barrier_id(%barrier3A_36)
    %mul3A_37 = arith.constant 632 : i32
    %mul3A_38 = arith.muli %arg1, %mul3A_37 : i32
    %mul3A_39 = arith.constant 632 : i32
    %mul3A_40 = arith.muli %arg1, %mul3A_39 : i32
    "tpu.region"() ({
      %run_scoped3A = tpu.sem_alloc : memref<!tpu.dma_semaphore, #tpu.memory_space<semaphore_mem>>
      %dma_start3A_41 = arith.constant 0 : i32
      %dma_start3A_42 = tpu.memref_slice %arg6[%arg0, %mul3A_40, %dma_start3A_41] : memref<2x10112x128xf32, #tpu.memory_space<hbm>> -> memref<1x632x128xf32, #tpu.memory_space<hbm>>
      %dma_start3A_43 = tpu.memref_squeeze %dma_start3A_42 : memref<1x632x128xf32, #tpu.memory_space<hbm>> -> memref<632x128xf32, #tpu.memory_space<hbm>>
      %dma_start3A_44 = arith.constant 0 : i32
      %dma_start3A_45 = tpu.memref_slice %arg11[%mul3A_38, %dma_start3A_44] : memref<10112x128xf32, #tpu.memory_space<vmem_shared>> -> memref<632x128xf32, #tpu.memory_space<vmem_shared>>
      tpu.enqueue_dma source(%dma_start3A_45 : memref<632x128xf32, #tpu.memory_space<vmem_shared>>) target(%dma_start3A_43 : memref<632x128xf32, #tpu.memory_space<hbm>>) target_semaphore(%run_scoped3A : memref<!tpu.dma_semaphore, #tpu.memory_space<semaphore_mem>>)
      %dma_wait3A_46 = arith.constant 0 : i32
      %dma_wait3A_47 = tpu.memref_slice %arg6[%arg0, %mul3A_40, %dma_wait3A_46] : memref<2x10112x128xf32, #tpu.memory_space<hbm>> -> memref<1x632x128xf32, #tpu.memory_space<hbm>>
      %dma_wait3A_48 = tpu.memref_squeeze %dma_wait3A_47 : memref<1x632x128xf32, #tpu.memory_space<hbm>> -> memref<632x128xf32, #tpu.memory_space<hbm>>
      %dma_wait3A_49 = arith.constant 0 : i32
      %dma_wait3A_50 = tpu.memref_slice %arg11[%mul3A_38, %dma_wait3A_49] : memref<10112x128xf32, #tpu.memory_space<vmem_shared>> -> memref<632x128xf32, #tpu.memory_space<vmem_shared>>
      tpu.wait_dma2 semaphore(%run_scoped3A : memref<!tpu.dma_semaphore, #tpu.memory_space<semaphore_mem>>) src(%dma_wait3A_50 : memref<632x128xf32, #tpu.memory_space<vmem_shared>>) dst(%dma_wait3A_48 : memref<632x128xf32, #tpu.memory_space<hbm>>)
      tpu.yield
    }) : () -> ()
    return
  }
}

module attributes {stable_mosaic.version = 14 : i64} {
  func.func @_idx_body(%arg0: memref<1280x128xi32, #tpu.memory_space<vmem>>, %arg1: memref<1280x128xi32, #tpu.memory_space<vmem>>, %arg2: memref<1280x128xi32, #tpu.memory_space<vmem>>) attributes {dimension_semantics = [], scalar_prefetch = 0 : i64, scratch_operands = 0 : i64, tpu.core_type = #tpu.core_type<tc>} {
    %get3A = arith.constant 0 : index
    %get3A_0 = arith.constant 0 : index
    %get3A_1 = vector.load %arg1[%get3A, %get3A_0] : memref<1280x128xi32, #tpu.memory_space<vmem>>, vector<1280x128xi32>
    %mul3A = arith.constant 10000 : i32
    %mul3A_2 = vector.broadcast %mul3A : i32 to vector<1280x128xi32>
    %mul3A_3 = arith.muli %get3A_1, %mul3A_2 : vector<1280x128xi32>
    %get3A_4 = arith.constant 0 : index
    %get3A_5 = arith.constant 0 : index
    %get3A_6 = vector.load %arg0[%get3A_4, %get3A_5] : memref<1280x128xi32, #tpu.memory_space<vmem>>, vector<1280x128xi32>
    %add3A = arith.addi %mul3A_3, %get3A_6 : vector<1280x128xi32>
    %swap3A = arith.constant 0 : index
    %swap3A_7 = arith.constant 0 : index
    %swap3A_8 = vector.load %arg2[%swap3A, %swap3A_7] : memref<1280x128xi32, #tpu.memory_space<vmem>>, vector<1280x128xi32>
    tpu.vector_store %arg2[%swap3A, %swap3A_7], %add3A {strides = array<i32>} : memref<1280x128xi32, #tpu.memory_space<vmem>>, vector<1280x128xi32>,
    return
  }
}

module attributes {stable_mosaic.version = 14 : i64} {
  func.func @_embed_body(%arg0: i32, %arg1: memref<1x1x5000xi32, #tpu.memory_space<vmem>>, %arg2: memref<120x128xf32, #tpu.memory_space<vmem>>, %arg3: memref<8x128xf32, #tpu.memory_space<vmem>>, %arg4: memref<5000x128xf32, #tpu.memory_space<vmem>>, %arg5: memref<6x5000x128xf32, #tpu.memory_space<vmem>>) attributes {dimension_semantics = [#tpu.dimension_semantics<arbitrary>], iteration_bounds = array<i64: 2>, scalar_prefetch = 0 : i64, scratch_operands = 0 : i64, tpu.core_type = #tpu.core_type<tc>, window_params = [{transform_indices = @transform_0, window_bounds = array<i64: 1, 1, 5000>}, {pipeline_mode = #tpu.pipeline_mode<synchronous>, transform_indices = @transform_1, window_bounds = array<i64: 120, 128>}, {pipeline_mode = #tpu.pipeline_mode<synchronous>, transform_indices = @transform_2, window_bounds = array<i64: 8, 128>}, {transform_indices = @transform_3, window_bounds = array<i64: 5000, 128>}, {transform_indices = @transform_4, window_bounds = array<i64: 6, 5000, 128>}]} {
    %get3A = arith.constant 0 : index
    %get3A_0 = arith.constant 0 : index
    %get3A_1 = arith.constant 0 : index
    %get3A_2 = vector.load %arg1[%get3A, %get3A_0, %get3A_1] : memref<1x1x5000xi32, #tpu.memory_space<vmem>>, vector<1x1x5000xi32>
    %get3A_3 = vector.shape_cast %get3A_2 : vector<1x1x5000xi32> to vector<5000xi32>
    %broadcast_in_dim3A = vector.shape_cast %get3A_3 : vector<5000xi32> to vector<5000x1xi32>
    %iota3A = tpu.iota {dimensions = array<i32: 1>} : vector<5000x120xi32>
    %eq3A = vector.broadcast %broadcast_in_dim3A : vector<5000x1xi32> to vector<5000x120xi32>
    %eq3A_4 = arith.cmpi eq, %eq3A, %iota3A : vector<5000x120xi32>
    %convert_element_type3A = arith.extui %eq3A_4 : vector<5000x120xi1> to vector<5000x120xi32>
    %convert_element_type3A_5 = arith.sitofp %convert_element_type3A : vector<5000x120xi32> to vector<5000x120xf32>
    %get3A_6 = arith.constant 0 : index
    %get3A_7 = arith.constant 0 : index
    %get3A_8 = vector.load %arg2[%get3A_6, %get3A_7] : memref<120x128xf32, #tpu.memory_space<vmem>>, vector<120x128xf32>
    %dot_general3A = arith.constant dense<0.000000e+00> : vector<5000x128xf32>
    %dot_general3A_9 = tpu.matmul %convert_element_type3A_5, %get3A_8, %dot_general3A {dimension_numbers = #tpu.dot_dimension_numbers<[1], [0], [0], [1], [0, 0, 1, 1], [], []>, transpose_lhs_hint = false} : vector<5000x120xf32>, vector<120x128xf32>, vector<5000x128xf32> -> vector<5000x128xf32>
    %swap3A = arith.constant 0 : index
    %swap3A_10 = arith.constant 0 : index
    %swap3A_11 = vector.load %arg4[%swap3A, %swap3A_10] : memref<5000x128xf32, #tpu.memory_space<vmem>>, vector<5000x128xf32>
    tpu.vector_store %arg4[%swap3A, %swap3A_10], %dot_general3A_9 {strides = array<i32>} : memref<5000x128xf32, #tpu.memory_space<vmem>>, vector<5000x128xf32>,
    %get3A_12 = arith.constant 0 : index
    %get3A_13 = arith.constant 0 : index
    %get3A_14 = vector.load %arg3[%get3A_12, %get3A_13] : memref<8x128xf32, #tpu.memory_space<vmem>>, vector<1x128xf32>
    %get3A_15 = vector.shape_cast %get3A_14 : vector<1x128xf32> to vector<128xf32>
    %broadcast_in_dim3A_16 = vector.shape_cast %get3A_15 : vector<128xf32> to vector<1x128xf32>
    %add3A = vector.broadcast %broadcast_in_dim3A_16 : vector<1x128xf32> to vector<5000x128xf32>
    %add3A_17 = arith.addf %dot_general3A_9, %add3A : vector<5000x128xf32>
    %max3A = arith.constant 0.000000e+00 : f32
    %max3A_18 = vector.broadcast %max3A : f32 to vector<5000x128xf32>
    %max3A_19 = arith.maximumf %add3A_17, %max3A_18 : vector<5000x128xf32>
    %swap3A_20 = arith.constant 0 : index
    %swap3A_21 = arith.constant 0 : index
    %swap3A_22 = arith.constant 0 : index
    %swap3A_23 = vector.load %arg5[%swap3A_20, %swap3A_21, %swap3A_22] : memref<6x5000x128xf32, #tpu.memory_space<vmem>>, vector<1x5000x128xf32>
    %swap3A_24 = vector.shape_cast %swap3A_23 : vector<1x5000x128xf32> to vector<5000x128xf32>
    %swap3A_25 = vector.shape_cast %max3A_19 : vector<5000x128xf32> to vector<1x5000x128xf32>
    tpu.vector_store %arg5[%swap3A_20, %swap3A_21, %swap3A_22], %swap3A_25 {strides = array<i32>} : memref<6x5000x128xf32, #tpu.memory_space<vmem>>, vector<1x5000x128xf32>,
    %get3A_26 = arith.constant 1 : index
    %get3A_27 = arith.constant 0 : index
    %get3A_28 = vector.load %arg3[%get3A_26, %get3A_27] : memref<8x128xf32, #tpu.memory_space<vmem>>, vector<1x128xf32>
    %get3A_29 = vector.shape_cast %get3A_28 : vector<1x128xf32> to vector<128xf32>
    %broadcast_in_dim3A_30 = vector.shape_cast %get3A_29 : vector<128xf32> to vector<1x128xf32>
    %add3A_31 = vector.broadcast %broadcast_in_dim3A_30 : vector<1x128xf32> to vector<5000x128xf32>
    %add3A_32 = arith.addf %dot_general3A_9, %add3A_31 : vector<5000x128xf32>
    %max3A_33 = arith.constant 0.000000e+00 : f32
    %max3A_34 = vector.broadcast %max3A_33 : f32 to vector<5000x128xf32>
    %max3A_35 = arith.maximumf %add3A_32, %max3A_34 : vector<5000x128xf32>
    %swap3A_36 = arith.constant 1 : index
    %swap3A_37 = arith.constant 0 : index
    %swap3A_38 = arith.constant 0 : index
    %swap3A_39 = vector.load %arg5[%swap3A_36, %swap3A_37, %swap3A_38] : memref<6x5000x128xf32, #tpu.memory_space<vmem>>, vector<1x5000x128xf32>
    %swap3A_40 = vector.shape_cast %swap3A_39 : vector<1x5000x128xf32> to vector<5000x128xf32>
    %swap3A_41 = vector.shape_cast %max3A_35 : vector<5000x128xf32> to vector<1x5000x128xf32>
    tpu.vector_store %arg5[%swap3A_36, %swap3A_37, %swap3A_38], %swap3A_41 {strides = array<i32>} : memref<6x5000x128xf32, #tpu.memory_space<vmem>>, vector<1x5000x128xf32>,
    %get3A_42 = arith.constant 2 : index
    %get3A_43 = arith.constant 0 : index
    %get3A_44 = vector.load %arg3[%get3A_42, %get3A_43] : memref<8x128xf32, #tpu.memory_space<vmem>>, vector<1x128xf32>
    %get3A_45 = vector.shape_cast %get3A_44 : vector<1x128xf32> to vector<128xf32>
    %broadcast_in_dim3A_46 = vector.shape_cast %get3A_45 : vector<128xf32> to vector<1x128xf32>
    %add3A_47 = vector.broadcast %broadcast_in_dim3A_46 : vector<1x128xf32> to vector<5000x128xf32>
    %add3A_48 = arith.addf %dot_general3A_9, %add3A_47 : vector<5000x128xf32>
    %max3A_49 = arith.constant 0.000000e+00 : f32
    %max3A_50 = vector.broadcast %max3A_49 : f32 to vector<5000x128xf32>
    %max3A_51 = arith.maximumf %add3A_48, %max3A_50 : vector<5000x128xf32>
    %swap3A_52 = arith.constant 2 : index
    %swap3A_53 = arith.constant 0 : index
    %swap3A_54 = arith.constant 0 : index
    %swap3A_55 = vector.load %arg5[%swap3A_52, %swap3A_53, %swap3A_54] : memref<6x5000x128xf32, #tpu.memory_space<vmem>>, vector<1x5000x128xf32>
    %swap3A_56 = vector.shape_cast %swap3A_55 : vector<1x5000x128xf32> to vector<5000x128xf32>
    %swap3A_57 = vector.shape_cast %max3A_51 : vector<5000x128xf32> to vector<1x5000x128xf32>
    tpu.vector_store %arg5[%swap3A_52, %swap3A_53, %swap3A_54], %swap3A_57 {strides = array<i32>} : memref<6x5000x128xf32, #tpu.memory_space<vmem>>, vector<1x5000x128xf32>,
    %get3A_58 = arith.constant 3 : index
    %get3A_59 = arith.constant 0 : index
    %get3A_60 = vector.load %arg3[%get3A_58, %get3A_59] : memref<8x128xf32, #tpu.memory_space<vmem>>, vector<1x128xf32>
    %get3A_61 = vector.shape_cast %get3A_60 : vector<1x128xf32> to vector<128xf32>
    %broadcast_in_dim3A_62 = vector.shape_cast %get3A_61 : vector<128xf32> to vector<1x128xf32>
    %add3A_63 = vector.broadcast %broadcast_in_dim3A_62 : vector<1x128xf32> to vector<5000x128xf32>
    %add3A_64 = arith.addf %dot_general3A_9, %add3A_63 : vector<5000x128xf32>
    %max3A_65 = arith.constant 0.000000e+00 : f32
    %max3A_66 = vector.broadcast %max3A_65 : f32 to vector<5000x128xf32>
    %max3A_67 = arith.maximumf %add3A_64, %max3A_66 : vector<5000x128xf32>
    %swap3A_68 = arith.constant 3 : index
    %swap3A_69 = arith.constant 0 : index
    %swap3A_70 = arith.constant 0 : index
    %swap3A_71 = vector.load %arg5[%swap3A_68, %swap3A_69, %swap3A_70] : memref<6x5000x128xf32, #tpu.memory_space<vmem>>, vector<1x5000x128xf32>
    %swap3A_72 = vector.shape_cast %swap3A_71 : vector<1x5000x128xf32> to vector<5000x128xf32>
    %swap3A_73 = vector.shape_cast %max3A_67 : vector<5000x128xf32> to vector<1x5000x128xf32>
    tpu.vector_store %arg5[%swap3A_68, %swap3A_69, %swap3A_70], %swap3A_73 {strides = array<i32>} : memref<6x5000x128xf32, #tpu.memory_space<vmem>>, vector<1x5000x128xf32>,
    %get3A_74 = arith.constant 4 : index
    %get3A_75 = arith.constant 0 : index
    %get3A_76 = vector.load %arg3[%get3A_74, %get3A_75] : memref<8x128xf32, #tpu.memory_space<vmem>>, vector<1x128xf32>
    %get3A_77 = vector.shape_cast %get3A_76 : vector<1x128xf32> to vector<128xf32>
    %broadcast_in_dim3A_78 = vector.shape_cast %get3A_77 : vector<128xf32> to vector<1x128xf32>
    %add3A_79 = vector.broadcast %broadcast_in_dim3A_78 : vector<1x128xf32> to vector<5000x128xf32>
    %add3A_80 = arith.addf %dot_general3A_9, %add3A_79 : vector<5000x128xf32>
    %max3A_81 = arith.constant 0.000000e+00 : f32
    %max3A_82 = vector.broadcast %max3A_81 : f32 to vector<5000x128xf32>
    %max3A_83 = arith.maximumf %add3A_80, %max3A_82 : vector<5000x128xf32>
    %swap3A_84 = arith.constant 4 : index
    %swap3A_85 = arith.constant 0 : index
    %swap3A_86 = arith.constant 0 : index
    %swap3A_87 = vector.load %arg5[%swap3A_84, %swap3A_85, %swap3A_86] : memref<6x5000x128xf32, #tpu.memory_space<vmem>>, vector<1x5000x128xf32>
    %swap3A_88 = vector.shape_cast %swap3A_87 : vector<1x5000x128xf32> to vector<5000x128xf32>
    %swap3A_89 = vector.shape_cast %max3A_83 : vector<5000x128xf32> to vector<1x5000x128xf32>
    tpu.vector_store %arg5[%swap3A_84, %swap3A_85, %swap3A_86], %swap3A_89 {strides = array<i32>} : memref<6x5000x128xf32, #tpu.memory_space<vmem>>, vector<1x5000x128xf32>,
    %get3A_90 = arith.constant 5 : index
    %get3A_91 = arith.constant 0 : index
    %get3A_92 = vector.load %arg3[%get3A_90, %get3A_91] : memref<8x128xf32, #tpu.memory_space<vmem>>, vector<1x128xf32>
    %get3A_93 = vector.shape_cast %get3A_92 : vector<1x128xf32> to vector<128xf32>
    %broadcast_in_dim3A_94 = vector.shape_cast %get3A_93 : vector<128xf32> to vector<1x128xf32>
    %add3A_95 = vector.broadcast %broadcast_in_dim3A_94 : vector<1x128xf32> to vector<5000x128xf32>
    %add3A_96 = arith.addf %dot_general3A_9, %add3A_95 : vector<5000x128xf32>
    %max3A_97 = arith.constant 0.000000e+00 : f32
    %max3A_98 = vector.broadcast %max3A_97 : f32 to vector<5000x128xf32>
    %max3A_99 = arith.maximumf %add3A_96, %max3A_98 : vector<5000x128xf32>
    %swap3A_100 = arith.constant 5 : index
    %swap3A_101 = arith.constant 0 : index
    %swap3A_102 = arith.constant 0 : index
    %swap3A_103 = vector.load %arg5[%swap3A_100, %swap3A_101, %swap3A_102] : memref<6x5000x128xf32, #tpu.memory_space<vmem>>, vector<1x5000x128xf32>
    %swap3A_104 = vector.shape_cast %swap3A_103 : vector<1x5000x128xf32> to vector<5000x128xf32>
    %swap3A_105 = vector.shape_cast %max3A_99 : vector<5000x128xf32> to vector<1x5000x128xf32>
    tpu.vector_store %arg5[%swap3A_100, %swap3A_101, %swap3A_102], %swap3A_105 {strides = array<i32>} : memref<6x5000x128xf32, #tpu.memory_space<vmem>>, vector<1x5000x128xf32>,
    return
  }
  func.func @transform_0(%arg0: i32) -> (i32, i32, i32) {
    %c0_i32 = arith.constant 0 : i32
    %c0_i32_0 = arith.constant 0 : i32
    %c0_i32_1 = arith.constant 0 : i32
    return %arg0, %c0_i32, %c0_i32_0 : i32, i32, i32
  }
  func.func @transform_1(%arg0: i32) -> (i32, i32) {
    %c0_i32 = arith.constant 0 : i32
    %c0_i32_0 = arith.constant 0 : i32
    %c0_i32_1 = arith.constant 0 : i32
    return %c0_i32, %c0_i32_0 : i32, i32
  }
  func.func @transform_2(%arg0: i32) -> (i32, i32) {
    %c0_i32 = arith.constant 0 : i32
    %c0_i32_0 = arith.constant 0 : i32
    %c0_i32_1 = arith.constant 0 : i32
    return %c0_i32, %c0_i32_0 : i32, i32
  }
  func.func @transform_3(%arg0: i32) -> (i32, i32) {
    %c0_i32 = arith.constant 0 : i32
    %c0_i32_0 = arith.constant 0 : i32
    return %arg0, %c0_i32 : i32, i32
  }
  func.func @transform_4(%arg0: i32) -> (i32, i32, i32) {
    %c0_i32 = arith.constant 0 : i32
    %c0_i32_0 = arith.constant 0 : i32
    %c0_i32_1 = arith.constant 0 : i32
    return %c0_i32, %arg0, %c0_i32_0 : i32, i32, i32
  }
}

module attributes {stable_mosaic.version = 14 : i64} {
  func.func @_mlp_body(%arg0: i32, %arg1: memref<5000x128xf32, #tpu.memory_space<vmem>>, %arg2: memref<5000x128xf32, #tpu.memory_space<vmem>>, %arg3: memref<5000x128xf32, #tpu.memory_space<vmem>>, %arg4: memref<128x256xf32, #tpu.memory_space<vmem>>, %arg5: memref<1x256xf32, #tpu.memory_space<vmem>>, %arg6: memref<256x128xf32, #tpu.memory_space<vmem>>, %arg7: memref<1x128xf32, #tpu.memory_space<vmem>>, %arg8: memref<5000x128xf32, #tpu.memory_space<vmem>>, %arg9: memref<1x8x128xf32, #tpu.memory_space<vmem>>) attributes {dimension_semantics = [#tpu.dimension_semantics<arbitrary>], iteration_bounds = array<i64: 2>, scalar_prefetch = 0 : i64, scratch_operands = 0 : i64, tpu.core_type = #tpu.core_type<tc>, window_params = [{transform_indices = @transform_0, window_bounds = array<i64: 5000, 128>}, {transform_indices = @transform_1, window_bounds = array<i64: 5000, 128>}, {transform_indices = @transform_2, window_bounds = array<i64: 5000, 128>}, {pipeline_mode = #tpu.pipeline_mode<synchronous>, transform_indices = @transform_3, window_bounds = array<i64: 128, 256>}, {pipeline_mode = #tpu.pipeline_mode<synchronous>, transform_indices = @transform_4, window_bounds = array<i64: 1, 256>}, {pipeline_mode = #tpu.pipeline_mode<synchronous>, transform_indices = @transform_5, window_bounds = array<i64: 256, 128>}, {pipeline_mode = #tpu.pipeline_mode<synchronous>, transform_indices = @transform_6, window_bounds = array<i64: 1, 128>}, {transform_indices = @transform_7, window_bounds = array<i64: 5000, 128>}, {transform_indices = @transform_8, window_bounds = array<i64: 1, 8, 128>}]} {
    %get3A = arith.constant 0 : index
    %get3A_0 = arith.constant 0 : index
    %get3A_1 = vector.load %arg1[%get3A, %get3A_0] : memref<5000x128xf32, #tpu.memory_space<vmem>>, vector<5000x128xf32>
    %get3A_2 = arith.constant 0 : index
    %get3A_3 = arith.constant 0 : index
    %get3A_4 = vector.load %arg2[%get3A_2, %get3A_3] : memref<5000x128xf32, #tpu.memory_space<vmem>>, vector<5000x128xf32>
    %add3A = arith.addf %get3A_1, %get3A_4 : vector<5000x128xf32>
    %get3A_5 = arith.constant 0 : index
    %get3A_6 = arith.constant 0 : index
    %get3A_7 = vector.load %arg3[%get3A_5, %get3A_6] : memref<5000x128xf32, #tpu.memory_space<vmem>>, vector<5000x128xf32>
    %add3A_8 = arith.addf %add3A, %get3A_7 : vector<5000x128xf32>
    %get3A_9 = arith.constant 0 : index
    %get3A_10 = arith.constant 0 : index
    %get3A_11 = vector.load %arg4[%get3A_9, %get3A_10] : memref<128x256xf32, #tpu.memory_space<vmem>>, vector<128x256xf32>
    %dot_general3A = arith.constant dense<0.000000e+00> : vector<5000x256xf32>
    %dot_general3A_12 = tpu.matmul %add3A_8, %get3A_11, %dot_general3A {dimension_numbers = #tpu.dot_dimension_numbers<[1], [0], [0], [1], [0, 0, 1, 1], [], []>, transpose_lhs_hint = false} : vector<5000x128xf32>, vector<128x256xf32>, vector<5000x256xf32> -> vector<5000x256xf32>
    %get3A_13 = arith.constant 0 : index
    %get3A_14 = arith.constant 0 : index
    %get3A_15 = vector.load %arg5[%get3A_13, %get3A_14] : memref<1x256xf32, #tpu.memory_space<vmem>>, vector<1x256xf32>
    %get3A_16 = vector.shape_cast %get3A_15 : vector<1x256xf32> to vector<256xf32>
    %broadcast_in_dim3A = vector.shape_cast %get3A_16 : vector<256xf32> to vector<1x256xf32>
    %add3A_17 = vector.broadcast %broadcast_in_dim3A : vector<1x256xf32> to vector<5000x256xf32>
    %add3A_18 = arith.addf %dot_general3A_12, %add3A_17 : vector<5000x256xf32>
    %max3A = arith.constant 0.000000e+00 : f32
    %max3A_19 = vector.broadcast %max3A : f32 to vector<5000x256xf32>
    %max3A_20 = arith.maximumf %add3A_18, %max3A_19 : vector<5000x256xf32>
    %get3A_21 = arith.constant 0 : index
    %get3A_22 = arith.constant 0 : index
    %get3A_23 = vector.load %arg6[%get3A_21, %get3A_22] : memref<256x128xf32, #tpu.memory_space<vmem>>, vector<256x128xf32>
    %dot_general3A_24 = arith.constant dense<0.000000e+00> : vector<5000x128xf32>
    %dot_general3A_25 = tpu.matmul %max3A_20, %get3A_23, %dot_general3A_24 {dimension_numbers = #tpu.dot_dimension_numbers<[1], [0], [0], [1], [0, 0, 1, 1], [], []>, transpose_lhs_hint = false} : vector<5000x256xf32>, vector<256x128xf32>, vector<5000x128xf32> -> vector<5000x128xf32>
    %get3A_26 = arith.constant 0 : index
    %get3A_27 = arith.constant 0 : index
    %get3A_28 = vector.load %arg7[%get3A_26, %get3A_27] : memref<1x128xf32, #tpu.memory_space<vmem>>, vector<1x128xf32>
    %get3A_29 = vector.shape_cast %get3A_28 : vector<1x128xf32> to vector<128xf32>
    %broadcast_in_dim3A_30 = vector.shape_cast %get3A_29 : vector<128xf32> to vector<1x128xf32>
    %add3A_31 = vector.broadcast %broadcast_in_dim3A_30 : vector<1x128xf32> to vector<5000x128xf32>
    %add3A_32 = arith.addf %dot_general3A_25, %add3A_31 : vector<5000x128xf32>
    %swap3A = arith.constant 0 : index
    %swap3A_33 = arith.constant 0 : index
    %swap3A_34 = vector.load %arg8[%swap3A, %swap3A_33] : memref<5000x128xf32, #tpu.memory_space<vmem>>, vector<5000x128xf32>
    tpu.vector_store %arg8[%swap3A, %swap3A_33], %add3A_32 {strides = array<i32>} : memref<5000x128xf32, #tpu.memory_space<vmem>>, vector<5000x128xf32>,
    %reduce_sum3A = arith.constant dense<0.000000e+00> : vector<128xf32>
    %reduce_sum3A_35 = vector.multi_reduction <add>, %add3A_32, %reduce_sum3A [0] : vector<5000x128xf32> to vector<128xf32>
    %broadcast_in_dim3A_36 = vector.shape_cast %reduce_sum3A_35 : vector<128xf32> to vector<1x128xf32>
    %mul3A = arith.mulf %add3A_32, %add3A_32 : vector<5000x128xf32>
    %reduce_sum3A_37 = arith.constant dense<0.000000e+00> : vector<128xf32>
    %reduce_sum3A_38 = vector.multi_reduction <add>, %mul3A, %reduce_sum3A_37 [0] : vector<5000x128xf32> to vector<128xf32>
    %broadcast_in_dim3A_39 = vector.shape_cast %reduce_sum3A_38 : vector<128xf32> to vector<1x128xf32>
    %broadcast_in_dim3A_40 = arith.constant 0.000000e+00 : f32
    %broadcast_in_dim3A_41 = vector.broadcast %broadcast_in_dim3A_40 : f32 to vector<6x128xf32>
    %concatenate3A = tpu.concatenate %broadcast_in_dim3A_36, %broadcast_in_dim3A_39, %broadcast_in_dim3A_41 in 0 : vector<1x128xf32>, vector<1x128xf32>, vector<6x128xf32> -> vector<8x128xf32>
    %swap3A_42 = arith.constant 0 : index
    %swap3A_43 = arith.constant 0 : index
    %swap3A_44 = arith.constant 0 : index
    %swap3A_45 = vector.load %arg9[%swap3A_42, %swap3A_43, %swap3A_44] : memref<1x8x128xf32, #tpu.memory_space<vmem>>, vector<1x8x128xf32>
    %swap3A_46 = vector.shape_cast %swap3A_45 : vector<1x8x128xf32> to vector<8x128xf32>
    %swap3A_47 = vector.shape_cast %concatenate3A : vector<8x128xf32> to vector<1x8x128xf32>
    tpu.vector_store %arg9[%swap3A_42, %swap3A_43, %swap3A_44], %swap3A_47 {strides = array<i32>} : memref<1x8x128xf32, #tpu.memory_space<vmem>>, vector<1x8x128xf32>,
    return
  }
  func.func @transform_0(%arg0: i32) -> (i32, i32) {
    %c0_i32 = arith.constant 0 : i32
    %c0_i32_0 = arith.constant 0 : i32
    return %arg0, %c0_i32 : i32, i32
  }
  func.func @transform_1(%arg0: i32) -> (i32, i32) {
    %c0_i32 = arith.constant 0 : i32
    %c0_i32_0 = arith.constant 0 : i32
    return %arg0, %c0_i32 : i32, i32
  }
  func.func @transform_2(%arg0: i32) -> (i32, i32) {
    %c0_i32 = arith.constant 0 : i32
    %c0_i32_0 = arith.constant 0 : i32
    return %arg0, %c0_i32 : i32, i32
  }
  func.func @transform_3(%arg0: i32) -> (i32, i32) {
    %c0_i32 = arith.constant 0 : i32
    %c0_i32_0 = arith.constant 0 : i32
    %c0_i32_1 = arith.constant 0 : i32
    return %c0_i32, %c0_i32_0 : i32, i32
  }
  func.func @transform_4(%arg0: i32) -> (i32, i32) {
    %c0_i32 = arith.constant 0 : i32
    %c0_i32_0 = arith.constant 0 : i32
    %c0_i32_1 = arith.constant 0 : i32
    return %c0_i32, %c0_i32_0 : i32, i32
  }
  func.func @transform_5(%arg0: i32) -> (i32, i32) {
    %c0_i32 = arith.constant 0 : i32
    %c0_i32_0 = arith.constant 0 : i32
    %c0_i32_1 = arith.constant 0 : i32
    return %c0_i32, %c0_i32_0 : i32, i32
  }
  func.func @transform_6(%arg0: i32) -> (i32, i32) {
    %c0_i32 = arith.constant 0 : i32
    %c0_i32_0 = arith.constant 0 : i32
    %c0_i32_1 = arith.constant 0 : i32
    return %c0_i32, %c0_i32_0 : i32, i32
  }
  func.func @transform_7(%arg0: i32) -> (i32, i32) {
    %c0_i32 = arith.constant 0 : i32
    %c0_i32_0 = arith.constant 0 : i32
    return %arg0, %c0_i32 : i32, i32
  }
  func.func @transform_8(%arg0: i32) -> (i32, i32, i32) {
    %c0_i32 = arith.constant 0 : i32
    %c0_i32_0 = arith.constant 0 : i32
    %c0_i32_1 = arith.constant 0 : i32
    return %arg0, %c0_i32, %c0_i32_0 : i32, i32, i32
  }
}

module attributes {stable_mosaic.version = 14 : i64} {
  func.func @_bn_next_body(%arg0: i32, %arg1: memref<5000x128xf32, #tpu.memory_space<vmem>>, %arg2: memref<2x8x128xf32, #tpu.memory_space<vmem>>, %arg3: memref<1x128xf32, #tpu.memory_space<vmem>>, %arg4: memref<1x128xf32, #tpu.memory_space<vmem>>, %arg5: memref<8x128xf32, #tpu.memory_space<vmem>>, %arg6: memref<5000x128xf32, #tpu.memory_space<vmem>>, %arg7: memref<6x5000x128xf32, #tpu.memory_space<vmem>>) attributes {dimension_semantics = [#tpu.dimension_semantics<arbitrary>], iteration_bounds = array<i64: 2>, scalar_prefetch = 0 : i64, scratch_operands = 0 : i64, tpu.core_type = #tpu.core_type<tc>, window_params = [{transform_indices = @transform_0, window_bounds = array<i64: 5000, 128>}, {pipeline_mode = #tpu.pipeline_mode<synchronous>, transform_indices = @transform_1, window_bounds = array<i64: 2, 8, 128>}, {pipeline_mode = #tpu.pipeline_mode<synchronous>, transform_indices = @transform_2, window_bounds = array<i64: 1, 128>}, {pipeline_mode = #tpu.pipeline_mode<synchronous>, transform_indices = @transform_3, window_bounds = array<i64: 1, 128>}, {pipeline_mode = #tpu.pipeline_mode<synchronous>, transform_indices = @transform_4, window_bounds = array<i64: 8, 128>}, {transform_indices = @transform_5, window_bounds = array<i64: 5000, 128>}, {transform_indices = @transform_6, window_bounds = array<i64: 6, 5000, 128>}]} {
    %get3A = arith.constant 0 : index
    %get3A_0 = arith.constant 0 : index
    %get3A_1 = arith.constant 0 : index
    %get3A_2 = vector.load %arg2[%get3A, %get3A_0, %get3A_1] : memref<2x8x128xf32, #tpu.memory_space<vmem>>, vector<2x8x128xf32>
    %slice3A = vector.extract_strided_slice %get3A_2 {offsets = [0, 0, 0], sizes = [2, 1, 128], strides = [1, 1, 1]} : vector<2x8x128xf32> to vector<2x1x128xf32>
    %squeeze3A = vector.shape_cast %slice3A : vector<2x1x128xf32> to vector<2x128xf32>
    %reduce_sum3A = arith.constant dense<0.000000e+00> : vector<128xf32>
    %reduce_sum3A_3 = vector.multi_reduction <add>, %squeeze3A, %reduce_sum3A [0] : vector<2x128xf32> to vector<128xf32>
    %div3A = arith.constant 1.000000e+04 : f32
    %div3A_4 = vector.broadcast %div3A : f32 to vector<128xf32>
    %div3A_5 = arith.divf %reduce_sum3A_3, %div3A_4 : vector<128xf32>
    %slice3A_6 = vector.extract_strided_slice %get3A_2 {offsets = [0, 1, 0], sizes = [2, 1, 128], strides = [1, 1, 1]} : vector<2x8x128xf32> to vector<2x1x128xf32>
    %squeeze3A_7 = vector.shape_cast %slice3A_6 : vector<2x1x128xf32> to vector<2x128xf32>
    %reduce_sum3A_8 = arith.constant dense<0.000000e+00> : vector<128xf32>
    %reduce_sum3A_9 = vector.multi_reduction <add>, %squeeze3A_7, %reduce_sum3A_8 [0] : vector<2x128xf32> to vector<128xf32>
    %div3A_10 = arith.constant 1.000000e+04 : f32
    %div3A_11 = vector.broadcast %div3A_10 : f32 to vector<128xf32>
    %div3A_12 = arith.divf %reduce_sum3A_9, %div3A_11 : vector<128xf32>
    %mul3A = arith.mulf %div3A_5, %div3A_5 : vector<128xf32>
    %sub3A = arith.subf %div3A_12, %mul3A : vector<128xf32>
    %get3A_13 = arith.constant 0 : index
    %get3A_14 = arith.constant 0 : index
    %get3A_15 = vector.load %arg3[%get3A_13, %get3A_14] : memref<1x128xf32, #tpu.memory_space<vmem>>, vector<1x128xf32>
    %get3A_16 = vector.shape_cast %get3A_15 : vector<1x128xf32> to vector<128xf32>
    %add3A = arith.constant 9.99999974E-6 : f32
    %add3A_17 = vector.broadcast %add3A : f32 to vector<128xf32>
    %add3A_18 = arith.addf %sub3A, %add3A_17 : vector<128xf32>
    %rsqrt3A = math.rsqrt %add3A_18 : vector<128xf32>
    %mul3A_19 = arith.mulf %get3A_16, %rsqrt3A : vector<128xf32>
    %get3A_20 = arith.constant 0 : index
    %get3A_21 = arith.constant 0 : index
    %get3A_22 = vector.load %arg4[%get3A_20, %get3A_21] : memref<1x128xf32, #tpu.memory_space<vmem>>, vector<1x128xf32>
    %get3A_23 = vector.shape_cast %get3A_22 : vector<1x128xf32> to vector<128xf32>
    %mul3A_24 = arith.mulf %div3A_5, %mul3A_19 : vector<128xf32>
    %sub3A_25 = arith.subf %get3A_23, %mul3A_24 : vector<128xf32>
    %get3A_26 = arith.constant 0 : index
    %get3A_27 = arith.constant 0 : index
    %get3A_28 = vector.load %arg1[%get3A_26, %get3A_27] : memref<5000x128xf32, #tpu.memory_space<vmem>>, vector<5000x128xf32>
    %broadcast_in_dim3A = vector.shape_cast %mul3A_19 : vector<128xf32> to vector<1x128xf32>
    %mul3A_29 = vector.broadcast %broadcast_in_dim3A : vector<1x128xf32> to vector<5000x128xf32>
    %mul3A_30 = arith.mulf %get3A_28, %mul3A_29 : vector<5000x128xf32>
    %broadcast_in_dim3A_31 = vector.shape_cast %sub3A_25 : vector<128xf32> to vector<1x128xf32>
    %add3A_32 = vector.broadcast %broadcast_in_dim3A_31 : vector<1x128xf32> to vector<5000x128xf32>
    %add3A_33 = arith.addf %mul3A_30, %add3A_32 : vector<5000x128xf32>
    %max3A = arith.constant 0.000000e+00 : f32
    %max3A_34 = vector.broadcast %max3A : f32 to vector<5000x128xf32>
    %max3A_35 = arith.maximumf %add3A_33, %max3A_34 : vector<5000x128xf32>
    %swap3A = arith.constant 0 : index
    %swap3A_36 = arith.constant 0 : index
    %swap3A_37 = vector.load %arg6[%swap3A, %swap3A_36] : memref<5000x128xf32, #tpu.memory_space<vmem>>, vector<5000x128xf32>
    tpu.vector_store %arg6[%swap3A, %swap3A_36], %max3A_35 {strides = array<i32>} : memref<5000x128xf32, #tpu.memory_space<vmem>>, vector<5000x128xf32>,
    %get3A_38 = arith.constant 0 : index
    %get3A_39 = arith.constant 0 : index
    %get3A_40 = vector.load %arg5[%get3A_38, %get3A_39] : memref<8x128xf32, #tpu.memory_space<vmem>>, vector<1x128xf32>
    %get3A_41 = vector.shape_cast %get3A_40 : vector<1x128xf32> to vector<128xf32>
    %broadcast_in_dim3A_42 = vector.shape_cast %get3A_41 : vector<128xf32> to vector<1x128xf32>
    %add3A_43 = vector.broadcast %broadcast_in_dim3A_42 : vector<1x128xf32> to vector<5000x128xf32>
    %add3A_44 = arith.addf %max3A_35, %add3A_43 : vector<5000x128xf32>
    %max3A_45 = arith.constant 0.000000e+00 : f32
    %max3A_46 = vector.broadcast %max3A_45 : f32 to vector<5000x128xf32>
    %max3A_47 = arith.maximumf %add3A_44, %max3A_46 : vector<5000x128xf32>
    %swap3A_48 = arith.constant 0 : index
    %swap3A_49 = arith.constant 0 : index
    %swap3A_50 = arith.constant 0 : index
    %swap3A_51 = vector.load %arg7[%swap3A_48, %swap3A_49, %swap3A_50] : memref<6x5000x128xf32, #tpu.memory_space<vmem>>, vector<1x5000x128xf32>
    %swap3A_52 = vector.shape_cast %swap3A_51 : vector<1x5000x128xf32> to vector<5000x128xf32>
    %swap3A_53 = vector.shape_cast %max3A_47 : vector<5000x128xf32> to vector<1x5000x128xf32>
    tpu.vector_store %arg7[%swap3A_48, %swap3A_49, %swap3A_50], %swap3A_53 {strides = array<i32>} : memref<6x5000x128xf32, #tpu.memory_space<vmem>>, vector<1x5000x128xf32>,
    %get3A_54 = arith.constant 1 : index
    %get3A_55 = arith.constant 0 : index
    %get3A_56 = vector.load %arg5[%get3A_54, %get3A_55] : memref<8x128xf32, #tpu.memory_space<vmem>>, vector<1x128xf32>
    %get3A_57 = vector.shape_cast %get3A_56 : vector<1x128xf32> to vector<128xf32>
    %broadcast_in_dim3A_58 = vector.shape_cast %get3A_57 : vector<128xf32> to vector<1x128xf32>
    %add3A_59 = vector.broadcast %broadcast_in_dim3A_58 : vector<1x128xf32> to vector<5000x128xf32>
    %add3A_60 = arith.addf %max3A_35, %add3A_59 : vector<5000x128xf32>
    %max3A_61 = arith.constant 0.000000e+00 : f32
    %max3A_62 = vector.broadcast %max3A_61 : f32 to vector<5000x128xf32>
    %max3A_63 = arith.maximumf %add3A_60, %max3A_62 : vector<5000x128xf32>
    %swap3A_64 = arith.constant 1 : index
    %swap3A_65 = arith.constant 0 : index
    %swap3A_66 = arith.constant 0 : index
    %swap3A_67 = vector.load %arg7[%swap3A_64, %swap3A_65, %swap3A_66] : memref<6x5000x128xf32, #tpu.memory_space<vmem>>, vector<1x5000x128xf32>
    %swap3A_68 = vector.shape_cast %swap3A_67 : vector<1x5000x128xf32> to vector<5000x128xf32>
    %swap3A_69 = vector.shape_cast %max3A_63 : vector<5000x128xf32> to vector<1x5000x128xf32>
    tpu.vector_store %arg7[%swap3A_64, %swap3A_65, %swap3A_66], %swap3A_69 {strides = array<i32>} : memref<6x5000x128xf32, #tpu.memory_space<vmem>>, vector<1x5000x128xf32>,
    %get3A_70 = arith.constant 2 : index
    %get3A_71 = arith.constant 0 : index
    %get3A_72 = vector.load %arg5[%get3A_70, %get3A_71] : memref<8x128xf32, #tpu.memory_space<vmem>>, vector<1x128xf32>
    %get3A_73 = vector.shape_cast %get3A_72 : vector<1x128xf32> to vector<128xf32>
    %broadcast_in_dim3A_74 = vector.shape_cast %get3A_73 : vector<128xf32> to vector<1x128xf32>
    %add3A_75 = vector.broadcast %broadcast_in_dim3A_74 : vector<1x128xf32> to vector<5000x128xf32>
    %add3A_76 = arith.addf %max3A_35, %add3A_75 : vector<5000x128xf32>
    %max3A_77 = arith.constant 0.000000e+00 : f32
    %max3A_78 = vector.broadcast %max3A_77 : f32 to vector<5000x128xf32>
    %max3A_79 = arith.maximumf %add3A_76, %max3A_78 : vector<5000x128xf32>
    %swap3A_80 = arith.constant 2 : index
    %swap3A_81 = arith.constant 0 : index
    %swap3A_82 = arith.constant 0 : index
    %swap3A_83 = vector.load %arg7[%swap3A_80, %swap3A_81, %swap3A_82] : memref<6x5000x128xf32, #tpu.memory_space<vmem>>, vector<1x5000x128xf32>
    %swap3A_84 = vector.shape_cast %swap3A_83 : vector<1x5000x128xf32> to vector<5000x128xf32>
    %swap3A_85 = vector.shape_cast %max3A_79 : vector<5000x128xf32> to vector<1x5000x128xf32>
    tpu.vector_store %arg7[%swap3A_80, %swap3A_81, %swap3A_82], %swap3A_85 {strides = array<i32>} : memref<6x5000x128xf32, #tpu.memory_space<vmem>>, vector<1x5000x128xf32>,
    %get3A_86 = arith.constant 3 : index
    %get3A_87 = arith.constant 0 : index
    %get3A_88 = vector.load %arg5[%get3A_86, %get3A_87] : memref<8x128xf32, #tpu.memory_space<vmem>>, vector<1x128xf32>
    %get3A_89 = vector.shape_cast %get3A_88 : vector<1x128xf32> to vector<128xf32>
    %broadcast_in_dim3A_90 = vector.shape_cast %get3A_89 : vector<128xf32> to vector<1x128xf32>
    %add3A_91 = vector.broadcast %broadcast_in_dim3A_90 : vector<1x128xf32> to vector<5000x128xf32>
    %add3A_92 = arith.addf %max3A_35, %add3A_91 : vector<5000x128xf32>
    %max3A_93 = arith.constant 0.000000e+00 : f32
    %max3A_94 = vector.broadcast %max3A_93 : f32 to vector<5000x128xf32>
    %max3A_95 = arith.maximumf %add3A_92, %max3A_94 : vector<5000x128xf32>
    %swap3A_96 = arith.constant 3 : index
    %swap3A_97 = arith.constant 0 : index
    %swap3A_98 = arith.constant 0 : index
    %swap3A_99 = vector.load %arg7[%swap3A_96, %swap3A_97, %swap3A_98] : memref<6x5000x128xf32, #tpu.memory_space<vmem>>, vector<1x5000x128xf32>
    %swap3A_100 = vector.shape_cast %swap3A_99 : vector<1x5000x128xf32> to vector<5000x128xf32>
    %swap3A_101 = vector.shape_cast %max3A_95 : vector<5000x128xf32> to vector<1x5000x128xf32>
    tpu.vector_store %arg7[%swap3A_96, %swap3A_97, %swap3A_98], %swap3A_101 {strides = array<i32>} : memref<6x5000x128xf32, #tpu.memory_space<vmem>>, vector<1x5000x128xf32>,
    %get3A_102 = arith.constant 4 : index
    %get3A_103 = arith.constant 0 : index
    %get3A_104 = vector.load %arg5[%get3A_102, %get3A_103] : memref<8x128xf32, #tpu.memory_space<vmem>>, vector<1x128xf32>
    %get3A_105 = vector.shape_cast %get3A_104 : vector<1x128xf32> to vector<128xf32>
    %broadcast_in_dim3A_106 = vector.shape_cast %get3A_105 : vector<128xf32> to vector<1x128xf32>
    %add3A_107 = vector.broadcast %broadcast_in_dim3A_106 : vector<1x128xf32> to vector<5000x128xf32>
    %add3A_108 = arith.addf %max3A_35, %add3A_107 : vector<5000x128xf32>
    %max3A_109 = arith.constant 0.000000e+00 : f32
    %max3A_110 = vector.broadcast %max3A_109 : f32 to vector<5000x128xf32>
    %max3A_111 = arith.maximumf %add3A_108, %max3A_110 : vector<5000x128xf32>
    %swap3A_112 = arith.constant 4 : index
    %swap3A_113 = arith.constant 0 : index
    %swap3A_114 = arith.constant 0 : index
    %swap3A_115 = vector.load %arg7[%swap3A_112, %swap3A_113, %swap3A_114] : memref<6x5000x128xf32, #tpu.memory_space<vmem>>, vector<1x5000x128xf32>
    %swap3A_116 = vector.shape_cast %swap3A_115 : vector<1x5000x128xf32> to vector<5000x128xf32>
    %swap3A_117 = vector.shape_cast %max3A_111 : vector<5000x128xf32> to vector<1x5000x128xf32>
    tpu.vector_store %arg7[%swap3A_112, %swap3A_113, %swap3A_114], %swap3A_117 {strides = array<i32>} : memref<6x5000x128xf32, #tpu.memory_space<vmem>>, vector<1x5000x128xf32>,
    %get3A_118 = arith.constant 5 : index
    %get3A_119 = arith.constant 0 : index
    %get3A_120 = vector.load %arg5[%get3A_118, %get3A_119] : memref<8x128xf32, #tpu.memory_space<vmem>>, vector<1x128xf32>
    %get3A_121 = vector.shape_cast %get3A_120 : vector<1x128xf32> to vector<128xf32>
    %broadcast_in_dim3A_122 = vector.shape_cast %get3A_121 : vector<128xf32> to vector<1x128xf32>
    %add3A_123 = vector.broadcast %broadcast_in_dim3A_122 : vector<1x128xf32> to vector<5000x128xf32>
    %add3A_124 = arith.addf %max3A_35, %add3A_123 : vector<5000x128xf32>
    %max3A_125 = arith.constant 0.000000e+00 : f32
    %max3A_126 = vector.broadcast %max3A_125 : f32 to vector<5000x128xf32>
    %max3A_127 = arith.maximumf %add3A_124, %max3A_126 : vector<5000x128xf32>
    %swap3A_128 = arith.constant 5 : index
    %swap3A_129 = arith.constant 0 : index
    %swap3A_130 = arith.constant 0 : index
    %swap3A_131 = vector.load %arg7[%swap3A_128, %swap3A_129, %swap3A_130] : memref<6x5000x128xf32, #tpu.memory_space<vmem>>, vector<1x5000x128xf32>
    %swap3A_132 = vector.shape_cast %swap3A_131 : vector<1x5000x128xf32> to vector<5000x128xf32>
    %swap3A_133 = vector.shape_cast %max3A_127 : vector<5000x128xf32> to vector<1x5000x128xf32>
    tpu.vector_store %arg7[%swap3A_128, %swap3A_129, %swap3A_130], %swap3A_133 {strides = array<i32>} : memref<6x5000x128xf32, #tpu.memory_space<vmem>>, vector<1x5000x128xf32>,
    return
  }
  func.func @transform_0(%arg0: i32) -> (i32, i32) {
    %c0_i32 = arith.constant 0 : i32
    %c0_i32_0 = arith.constant 0 : i32
    return %arg0, %c0_i32 : i32, i32
  }
  func.func @transform_1(%arg0: i32) -> (i32, i32, i32) {
    %c0_i32 = arith.constant 0 : i32
    %c0_i32_0 = arith.constant 0 : i32
    %c0_i32_1 = arith.constant 0 : i32
    %c0_i32_2 = arith.constant 0 : i32
    return %c0_i32, %c0_i32_0, %c0_i32_1 : i32, i32, i32
  }
  func.func @transform_2(%arg0: i32) -> (i32, i32) {
    %c0_i32 = arith.constant 0 : i32
    %c0_i32_0 = arith.constant 0 : i32
    %c0_i32_1 = arith.constant 0 : i32
    return %c0_i32, %c0_i32_0 : i32, i32
  }
  func.func @transform_3(%arg0: i32) -> (i32, i32) {
    %c0_i32 = arith.constant 0 : i32
    %c0_i32_0 = arith.constant 0 : i32
    %c0_i32_1 = arith.constant 0 : i32
    return %c0_i32, %c0_i32_0 : i32, i32
  }
  func.func @transform_4(%arg0: i32) -> (i32, i32) {
    %c0_i32 = arith.constant 0 : i32
    %c0_i32_0 = arith.constant 0 : i32
    %c0_i32_1 = arith.constant 0 : i32
    return %c0_i32, %c0_i32_0 : i32, i32
  }
  func.func @transform_5(%arg0: i32) -> (i32, i32) {
    %c0_i32 = arith.constant 0 : i32
    %c0_i32_0 = arith.constant 0 : i32
    return %arg0, %c0_i32 : i32, i32
  }
  func.func @transform_6(%arg0: i32) -> (i32, i32, i32) {
    %c0_i32 = arith.constant 0 : i32
    %c0_i32_0 = arith.constant 0 : i32
    %c0_i32_1 = arith.constant 0 : i32
    return %c0_i32, %arg0, %c0_i32_0 : i32, i32, i32
  }
}

module attributes {stable_mosaic.version = 14 : i64} {
  func.func @_bn_pool_body(%arg0: i32, %arg1: memref<5000x128xf32, #tpu.memory_space<vmem>>, %arg2: memref<2x8x128xf32, #tpu.memory_space<vmem>>, %arg3: memref<1x128xf32, #tpu.memory_space<vmem>>, %arg4: memref<1x128xf32, #tpu.memory_space<vmem>>, %arg5: memref<1x1x5000xi32, #tpu.memory_space<vmem>>, %arg6: memref<64x128xf32, #tpu.memory_space<vmem>>, %arg7: memref<64x128xf32, #tpu.memory_space<vmem>>) attributes {dimension_semantics = [#tpu.dimension_semantics<arbitrary>], iteration_bounds = array<i64: 2>, scalar_prefetch = 0 : i64, scratch_operands = 0 : i64, tpu.core_type = #tpu.core_type<tc>, window_params = [{transform_indices = @transform_0, window_bounds = array<i64: 5000, 128>}, {pipeline_mode = #tpu.pipeline_mode<synchronous>, transform_indices = @transform_1, window_bounds = array<i64: 2, 8, 128>}, {pipeline_mode = #tpu.pipeline_mode<synchronous>, transform_indices = @transform_2, window_bounds = array<i64: 1, 128>}, {pipeline_mode = #tpu.pipeline_mode<synchronous>, transform_indices = @transform_3, window_bounds = array<i64: 1, 128>}, {transform_indices = @transform_4, window_bounds = array<i64: 1, 1, 5000>}, {pipeline_mode = #tpu.pipeline_mode<synchronous>, transform_indices = @transform_5, window_bounds = array<i64: 64, 128>}, {pipeline_mode = #tpu.pipeline_mode<synchronous>, transform_indices = @transform_6, window_bounds = array<i64: 64, 128>}]} {
    %get3A = arith.constant 0 : index
    %get3A_0 = arith.constant 0 : index
    %get3A_1 = arith.constant 0 : index
    %get3A_2 = vector.load %arg2[%get3A, %get3A_0, %get3A_1] : memref<2x8x128xf32, #tpu.memory_space<vmem>>, vector<2x8x128xf32>
    %slice3A = vector.extract_strided_slice %get3A_2 {offsets = [0, 0, 0], sizes = [2, 1, 128], strides = [1, 1, 1]} : vector<2x8x128xf32> to vector<2x1x128xf32>
    %squeeze3A = vector.shape_cast %slice3A : vector<2x1x128xf32> to vector<2x128xf32>
    %reduce_sum3A = arith.constant dense<0.000000e+00> : vector<128xf32>
    %reduce_sum3A_3 = vector.multi_reduction <add>, %squeeze3A, %reduce_sum3A [0] : vector<2x128xf32> to vector<128xf32>
    %div3A = arith.constant 1.000000e+04 : f32
    %div3A_4 = vector.broadcast %div3A : f32 to vector<128xf32>
    %div3A_5 = arith.divf %reduce_sum3A_3, %div3A_4 : vector<128xf32>
    %slice3A_6 = vector.extract_strided_slice %get3A_2 {offsets = [0, 1, 0], sizes = [2, 1, 128], strides = [1, 1, 1]} : vector<2x8x128xf32> to vector<2x1x128xf32>
    %squeeze3A_7 = vector.shape_cast %slice3A_6 : vector<2x1x128xf32> to vector<2x128xf32>
    %reduce_sum3A_8 = arith.constant dense<0.000000e+00> : vector<128xf32>
    %reduce_sum3A_9 = vector.multi_reduction <add>, %squeeze3A_7, %reduce_sum3A_8 [0] : vector<2x128xf32> to vector<128xf32>
    %div3A_10 = arith.constant 1.000000e+04 : f32
    %div3A_11 = vector.broadcast %div3A_10 : f32 to vector<128xf32>
    %div3A_12 = arith.divf %reduce_sum3A_9, %div3A_11 : vector<128xf32>
    %mul3A = arith.mulf %div3A_5, %div3A_5 : vector<128xf32>
    %sub3A = arith.subf %div3A_12, %mul3A : vector<128xf32>
    %get3A_13 = arith.constant 0 : index
    %get3A_14 = arith.constant 0 : index
    %get3A_15 = vector.load %arg3[%get3A_13, %get3A_14] : memref<1x128xf32, #tpu.memory_space<vmem>>, vector<1x128xf32>
    %get3A_16 = vector.shape_cast %get3A_15 : vector<1x128xf32> to vector<128xf32>
    %add3A = arith.constant 9.99999974E-6 : f32
    %add3A_17 = vector.broadcast %add3A : f32 to vector<128xf32>
    %add3A_18 = arith.addf %sub3A, %add3A_17 : vector<128xf32>
    %rsqrt3A = math.rsqrt %add3A_18 : vector<128xf32>
    %mul3A_19 = arith.mulf %get3A_16, %rsqrt3A : vector<128xf32>
    %get3A_20 = arith.constant 0 : index
    %get3A_21 = arith.constant 0 : index
    %get3A_22 = vector.load %arg4[%get3A_20, %get3A_21] : memref<1x128xf32, #tpu.memory_space<vmem>>, vector<1x128xf32>
    %get3A_23 = vector.shape_cast %get3A_22 : vector<1x128xf32> to vector<128xf32>
    %mul3A_24 = arith.mulf %div3A_5, %mul3A_19 : vector<128xf32>
    %sub3A_25 = arith.subf %get3A_23, %mul3A_24 : vector<128xf32>
    %get3A_26 = arith.constant 0 : index
    %get3A_27 = arith.constant 0 : index
    %get3A_28 = vector.load %arg1[%get3A_26, %get3A_27] : memref<5000x128xf32, #tpu.memory_space<vmem>>, vector<5000x128xf32>
    %broadcast_in_dim3A = vector.shape_cast %mul3A_19 : vector<128xf32> to vector<1x128xf32>
    %mul3A_29 = vector.broadcast %broadcast_in_dim3A : vector<1x128xf32> to vector<5000x128xf32>
    %mul3A_30 = arith.mulf %get3A_28, %mul3A_29 : vector<5000x128xf32>
    %broadcast_in_dim3A_31 = vector.shape_cast %sub3A_25 : vector<128xf32> to vector<1x128xf32>
    %add3A_32 = vector.broadcast %broadcast_in_dim3A_31 : vector<1x128xf32> to vector<5000x128xf32>
    %add3A_33 = arith.addf %mul3A_30, %add3A_32 : vector<5000x128xf32>
    %eq3A = arith.constant 0 : i32
    %eq3A_34 = arith.cmpi eq, %arg0, %eq3A : i32
    %convert_element_type3A = arith.extui %eq3A_34 : i1 to i32
    %cond3A = arith.constant 0 : i32
    %cond3A_35 = arith.cmpi ne, %convert_element_type3A, %cond3A : i32
    scf.if %cond3A_35 {
      %broadcast_in_dim3A_65 = arith.constant 0.000000e+00 : f32
      %broadcast_in_dim3A_66 = vector.broadcast %broadcast_in_dim3A_65 : f32 to vector<64x128xf32>
      %swap3A_67 = arith.constant 0 : index
      %swap3A_68 = arith.constant 0 : index
      %swap3A_69 = vector.load %arg6[%swap3A_67, %swap3A_68] : memref<64x128xf32, #tpu.memory_space<vmem>>, vector<64x128xf32>
      tpu.vector_store %arg6[%swap3A_67, %swap3A_68], %broadcast_in_dim3A_66 {strides = array<i32>} : memref<64x128xf32, #tpu.memory_space<vmem>>, vector<64x128xf32>,
      %broadcast_in_dim3A_70 = arith.constant 0.000000e+00 : f32
      %broadcast_in_dim3A_71 = vector.broadcast %broadcast_in_dim3A_70 : f32 to vector<64x128xf32>
      %swap3A_72 = arith.constant 0 : index
      %swap3A_73 = arith.constant 0 : index
      %swap3A_74 = vector.load %arg7[%swap3A_72, %swap3A_73] : memref<64x128xf32, #tpu.memory_space<vmem>>, vector<64x128xf32>
      tpu.vector_store %arg7[%swap3A_72, %swap3A_73], %broadcast_in_dim3A_71 {strides = array<i32>} : memref<64x128xf32, #tpu.memory_space<vmem>>, vector<64x128xf32>,
    } else {
    }
    %get3A_36 = arith.constant 0 : index
    %get3A_37 = arith.constant 0 : index
    %get3A_38 = arith.constant 0 : index
    %get3A_39 = vector.load %arg5[%get3A_36, %get3A_37, %get3A_38] : memref<1x1x5000xi32, #tpu.memory_space<vmem>>, vector<1x1x5000xi32>
    %get3A_40 = vector.shape_cast %get3A_39 : vector<1x1x5000xi32> to vector<5000xi32>
    %iota3A = tpu.iota {dimensions = array<i32: 0>} : vector<64x5000xi32>
    %broadcast_in_dim3A_41 = vector.shape_cast %get3A_40 : vector<5000xi32> to vector<1x5000xi32>
    %eq3A_42 = vector.broadcast %broadcast_in_dim3A_41 : vector<1x5000xi32> to vector<64x5000xi32>
    %eq3A_43 = arith.cmpi eq, %iota3A, %eq3A_42 : vector<64x5000xi32>
    %convert_element_type3A_44 = arith.extui %eq3A_43 : vector<64x5000xi1> to vector<64x5000xi32>
    %convert_element_type3A_45 = arith.sitofp %convert_element_type3A_44 : vector<64x5000xi32> to vector<64x5000xf32>
    %get3A_46 = arith.constant 0 : index
    %get3A_47 = arith.constant 0 : index
    %get3A_48 = vector.load %arg6[%get3A_46, %get3A_47] : memref<64x128xf32, #tpu.memory_space<vmem>>, vector<64x128xf32>
    %dot_general3A = arith.constant dense<0.000000e+00> : vector<64x128xf32>
    %dot_general3A_49 = tpu.matmul %convert_element_type3A_45, %add3A_33, %dot_general3A {dimension_numbers = #tpu.dot_dimension_numbers<[1], [0], [0], [1], [0, 0, 1, 1], [], []>, transpose_lhs_hint = false} : vector<64x5000xf32>, vector<5000x128xf32>, vector<64x128xf32> -> vector<64x128xf32>
    %add3A_50 = arith.addf %get3A_48, %dot_general3A_49 : vector<64x128xf32>
    %swap3A = arith.constant 0 : index
    %swap3A_51 = arith.constant 0 : index
    %swap3A_52 = vector.load %arg6[%swap3A, %swap3A_51] : memref<64x128xf32, #tpu.memory_space<vmem>>, vector<64x128xf32>
    tpu.vector_store %arg6[%swap3A, %swap3A_51], %add3A_50 {strides = array<i32>} : memref<64x128xf32, #tpu.memory_space<vmem>>, vector<64x128xf32>,
    %get3A_53 = arith.constant 0 : index
    %get3A_54 = arith.constant 0 : index
    %get3A_55 = vector.load %arg7[%get3A_53, %get3A_54] : memref<64x128xf32, #tpu.memory_space<vmem>>, vector<64x128xf32>
    %reduce_sum3A_56 = arith.constant dense<0.000000e+00> : vector<64xf32>
    %reduce_sum3A_57 = vector.multi_reduction <add>, %convert_element_type3A_45, %reduce_sum3A_56 [1] : vector<64x5000xf32> to vector<64xf32>
    %broadcast_in_dim3A_58 = vector.shape_cast %reduce_sum3A_57 : vector<64xf32> to vector<64x1xf32>
    %broadcast_in_dim3A_59 = vector.shape_cast %broadcast_in_dim3A_58 : vector<64x1xf32> to vector<64x1xf32>
    %broadcast_in_dim3A_60 = vector.broadcast %broadcast_in_dim3A_59 : vector<64x1xf32> to vector<64x128xf32>
    %add3A_61 = arith.addf %get3A_55, %broadcast_in_dim3A_60 : vector<64x128xf32>
    %swap3A_62 = arith.constant 0 : index
    %swap3A_63 = arith.constant 0 : index
    %swap3A_64 = vector.load %arg7[%swap3A_62, %swap3A_63] : memref<64x128xf32, #tpu.memory_space<vmem>>, vector<64x128xf32>
    tpu.vector_store %arg7[%swap3A_62, %swap3A_63], %add3A_61 {strides = array<i32>} : memref<64x128xf32, #tpu.memory_space<vmem>>, vector<64x128xf32>,
    return
  }
  func.func @transform_0(%arg0: i32) -> (i32, i32) {
    %c0_i32 = arith.constant 0 : i32
    %c0_i32_0 = arith.constant 0 : i32
    return %arg0, %c0_i32 : i32, i32
  }
  func.func @transform_1(%arg0: i32) -> (i32, i32, i32) {
    %c0_i32 = arith.constant 0 : i32
    %c0_i32_0 = arith.constant 0 : i32
    %c0_i32_1 = arith.constant 0 : i32
    %c0_i32_2 = arith.constant 0 : i32
    return %c0_i32, %c0_i32_0, %c0_i32_1 : i32, i32, i32
  }
  func.func @transform_2(%arg0: i32) -> (i32, i32) {
    %c0_i32 = arith.constant 0 : i32
    %c0_i32_0 = arith.constant 0 : i32
    %c0_i32_1 = arith.constant 0 : i32
    return %c0_i32, %c0_i32_0 : i32, i32
  }
  func.func @transform_3(%arg0: i32) -> (i32, i32) {
    %c0_i32 = arith.constant 0 : i32
    %c0_i32_0 = arith.constant 0 : i32
    %c0_i32_1 = arith.constant 0 : i32
    return %c0_i32, %c0_i32_0 : i32, i32
  }
  func.func @transform_4(%arg0: i32) -> (i32, i32, i32) {
    %c0_i32 = arith.constant 0 : i32
    %c0_i32_0 = arith.constant 0 : i32
    %c0_i32_1 = arith.constant 0 : i32
    return %arg0, %c0_i32, %c0_i32_0 : i32, i32, i32
  }
  func.func @transform_5(%arg0: i32) -> (i32, i32) {
    %c0_i32 = arith.constant 0 : i32
    %c0_i32_0 = arith.constant 0 : i32
    %c0_i32_1 = arith.constant 0 : i32
    return %c0_i32, %c0_i32_0 : i32, i32
  }
  func.func @transform_6(%arg0: i32) -> (i32, i32) {
    %c0_i32 = arith.constant 0 : i32
    %c0_i32_0 = arith.constant 0 : i32
    %c0_i32_1 = arith.constant 0 : i32
    return %c0_i32, %c0_i32_0 : i32, i32
  }
}

module attributes {stable_mosaic.version = 14 : i64} {
  func.func @_tail_body(%arg0: memref<64x128xf32, #tpu.memory_space<vmem>>, %arg1: memref<64x128xf32, #tpu.memory_space<vmem>>, %arg2: memref<64x128xf32, #tpu.memory_space<vmem>>, %arg3: memref<64x128xf32, #tpu.memory_space<vmem>>, %arg4: memref<64x1024xf32, #tpu.memory_space<vmem>>, %arg5: memref<1024x512xf32, #tpu.memory_space<vmem>>, %arg6: memref<1x512xf32, #tpu.memory_space<vmem>>, %arg7: memref<512x128xf32, #tpu.memory_space<vmem>>, %arg8: memref<1x128xf32, #tpu.memory_space<vmem>>, %arg9: memref<128x512xf32, #tpu.memory_space<vmem>>, %arg10: memref<1x512xf32, #tpu.memory_space<vmem>>, %arg11: memref<512x256xf32, #tpu.memory_space<vmem>>, %arg12: memref<1x256xf32, #tpu.memory_space<vmem>>, %arg13: memref<640x256xf32, #tpu.memory_space<vmem>>, %arg14: memref<1x256xf32, #tpu.memory_space<vmem>>, %arg15: memref<256x64xf32, #tpu.memory_space<vmem>>, %arg16: memref<1x64xf32, #tpu.memory_space<vmem>>, %arg17: memref<64x128xf32, #tpu.memory_space<vmem>>, %arg18: memref<1x128xf32, #tpu.memory_space<vmem>>, %arg19: memref<64x128xf32, #tpu.memory_space<vmem>>) attributes {dimension_semantics = [], scalar_prefetch = 0 : i64, scratch_operands = 0 : i64, tpu.core_type = #tpu.core_type<tc>} {
    %get3A = arith.constant 0 : index
    %get3A_0 = arith.constant 0 : index
    %get3A_1 = vector.load %arg0[%get3A, %get3A_0] : memref<64x128xf32, #tpu.memory_space<vmem>>, vector<64x128xf32>
    %get3A_2 = arith.constant 0 : index
    %get3A_3 = arith.constant 0 : index
    %get3A_4 = vector.load %arg1[%get3A_2, %get3A_3] : memref<64x128xf32, #tpu.memory_space<vmem>>, vector<64x128xf32>
    %max3A = arith.constant 1.000000e+00 : f32
    %max3A_5 = vector.broadcast %max3A : f32 to vector<64x128xf32>
    %max3A_6 = arith.maximumf %get3A_4, %max3A_5 : vector<64x128xf32>
    %div3A = arith.divf %get3A_1, %max3A_6 : vector<64x128xf32>
    %get3A_7 = arith.constant 0 : index
    %get3A_8 = arith.constant 0 : index
    %get3A_9 = vector.load %arg2[%get3A_7, %get3A_8] : memref<64x128xf32, #tpu.memory_space<vmem>>, vector<64x128xf32>
    %get3A_10 = arith.constant 0 : index
    %get3A_11 = arith.constant 0 : index
    %get3A_12 = vector.load %arg3[%get3A_10, %get3A_11] : memref<64x128xf32, #tpu.memory_space<vmem>>, vector<64x128xf32>
    %max3A_13 = arith.constant 1.000000e+00 : f32
    %max3A_14 = vector.broadcast %max3A_13 : f32 to vector<64x128xf32>
    %max3A_15 = arith.maximumf %get3A_12, %max3A_14 : vector<64x128xf32>
    %div3A_16 = arith.divf %get3A_9, %max3A_15 : vector<64x128xf32>
    %get3A_17 = arith.constant 0 : index
    %get3A_18 = arith.constant 0 : index
    %get3A_19 = vector.load %arg9[%get3A_17, %get3A_18] : memref<128x512xf32, #tpu.memory_space<vmem>>, vector<128x512xf32>
    %dot_general3A = arith.constant dense<0.000000e+00> : vector<64x512xf32>
    %dot_general3A_20 = tpu.matmul %div3A, %get3A_19, %dot_general3A {dimension_numbers = #tpu.dot_dimension_numbers<[1], [0], [0], [1], [0, 0, 1, 1], [], []>, transpose_lhs_hint = false} : vector<64x128xf32>, vector<128x512xf32>, vector<64x512xf32> -> vector<64x512xf32>
    %get3A_21 = arith.constant 0 : index
    %get3A_22 = arith.constant 0 : index
    %get3A_23 = vector.load %arg10[%get3A_21, %get3A_22] : memref<1x512xf32, #tpu.memory_space<vmem>>, vector<1x512xf32>
    %get3A_24 = vector.shape_cast %get3A_23 : vector<1x512xf32> to vector<512xf32>
    %broadcast_in_dim3A = vector.shape_cast %get3A_24 : vector<512xf32> to vector<1x512xf32>
    %add3A = vector.broadcast %broadcast_in_dim3A : vector<1x512xf32> to vector<64x512xf32>
    %add3A_25 = arith.addf %dot_general3A_20, %add3A : vector<64x512xf32>
    %max3A_26 = arith.constant 0.000000e+00 : f32
    %max3A_27 = vector.broadcast %max3A_26 : f32 to vector<64x512xf32>
    %max3A_28 = arith.maximumf %add3A_25, %max3A_27 : vector<64x512xf32>
    %get3A_29 = arith.constant 0 : index
    %get3A_30 = arith.constant 0 : index
    %get3A_31 = vector.load %arg11[%get3A_29, %get3A_30] : memref<512x256xf32, #tpu.memory_space<vmem>>, vector<512x256xf32>
    %dot_general3A_32 = arith.constant dense<0.000000e+00> : vector<64x256xf32>
    %dot_general3A_33 = tpu.matmul %max3A_28, %get3A_31, %dot_general3A_32 {dimension_numbers = #tpu.dot_dimension_numbers<[1], [0], [0], [1], [0, 0, 1, 1], [], []>, transpose_lhs_hint = false} : vector<64x512xf32>, vector<512x256xf32>, vector<64x256xf32> -> vector<64x256xf32>
    %get3A_34 = arith.constant 0 : index
    %get3A_35 = arith.constant 0 : index
    %get3A_36 = vector.load %arg12[%get3A_34, %get3A_35] : memref<1x256xf32, #tpu.memory_space<vmem>>, vector<1x256xf32>
    %get3A_37 = vector.shape_cast %get3A_36 : vector<1x256xf32> to vector<256xf32>
    %broadcast_in_dim3A_38 = vector.shape_cast %get3A_37 : vector<256xf32> to vector<1x256xf32>
    %add3A_39 = vector.broadcast %broadcast_in_dim3A_38 : vector<1x256xf32> to vector<64x256xf32>
    %add3A_40 = arith.addf %dot_general3A_33, %add3A_39 : vector<64x256xf32>
    %get3A_41 = arith.constant 0 : index
    %get3A_42 = arith.constant 0 : index
    %get3A_43 = vector.load %arg9[%get3A_41, %get3A_42] : memref<128x512xf32, #tpu.memory_space<vmem>>, vector<128x512xf32>
    %dot_general3A_44 = arith.constant dense<0.000000e+00> : vector<64x512xf32>
    %dot_general3A_45 = tpu.matmul %div3A_16, %get3A_43, %dot_general3A_44 {dimension_numbers = #tpu.dot_dimension_numbers<[1], [0], [0], [1], [0, 0, 1, 1], [], []>, transpose_lhs_hint = false} : vector<64x128xf32>, vector<128x512xf32>, vector<64x512xf32> -> vector<64x512xf32>
    %get3A_46 = arith.constant 0 : index
    %get3A_47 = arith.constant 0 : index
    %get3A_48 = vector.load %arg10[%get3A_46, %get3A_47] : memref<1x512xf32, #tpu.memory_space<vmem>>, vector<1x512xf32>
    %get3A_49 = vector.shape_cast %get3A_48 : vector<1x512xf32> to vector<512xf32>
    %broadcast_in_dim3A_50 = vector.shape_cast %get3A_49 : vector<512xf32> to vector<1x512xf32>
    %add3A_51 = vector.broadcast %broadcast_in_dim3A_50 : vector<1x512xf32> to vector<64x512xf32>
    %add3A_52 = arith.addf %dot_general3A_45, %add3A_51 : vector<64x512xf32>
    %max3A_53 = arith.constant 0.000000e+00 : f32
    %max3A_54 = vector.broadcast %max3A_53 : f32 to vector<64x512xf32>
    %max3A_55 = arith.maximumf %add3A_52, %max3A_54 : vector<64x512xf32>
    %get3A_56 = arith.constant 0 : index
    %get3A_57 = arith.constant 0 : index
    %get3A_58 = vector.load %arg11[%get3A_56, %get3A_57] : memref<512x256xf32, #tpu.memory_space<vmem>>, vector<512x256xf32>
    %dot_general3A_59 = arith.constant dense<0.000000e+00> : vector<64x256xf32>
    %dot_general3A_60 = tpu.matmul %max3A_55, %get3A_58, %dot_general3A_59 {dimension_numbers = #tpu.dot_dimension_numbers<[1], [0], [0], [1], [0, 0, 1, 1], [], []>, transpose_lhs_hint = false} : vector<64x512xf32>, vector<512x256xf32>, vector<64x256xf32> -> vector<64x256xf32>
    %get3A_61 = arith.constant 0 : index
    %get3A_62 = arith.constant 0 : index
    %get3A_63 = vector.load %arg12[%get3A_61, %get3A_62] : memref<1x256xf32, #tpu.memory_space<vmem>>, vector<1x256xf32>
    %get3A_64 = vector.shape_cast %get3A_63 : vector<1x256xf32> to vector<256xf32>
    %broadcast_in_dim3A_65 = vector.shape_cast %get3A_64 : vector<256xf32> to vector<1x256xf32>
    %add3A_66 = vector.broadcast %broadcast_in_dim3A_65 : vector<1x256xf32> to vector<64x256xf32>
    %add3A_67 = arith.addf %dot_general3A_60, %add3A_66 : vector<64x256xf32>
    %get3A_68 = arith.constant 0 : index
    %get3A_69 = arith.constant 0 : index
    %get3A_70 = vector.load %arg4[%get3A_68, %get3A_69] : memref<64x1024xf32, #tpu.memory_space<vmem>>, vector<64x1024xf32>
    %get3A_71 = arith.constant 0 : index
    %get3A_72 = arith.constant 0 : index
    %get3A_73 = vector.load %arg5[%get3A_71, %get3A_72] : memref<1024x512xf32, #tpu.memory_space<vmem>>, vector<1024x512xf32>
    %dot_general3A_74 = arith.constant dense<0.000000e+00> : vector<64x512xf32>
    %dot_general3A_75 = tpu.matmul %get3A_70, %get3A_73, %dot_general3A_74 {dimension_numbers = #tpu.dot_dimension_numbers<[1], [0], [0], [1], [0, 0, 1, 1], [], []>, transpose_lhs_hint = false} : vector<64x1024xf32>, vector<1024x512xf32>, vector<64x512xf32> -> vector<64x512xf32>
    %get3A_76 = arith.constant 0 : index
    %get3A_77 = arith.constant 0 : index
    %get3A_78 = vector.load %arg6[%get3A_76, %get3A_77] : memref<1x512xf32, #tpu.memory_space<vmem>>, vector<1x512xf32>
    %get3A_79 = vector.shape_cast %get3A_78 : vector<1x512xf32> to vector<512xf32>
    %broadcast_in_dim3A_80 = vector.shape_cast %get3A_79 : vector<512xf32> to vector<1x512xf32>
    %add3A_81 = vector.broadcast %broadcast_in_dim3A_80 : vector<1x512xf32> to vector<64x512xf32>
    %add3A_82 = arith.addf %dot_general3A_75, %add3A_81 : vector<64x512xf32>
    %max3A_83 = arith.constant 0.000000e+00 : f32
    %max3A_84 = vector.broadcast %max3A_83 : f32 to vector<64x512xf32>
    %max3A_85 = arith.maximumf %add3A_82, %max3A_84 : vector<64x512xf32>
    %get3A_86 = arith.constant 0 : index
    %get3A_87 = arith.constant 0 : index
    %get3A_88 = vector.load %arg7[%get3A_86, %get3A_87] : memref<512x128xf32, #tpu.memory_space<vmem>>, vector<512x128xf32>
    %dot_general3A_89 = arith.constant dense<0.000000e+00> : vector<64x128xf32>
    %dot_general3A_90 = tpu.matmul %max3A_85, %get3A_88, %dot_general3A_89 {dimension_numbers = #tpu.dot_dimension_numbers<[1], [0], [0], [1], [0, 0, 1, 1], [], []>, transpose_lhs_hint = false} : vector<64x512xf32>, vector<512x128xf32>, vector<64x128xf32> -> vector<64x128xf32>
    %get3A_91 = arith.constant 0 : index
    %get3A_92 = arith.constant 0 : index
    %get3A_93 = vector.load %arg8[%get3A_91, %get3A_92] : memref<1x128xf32, #tpu.memory_space<vmem>>, vector<1x128xf32>
    %get3A_94 = vector.shape_cast %get3A_93 : vector<1x128xf32> to vector<128xf32>
    %broadcast_in_dim3A_95 = vector.shape_cast %get3A_94 : vector<128xf32> to vector<1x128xf32>
    %add3A_96 = vector.broadcast %broadcast_in_dim3A_95 : vector<1x128xf32> to vector<64x128xf32>
    %add3A_97 = arith.addf %dot_general3A_90, %add3A_96 : vector<64x128xf32>
    %concatenate3A = tpu.concatenate %add3A_40, %add3A_67, %add3A_97 in 1 : vector<64x256xf32>, vector<64x256xf32>, vector<64x128xf32> -> vector<64x640xf32>
    %get3A_98 = arith.constant 0 : index
    %get3A_99 = arith.constant 0 : index
    %get3A_100 = vector.load %arg13[%get3A_98, %get3A_99] : memref<640x256xf32, #tpu.memory_space<vmem>>, vector<640x256xf32>
    %dot_general3A_101 = arith.constant dense<0.000000e+00> : vector<64x256xf32>
    %dot_general3A_102 = tpu.matmul %concatenate3A, %get3A_100, %dot_general3A_101 {dimension_numbers = #tpu.dot_dimension_numbers<[1], [0], [0], [1], [0, 0, 1, 1], [], []>, transpose_lhs_hint = false} : vector<64x640xf32>, vector<640x256xf32>, vector<64x256xf32> -> vector<64x256xf32>
    %get3A_103 = arith.constant 0 : index
    %get3A_104 = arith.constant 0 : index
    %get3A_105 = vector.load %arg14[%get3A_103, %get3A_104] : memref<1x256xf32, #tpu.memory_space<vmem>>, vector<1x256xf32>
    %get3A_106 = vector.shape_cast %get3A_105 : vector<1x256xf32> to vector<256xf32>
    %broadcast_in_dim3A_107 = vector.shape_cast %get3A_106 : vector<256xf32> to vector<1x256xf32>
    %add3A_108 = vector.broadcast %broadcast_in_dim3A_107 : vector<1x256xf32> to vector<64x256xf32>
    %add3A_109 = arith.addf %dot_general3A_102, %add3A_108 : vector<64x256xf32>
    %max3A_110 = arith.constant 0.000000e+00 : f32
    %max3A_111 = vector.broadcast %max3A_110 : f32 to vector<64x256xf32>
    %max3A_112 = arith.maximumf %add3A_109, %max3A_111 : vector<64x256xf32>
    %get3A_113 = arith.constant 0 : index
    %get3A_114 = arith.constant 0 : index
    %get3A_115 = vector.load %arg15[%get3A_113, %get3A_114] : memref<256x64xf32, #tpu.memory_space<vmem>>, vector<256x64xf32>
    %dot_general3A_116 = arith.constant dense<0.000000e+00> : vector<64x64xf32>
    %dot_general3A_117 = tpu.matmul %max3A_112, %get3A_115, %dot_general3A_116 {dimension_numbers = #tpu.dot_dimension_numbers<[1], [0], [0], [1], [0, 0, 1, 1], [], []>, transpose_lhs_hint = false} : vector<64x256xf32>, vector<256x64xf32>, vector<64x64xf32> -> vector<64x64xf32>
    %get3A_118 = arith.constant 0 : index
    %get3A_119 = arith.constant 0 : index
    %get3A_120 = vector.load %arg16[%get3A_118, %get3A_119] : memref<1x64xf32, #tpu.memory_space<vmem>>, vector<1x64xf32>
    %get3A_121 = vector.shape_cast %get3A_120 : vector<1x64xf32> to vector<64xf32>
    %broadcast_in_dim3A_122 = vector.shape_cast %get3A_121 : vector<64xf32> to vector<1x64xf32>
    %add3A_123 = vector.broadcast %broadcast_in_dim3A_122 : vector<1x64xf32> to vector<64x64xf32>
    %add3A_124 = arith.addf %dot_general3A_117, %add3A_123 : vector<64x64xf32>
    %max3A_125 = arith.constant 0.000000e+00 : f32
    %max3A_126 = vector.broadcast %max3A_125 : f32 to vector<64x64xf32>
    %max3A_127 = arith.maximumf %add3A_124, %max3A_126 : vector<64x64xf32>
    %get3A_128 = arith.constant 0 : index
    %get3A_129 = arith.constant 0 : index
    %get3A_130 = vector.load %arg17[%get3A_128, %get3A_129] : memref<64x128xf32, #tpu.memory_space<vmem>>, vector<64x128xf32>
    %dot_general3A_131 = arith.constant dense<0.000000e+00> : vector<64x128xf32>
    %dot_general3A_132 = tpu.matmul %max3A_127, %get3A_130, %dot_general3A_131 {dimension_numbers = #tpu.dot_dimension_numbers<[1], [0], [0], [1], [0, 0, 1, 1], [], []>, transpose_lhs_hint = false} : vector<64x64xf32>, vector<64x128xf32>, vector<64x128xf32> -> vector<64x128xf32>
    %get3A_133 = arith.constant 0 : index
    %get3A_134 = arith.constant 0 : index
    %get3A_135 = vector.load %arg18[%get3A_133, %get3A_134] : memref<1x128xf32, #tpu.memory_space<vmem>>, vector<1x128xf32>
    %get3A_136 = vector.shape_cast %get3A_135 : vector<1x128xf32> to vector<128xf32>
    %broadcast_in_dim3A_137 = vector.shape_cast %get3A_136 : vector<128xf32> to vector<1x128xf32>
    %add3A_138 = vector.broadcast %broadcast_in_dim3A_137 : vector<1x128xf32> to vector<64x128xf32>
    %add3A_139 = arith.addf %dot_general3A_132, %add3A_138 : vector<64x128xf32>
    %swap3A = arith.constant 0 : index
    %swap3A_140 = arith.constant 0 : index
    %swap3A_141 = vector.load %arg19[%swap3A, %swap3A_140] : memref<64x128xf32, #tpu.memory_space<vmem>>, vector<64x128xf32>
    tpu.vector_store %arg19[%swap3A, %swap3A_140], %add3A_139 {strides = array<i32>} : memref<64x128xf32, #tpu.memory_space<vmem>>, vector<64x128xf32>,
    return
  }
}

</mosaic_0001>

<sc_bundles>
// kernel: kernel.37.cloned.1.call-start
scs
__scs_entry_jumppad:
0x0: {  	(pc) =	sbr.rel $0x88, $3  }
0x1: {  	(tag) =	ssettag $0x0;
	lr =	simm.s32 $0x1  }
0x2: {  	[smem:$0x3F6A] =	sst lr;
	_ =	strace $0xD0000000  }
0x3: {  	_ = 	snop  }
0x4: {  	_ = 	snop  }
0x5: {  	_ = 	snop  }
0x6: {  	_ = 	snop  }
0x7: {  	_ = 	snop  }
__scs_overlays_trampoline_lowered:
0x8: {  	[smem:$0x3F79] =	sst s0  }
0x9: {  	[smem:$0x3F7A] =	sst s1  }
0xa: {  	[smem:$0x3F7B] =	sst s2  }
0xb: {  	[smem:$0x3F7C] =	sst s3  }
0xc: {  	[smem:$0x3F7D] =	sst s4  }
0xd: {  	[smem:$0x3F7E] =	sst s5  }
0xe: {  	[smem:$0x3F7F] =	sst s6  }
0xf: {  	[smem:$0x3F80] =	sst s7  }
0x10: {  	[smem:$0x3F81] =	sst s8  }
0x11: {  	[smem:$0x3F82] =	sst s9;
	s0 =	simm.s32 @!p0 $0x0  }
0x12: {  	s1 =	sld [smem:$0x3F68];
	s0 =	simm.s32 @p0 $0x1  }
0x13: {  	[smem:$0x3F83] =	sst s0;
	s0 =	simm.s32 @!p1 $0x0  }
0x14: {  	s2 =	sld [smem:$0x3F67];
	s0 =	simm.s32 @p1 $0x1  }
0x15: {  	[smem:$0x3F84] =	sst s0;
	s0 =	simm.s32 @!p2 $0x0  }
0x16: {  	s3 =	sld [smem:$0x3FDB];
	s0 =	simm.s32 @p2 $0x1  }
0x17: {  	s4 =	simm.s32 $0x1BF5;
	[smem:$0x3F86] =	sst s0  }
0x18: {  	s0 =	sld [smem:$0x3F69];
	_ =	swait.ge [sflag:s4], $0x0  }
0x19: {  	s7 =	sld [smem:$0x3F6A]  }
0x1a: {  	s8 =	sadd.s32 $0xFFFFE003, lr  }
0x1b: {  	s9 =	sadd.s32 $0xFFFFFEF7, lr;
	s5 =	simm.s32 $0xFFFFFFFF;
	p2 =	slt.u32 s8, $0xFFFFF086  }
0x1c: {  	p1 =	slt.u32 s9, $0xF7A;
	s5 =	simm.s32 @!p2 $0x0  }
0x1d: {  	s5 =	simm.s32 @p1 $0x1;
	p0 =	seq.s32 s7, s2  }
0x1e: {  	s7 =	smul.u32 @!p0 $0xF7A, s2;
	p2 =	seq.s32 @!p0 s5, $0x0  }
0x1f: {  	s9 =	smul.u32 $0xF7A, s1;
	s8 =	simm.s32 @!p0 $0x1BF5;
	p2 =	por !p2, p0  }
0x20: {  	[sflag:s8] =	ssyncset.s32 @!p0 $0xFFFFF086;
	s6 =	sadd.s32 @!p0 s3, s7;
	s7 =	simm.s32 @!p0 $0x108  }
0x21: {  	s3 =	sadd.s32 s3, s9;
	s6 =	sadd.s32 @!p0 $0x88, s6;
	s7 =	simm.s32 @p2 $0x1082  }
0x22: {  	[simem:s7], [sflag:s8] =	dma.local @!p0 [hbm:s6], $0xF7A  }
0x23: {  	s9 =	sor.u32 $0xD0000000, s2;
	s6 =	simm.s32 $0x108;
	_ =	swait.ge @!p0 [sflag:s8], $0x0  }
0x24: {  	s3 =	sadd.s32 $0x88, s3;
	s6 =	simm.s32 @!p1 $0x1082;
	[sflag:s4] =	ssyncset.s32 $0xFFFFF086  }
0x25: {  	[simem:s6], [sflag:s4] =	dma.local [hbm:s3], $0xF7A  }
0x26: {  	[smem:$0x3F6A] =	sst s1;
	(tag) =	ssettag s2;
	_ =	strace s9  }
0x27: {  	s1 =	sld [smem:$0x3F7A]  }
0x28: {  	s2 =	sld [smem:$0x3F7B]  }
0x29: {  	s4 =	sld [smem:$0x3F7D]  }
0x2a: {  	p0 =	seq.s32 s5, $0x0;
	s5 =	sld [smem:$0x3F7E]  }
0x2b: {  	s6 =	sld [smem:$0x3F7F]  }
0x2c: {  	s7 =	sld [smem:$0x3F80]  }
0x2d: {  	s3 =	simm.s32 $0x108;
	s8 =	sld [smem:$0x3F81]  }
0x2e: {  	s3 =	simm.s32 @!p0 $0x1082;
	s9 =	sld [smem:$0x3F82]  }
0x2f: {  	lr =	sadd.s32 s0, s3;
	s0 =	sld [smem:$0x3F79]  }
0x30: {  	s3 =	sld [smem:$0x3F7C]  }
0x31: {  	[smem:$0x3F85] =	sst s10  }
0x32: {  	s10 =	sld [smem:$0x3F83];
	_ =	sdelay $0x3  }
0x33: {  	p0 =	seq.s32 s10, $0x1;
	s10 =	sld [smem:$0x3F85];
	_ =	sdelay $0x3  }
0x34: {  	[smem:$0x3F85] =	sst s10  }
0x35: {  	s10 =	sld [smem:$0x3F84];
	_ =	sdelay $0x3  }
0x36: {  	p1 =	seq.s32 s10, $0x1;
	s10 =	sld [smem:$0x3F85];
	_ =	sdelay $0x3  }
0x37: {  	[smem:$0x3F85] =	sst s10  }
0x38: {  	s10 =	sld [smem:$0x3F86]  }
0x39: {  	_ = 	snop;
	(pc) =	sbr.ind lr, $3  }
0x3a: {  	_ = 	snop  }
0x3b: {  	_ = 	snop  }
0x3c: {  	p2 =	seq.s32 s10, $0x1;
	s10 =	sld [smem:$0x3F85]  }
0x3d: {  	_ =	shalt  }
0x3e: {  	_ =	shalt  }
0x3f: {  	_ =	shalt  }
0x40: {  	_ =	shalt  }
0x41: {  	_ =	shalt  }
0x42: {  	_ =	shalt  }
0x43: {  	_ =	shalt  }
0x44: {  	_ =	shalt  }
0x45: {  	_ =	shalt  }
0x46: {  	_ =	shalt  }
0x47: {  	_ =	shalt  }
0x48: {  	_ =	shalt  }
0x49: {  	_ =	shalt  }
0x4a: {  	_ =	shalt  }
0x4b: {  	_ =	shalt  }
0x4c: {  	_ =	shalt  }
0x4d: {  	_ =	shalt  }
0x4e: {  	_ =	shalt  }
0x4f: {  	_ =	shalt  }
0x50: {  	_ =	shalt  }
0x51: {  	_ =	shalt  }
0x52: {  	_ =	shalt  }
0x53: {  	_ =	shalt  }
0x54: {  	_ =	shalt  }
0x55: {  	_ =	shalt  }
0x56: {  	_ =	shalt  }
0x57: {  	_ =	shalt  }
0x58: {  	_ =	shalt  }
0x59: {  	_ =	shalt  }
0x5a: {  	_ =	shalt  }
0x5b: {  	_ =	shalt  }
0x5c: {  	_ =	shalt  }
0x5d: {  	_ =	shalt  }
0x5e: {  	_ =	shalt  }
0x5f: {  	_ =	shalt  }
0x60: {  	_ =	shalt  }
0x61: {  	_ =	shalt  }
0x62: {  	_ =	shalt  }
0x63: {  	_ =	shalt  }
0x64: {  	_ =	shalt  }
0x65: {  	_ =	shalt  }
0x66: {  	_ =	shalt  }
0x67: {  	_ =	shalt  }
0x68: {  	_ =	shalt  }
0x69: {  	_ =	shalt  }
0x6a: {  	_ =	shalt  }
0x6b: {  	_ =	shalt  }
0x6c: {  	_ =	shalt  }
0x6d: {  	_ =	shalt  }
0x6e: {  	_ =	shalt  }
0x6f: {  	_ =	shalt  }
0x70: {  	_ =	shalt  }
0x71: {  	_ =	shalt  }
0x72: {  	_ =	shalt  }
0x73: {  	_ =	shalt  }
0x74: {  	_ =	shalt  }
0x75: {  	_ =	shalt  }
0x76: {  	_ =	shalt  }
0x77: {  	_ =	shalt  }
0x78: {  	_ =	shalt  }
0x79: {  	_ =	shalt  }
0x7a: {  	_ =	shalt  }
0x7b: {  	_ =	shalt  }
0x7c: {  	_ =	shalt  }
0x7d: {  	_ =	shalt  }
0x7e: {  	_ =	shalt  }
0x7f: {  	_ =	shalt  }
0x80: {  	_ =	shalt  }
0x81: {  	_ =	shalt  }
0x82: {  	_ =	shalt  }
0x83: {  	_ =	shalt  }
0x84: {  	_ =	shalt  }
0x85: {  	_ =	shalt  }
0x86: {  	_ =	shalt  }
0x87: {  	_ =	shalt  }
.Lfunc_end0:
.L_simem_size_0:
called_computation_lowered:
.L_overlay_start_0:
0x88: {  	s2 =	sld [smem:$0x3FD9]  }
0x89: {  	s3 =	sld [smem:$0x3FFE];
	_ =	sdelay $0x1  }
0x8a: {  	s1 =	srdreg.scid  }
0x8b: {  	s0 =	sand.u32 $0x1, s1  }
0x8c: {  	s16 =	sshll.u32 s0, $0xA;
	s2 =	sadd.s32 s3, s2  }
0x8d: {  	s2 =	sadd.s32 s2, s16  }
0x8e: {  	[smem:$0x3F91] =	sst s2  }
0x8f: {  	_ = 	snop  }
0x90: {  	(tm) =	ssettm $0x1  }
0x91: {  	s17 =	sld [smem:$0x3FFB];
	_ =	sdelay $0x3  }
0x92: {  	_ =	strace s17  }
0x93: {  	s2 =	sld [smem:$0x3FFC];
	_ =	sdelay $0x3  }
0x94: {  	_ =	strace s2  }
0x95: {  	s2 =	sld [smem:$0x3FFD];
	_ =	sdelay $0x3  }
0x96: {  	_ =	strace s2  }
0x97: {  	_ =	strace $0x8FFFFFFF  }
0x98: {  	s18 =	sld [smem:$0x3FDB];
	_ =	sdelay $0x1  }
0x99: {  	s19 =	simm.s32 $_scs_section_size  }
0x9a: {  	s4 =	simm.s32 $_size__tile_overlayer_lowered;
	s5 =	simm.s32 $_tile_overlayer_lowered  }
0x9b: {  	s22 =	simm.s32 $0x1BFF;
	s21 =	sshll.u32 s5, $0x1;
	s2 =	sadd.s32 s19, s18  }
0x9c: {  	s6 =	simm.s32 $0x0;
	s20 =	sshll.u32 s4, $0x1;
	s4 =	sadd.s32 s21, s2  }
0x9d: {  	[timem:s6], [sflag:s22] =	dma.local [hbm:s4], s20  }
0x9e: {  	_ =	swait.ge [sflag:s22], s20  }
0x9f: {  	s3 =	ssub.s32 $0x0, s20;
	[sflag:s22] =	ssyncset.done $0x0  }
0xa0: {  	[sflag:s22] =	ssyncadd.s32 s3;
	_ =	sdelay $0x1  }
0xa1: {  	s23 =	simm.s32 $0x1B8B  }
0xa2: {  	_ =	swait.ge [sflag:s23], $0x1  }
0xa3: {  	[sflag:s23] =	ssyncset.done $0x0  }
0xa4: {  	s25 =	simm.s32 $0x1B8E;
	s24 =	sld [smem:$0x3FFE];
	[sflag:s23] =	ssyncadd.s32 $0xFFFFFFFF  }
0xa5: {  	s26 =	simm.s32 $execute0_lowered;
	[smem:$0x3FD2] =	sst s25  }
0xa6: {  	s4 =	sshll.u32 s26, $0x1;
	_ =	strace $0x80000046;
	[dreg:$0x1] =	wrdreg $0xFFFFFFFF  }
0xa7: {  	s28 =	simm.s32 $_size_execute0_lowered;
	s2 =	sadd.s32 s2, s4;
	[dreg:$0x0] =	wrdreg $0x0  }
0xa8: {  	s4 =	sshll.u32 s28, $0x1;
	[dreg:$0x2] =	wrdreg s2  }
0xa9: {  	[dreg:$0x3] =	wrdreg s4  }
0xaa: {  	[dreg:$0x4] =	wrdreg $0xC0  }
0xab: {  	_ =	task [dreg:s6], $0x5FFFF  }
0xac: {  	[dreg:$0x1] =	wrdreg $0xFFFFFFFF  }
0xad: {  	[dreg:$0x0] =	wrdreg $0x60  }
0xae: {  	[dreg:$0x2] =	wrdreg s24  }
0xaf: {  	[dreg:$0x3] =	wrdreg $0xA8000  }
0xb0: {  	[dreg:$0x4] =	wrdreg $0xA  }
0xb1: {  	_ =	task.clear_ibuf [dreg:s6], $0x5FFFF;
	_ =	strace $0x90000046  }
0xb2: {  	s29 =	simm.s32 $0xA;
	_ =	strace $0x80000048  }
0xb3: {  	_ =	swait.ge [sflag:s29], $0x1  }
0xb4: {  	[sflag:s29] =	ssyncadd.s32 $0xFFFFFFFF  }
0xb5: {  	_ =	strace $0x90000048  }
0xb6: {  	_ =	sfence  }
0xb7: {  	s30 =	sld [smem:$0x0];
	_ =	sdelay $0x2  }
0xb8: {  	s31 =	sshll.u32 s1, $0xD;
	s1 =	sshrl.u32 s1, $0x2  }
0xb9: {  	s3 =	sand.u32 $0x4000, s31;
	s1 =	sadd.s32 s1, s30  }
0xba: {  	s0 =	sor.u32 s3, s0;
	s1 =	sshll.u32 s1, $0x11  }
0xbb: {  	s0 =	sor.u32 s1, s0  }
0xbc: {  	s0 =	sadd.s32 $0x8F2B, s0  }
0xbd: {  	[sflag:s0] =	ssyncadd.remote.s32 $0x1  }
0xbe: {  	_ =	sfence.sel $0xFFFF  }
0xbf: {  	[dreg:$0x0] =	wrdreg $0xFFFFFFFF;
	(pc) =	sbr.abs _section_cstart, $3  }
0xc0: {  	[dreg:$0x1] =	wrdreg $0xFFFFFFFF  }
0xc1: {  	_ =	task.clear_ibuf [dreg:s6], $0x2FFFF;
	_ =	strace $0x9FFFFFFF  }
0xc2: {  	(tm) =	ssettm $0x7FFFFFFF  }
0xc3: {  	_ =	shalt  }
tec
execute0_lowered:
.L_overlay_start_1:
0x0: {  	(tag) =	ssettag $0x1  }
0x1: {  	s1 =	srdreg.scid  }
0x2: {  	s0 =	stileid.u32;
	s6 =	rddreg [dreg:$0x0]  }
0x3: {  	s2 =	rddreg [dreg:$0x1];
	s3 =	simm.s32 $0x0;
	s14 =	simm.s32 $0x80  }
0x4: {  	s15 =	simm.s32 $0x2800;
	s16 =	simm.s32 $0x6800;
	s17 =	simm.s32 $0x1  }
0x5: {  	s18 =	simm.s32 $0x2;
	s19 =	simm.s32 $0x3;
	s20 =	simm.s32 $0x4  }
0x6: {  	s21 =	simm.s32 $0x2600;
	s22 =	simm.s32 $0x2680;
	s23 =	simm.s32 $0x1300  }
0x7: {  	s28 =	simm.s32 $0x0;
	s5 =	sand.u32 $0x1, s1;
	s24 =	sshll.u32 s0, $0x1  }
0x8: {  	s8 =	smul.u32 $0x13C00, s0;
	[smem:$0x7FF] =	sst s3;
	s4 =	sadd.s32 $0x16400, s6  }
0x9: {  	s26 =	smul.u32 $0x4F000, s0;
	s31 =	sshll.u32 s0, $0x6;
	s1 =	sor.u32 s5, s24  }
0xa: {  	s9 =	smul.u32 $0x13C000, s5;
	s5 =	ssub.s32 $0x2, s5;
	s24 =	simm.s32 $0x1380  }
0xb: {  	s7 =	smul.u32 $0x280, s1;
	s1 =	rddreg [dreg:$0x2];
	_ =	strace $0x80000047  }
0xc: {  	s25 =	sshrl.u32 s8, $0x3;
	s29 =	sshrl.u32 s5, $0x1;
	s30 =	sshrl.u32 s26, $0x2  }
0xd: {  	s26 =	simm.s32 $0x2780;
	s8 =	sadd.s32 s8, s9;
	s12 =	ssub.s32 s5, s29  }
0xe: {  	s13 =	sadd.s32 s30, s2;
	s10 =	sadd.s32 s7, s6;
	s8 =	sshrl.u32 s8, $0x3  }
0xf: {  	s7 =	sadd.s32 s25, s6;
	s25 =	simm.s32 $0x2700;
	s11 =	sadd.s32 s8, s6  }
0x10: {  	s5 =	sadd.s32 $0x100A00, s7;
	s6 =	sor.u32 $0x1C05, s31;
	s7 =	sadd.s32 $0xC400, s10  }
0x11: {  	s8 =	sadd.s32 $0x11400, s10;
	s10 =	smax.u32 s12, $0x1;
	s12 =	simm.s32 $0x5  }
0x12: {  	s9 =	sadd.s32 $0x128200, s11;
	s11 =	sshrl.u32 s13, $0x3;
	s13 =	simm.s32 $0x1400  }
.LBB2_1:
0x13: {  	[spmem:s11], [sflag:s6] =	dma.local [hbm:s5], $0x2780  }
0x14: {  	_ =	swait.ge [sflag:s12], $0x2780  }
0x15: {  	[sflag:s12] =	ssyncset.done $0x0  }
0x16: {  	[sflag:s12] =	ssyncadd.s32 $0xFFFFD880  }
0x17: {  	[tilespmem:s3], [sflag:$0x5] =	stream.linear.gather [hbm4b:s7+s3], $0x1400, $0x38;
	[tilespmem:$0x1E400] =	vst v63  }
0x18: {  	_ =	swait.ge [sflag:s12], $0x1400  }
0x19: {  	[sflag:s12] =	ssyncset.done $0x0  }
0x1a: {  	[sflag:s12] =	ssyncadd.s32 $0xFFFFEC00  }
0x1b: {  	[tilespmem:s13], [sflag:$0x5] =	stream.linear.gather [hbm4b:s8+s3], $0x1400, $0x38;
	[tilespmem:$0x1E400] =	vst v63  }
0x1c: {  	_ =	swait.ge [sflag:s12], $0x1400  }
0x1d: {  	[sflag:s12] =	ssyncset.done $0x0  }
0x1e: {  	[sflag:s12] =	ssyncadd.s32 $0xFFFFEC00  }
0x1f: {  	[bflag:$0x0] =	sbarrier.arrive $0xFFFF  }
0x20: {  	[tilespmem:s15], [sflag:$0x1] =	stream.indirect.gather [hbm4b:s4+s14], $0x80, s3, s14, $0xb8;
	[tilespmem:$0x1E400] =	vst v63  }
0x21: {  	_ = 	snop  }
0x22: {  	[tilespmem:s16], [sflag:$0x2] =	stream.indirect.gather [hbm4b:s4+s14], $0x80, s14, s14, $0xb8;
	[tilespmem:$0x1E400] =	vst v63  }
0x23: {  	_ =	swait.ge [sflag:s17], $0x4000  }
0x24: {  	[sflag:s17] =	ssyncset.done $0x0  }
0x25: {  	s29 =	simm.s32 $0x1400;
	[sflag:s17] =	ssyncadd.s32 $0xFFFFC000  }
0x26: {  	[spmem:s2] =	stream.indirect.scatter.add.f32 [tilespmem:s15], [sflag:$0x3], $0x80, s29, s14, $0xb8;
	[tilespmem:$0x1E400] =	vst v63  }
0x27: {  	_ =	swait.ge [sflag:s18], $0x4000  }
0x28: {  	[sflag:s18] =	ssyncset.done $0x0  }
0x29: {  	s29 =	simm.s32 $0x1480;
	[sflag:s18] =	ssyncadd.s32 $0xFFFFC000  }
0x2a: {  	[spmem:s2] =	stream.indirect.scatter.add.f32 [tilespmem:s16], [sflag:$0x4], $0x80, s29, s14, $0xb8;
	[tilespmem:$0x1E400] =	vst v63  }
0x2b: {  	_ =	swait.ge [sflag:s19], $0x4000  }
0x2c: {  	[sflag:s19] =	ssyncset.done $0x0  }
0x2d: {  	s29 =	simm.s32 $0x100;
	[sflag:s19] =	ssyncadd.s32 $0xFFFFC000  }
0x2e: {  	[tilespmem:s15], [sflag:$0x1] =	stream.indirect.gather [hbm4b:s4+s14], $0x80, s29, s14, $0xb8;
	[tilespmem:$0x1E400] =	vst v63  }
0x2f: {  	_ =	swait.ge [sflag:s20], $0x4000  }
0x30: {  	[sflag:s20] =	ssyncset.done $0x0  }
0x31: {  	s30 =	simm.s32 $0x180;
	s29 =	simm.s32 $0x400;
	[sflag:s20] =	ssyncadd.s32 $0xFFFFC000  }
.LBB2_2:
0x32: {  	[tilespmem:s16], [sflag:$0x2] =	stream.indirect.gather [hbm4b:s4+s14], $0x80, s30, s14, $0xb8;
	[tilespmem:$0x1E400] =	vst v63  }
0x33: {  	s30 =	smov.u32 s29  }
0x34: {  	p0 =	sne.s32 s29, $0x4400;
	s29 =	sadd.s32 $0x400, s29;
	_ =	swait.ge [sflag:s17], $0x4000  }
0x35: {  	s30 =	sshra.s32 s30, $0x2;
	[sflag:s17] =	ssyncset.done $0x0  }
0x36: {  	s31 =	sadd.s32 $0x1400, s30;
	[sflag:s17] =	ssyncadd.s32 $0xFFFFC000  }
0x37: {  	[spmem:s2] =	stream.indirect.scatter.add.f32 [tilespmem:s15], [sflag:$0x3], $0x80, s31, s14, $0xb8;
	[tilespmem:$0x1E400] =	vst v63  }
0x38: {  	_ =	swait.ge [sflag:s18], $0x4000  }
0x39: {  	[sflag:s18] =	ssyncset.done $0x0  }
0x3a: {  	s31 =	sadd.s32 $0x1480, s30;
	[sflag:s18] =	ssyncadd.s32 $0xFFFFC000  }
0x3b: {  	[spmem:s2] =	stream.indirect.scatter.add.f32 [tilespmem:s16], [sflag:$0x4], $0x80, s31, s14, $0xb8;
	[tilespmem:$0x1E400] =	vst v63  }
0x3c: {  	_ =	swait.ge [sflag:s19], $0x4000  }
0x3d: {  	[sflag:s19] =	ssyncset.done $0x0  }
.Ltmp0:
0x3e: {  	s31 =	sadd.s32 $0x100, s30;
	[sflag:s19] =	ssyncadd.s32 $0xFFFFC000;
	(pc) =	sbr.rel @p0 .LBB2_2-.Ltmp0, $4  }
0x3f: {  	[tilespmem:s15], [sflag:$0x1] =	stream.indirect.gather [hbm4b:s4+s14], $0x80, s31, s14, $0xb8;
	[tilespmem:$0x1E400] =	vst v63  }
0x40: {  	_ =	swait.ge [sflag:s20], $0x4000  }
0x41: {  	[sflag:s20] =	ssyncset.done $0x0  }
0x42: {  	s30 =	sadd.s32 $0x180, s30;
	[sflag:s20] =	ssyncadd.s32 $0xFFFFC000  }
0x43: {  	[tilespmem:s16], [sflag:$0x2] =	stream.indirect.gather [hbm4b:s4+s14], $0x80, s30, s14, $0xb8;
	[tilespmem:$0x1E400] =	vst v63  }
0x44: {  	_ =	swait.ge [sflag:s17], $0x4000  }
0x45: {  	[sflag:s17] =	ssyncset.done $0x0  }
0x46: {  	[sflag:s17] =	ssyncadd.s32 $0xFFFFC000  }
0x47: {  	[spmem:s2] =	stream.indirect.scatter.add.f32 [tilespmem:s15], [sflag:$0x3], $0x80, s21, s14, $0xb8;
	[tilespmem:$0x1E400] =	vst v63  }
0x48: {  	_ =	swait.ge [sflag:s18], $0x4000  }
0x49: {  	[sflag:s18] =	ssyncset.done $0x0  }
0x4a: {  	[sflag:s18] =	ssyncadd.s32 $0xFFFFC000  }
0x4b: {  	[spmem:s2] =	stream.indirect.scatter.add.f32 [tilespmem:s16], [sflag:$0x4], $0x80, s22, s14, $0xb8;
	[tilespmem:$0x1E400] =	vst v63  }
0x4c: {  	_ =	swait.ge [sflag:s19], $0x4000  }
0x4d: {  	[sflag:s19] =	ssyncset.done $0x0  }
0x4e: {  	[sflag:s19] =	ssyncadd.s32 $0xFFFFC000  }
0x4f: {  	[tilespmem:s15], [sflag:$0x1] =	stream.indirect.gather [hbm4b:s4+s14], $0x80, s23, s14, $0xb8;
	[tilespmem:$0x1E400] =	vst v63  }
0x50: {  	_ =	swait.ge [sflag:s20], $0x4000  }
0x51: {  	[sflag:s20] =	ssyncset.done $0x0  }
0x52: {  	[sflag:s20] =	ssyncadd.s32 $0xFFFFC000  }
0x53: {  	[tilespmem:s16], [sflag:$0x2] =	stream.indirect.gather [hbm4b:s4+s14], $0x80, s24, s14, $0xb8;
	[tilespmem:$0x1E400] =	vst v63  }
0x54: {  	_ =	swait.ge [sflag:s17], $0x4000  }
0x55: {  	[sflag:s17] =	ssyncset.done $0x0  }
0x56: {  	[sflag:s17] =	ssyncadd.s32 $0xFFFFC000  }
0x57: {  	[spmem:s2] =	stream.indirect.scatter.add.f32 [tilespmem:s15], [sflag:$0x3], $0x80, s25, s14, $0xb8;
	[tilespmem:$0x1E400] =	vst v63  }
0x58: {  	_ =	swait.ge [sflag:s18], $0x4000  }
0x59: {  	[sflag:s18] =	ssyncset.done $0x0  }
0x5a: {  	[sflag:s18] =	ssyncadd.s32 $0xFFFFC000  }
0x5b: {  	[spmem:s2] =	stream.indirect.scatter.add.f32 [tilespmem:s16], [sflag:$0x4], $0x80, s26, s14, $0xb8;
	[tilespmem:$0x1E400] =	vst v63  }
0x5c: {  	_ =	swait.ge [sflag:s19], $0x4000  }
0x5d: {  	[sflag:s19] =	ssyncset.done $0x0  }
0x5e: {  	[sflag:s19] =	ssyncadd.s32 $0xFFFFC000  }
0x5f: {  	[tilespmem:s15], [sflag:$0x1] =	stream.indirect.gather [hbm4b:s4+s14], $0x80, s24, s14, $0xb8;
	[tilespmem:$0x1E400] =	vst v63  }
0x60: {  	_ =	swait.ge [sflag:s20], $0x4000  }
0x61: {  	[sflag:s20] =	ssyncset.done $0x0  }
0x62: {  	[sflag:s20] =	ssyncadd.s32 $0xFFFFC000  }
0x63: {  	[tilespmem:s16], [sflag:$0x2] =	stream.indirect.gather [hbm4b:s4+s14], $0x80, s24, s14, $0xb8;
	[tilespmem:$0x1E400] =	vst v63  }
0x64: {  	_ =	swait.ge [sflag:s17], $0x4000  }
0x65: {  	[sflag:s17] =	ssyncset.done $0x0  }
0x66: {  	[sflag:s17] =	ssyncadd.s32 $0xFFFFC000  }
0x67: {  	_ =	swait.ge [sflag:s18], $0x4000  }
0x68: {  	s28 =	sadd.s32 $0x1, s28;
	[sflag:s18] =	ssyncset.done $0x0  }
0x69: {  	p0 =	sne.s32 s28, s10;
	[sflag:s18] =	ssyncadd.s32 $0xFFFFC000  }
.Ltmp1:
0x6a: {  	[bflag:$0x0] =	sbarrier.arrive $0xFFFF;
	(pc) =	sbr.rel @p0 .LBB2_1-.Ltmp1, $4  }
0x6b: {  	[hbm:s9], [sflag:s6] =	dma.local [spmem:s11], $0x2780  }
0x6c: {  	_ =	swait.ge [sflag:s12], $0x2780  }
0x6d: {  	[sflag:s12] =	ssyncset.done $0x0  }
0x6e: {  	[sflag:s12] =	ssyncadd.s32 $0xFFFFD880  }
0x6f: {  	_ =	sfence.sel $0x180000  }
0x70: {  	[bflag:$0x0] =	sbarrier.arrive $0xFFFF  }
0x71: {  	p0 =	sne.s32 s0, $0x0;
	_ =	strace $0x90000047  }
0x72: {  	s0 =	sadd.s32 @!p0 $0x100000, s1;
	[bflag:$0x2] =	sbarrier.arrive $0xFFFF  }
0x73: {  	[sflag:s0] =	ssyncadd.tile.s32 @!p0 $0x1;
	_ =	shalt  }
.Lfunc_end2:
_tile_overlayer_lowered:
.L_overlay_start_2:
0x74: {  	(tag) =	ssettag $0x2  }
0x75: {  	s0 =	rddreg [dreg:$0x0];
	s2 =	stileid.u32  }
0x76: {  	s1 =	rddreg [dreg:$0x1];
	p0 =	sne.s32 s2, $0x0  }
0x77: {  	s3 =	rddreg [dreg:$0x2];
	[bflag:$0x3] =	sbarrier.arrive $0xFFFF;
	s2 =	simm.s32 @!p0 $0x1C05  }
0x78: {  	[timem:s3], [sflag:s2] =	dma.local @!p0 [hbm:s0], s1  }
0x79: {  	s0 =	simm.s32 @!p0 $0x5  }
0x7a: {  	_ =	swait.ge @!p0 [sflag:s0], s1  }
0x7b: {  	s1 =	ssub.s32 @!p0 $0x0, s1;
	[sflag:s0] =	ssyncset.done @!p0 $0x0  }
0x7c: {  	[sflag:s0] =	ssyncadd.s32 @!p0 s1  }
0x7d: {  	[bflag:$0x3] =	sbarrier.arrive $0xFFFF  }
0x7e: {  	_ =	shalt  }

// kernel: kernel.40.cloned.1.call-start
scs
__scs_entry_jumppad:
0x0: {  	(pc) =	sbr.rel $0x88, $3  }
0x1: {  	(tag) =	ssettag $0x0;
	lr =	simm.s32 $0x1  }
0x2: {  	[smem:$0x3F6A] =	sst lr;
	_ =	strace $0xD0000000  }
0x3: {  	_ = 	snop  }
0x4: {  	_ = 	snop  }
0x5: {  	_ = 	snop  }
0x6: {  	_ = 	snop  }
0x7: {  	_ = 	snop  }
__scs_overlays_trampoline_lowered:
0x8: {  	[smem:$0x3F79] =	sst s0  }
0x9: {  	[smem:$0x3F7A] =	sst s1  }
0xa: {  	[smem:$0x3F7B] =	sst s2  }
0xb: {  	[smem:$0x3F7C] =	sst s3  }
0xc: {  	[smem:$0x3F7D] =	sst s4  }
0xd: {  	[smem:$0x3F7E] =	sst s5  }
0xe: {  	[smem:$0x3F7F] =	sst s6  }
0xf: {  	[smem:$0x3F80] =	sst s7  }
0x10: {  	[smem:$0x3F81] =	sst s8  }
0x11: {  	[smem:$0x3F82] =	sst s9;
	s0 =	simm.s32 @!p0 $0x0  }
0x12: {  	s1 =	sld [smem:$0x3F68];
	s0 =	simm.s32 @p0 $0x1  }
0x13: {  	[smem:$0x3F83] =	sst s0;
	s0 =	simm.s32 @!p1 $0x0  }
0x14: {  	s2 =	sld [smem:$0x3F67];
	s0 =	simm.s32 @p1 $0x1  }
0x15: {  	[smem:$0x3F84] =	sst s0;
	s0 =	simm.s32 @!p2 $0x0  }
0x16: {  	s3 =	sld [smem:$0x3FDB];
	s0 =	simm.s32 @p2 $0x1  }
0x17: {  	s4 =	simm.s32 $0x1BF5;
	[smem:$0x3F86] =	sst s0  }
0x18: {  	s0 =	sld [smem:$0x3F69];
	_ =	swait.ge [sflag:s4], $0x0  }
0x19: {  	s7 =	sld [smem:$0x3F6A]  }
0x1a: {  	s8 =	sadd.s32 $0xFFFFE003, lr  }
0x1b: {  	s9 =	sadd.s32 $0xFFFFFEF7, lr;
	s5 =	simm.s32 $0xFFFFFFFF;
	p2 =	slt.u32 s8, $0xFFFFF086  }
0x1c: {  	p1 =	slt.u32 s9, $0xF7A;
	s5 =	simm.s32 @!p2 $0x0  }
0x1d: {  	s5 =	simm.s32 @p1 $0x1;
	p0 =	seq.s32 s7, s2  }
0x1e: {  	s7 =	smul.u32 @!p0 $0xF7A, s2;
	p2 =	seq.s32 @!p0 s5, $0x0  }
0x1f: {  	s9 =	smul.u32 $0xF7A, s1;
	s8 =	simm.s32 @!p0 $0x1BF5;
	p2 =	por !p2, p0  }
0x20: {  	[sflag:s8] =	ssyncset.s32 @!p0 $0xFFFFF086;
	s6 =	sadd.s32 @!p0 s3, s7;
	s7 =	simm.s32 @!p0 $0x108  }
0x21: {  	s3 =	sadd.s32 s3, s9;
	s6 =	sadd.s32 @!p0 $0x88, s6;
	s7 =	simm.s32 @p2 $0x1082  }
0x22: {  	[simem:s7], [sflag:s8] =	dma.local @!p0 [hbm:s6], $0xF7A  }
0x23: {  	s9 =	sor.u32 $0xD0000000, s2;
	s6 =	simm.s32 $0x108;
	_ =	swait.ge @!p0 [sflag:s8], $0x0  }
0x24: {  	s3 =	sadd.s32 $0x88, s3;
	s6 =	simm.s32 @!p1 $0x1082;
	[sflag:s4] =	ssyncset.s32 $0xFFFFF086  }
0x25: {  	[simem:s6], [sflag:s4] =	dma.local [hbm:s3], $0xF7A  }
0x26: {  	[smem:$0x3F6A] =	sst s1;
	(tag) =	ssettag s2;
	_ =	strace s9  }
0x27: {  	s1 =	sld [smem:$0x3F7A]  }
0x28: {  	s2 =	sld [smem:$0x3F7B]  }
0x29: {  	s4 =	sld [smem:$0x3F7D]  }
0x2a: {  	p0 =	seq.s32 s5, $0x0;
	s5 =	sld [smem:$0x3F7E]  }
0x2b: {  	s6 =	sld [smem:$0x3F7F]  }
0x2c: {  	s7 =	sld [smem:$0x3F80]  }
0x2d: {  	s3 =	simm.s32 $0x108;
	s8 =	sld [smem:$0x3F81]  }
0x2e: {  	s3 =	simm.s32 @!p0 $0x1082;
	s9 =	sld [smem:$0x3F82]  }
0x2f: {  	lr =	sadd.s32 s0, s3;
	s0 =	sld [smem:$0x3F79]  }
0x30: {  	s3 =	sld [smem:$0x3F7C]  }
0x31: {  	[smem:$0x3F85] =	sst s10  }
0x32: {  	s10 =	sld [smem:$0x3F83];
	_ =	sdelay $0x3  }
0x33: {  	p0 =	seq.s32 s10, $0x1;
	s10 =	sld [smem:$0x3F85];
	_ =	sdelay $0x3  }
0x34: {  	[smem:$0x3F85] =	sst s10  }
0x35: {  	s10 =	sld [smem:$0x3F84];
	_ =	sdelay $0x3  }
0x36: {  	p1 =	seq.s32 s10, $0x1;
	s10 =	sld [smem:$0x3F85];
	_ =	sdelay $0x3  }
0x37: {  	[smem:$0x3F85] =	sst s10  }
0x38: {  	s10 =	sld [smem:$0x3F86]  }
0x39: {  	_ = 	snop;
	(pc) =	sbr.ind lr, $3  }
0x3a: {  	_ = 	snop  }
0x3b: {  	_ = 	snop  }
0x3c: {  	p2 =	seq.s32 s10, $0x1;
	s10 =	sld [smem:$0x3F85]  }
0x3d: {  	_ =	shalt  }
0x3e: {  	_ =	shalt  }
0x3f: {  	_ =	shalt  }
0x40: {  	_ =	shalt  }
0x41: {  	_ =	shalt  }
0x42: {  	_ =	shalt  }
0x43: {  	_ =	shalt  }
0x44: {  	_ =	shalt  }
0x45: {  	_ =	shalt  }
0x46: {  	_ =	shalt  }
0x47: {  	_ =	shalt  }
0x48: {  	_ =	shalt  }
0x49: {  	_ =	shalt  }
0x4a: {  	_ =	shalt  }
0x4b: {  	_ =	shalt  }
0x4c: {  	_ =	shalt  }
0x4d: {  	_ =	shalt  }
0x4e: {  	_ =	shalt  }
0x4f: {  	_ =	shalt  }
0x50: {  	_ =	shalt  }
0x51: {  	_ =	shalt  }
0x52: {  	_ =	shalt  }
0x53: {  	_ =	shalt  }
0x54: {  	_ =	shalt  }
0x55: {  	_ =	shalt  }
0x56: {  	_ =	shalt  }
0x57: {  	_ =	shalt  }
0x58: {  	_ =	shalt  }
0x59: {  	_ =	shalt  }
0x5a: {  	_ =	shalt  }
0x5b: {  	_ =	shalt  }
0x5c: {  	_ =	shalt  }
0x5d: {  	_ =	shalt  }
0x5e: {  	_ =	shalt  }
0x5f: {  	_ =	shalt  }
0x60: {  	_ =	shalt  }
0x61: {  	_ =	shalt  }
0x62: {  	_ =	shalt  }
0x63: {  	_ =	shalt  }
0x64: {  	_ =	shalt  }
0x65: {  	_ =	shalt  }
0x66: {  	_ =	shalt  }
0x67: {  	_ =	shalt  }
0x68: {  	_ =	shalt  }
0x69: {  	_ =	shalt  }
0x6a: {  	_ =	shalt  }
0x6b: {  	_ =	shalt  }
0x6c: {  	_ =	shalt  }
0x6d: {  	_ =	shalt  }
0x6e: {  	_ =	shalt  }
0x6f: {  	_ =	shalt  }
0x70: {  	_ =	shalt  }
0x71: {  	_ =	shalt  }
0x72: {  	_ =	shalt  }
0x73: {  	_ =	shalt  }
0x74: {  	_ =	shalt  }
0x75: {  	_ =	shalt  }
0x76: {  	_ =	shalt  }
0x77: {  	_ =	shalt  }
0x78: {  	_ =	shalt  }
0x79: {  	_ =	shalt  }
0x7a: {  	_ =	shalt  }
0x7b: {  	_ =	shalt  }
0x7c: {  	_ =	shalt  }
0x7d: {  	_ =	shalt  }
0x7e: {  	_ =	shalt  }
0x7f: {  	_ =	shalt  }
0x80: {  	_ =	shalt  }
0x81: {  	_ =	shalt  }
0x82: {  	_ =	shalt  }
0x83: {  	_ =	shalt  }
0x84: {  	_ =	shalt  }
0x85: {  	_ =	shalt  }
0x86: {  	_ =	shalt  }
0x87: {  	_ =	shalt  }
.Lfunc_end0:
.L_simem_size_0:
called_computation.1_lowered:
.L_overlay_start_0:
0x88: {  	s2 =	sld [smem:$0x3FD9]  }
0x89: {  	s3 =	sld [smem:$0x3FFE];
	_ =	sdelay $0x1  }
0x8a: {  	s1 =	srdreg.scid  }
0x8b: {  	s0 =	sand.u32 $0x1, s1  }
0x8c: {  	s17 =	sshll.u32 s0, $0xA;
	s2 =	sadd.s32 s3, s2  }
0x8d: {  	s2 =	sadd.s32 s2, s17  }
0x8e: {  	[smem:$0x3F91] =	sst s2  }
0x8f: {  	_ = 	snop  }
0x90: {  	(tm) =	ssettm $0x1  }
0x91: {  	s18 =	sld [smem:$0x3FFB];
	_ =	sdelay $0x3  }
0x92: {  	_ =	strace s18  }
0x93: {  	s2 =	sld [smem:$0x3FFC];
	_ =	sdelay $0x3  }
0x94: {  	_ =	strace s2  }
0x95: {  	s2 =	sld [smem:$0x3FFD];
	_ =	sdelay $0x3  }
0x96: {  	_ =	strace s2  }
0x97: {  	_ =	strace $0x8FFFFFFF  }
0x98: {  	s19 =	sld [smem:$0x3FDB];
	_ =	sdelay $0x1  }
0x99: {  	s20 =	simm.s32 $_scs_section_size  }
0x9a: {  	s4 =	simm.s32 $_size__tile_overlayer_lowered;
	s5 =	simm.s32 $_tile_overlayer_lowered  }
0x9b: {  	s6 =	simm.s32 $0x1BFF;
	s21 =	sshll.u32 s5, $0x1;
	s3 =	sadd.s32 s20, s19  }
0x9c: {  	s22 =	simm.s32 $0x0;
	s4 =	sshll.u32 s4, $0x1;
	s5 =	sadd.s32 s21, s3  }
0x9d: {  	[timem:s22], [sflag:s6] =	dma.local [hbm:s5], s4  }
0x9e: {  	_ =	swait.ge [sflag:s6], s4  }
0x9f: {  	s4 =	ssub.s32 $0x0, s4;
	[sflag:s6] =	ssyncset.done $0x0  }
0xa0: {  	[sflag:s6] =	ssyncadd.s32 s4;
	_ =	sdelay $0x1  }
0xa1: {  	s23 =	simm.s32 $0x1B8B  }
0xa2: {  	_ =	swait.ge [sflag:s23], $0x1  }
0xa3: {  	[sflag:s23] =	ssyncset.done $0x0  }
0xa4: {  	[sflag:s23] =	ssyncadd.s32 $0xFFFFFFFF  }
0xa5: {  	s4 =	sld [smem:$0x0]  }
0xa6: {  	s5 =	sand.u32 $0xFFFFFFFE, s1  }
0xa7: {  	p0 =	sne.s32 s1, s5  }
0xa8: {  	s5 =	sshll.u32 @p0 s5, $0xE  }
0xa9: {  	s5 =	sadd.s32 @p0 $0x11B8D, s5;
	s6 =	sshll.u32 @p0 s4, $0x11  }
0xaa: {  	s5 =	sor.u32 @p0 s6, s5  }
0xab: {  	[sflag:s5] =	ssyncadd.remote.s32 @p0 $0x1;
	_ =	sdelay $0x1  }
0xac: {  	s5 =	simm.s32 @p0 $0x1B8D  }
0xad: {  	_ =	swait.eq @p0 [sflag:s5], $0x1  }
0xae: {  	[sflag:s5] =	ssyncadd.s32 @p0 $0xFFFFFFFF  }
0xaf: {  	s6 =	sshll.u32 @!p0 s1, $0xE  }
0xb0: {  	s6 =	sor.u32 @!p0 $0x4000, s6;
	s5 =	simm.s32 @!p0 $0x1B8D  }
0xb1: {  	s4 =	sshll.u32 @!p0 s4, $0x11;
	s6 =	sadd.s32 @!p0 $0x11B8D, s6;
	_ =	swait.eq @!p0 [sflag:s5], $0x1  }
0xb2: {  	s4 =	sor.u32 @!p0 s4, s6;
	[sflag:s5] =	ssyncadd.s32 @!p0 $0xFFFFFFFF  }
0xb3: {  	s25 =	simm.s32 $0x1B8E;
	s24 =	sld [smem:$0x3FFE];
	[sflag:s4] =	ssyncadd.remote.s32 @!p0 $0x1  }
0xb4: {  	s26 =	simm.s32 $execute0_lowered;
	[smem:$0x3FD2] =	sst s25  }
0xb5: {  	s5 =	sshll.u32 s26, $0x1;
	_ =	strace $0x80000049;
	[dreg:$0x1] =	wrdreg $0xFFFFFFFF  }
0xb6: {  	s28 =	simm.s32 $_size_execute0_lowered;
	s3 =	sadd.s32 s3, s5;
	[dreg:$0x0] =	wrdreg $0x0  }
0xb7: {  	s5 =	sshll.u32 s28, $0x1;
	[dreg:$0x2] =	wrdreg s3  }
0xb8: {  	[dreg:$0x3] =	wrdreg s5  }
0xb9: {  	[dreg:$0x4] =	wrdreg $0xC0  }
0xba: {  	_ =	task [dreg:s22], $0x5FFFF  }
0xbb: {  	[dreg:$0x1] =	wrdreg $0xFFFFFFFF  }
0xbc: {  	[dreg:$0x0] =	wrdreg $0x60  }
0xbd: {  	[dreg:$0x2] =	wrdreg s24  }
0xbe: {  	[dreg:$0x3] =	wrdreg $0xA8000  }
0xbf: {  	[dreg:$0x4] =	wrdreg $0x9  }
0xc0: {  	_ =	task.clear_ibuf [dreg:s22], $0x5FFFF;
	_ =	strace $0x90000049  }
0xc1: {  	s29 =	simm.s32 $0x9;
	_ =	strace $0x8000004B  }
0xc2: {  	_ =	swait.ge [sflag:s29], $0x1  }
0xc3: {  	[sflag:s29] =	ssyncadd.s32 $0xFFFFFFFF  }
0xc4: {  	_ =	strace $0x9000004B  }
0xc5: {  	_ =	sfence  }
0xc6: {  	s30 =	sld [smem:$0x0];
	_ =	sdelay $0x2  }
0xc7: {  	s31 =	sshll.u32 s1, $0xD;
	s1 =	sshrl.u32 s1, $0x2  }
0xc8: {  	s4 =	sand.u32 $0x4000, s31;
	s1 =	sadd.s32 s1, s30  }
0xc9: {  	s0 =	sor.u32 s4, s0;
	s1 =	sshll.u32 s1, $0x11  }
0xca: {  	s0 =	sor.u32 s1, s0  }
0xcb: {  	s0 =	sadd.s32 $0x8F2B, s0  }
0xcc: {  	[sflag:s0] =	ssyncadd.remote.s32 $0x1  }
0xcd: {  	_ =	sfence.sel $0xFFFF  }
0xce: {  	[dreg:$0x0] =	wrdreg $0xFFFFFFFF;
	(pc) =	sbr.abs _section_cstart, $3  }
0xcf: {  	[dreg:$0x1] =	wrdreg $0xFFFFFFFF  }
0xd0: {  	_ =	task.clear_ibuf [dreg:s22], $0x2FFFF;
	_ =	strace $0x9FFFFFFF  }
0xd1: {  	(tm) =	ssettm $0x7FFFFFFF  }
tec
execute0_lowered:
.L_overlay_start_1:
0x0: {  	(tag) =	ssettag $0x1  }
0x1: {  	s1 =	srdreg.scid  }
0x2: {  	s0 =	stileid.u32;
	s6 =	rddreg [dreg:$0x0]  }
0x3: {  	s2 =	rddreg [dreg:$0x1];
	s3 =	simm.s32 $0x0;
	s13 =	simm.s32 $0x1400  }
0x4: {  	s14 =	simm.s32 $0x80;
	s15 =	simm.s32 $0x2800;
	s16 =	simm.s32 $0x6800  }
0x5: {  	s17 =	simm.s32 $0x1;
	s18 =	simm.s32 $0x2;
	s19 =	simm.s32 $0x3  }
0x6: {  	s20 =	simm.s32 $0x4;
	s21 =	simm.s32 $0x2600;
	s22 =	simm.s32 $0x2680  }
0x7: {  	s23 =	simm.s32 $0x1300;
	s28 =	simm.s32 $0x0;
	s5 =	sand.u32 $0x1, s1  }
0x8: {  	s24 =	sshll.u32 s0, $0x1;
	s8 =	smul.u32 $0x13C00, s0;
	[smem:$0x7FF] =	sst s3  }
0x9: {  	s4 =	sadd.s32 $0x177200, s6;
	s30 =	smul.u32 $0x4F000, s0;
	s31 =	sshll.u32 s0, $0x6  }
0xa: {  	s1 =	sor.u32 s5, s24;
	s9 =	smul.u32 $0x13C000, s5;
	s5 =	ssub.s32 $0x2, s5  }
0xb: {  	s24 =	simm.s32 $0x1380;
	s7 =	smul.u32 $0x280, s1;
	s1 =	rddreg [dreg:$0x2]  }
0xc: {  	_ =	strace $0x8000004A;
	s25 =	sshrl.u32 s8, $0x3;
	s29 =	sshrl.u32 s5, $0x1  }
0xd: {  	s8 =	sadd.s32 s8, s9;
	s11 =	ssub.s32 s5, s29;
	s10 =	sadd.s32 s7, s6  }
0xe: {  	s7 =	sadd.s32 s25, s6;
	s8 =	sshrl.u32 s8, $0x3;
	s25 =	simm.s32 $0x2700  }
0xf: {  	s26 =	sadd.s32 s8, s6;
	s5 =	sadd.s32 $0x100A00, s7;
	s8 =	sshrl.u32 s30, $0x2  }
0x10: {  	s6 =	sor.u32 $0x1C05, s31;
	s7 =	sadd.s32 $0x266800, s10;
	s12 =	sadd.s32 s8, s2  }
0x11: {  	s8 =	sadd.s32 $0x261800, s10;
	s9 =	sadd.s32 $0x26B800, s26;
	s10 =	smax.u32 s11, $0x1  }
0x12: {  	s26 =	simm.s32 $0x2780;
	s11 =	sshrl.u32 s12, $0x3;
	s12 =	simm.s32 $0x5  }
.LBB2_1:
0x13: {  	[spmem:s11], [sflag:s6] =	dma.local [hbm:s5], $0x2780  }
0x14: {  	_ =	swait.ge [sflag:s12], $0x2780  }
0x15: {  	[sflag:s12] =	ssyncset.done $0x0  }
0x16: {  	[sflag:s12] =	ssyncadd.s32 $0xFFFFD880  }
0x17: {  	[tilespmem:s3], [sflag:$0x5] =	stream.linear.gather [hbm4b:s7+s3], $0x1400, $0x38;
	[tilespmem:$0x1E400] =	vst v63  }
0x18: {  	_ =	swait.ge [sflag:s12], $0x1400  }
0x19: {  	[sflag:s12] =	ssyncset.done $0x0  }
0x1a: {  	[sflag:s12] =	ssyncadd.s32 $0xFFFFEC00  }
0x1b: {  	[tilespmem:s13], [sflag:$0x5] =	stream.linear.gather [hbm4b:s8+s3], $0x1400, $0x38;
	[tilespmem:$0x1E400] =	vst v63  }
0x1c: {  	_ =	swait.ge [sflag:s12], $0x1400  }
0x1d: {  	[sflag:s12] =	ssyncset.done $0x0  }
0x1e: {  	[sflag:s12] =	ssyncadd.s32 $0xFFFFEC00  }
0x1f: {  	[bflag:$0x0] =	sbarrier.arrive $0xFFFF  }
0x20: {  	[tilespmem:s15], [sflag:$0x1] =	stream.indirect.gather [hbm4b:s4+s14], $0x80, s3, s14, $0xb8;
	[tilespmem:$0x1E400] =	vst v63  }
0x21: {  	_ = 	snop  }
0x22: {  	[tilespmem:s16], [sflag:$0x2] =	stream.indirect.gather [hbm4b:s4+s14], $0x80, s14, s14, $0xb8;
	[tilespmem:$0x1E400] =	vst v63  }
0x23: {  	_ =	swait.ge [sflag:s17], $0x4000  }
0x24: {  	[sflag:s17] =	ssyncset.done $0x0  }
0x25: {  	s29 =	simm.s32 $0x1400;
	[sflag:s17] =	ssyncadd.s32 $0xFFFFC000  }
0x26: {  	[spmem:s2] =	stream.indirect.scatter.add.f32 [tilespmem:s15], [sflag:$0x3], $0x80, s29, s14, $0xb8;
	[tilespmem:$0x1E400] =	vst v63  }
0x27: {  	_ =	swait.ge [sflag:s18], $0x4000  }
0x28: {  	[sflag:s18] =	ssyncset.done $0x0  }
0x29: {  	s29 =	simm.s32 $0x1480;
	[sflag:s18] =	ssyncadd.s32 $0xFFFFC000  }
0x2a: {  	[spmem:s2] =	stream.indirect.scatter.add.f32 [tilespmem:s16], [sflag:$0x4], $0x80, s29, s14, $0xb8;
	[tilespmem:$0x1E400] =	vst v63  }
0x2b: {  	_ =	swait.ge [sflag:s19], $0x4000  }
0x2c: {  	[sflag:s19] =	ssyncset.done $0x0  }
0x2d: {  	s29 =	simm.s32 $0x100;
	[sflag:s19] =	ssyncadd.s32 $0xFFFFC000  }
0x2e: {  	[tilespmem:s15], [sflag:$0x1] =	stream.indirect.gather [hbm4b:s4+s14], $0x80, s29, s14, $0xb8;
	[tilespmem:$0x1E400] =	vst v63  }
0x2f: {  	_ =	swait.ge [sflag:s20], $0x4000  }
0x30: {  	[sflag:s20] =	ssyncset.done $0x0  }
0x31: {  	s30 =	simm.s32 $0x180;
	s29 =	simm.s32 $0x400;
	[sflag:s20] =	ssyncadd.s32 $0xFFFFC000  }
.LBB2_2:
0x32: {  	[tilespmem:s16], [sflag:$0x2] =	stream.indirect.gather [hbm4b:s4+s14], $0x80, s30, s14, $0xb8;
	[tilespmem:$0x1E400] =	vst v63  }
0x33: {  	s30 =	smov.u32 s29  }
0x34: {  	p0 =	sne.s32 s29, $0x4400;
	s29 =	sadd.s32 $0x400, s29;
	_ =	swait.ge [sflag:s17], $0x4000  }
0x35: {  	s30 =	sshra.s32 s30, $0x2;
	[sflag:s17] =	ssyncset.done $0x0  }
0x36: {  	s31 =	sadd.s32 $0x1400, s30;
	[sflag:s17] =	ssyncadd.s32 $0xFFFFC000  }
0x37: {  	[spmem:s2] =	stream.indirect.scatter.add.f32 [tilespmem:s15], [sflag:$0x3], $0x80, s31, s14, $0xb8;
	[tilespmem:$0x1E400] =	vst v63  }
0x38: {  	_ =	swait.ge [sflag:s18], $0x4000  }
0x39: {  	[sflag:s18] =	ssyncset.done $0x0  }
0x3a: {  	s31 =	sadd.s32 $0x1480, s30;
	[sflag:s18] =	ssyncadd.s32 $0xFFFFC000  }
0x3b: {  	[spmem:s2] =	stream.indirect.scatter.add.f32 [tilespmem:s16], [sflag:$0x4], $0x80, s31, s14, $0xb8;
	[tilespmem:$0x1E400] =	vst v63  }
0x3c: {  	_ =	swait.ge [sflag:s19], $0x4000  }
0x3d: {  	[sflag:s19] =	ssyncset.done $0x0  }
.Ltmp0:
0x3e: {  	s31 =	sadd.s32 $0x100, s30;
	[sflag:s19] =	ssyncadd.s32 $0xFFFFC000;
	(pc) =	sbr.rel @p0 .LBB2_2-.Ltmp0, $4  }
0x3f: {  	[tilespmem:s15], [sflag:$0x1] =	stream.indirect.gather [hbm4b:s4+s14], $0x80, s31, s14, $0xb8;
	[tilespmem:$0x1E400] =	vst v63  }
0x40: {  	_ =	swait.ge [sflag:s20], $0x4000  }
0x41: {  	[sflag:s20] =	ssyncset.done $0x0  }
0x42: {  	s30 =	sadd.s32 $0x180, s30;
	[sflag:s20] =	ssyncadd.s32 $0xFFFFC000  }
0x43: {  	[tilespmem:s16], [sflag:$0x2] =	stream.indirect.gather [hbm4b:s4+s14], $0x80, s30, s14, $0xb8;
	[tilespmem:$0x1E400] =	vst v63  }
0x44: {  	_ =	swait.ge [sflag:s17], $0x4000  }
0x45: {  	[sflag:s17] =	ssyncset.done $0x0  }
0x46: {  	[sflag:s17] =	ssyncadd.s32 $0xFFFFC000  }
0x47: {  	[spmem:s2] =	stream.indirect.scatter.add.f32 [tilespmem:s15], [sflag:$0x3], $0x80, s21, s14, $0xb8;
	[tilespmem:$0x1E400] =	vst v63  }
0x48: {  	_ =	swait.ge [sflag:s18], $0x4000  }
0x49: {  	[sflag:s18] =	ssyncset.done $0x0  }
0x4a: {  	[sflag:s18] =	ssyncadd.s32 $0xFFFFC000  }
0x4b: {  	[spmem:s2] =	stream.indirect.scatter.add.f32 [tilespmem:s16], [sflag:$0x4], $0x80, s22, s14, $0xb8;
	[tilespmem:$0x1E400] =	vst v63  }
0x4c: {  	_ =	swait.ge [sflag:s19], $0x4000  }
0x4d: {  	[sflag:s19] =	ssyncset.done $0x0  }
0x4e: {  	[sflag:s19] =	ssyncadd.s32 $0xFFFFC000  }
0x4f: {  	[tilespmem:s15], [sflag:$0x1] =	stream.indirect.gather [hbm4b:s4+s14], $0x80, s23, s14, $0xb8;
	[tilespmem:$0x1E400] =	vst v63  }
0x50: {  	_ =	swait.ge [sflag:s20], $0x4000  }
0x51: {  	[sflag:s20] =	ssyncset.done $0x0  }
0x52: {  	[sflag:s20] =	ssyncadd.s32 $0xFFFFC000  }
0x53: {  	[tilespmem:s16], [sflag:$0x2] =	stream.indirect.gather [hbm4b:s4+s14], $0x80, s24, s14, $0xb8;
	[tilespmem:$0x1E400] =	vst v63  }
0x54: {  	_ =	swait.ge [sflag:s17], $0x4000  }
0x55: {  	[sflag:s17] =	ssyncset.done $0x0  }
0x56: {  	[sflag:s17] =	ssyncadd.s32 $0xFFFFC000  }
0x57: {  	[spmem:s2] =	stream.indirect.scatter.add.f32 [tilespmem:s15], [sflag:$0x3], $0x80, s25, s14, $0xb8;
	[tilespmem:$0x1E400] =	vst v63  }
0x58: {  	_ =	swait.ge [sflag:s18], $0x4000  }
0x59: {  	[sflag:s18] =	ssyncset.done $0x0  }
0x5a: {  	[sflag:s18] =	ssyncadd.s32 $0xFFFFC000  }
0x5b: {  	[spmem:s2] =	stream.indirect.scatter.add.f32 [tilespmem:s16], [sflag:$0x4], $0x80, s26, s14, $0xb8;
	[tilespmem:$0x1E400] =	vst v63  }
0x5c: {  	_ =	swait.ge [sflag:s19], $0x4000  }
0x5d: {  	[sflag:s19] =	ssyncset.done $0x0  }
0x5e: {  	[sflag:s19] =	ssyncadd.s32 $0xFFFFC000  }
0x5f: {  	[tilespmem:s15], [sflag:$0x1] =	stream.indirect.gather [hbm4b:s4+s14], $0x80, s24, s14, $0xb8;
	[tilespmem:$0x1E400] =	vst v63  }
0x60: {  	_ =	swait.ge [sflag:s20], $0x4000  }
0x61: {  	[sflag:s20] =	ssyncset.done $0x0  }
0x62: {  	[sflag:s20] =	ssyncadd.s32 $0xFFFFC000  }
0x63: {  	[tilespmem:s16], [sflag:$0x2] =	stream.indirect.gather [hbm4b:s4+s14], $0x80, s24, s14, $0xb8;
	[tilespmem:$0x1E400] =	vst v63  }
0x64: {  	_ =	swait.ge [sflag:s17], $0x4000  }
0x65: {  	[sflag:s17] =	ssyncset.done $0x0  }
0x66: {  	[sflag:s17] =	ssyncadd.s32 $0xFFFFC000  }
0x67: {  	_ =	swait.ge [sflag:s18], $0x4000  }
0x68: {  	s28 =	sadd.s32 $0x1, s28;
	[sflag:s18] =	ssyncset.done $0x0  }
0x69: {  	p0 =	sne.s32 s28, s10;
	[sflag:s18] =	ssyncadd.s32 $0xFFFFC000  }
.Ltmp1:
0x6a: {  	[bflag:$0x0] =	sbarrier.arrive $0xFFFF;
	(pc) =	sbr.rel @p0 .LBB2_1-.Ltmp1, $4  }
0x6b: {  	[hbm:s9], [sflag:s6] =	dma.local [spmem:s11], $0x2780  }
0x6c: {  	_ =	swait.ge [sflag:s12], $0x2780  }
0x6d: {  	[sflag:s12] =	ssyncset.done $0x0  }
0x6e: {  	[sflag:s12] =	ssyncadd.s32 $0xFFFFD880  }
0x6f: {  	_ =	sfence.sel $0x180000  }
0x70: {  	[bflag:$0x0] =	sbarrier.arrive $0xFFFF  }
0x71: {  	p0 =	sne.s32 s0, $0x0;
	_ =	strace $0x9000004A  }
0x72: {  	s0 =	sadd.s32 @!p0 $0x100000, s1;
	[bflag:$0x2] =	sbarrier.arrive $0xFFFF  }
0x73: {  	[sflag:s0] =	ssyncadd.tile.s32 @!p0 $0x1;
	_ =	shalt  }
.Lfunc_end2:
_tile_overlayer_lowered:
.L_overlay_start_2:
0x74: {  	(tag) =	ssettag $0x2  }
0x75: {  	s0 =	rddreg [dreg:$0x0];
	s2 =	stileid.u32  }
0x76: {  	s1 =	rddreg [dreg:$0x1];
	p0 =	sne.s32 s2, $0x0  }
0x77: {  	s3 =	rddreg [dreg:$0x2];
	[bflag:$0x3] =	sbarrier.arrive $0xFFFF;
	s2 =	simm.s32 @!p0 $0x1C05  }
0x78: {  	[timem:s3], [sflag:s2] =	dma.local @!p0 [hbm:s0], s1  }
0x79: {  	s0 =	simm.s32 @!p0 $0x5  }
0x7a: {  	_ =	swait.ge @!p0 [sflag:s0], s1  }
0x7b: {  	s1 =	ssub.s32 @!p0 $0x0, s1;
	[sflag:s0] =	ssyncset.done @!p0 $0x0  }
0x7c: {  	[sflag:s0] =	ssyncadd.s32 @!p0 s1  }
0x7d: {  	[bflag:$0x3] =	sbarrier.arrive $0xFFFF  }
0x7e: {  	_ =	shalt  }

// kernel: kernel.43.cloned.1.call-start
scs
__scs_entry_jumppad:
0x0: {  	(pc) =	sbr.rel $0x88, $3  }
0x1: {  	(tag) =	ssettag $0x0;
	lr =	simm.s32 $0x1  }
0x2: {  	[smem:$0x3F6A] =	sst lr;
	_ =	strace $0xD0000000  }
0x3: {  	_ = 	snop  }
0x4: {  	_ = 	snop  }
0x5: {  	_ = 	snop  }
0x6: {  	_ = 	snop  }
0x7: {  	_ = 	snop  }
__scs_overlays_trampoline_lowered:
0x8: {  	[smem:$0x3F79] =	sst s0  }
0x9: {  	[smem:$0x3F7A] =	sst s1  }
0xa: {  	[smem:$0x3F7B] =	sst s2  }
0xb: {  	[smem:$0x3F7C] =	sst s3  }
0xc: {  	[smem:$0x3F7D] =	sst s4  }
0xd: {  	[smem:$0x3F7E] =	sst s5  }
0xe: {  	[smem:$0x3F7F] =	sst s6  }
0xf: {  	[smem:$0x3F80] =	sst s7  }
0x10: {  	[smem:$0x3F81] =	sst s8  }
0x11: {  	[smem:$0x3F82] =	sst s9;
	s0 =	simm.s32 @!p0 $0x0  }
0x12: {  	s1 =	sld [smem:$0x3F68];
	s0 =	simm.s32 @p0 $0x1  }
0x13: {  	[smem:$0x3F83] =	sst s0;
	s0 =	simm.s32 @!p1 $0x0  }
0x14: {  	s2 =	sld [smem:$0x3F67];
	s0 =	simm.s32 @p1 $0x1  }
0x15: {  	[smem:$0x3F84] =	sst s0;
	s0 =	simm.s32 @!p2 $0x0  }
0x16: {  	s3 =	sld [smem:$0x3FDB];
	s0 =	simm.s32 @p2 $0x1  }
0x17: {  	s4 =	simm.s32 $0x1BF5;
	[smem:$0x3F86] =	sst s0  }
0x18: {  	s0 =	sld [smem:$0x3F69];
	_ =	swait.ge [sflag:s4], $0x0  }
0x19: {  	s7 =	sld [smem:$0x3F6A]  }
0x1a: {  	s8 =	sadd.s32 $0xFFFFE003, lr  }
0x1b: {  	s9 =	sadd.s32 $0xFFFFFEF7, lr;
	s5 =	simm.s32 $0xFFFFFFFF;
	p2 =	slt.u32 s8, $0xFFFFF086  }
0x1c: {  	p1 =	slt.u32 s9, $0xF7A;
	s5 =	simm.s32 @!p2 $0x0  }
0x1d: {  	s5 =	simm.s32 @p1 $0x1;
	p0 =	seq.s32 s7, s2  }
0x1e: {  	s7 =	smul.u32 @!p0 $0xF7A, s2;
	p2 =	seq.s32 @!p0 s5, $0x0  }
0x1f: {  	s9 =	smul.u32 $0xF7A, s1;
	s8 =	simm.s32 @!p0 $0x1BF5;
	p2 =	por !p2, p0  }
0x20: {  	[sflag:s8] =	ssyncset.s32 @!p0 $0xFFFFF086;
	s6 =	sadd.s32 @!p0 s3, s7;
	s7 =	simm.s32 @!p0 $0x108  }
0x21: {  	s3 =	sadd.s32 s3, s9;
	s6 =	sadd.s32 @!p0 $0x88, s6;
	s7 =	simm.s32 @p2 $0x1082  }
0x22: {  	[simem:s7], [sflag:s8] =	dma.local @!p0 [hbm:s6], $0xF7A  }
0x23: {  	s9 =	sor.u32 $0xD0000000, s2;
	s6 =	simm.s32 $0x108;
	_ =	swait.ge @!p0 [sflag:s8], $0x0  }
0x24: {  	s3 =	sadd.s32 $0x88, s3;
	s6 =	simm.s32 @!p1 $0x1082;
	[sflag:s4] =	ssyncset.s32 $0xFFFFF086  }
0x25: {  	[simem:s6], [sflag:s4] =	dma.local [hbm:s3], $0xF7A  }
0x26: {  	[smem:$0x3F6A] =	sst s1;
	(tag) =	ssettag s2;
	_ =	strace s9  }
0x27: {  	s1 =	sld [smem:$0x3F7A]  }
0x28: {  	s2 =	sld [smem:$0x3F7B]  }
0x29: {  	s4 =	sld [smem:$0x3F7D]  }
0x2a: {  	p0 =	seq.s32 s5, $0x0;
	s5 =	sld [smem:$0x3F7E]  }
0x2b: {  	s6 =	sld [smem:$0x3F7F]  }
0x2c: {  	s7 =	sld [smem:$0x3F80]  }
0x2d: {  	s3 =	simm.s32 $0x108;
	s8 =	sld [smem:$0x3F81]  }
0x2e: {  	s3 =	simm.s32 @!p0 $0x1082;
	s9 =	sld [smem:$0x3F82]  }
0x2f: {  	lr =	sadd.s32 s0, s3;
	s0 =	sld [smem:$0x3F79]  }
0x30: {  	s3 =	sld [smem:$0x3F7C]  }
0x31: {  	[smem:$0x3F85] =	sst s10  }
0x32: {  	s10 =	sld [smem:$0x3F83];
	_ =	sdelay $0x3  }
0x33: {  	p0 =	seq.s32 s10, $0x1;
	s10 =	sld [smem:$0x3F85];
	_ =	sdelay $0x3  }
0x34: {  	[smem:$0x3F85] =	sst s10  }
0x35: {  	s10 =	sld [smem:$0x3F84];
	_ =	sdelay $0x3  }
0x36: {  	p1 =	seq.s32 s10, $0x1;
	s10 =	sld [smem:$0x3F85];
	_ =	sdelay $0x3  }
0x37: {  	[smem:$0x3F85] =	sst s10  }
0x38: {  	s10 =	sld [smem:$0x3F86]  }
0x39: {  	_ = 	snop;
	(pc) =	sbr.ind lr, $3  }
0x3a: {  	_ = 	snop  }
0x3b: {  	_ = 	snop  }
0x3c: {  	p2 =	seq.s32 s10, $0x1;
	s10 =	sld [smem:$0x3F85]  }
0x3d: {  	_ =	shalt  }
0x3e: {  	_ =	shalt  }
0x3f: {  	_ =	shalt  }
0x40: {  	_ =	shalt  }
0x41: {  	_ =	shalt  }
0x42: {  	_ =	shalt  }
0x43: {  	_ =	shalt  }
0x44: {  	_ =	shalt  }
0x45: {  	_ =	shalt  }
0x46: {  	_ =	shalt  }
0x47: {  	_ =	shalt  }
0x48: {  	_ =	shalt  }
0x49: {  	_ =	shalt  }
0x4a: {  	_ =	shalt  }
0x4b: {  	_ =	shalt  }
0x4c: {  	_ =	shalt  }
0x4d: {  	_ =	shalt  }
0x4e: {  	_ =	shalt  }
0x4f: {  	_ =	shalt  }
0x50: {  	_ =	shalt  }
0x51: {  	_ =	shalt  }
0x52: {  	_ =	shalt  }
0x53: {  	_ =	shalt  }
0x54: {  	_ =	shalt  }
0x55: {  	_ =	shalt  }
0x56: {  	_ =	shalt  }
0x57: {  	_ =	shalt  }
0x58: {  	_ =	shalt  }
0x59: {  	_ =	shalt  }
0x5a: {  	_ =	shalt  }
0x5b: {  	_ =	shalt  }
0x5c: {  	_ =	shalt  }
0x5d: {  	_ =	shalt  }
0x5e: {  	_ =	shalt  }
0x5f: {  	_ =	shalt  }
0x60: {  	_ =	shalt  }
0x61: {  	_ =	shalt  }
0x62: {  	_ =	shalt  }
0x63: {  	_ =	shalt  }
0x64: {  	_ =	shalt  }
0x65: {  	_ =	shalt  }
0x66: {  	_ =	shalt  }
0x67: {  	_ =	shalt  }
0x68: {  	_ =	shalt  }
0x69: {  	_ =	shalt  }
0x6a: {  	_ =	shalt  }
0x6b: {  	_ =	shalt  }
0x6c: {  	_ =	shalt  }
0x6d: {  	_ =	shalt  }
0x6e: {  	_ =	shalt  }
0x6f: {  	_ =	shalt  }
0x70: {  	_ =	shalt  }
0x71: {  	_ =	shalt  }
0x72: {  	_ =	shalt  }
0x73: {  	_ =	shalt  }
0x74: {  	_ =	shalt  }
0x75: {  	_ =	shalt  }
0x76: {  	_ =	shalt  }
0x77: {  	_ =	shalt  }
0x78: {  	_ =	shalt  }
0x79: {  	_ =	shalt  }
0x7a: {  	_ =	shalt  }
0x7b: {  	_ =	shalt  }
0x7c: {  	_ =	shalt  }
0x7d: {  	_ =	shalt  }
0x7e: {  	_ =	shalt  }
0x7f: {  	_ =	shalt  }
0x80: {  	_ =	shalt  }
0x81: {  	_ =	shalt  }
0x82: {  	_ =	shalt  }
0x83: {  	_ =	shalt  }
0x84: {  	_ =	shalt  }
0x85: {  	_ =	shalt  }
0x86: {  	_ =	shalt  }
0x87: {  	_ =	shalt  }
.Lfunc_end0:
.L_simem_size_0:
called_computation.2_lowered:
.L_overlay_start_0:
0x88: {  	s2 =	sld [smem:$0x3FD9]  }
0x89: {  	s3 =	sld [smem:$0x3FFE];
	_ =	sdelay $0x1  }
0x8a: {  	s1 =	srdreg.scid  }
0x8b: {  	s0 =	sand.u32 $0x1, s1  }
0x8c: {  	s17 =	sshll.u32 s0, $0xA;
	s2 =	sadd.s32 s3, s2  }
0x8d: {  	s2 =	sadd.s32 s2, s17  }
0x8e: {  	[smem:$0x3F91] =	sst s2  }
0x8f: {  	_ = 	snop  }
0x90: {  	(tm) =	ssettm $0x1  }
0x91: {  	s18 =	sld [smem:$0x3FFB];
	_ =	sdelay $0x3  }
0x92: {  	_ =	strace s18  }
0x93: {  	s2 =	sld [smem:$0x3FFC];
	_ =	sdelay $0x3  }
0x94: {  	_ =	strace s2  }
0x95: {  	s2 =	sld [smem:$0x3FFD];
	_ =	sdelay $0x3  }
0x96: {  	_ =	strace s2  }
0x97: {  	_ =	strace $0x8FFFFFFF  }
0x98: {  	s19 =	sld [smem:$0x3FDB];
	_ =	sdelay $0x1  }
0x99: {  	s20 =	simm.s32 $_scs_section_size  }
0x9a: {  	s4 =	simm.s32 $_size__tile_overlayer_lowered;
	s5 =	simm.s32 $_tile_overlayer_lowered  }
0x9b: {  	s6 =	simm.s32 $0x1BFF;
	s21 =	sshll.u32 s5, $0x1;
	s3 =	sadd.s32 s20, s19  }
0x9c: {  	s22 =	simm.s32 $0x0;
	s4 =	sshll.u32 s4, $0x1;
	s5 =	sadd.s32 s21, s3  }
0x9d: {  	[timem:s22], [sflag:s6] =	dma.local [hbm:s5], s4  }
0x9e: {  	_ =	swait.ge [sflag:s6], s4  }
0x9f: {  	s4 =	ssub.s32 $0x0, s4;
	[sflag:s6] =	ssyncset.done $0x0  }
0xa0: {  	[sflag:s6] =	ssyncadd.s32 s4;
	_ =	sdelay $0x1  }
0xa1: {  	s23 =	simm.s32 $0x1B8B  }
0xa2: {  	_ =	swait.ge [sflag:s23], $0x1  }
0xa3: {  	[sflag:s23] =	ssyncset.done $0x0  }
0xa4: {  	[sflag:s23] =	ssyncadd.s32 $0xFFFFFFFF  }
0xa5: {  	s4 =	sld [smem:$0x0]  }
0xa6: {  	s5 =	sand.u32 $0xFFFFFFFE, s1  }
0xa7: {  	p0 =	sne.s32 s1, s5  }
0xa8: {  	s5 =	sshll.u32 @p0 s5, $0xE  }
0xa9: {  	s5 =	sadd.s32 @p0 $0x11B8D, s5;
	s6 =	sshll.u32 @p0 s4, $0x11  }
0xaa: {  	s5 =	sor.u32 @p0 s6, s5  }
0xab: {  	[sflag:s5] =	ssyncadd.remote.s32 @p0 $0x1;
	_ =	sdelay $0x1  }
0xac: {  	s5 =	simm.s32 @p0 $0x1B8D  }
0xad: {  	_ =	swait.eq @p0 [sflag:s5], $0x1  }
0xae: {  	[sflag:s5] =	ssyncadd.s32 @p0 $0xFFFFFFFF  }
0xaf: {  	s6 =	sshll.u32 @!p0 s1, $0xE  }
0xb0: {  	s6 =	sor.u32 @!p0 $0x4000, s6;
	s5 =	simm.s32 @!p0 $0x1B8D  }
0xb1: {  	s4 =	sshll.u32 @!p0 s4, $0x11;
	s6 =	sadd.s32 @!p0 $0x11B8D, s6;
	_ =	swait.eq @!p0 [sflag:s5], $0x1  }
0xb2: {  	s4 =	sor.u32 @!p0 s4, s6;
	[sflag:s5] =	ssyncadd.s32 @!p0 $0xFFFFFFFF  }
0xb3: {  	s25 =	simm.s32 $0x1B8E;
	s24 =	sld [smem:$0x3FFE];
	[sflag:s4] =	ssyncadd.remote.s32 @!p0 $0x1  }
0xb4: {  	s26 =	simm.s32 $execute0_lowered;
	[smem:$0x3FD2] =	sst s25  }
0xb5: {  	s5 =	sshll.u32 s26, $0x1;
	_ =	strace $0x8000004C;
	[dreg:$0x1] =	wrdreg $0xFFFFFFFF  }
0xb6: {  	s28 =	simm.s32 $_size_execute0_lowered;
	s3 =	sadd.s32 s3, s5;
	[dreg:$0x0] =	wrdreg $0x0  }
0xb7: {  	s5 =	sshll.u32 s28, $0x1;
	[dreg:$0x2] =	wrdreg s3  }
0xb8: {  	[dreg:$0x3] =	wrdreg s5  }
0xb9: {  	[dreg:$0x4] =	wrdreg $0xC0  }
0xba: {  	_ =	task [dreg:s22], $0x5FFFF  }
0xbb: {  	[dreg:$0x1] =	wrdreg $0xFFFFFFFF  }
0xbc: {  	[dreg:$0x0] =	wrdreg $0x60  }
0xbd: {  	[dreg:$0x2] =	wrdreg s24  }
0xbe: {  	[dreg:$0x3] =	wrdreg $0xA8000  }
0xbf: {  	[dreg:$0x4] =	wrdreg $0xA  }
0xc0: {  	_ =	task.clear_ibuf [dreg:s22], $0x5FFFF;
	_ =	strace $0x9000004C  }
0xc1: {  	s29 =	simm.s32 $0xA;
	_ =	strace $0x8000004E  }
0xc2: {  	_ =	swait.ge [sflag:s29], $0x1  }
0xc3: {  	[sflag:s29] =	ssyncadd.s32 $0xFFFFFFFF  }
0xc4: {  	_ =	strace $0x9000004E  }
0xc5: {  	_ =	sfence  }
0xc6: {  	s30 =	sld [smem:$0x0];
	_ =	sdelay $0x2  }
0xc7: {  	s31 =	sshll.u32 s1, $0xD;
	s1 =	sshrl.u32 s1, $0x2  }
0xc8: {  	s4 =	sand.u32 $0x4000, s31;
	s1 =	sadd.s32 s1, s30  }
0xc9: {  	s0 =	sor.u32 s4, s0;
	s1 =	sshll.u32 s1, $0x11  }
0xca: {  	s0 =	sor.u32 s1, s0  }
0xcb: {  	s0 =	sadd.s32 $0x8F2B, s0  }
0xcc: {  	[sflag:s0] =	ssyncadd.remote.s32 $0x1  }
0xcd: {  	_ =	sfence.sel $0xFFFF  }
0xce: {  	[dreg:$0x0] =	wrdreg $0xFFFFFFFF;
	(pc) =	sbr.abs _section_cstart, $3  }
0xcf: {  	[dreg:$0x1] =	wrdreg $0xFFFFFFFF  }
0xd0: {  	_ =	task.clear_ibuf [dreg:s22], $0x2FFFF;
	_ =	strace $0x9FFFFFFF  }
0xd1: {  	(tm) =	ssettm $0x7FFFFFFF  }
tec
execute0_lowered:
.L_overlay_start_1:
0x0: {  	(tag) =	ssettag $0x1  }
0x1: {  	s1 =	srdreg.scid  }
0x2: {  	s0 =	stileid.u32;
	s6 =	rddreg [dreg:$0x0]  }
0x3: {  	s2 =	rddreg [dreg:$0x1];
	s3 =	simm.s32 $0x0;
	s14 =	simm.s32 $0x80  }
0x4: {  	s15 =	simm.s32 $0x2800;
	s16 =	simm.s32 $0x6800;
	s17 =	simm.s32 $0x1  }
0x5: {  	s18 =	simm.s32 $0x2;
	s19 =	simm.s32 $0x3;
	s20 =	simm.s32 $0x4  }
0x6: {  	s21 =	simm.s32 $0x2600;
	s22 =	simm.s32 $0x2680;
	s23 =	simm.s32 $0x1300  }
0x7: {  	s28 =	simm.s32 $0x0;
	s5 =	sand.u32 $0x1, s1;
	s24 =	sshll.u32 s0, $0x1  }
0x8: {  	s8 =	smul.u32 $0x13C00, s0;
	[smem:$0x7FF] =	sst s3;
	s4 =	sadd.s32 $0x16400, s6  }
0x9: {  	s26 =	smul.u32 $0x4F000, s0;
	s31 =	sshll.u32 s0, $0x6;
	s1 =	sor.u32 s5, s24  }
0xa: {  	s9 =	smul.u32 $0x13C000, s5;
	s5 =	ssub.s32 $0x2, s5;
	s24 =	simm.s32 $0x1380  }
0xb: {  	s7 =	smul.u32 $0x280, s1;
	s1 =	rddreg [dreg:$0x2];
	_ =	strace $0x8000004D  }
0xc: {  	s25 =	sshrl.u32 s8, $0x3;
	s29 =	sshrl.u32 s5, $0x1;
	s30 =	sshrl.u32 s26, $0x2  }
0xd: {  	s26 =	simm.s32 $0x2780;
	s8 =	sadd.s32 s8, s9;
	s12 =	ssub.s32 s5, s29  }
0xe: {  	s13 =	sadd.s32 s30, s2;
	s10 =	sadd.s32 s7, s6;
	s8 =	sshrl.u32 s8, $0x3  }
0xf: {  	s7 =	sadd.s32 s25, s6;
	s25 =	simm.s32 $0x2700;
	s11 =	sadd.s32 s8, s6  }
0x10: {  	s5 =	sadd.s32 $0x100A00, s7;
	s6 =	sor.u32 $0x1C05, s31;
	s7 =	sadd.s32 $0xC400, s10  }
0x11: {  	s8 =	sadd.s32 $0x11400, s10;
	s10 =	smax.u32 s12, $0x1;
	s12 =	simm.s32 $0x5  }
0x12: {  	s9 =	sadd.s32 $0x128200, s11;
	s11 =	sshrl.u32 s13, $0x3;
	s13 =	simm.s32 $0x1400  }
.LBB2_1:
0x13: {  	[spmem:s11], [sflag:s6] =	dma.local [hbm:s5], $0x2780  }
0x14: {  	_ =	swait.ge [sflag:s12], $0x2780  }
0x15: {  	[sflag:s12] =	ssyncset.done $0x0  }
0x16: {  	[sflag:s12] =	ssyncadd.s32 $0xFFFFD880  }
0x17: {  	[tilespmem:s3], [sflag:$0x5] =	stream.linear.gather [hbm4b:s7+s3], $0x1400, $0x38;
	[tilespmem:$0x1E400] =	vst v63  }
0x18: {  	_ =	swait.ge [sflag:s12], $0x1400  }
0x19: {  	[sflag:s12] =	ssyncset.done $0x0  }
0x1a: {  	[sflag:s12] =	ssyncadd.s32 $0xFFFFEC00  }
0x1b: {  	[tilespmem:s13], [sflag:$0x5] =	stream.linear.gather [hbm4b:s8+s3], $0x1400, $0x38;
	[tilespmem:$0x1E400] =	vst v63  }
0x1c: {  	_ =	swait.ge [sflag:s12], $0x1400  }
0x1d: {  	[sflag:s12] =	ssyncset.done $0x0  }
0x1e: {  	[sflag:s12] =	ssyncadd.s32 $0xFFFFEC00  }
0x1f: {  	[bflag:$0x0] =	sbarrier.arrive $0xFFFF  }
0x20: {  	[tilespmem:s15], [sflag:$0x1] =	stream.indirect.gather [hbm4b:s4+s14], $0x80, s3, s14, $0xb8;
	[tilespmem:$0x1E400] =	vst v63  }
0x21: {  	_ = 	snop  }
0x22: {  	[tilespmem:s16], [sflag:$0x2] =	stream.indirect.gather [hbm4b:s4+s14], $0x80, s14, s14, $0xb8;
	[tilespmem:$0x1E400] =	vst v63  }
0x23: {  	_ =	swait.ge [sflag:s17], $0x4000  }
0x24: {  	[sflag:s17] =	ssyncset.done $0x0  }
0x25: {  	s29 =	simm.s32 $0x1400;
	[sflag:s17] =	ssyncadd.s32 $0xFFFFC000  }
0x26: {  	[spmem:s2] =	stream.indirect.scatter.add.f32 [tilespmem:s15], [sflag:$0x3], $0x80, s29, s14, $0xb8;
	[tilespmem:$0x1E400] =	vst v63  }
0x27: {  	_ =	swait.ge [sflag:s18], $0x4000  }
0x28: {  	[sflag:s18] =	ssyncset.done $0x0  }
0x29: {  	s29 =	simm.s32 $0x1480;
	[sflag:s18] =	ssyncadd.s32 $0xFFFFC000  }
0x2a: {  	[spmem:s2] =	stream.indirect.scatter.add.f32 [tilespmem:s16], [sflag:$0x4], $0x80, s29, s14, $0xb8;
	[tilespmem:$0x1E400] =	vst v63  }
0x2b: {  	_ =	swait.ge [sflag:s19], $0x4000  }
0x2c: {  	[sflag:s19] =	ssyncset.done $0x0  }
0x2d: {  	s29 =	simm.s32 $0x100;
	[sflag:s19] =	ssyncadd.s32 $0xFFFFC000  }
0x2e: {  	[tilespmem:s15], [sflag:$0x1] =	stream.indirect.gather [hbm4b:s4+s14], $0x80, s29, s14, $0xb8;
	[tilespmem:$0x1E400] =	vst v63  }
0x2f: {  	_ =	swait.ge [sflag:s20], $0x4000  }
0x30: {  	[sflag:s20] =	ssyncset.done $0x0  }
0x31: {  	s30 =	simm.s32 $0x180;
	s29 =	simm.s32 $0x400;
	[sflag:s20] =	ssyncadd.s32 $0xFFFFC000  }
.LBB2_2:
0x32: {  	[tilespmem:s16], [sflag:$0x2] =	stream.indirect.gather [hbm4b:s4+s14], $0x80, s30, s14, $0xb8;
	[tilespmem:$0x1E400] =	vst v63  }
0x33: {  	s30 =	smov.u32 s29  }
0x34: {  	p0 =	sne.s32 s29, $0x4400;
	s29 =	sadd.s32 $0x400, s29;
	_ =	swait.ge [sflag:s17], $0x4000  }
0x35: {  	s30 =	sshra.s32 s30, $0x2;
	[sflag:s17] =	ssyncset.done $0x0  }
0x36: {  	s31 =	sadd.s32 $0x1400, s30;
	[sflag:s17] =	ssyncadd.s32 $0xFFFFC000  }
0x37: {  	[spmem:s2] =	stream.indirect.scatter.add.f32 [tilespmem:s15], [sflag:$0x3], $0x80, s31, s14, $0xb8;
	[tilespmem:$0x1E400] =	vst v63  }
0x38: {  	_ =	swait.ge [sflag:s18], $0x4000  }
0x39: {  	[sflag:s18] =	ssyncset.done $0x0  }
0x3a: {  	s31 =	sadd.s32 $0x1480, s30;
	[sflag:s18] =	ssyncadd.s32 $0xFFFFC000  }
0x3b: {  	[spmem:s2] =	stream.indirect.scatter.add.f32 [tilespmem:s16], [sflag:$0x4], $0x80, s31, s14, $0xb8;
	[tilespmem:$0x1E400] =	vst v63  }
0x3c: {  	_ =	swait.ge [sflag:s19], $0x4000  }
0x3d: {  	[sflag:s19] =	ssyncset.done $0x0  }
.Ltmp0:
0x3e: {  	s31 =	sadd.s32 $0x100, s30;
	[sflag:s19] =	ssyncadd.s32 $0xFFFFC000;
	(pc) =	sbr.rel @p0 .LBB2_2-.Ltmp0, $4  }
0x3f: {  	[tilespmem:s15], [sflag:$0x1] =	stream.indirect.gather [hbm4b:s4+s14], $0x80, s31, s14, $0xb8;
	[tilespmem:$0x1E400] =	vst v63  }
0x40: {  	_ =	swait.ge [sflag:s20], $0x4000  }
0x41: {  	[sflag:s20] =	ssyncset.done $0x0  }
0x42: {  	s30 =	sadd.s32 $0x180, s30;
	[sflag:s20] =	ssyncadd.s32 $0xFFFFC000  }
0x43: {  	[tilespmem:s16], [sflag:$0x2] =	stream.indirect.gather [hbm4b:s4+s14], $0x80, s30, s14, $0xb8;
	[tilespmem:$0x1E400] =	vst v63  }
0x44: {  	_ =	swait.ge [sflag:s17], $0x4000  }
0x45: {  	[sflag:s17] =	ssyncset.done $0x0  }
0x46: {  	[sflag:s17] =	ssyncadd.s32 $0xFFFFC000  }
0x47: {  	[spmem:s2] =	stream.indirect.scatter.add.f32 [tilespmem:s15], [sflag:$0x3], $0x80, s21, s14, $0xb8;
	[tilespmem:$0x1E400] =	vst v63  }
0x48: {  	_ =	swait.ge [sflag:s18], $0x4000  }
0x49: {  	[sflag:s18] =	ssyncset.done $0x0  }
0x4a: {  	[sflag:s18] =	ssyncadd.s32 $0xFFFFC000  }
0x4b: {  	[spmem:s2] =	stream.indirect.scatter.add.f32 [tilespmem:s16], [sflag:$0x4], $0x80, s22, s14, $0xb8;
	[tilespmem:$0x1E400] =	vst v63  }
0x4c: {  	_ =	swait.ge [sflag:s19], $0x4000  }
0x4d: {  	[sflag:s19] =	ssyncset.done $0x0  }
0x4e: {  	[sflag:s19] =	ssyncadd.s32 $0xFFFFC000  }
0x4f: {  	[tilespmem:s15], [sflag:$0x1] =	stream.indirect.gather [hbm4b:s4+s14], $0x80, s23, s14, $0xb8;
	[tilespmem:$0x1E400] =	vst v63  }
0x50: {  	_ =	swait.ge [sflag:s20], $0x4000  }
0x51: {  	[sflag:s20] =	ssyncset.done $0x0  }
0x52: {  	[sflag:s20] =	ssyncadd.s32 $0xFFFFC000  }
0x53: {  	[tilespmem:s16], [sflag:$0x2] =	stream.indirect.gather [hbm4b:s4+s14], $0x80, s24, s14, $0xb8;
	[tilespmem:$0x1E400] =	vst v63  }
0x54: {  	_ =	swait.ge [sflag:s17], $0x4000  }
0x55: {  	[sflag:s17] =	ssyncset.done $0x0  }
0x56: {  	[sflag:s17] =	ssyncadd.s32 $0xFFFFC000  }
0x57: {  	[spmem:s2] =	stream.indirect.scatter.add.f32 [tilespmem:s15], [sflag:$0x3], $0x80, s25, s14, $0xb8;
	[tilespmem:$0x1E400] =	vst v63  }
0x58: {  	_ =	swait.ge [sflag:s18], $0x4000  }
0x59: {  	[sflag:s18] =	ssyncset.done $0x0  }
0x5a: {  	[sflag:s18] =	ssyncadd.s32 $0xFFFFC000  }
0x5b: {  	[spmem:s2] =	stream.indirect.scatter.add.f32 [tilespmem:s16], [sflag:$0x4], $0x80, s26, s14, $0xb8;
	[tilespmem:$0x1E400] =	vst v63  }
0x5c: {  	_ =	swait.ge [sflag:s19], $0x4000  }
0x5d: {  	[sflag:s19] =	ssyncset.done $0x0  }
0x5e: {  	[sflag:s19] =	ssyncadd.s32 $0xFFFFC000  }
0x5f: {  	[tilespmem:s15], [sflag:$0x1] =	stream.indirect.gather [hbm4b:s4+s14], $0x80, s24, s14, $0xb8;
	[tilespmem:$0x1E400] =	vst v63  }
0x60: {  	_ =	swait.ge [sflag:s20], $0x4000  }
0x61: {  	[sflag:s20] =	ssyncset.done $0x0  }
0x62: {  	[sflag:s20] =	ssyncadd.s32 $0xFFFFC000  }
0x63: {  	[tilespmem:s16], [sflag:$0x2] =	stream.indirect.gather [hbm4b:s4+s14], $0x80, s24, s14, $0xb8;
	[tilespmem:$0x1E400] =	vst v63  }
0x64: {  	_ =	swait.ge [sflag:s17], $0x4000  }
0x65: {  	[sflag:s17] =	ssyncset.done $0x0  }
0x66: {  	[sflag:s17] =	ssyncadd.s32 $0xFFFFC000  }
0x67: {  	_ =	swait.ge [sflag:s18], $0x4000  }
0x68: {  	s28 =	sadd.s32 $0x1, s28;
	[sflag:s18] =	ssyncset.done $0x0  }
0x69: {  	p0 =	sne.s32 s28, s10;
	[sflag:s18] =	ssyncadd.s32 $0xFFFFC000  }
.Ltmp1:
0x6a: {  	[bflag:$0x0] =	sbarrier.arrive $0xFFFF;
	(pc) =	sbr.rel @p0 .LBB2_1-.Ltmp1, $4  }
0x6b: {  	[hbm:s9], [sflag:s6] =	dma.local [spmem:s11], $0x2780  }
0x6c: {  	_ =	swait.ge [sflag:s12], $0x2780  }
0x6d: {  	[sflag:s12] =	ssyncset.done $0x0  }
0x6e: {  	[sflag:s12] =	ssyncadd.s32 $0xFFFFD880  }
0x6f: {  	_ =	sfence.sel $0x180000  }
0x70: {  	[bflag:$0x0] =	sbarrier.arrive $0xFFFF  }
0x71: {  	p0 =	sne.s32 s0, $0x0;
	_ =	strace $0x9000004D  }
0x72: {  	s0 =	sadd.s32 @!p0 $0x100000, s1;
	[bflag:$0x2] =	sbarrier.arrive $0xFFFF  }
0x73: {  	[sflag:s0] =	ssyncadd.tile.s32 @!p0 $0x1;
	_ =	shalt  }
.Lfunc_end2:
_tile_overlayer_lowered:
.L_overlay_start_2:
0x74: {  	(tag) =	ssettag $0x2  }
0x75: {  	s0 =	rddreg [dreg:$0x0];
	s2 =	stileid.u32  }
0x76: {  	s1 =	rddreg [dreg:$0x1];
	p0 =	sne.s32 s2, $0x0  }
0x77: {  	s3 =	rddreg [dreg:$0x2];
	[bflag:$0x3] =	sbarrier.arrive $0xFFFF;
	s2 =	simm.s32 @!p0 $0x1C05  }
0x78: {  	[timem:s3], [sflag:s2] =	dma.local @!p0 [hbm:s0], s1  }
0x79: {  	s0 =	simm.s32 @!p0 $0x5  }
0x7a: {  	_ =	swait.ge @!p0 [sflag:s0], s1  }
0x7b: {  	s1 =	ssub.s32 @!p0 $0x0, s1;
	[sflag:s0] =	ssyncset.done @!p0 $0x0  }
0x7c: {  	[sflag:s0] =	ssyncadd.s32 @!p0 s1  }
0x7d: {  	[bflag:$0x3] =	sbarrier.arrive $0xFFFF  }
0x7e: {  	_ =	shalt  }

// kernel: kernel.46.cloned.1.call-start
scs
__scs_entry_jumppad:
0x0: {  	(pc) =	sbr.rel $0x88, $3  }
0x1: {  	(tag) =	ssettag $0x0;
	lr =	simm.s32 $0x1  }
0x2: {  	[smem:$0x3F6A] =	sst lr;
	_ =	strace $0xD0000000  }
0x3: {  	_ = 	snop  }
0x4: {  	_ = 	snop  }
0x5: {  	_ = 	snop  }
0x6: {  	_ = 	snop  }
0x7: {  	_ = 	snop  }
__scs_overlays_trampoline_lowered:
0x8: {  	[smem:$0x3F79] =	sst s0  }
0x9: {  	[smem:$0x3F7A] =	sst s1  }
0xa: {  	[smem:$0x3F7B] =	sst s2  }
0xb: {  	[smem:$0x3F7C] =	sst s3  }
0xc: {  	[smem:$0x3F7D] =	sst s4  }
0xd: {  	[smem:$0x3F7E] =	sst s5  }
0xe: {  	[smem:$0x3F7F] =	sst s6  }
0xf: {  	[smem:$0x3F80] =	sst s7  }
0x10: {  	[smem:$0x3F81] =	sst s8  }
0x11: {  	[smem:$0x3F82] =	sst s9;
	s0 =	simm.s32 @!p0 $0x0  }
0x12: {  	s1 =	sld [smem:$0x3F68];
	s0 =	simm.s32 @p0 $0x1  }
0x13: {  	[smem:$0x3F83] =	sst s0;
	s0 =	simm.s32 @!p1 $0x0  }
0x14: {  	s2 =	sld [smem:$0x3F67];
	s0 =	simm.s32 @p1 $0x1  }
0x15: {  	[smem:$0x3F84] =	sst s0;
	s0 =	simm.s32 @!p2 $0x0  }
0x16: {  	s3 =	sld [smem:$0x3FDB];
	s0 =	simm.s32 @p2 $0x1  }
0x17: {  	s4 =	simm.s32 $0x1BF5;
	[smem:$0x3F86] =	sst s0  }
0x18: {  	s0 =	sld [smem:$0x3F69];
	_ =	swait.ge [sflag:s4], $0x0  }
0x19: {  	s7 =	sld [smem:$0x3F6A]  }
0x1a: {  	s8 =	sadd.s32 $0xFFFFE003, lr  }
0x1b: {  	s9 =	sadd.s32 $0xFFFFFEF7, lr;
	s5 =	simm.s32 $0xFFFFFFFF;
	p2 =	slt.u32 s8, $0xFFFFF086  }
0x1c: {  	p1 =	slt.u32 s9, $0xF7A;
	s5 =	simm.s32 @!p2 $0x0  }
0x1d: {  	s5 =	simm.s32 @p1 $0x1;
	p0 =	seq.s32 s7, s2  }
0x1e: {  	s7 =	smul.u32 @!p0 $0xF7A, s2;
	p2 =	seq.s32 @!p0 s5, $0x0  }
0x1f: {  	s9 =	smul.u32 $0xF7A, s1;
	s8 =	simm.s32 @!p0 $0x1BF5;
	p2 =	por !p2, p0  }
0x20: {  	[sflag:s8] =	ssyncset.s32 @!p0 $0xFFFFF086;
	s6 =	sadd.s32 @!p0 s3, s7;
	s7 =	simm.s32 @!p0 $0x108  }
0x21: {  	s3 =	sadd.s32 s3, s9;
	s6 =	sadd.s32 @!p0 $0x88, s6;
	s7 =	simm.s32 @p2 $0x1082  }
0x22: {  	[simem:s7], [sflag:s8] =	dma.local @!p0 [hbm:s6], $0xF7A  }
0x23: {  	s9 =	sor.u32 $0xD0000000, s2;
	s6 =	simm.s32 $0x108;
	_ =	swait.ge @!p0 [sflag:s8], $0x0  }
0x24: {  	s3 =	sadd.s32 $0x88, s3;
	s6 =	simm.s32 @!p1 $0x1082;
	[sflag:s4] =	ssyncset.s32 $0xFFFFF086  }
0x25: {  	[simem:s6], [sflag:s4] =	dma.local [hbm:s3], $0xF7A  }
0x26: {  	[smem:$0x3F6A] =	sst s1;
	(tag) =	ssettag s2;
	_ =	strace s9  }
0x27: {  	s1 =	sld [smem:$0x3F7A]  }
0x28: {  	s2 =	sld [smem:$0x3F7B]  }
0x29: {  	s4 =	sld [smem:$0x3F7D]  }
0x2a: {  	p0 =	seq.s32 s5, $0x0;
	s5 =	sld [smem:$0x3F7E]  }
0x2b: {  	s6 =	sld [smem:$0x3F7F]  }
0x2c: {  	s7 =	sld [smem:$0x3F80]  }
0x2d: {  	s3 =	simm.s32 $0x108;
	s8 =	sld [smem:$0x3F81]  }
0x2e: {  	s3 =	simm.s32 @!p0 $0x1082;
	s9 =	sld [smem:$0x3F82]  }
0x2f: {  	lr =	sadd.s32 s0, s3;
	s0 =	sld [smem:$0x3F79]  }
0x30: {  	s3 =	sld [smem:$0x3F7C]  }
0x31: {  	[smem:$0x3F85] =	sst s10  }
0x32: {  	s10 =	sld [smem:$0x3F83];
	_ =	sdelay $0x3  }
0x33: {  	p0 =	seq.s32 s10, $0x1;
	s10 =	sld [smem:$0x3F85];
	_ =	sdelay $0x3  }
0x34: {  	[smem:$0x3F85] =	sst s10  }
0x35: {  	s10 =	sld [smem:$0x3F84];
	_ =	sdelay $0x3  }
0x36: {  	p1 =	seq.s32 s10, $0x1;
	s10 =	sld [smem:$0x3F85];
	_ =	sdelay $0x3  }
0x37: {  	[smem:$0x3F85] =	sst s10  }
0x38: {  	s10 =	sld [smem:$0x3F86]  }
0x39: {  	_ = 	snop;
	(pc) =	sbr.ind lr, $3  }
0x3a: {  	_ = 	snop  }
0x3b: {  	_ = 	snop  }
0x3c: {  	p2 =	seq.s32 s10, $0x1;
	s10 =	sld [smem:$0x3F85]  }
0x3d: {  	_ =	shalt  }
0x3e: {  	_ =	shalt  }
0x3f: {  	_ =	shalt  }
0x40: {  	_ =	shalt  }
0x41: {  	_ =	shalt  }
0x42: {  	_ =	shalt  }
0x43: {  	_ =	shalt  }
0x44: {  	_ =	shalt  }
0x45: {  	_ =	shalt  }
0x46: {  	_ =	shalt  }
0x47: {  	_ =	shalt  }
0x48: {  	_ =	shalt  }
0x49: {  	_ =	shalt  }
0x4a: {  	_ =	shalt  }
0x4b: {  	_ =	shalt  }
0x4c: {  	_ =	shalt  }
0x4d: {  	_ =	shalt  }
0x4e: {  	_ =	shalt  }
0x4f: {  	_ =	shalt  }
0x50: {  	_ =	shalt  }
0x51: {  	_ =	shalt  }
0x52: {  	_ =	shalt  }
0x53: {  	_ =	shalt  }
0x54: {  	_ =	shalt  }
0x55: {  	_ =	shalt  }
0x56: {  	_ =	shalt  }
0x57: {  	_ =	shalt  }
0x58: {  	_ =	shalt  }
0x59: {  	_ =	shalt  }
0x5a: {  	_ =	shalt  }
0x5b: {  	_ =	shalt  }
0x5c: {  	_ =	shalt  }
0x5d: {  	_ =	shalt  }
0x5e: {  	_ =	shalt  }
0x5f: {  	_ =	shalt  }
0x60: {  	_ =	shalt  }
0x61: {  	_ =	shalt  }
0x62: {  	_ =	shalt  }
0x63: {  	_ =	shalt  }
0x64: {  	_ =	shalt  }
0x65: {  	_ =	shalt  }
0x66: {  	_ =	shalt  }
0x67: {  	_ =	shalt  }
0x68: {  	_ =	shalt  }
0x69: {  	_ =	shalt  }
0x6a: {  	_ =	shalt  }
0x6b: {  	_ =	shalt  }
0x6c: {  	_ =	shalt  }
0x6d: {  	_ =	shalt  }
0x6e: {  	_ =	shalt  }
0x6f: {  	_ =	shalt  }
0x70: {  	_ =	shalt  }
0x71: {  	_ =	shalt  }
0x72: {  	_ =	shalt  }
0x73: {  	_ =	shalt  }
0x74: {  	_ =	shalt  }
0x75: {  	_ =	shalt  }
0x76: {  	_ =	shalt  }
0x77: {  	_ =	shalt  }
0x78: {  	_ =	shalt  }
0x79: {  	_ =	shalt  }
0x7a: {  	_ =	shalt  }
0x7b: {  	_ =	shalt  }
0x7c: {  	_ =	shalt  }
0x7d: {  	_ =	shalt  }
0x7e: {  	_ =	shalt  }
0x7f: {  	_ =	shalt  }
0x80: {  	_ =	shalt  }
0x81: {  	_ =	shalt  }
0x82: {  	_ =	shalt  }
0x83: {  	_ =	shalt  }
0x84: {  	_ =	shalt  }
0x85: {  	_ =	shalt  }
0x86: {  	_ =	shalt  }
0x87: {  	_ =	shalt  }
.Lfunc_end0:
.L_simem_size_0:
called_computation.3_lowered:
.L_overlay_start_0:
0x88: {  	s2 =	sld [smem:$0x3FD9]  }
0x89: {  	s3 =	sld [smem:$0x3FFE];
	_ =	sdelay $0x1  }
0x8a: {  	s1 =	srdreg.scid  }
0x8b: {  	s0 =	sand.u32 $0x1, s1  }
0x8c: {  	s17 =	sshll.u32 s0, $0xA;
	s2 =	sadd.s32 s3, s2  }
0x8d: {  	s2 =	sadd.s32 s2, s17  }
0x8e: {  	[smem:$0x3F91] =	sst s2  }
0x8f: {  	_ = 	snop  }
0x90: {  	(tm) =	ssettm $0x1  }
0x91: {  	s18 =	sld [smem:$0x3FFB];
	_ =	sdelay $0x3  }
0x92: {  	_ =	strace s18  }
0x93: {  	s2 =	sld [smem:$0x3FFC];
	_ =	sdelay $0x3  }
0x94: {  	_ =	strace s2  }
0x95: {  	s2 =	sld [smem:$0x3FFD];
	_ =	sdelay $0x3  }
0x96: {  	_ =	strace s2  }
0x97: {  	_ =	strace $0x8FFFFFFF  }
0x98: {  	s19 =	sld [smem:$0x3FDB];
	_ =	sdelay $0x1  }
0x99: {  	s20 =	simm.s32 $_scs_section_size  }
0x9a: {  	s4 =	simm.s32 $_size__tile_overlayer_lowered;
	s5 =	simm.s32 $_tile_overlayer_lowered  }
0x9b: {  	s6 =	simm.s32 $0x1BFF;
	s21 =	sshll.u32 s5, $0x1;
	s3 =	sadd.s32 s20, s19  }
0x9c: {  	s22 =	simm.s32 $0x0;
	s4 =	sshll.u32 s4, $0x1;
	s5 =	sadd.s32 s21, s3  }
0x9d: {  	[timem:s22], [sflag:s6] =	dma.local [hbm:s5], s4  }
0x9e: {  	_ =	swait.ge [sflag:s6], s4  }
0x9f: {  	s4 =	ssub.s32 $0x0, s4;
	[sflag:s6] =	ssyncset.done $0x0  }
0xa0: {  	[sflag:s6] =	ssyncadd.s32 s4;
	_ =	sdelay $0x1  }
0xa1: {  	s23 =	simm.s32 $0x1B8B  }
0xa2: {  	_ =	swait.ge [sflag:s23], $0x1  }
0xa3: {  	[sflag:s23] =	ssyncset.done $0x0  }
0xa4: {  	[sflag:s23] =	ssyncadd.s32 $0xFFFFFFFF  }
0xa5: {  	s4 =	sld [smem:$0x0]  }
0xa6: {  	s5 =	sand.u32 $0xFFFFFFFE, s1  }
0xa7: {  	p0 =	sne.s32 s1, s5  }
0xa8: {  	s5 =	sshll.u32 @p0 s5, $0xE  }
0xa9: {  	s5 =	sadd.s32 @p0 $0x11B8D, s5;
	s6 =	sshll.u32 @p0 s4, $0x11  }
0xaa: {  	s5 =	sor.u32 @p0 s6, s5  }
0xab: {  	[sflag:s5] =	ssyncadd.remote.s32 @p0 $0x1;
	_ =	sdelay $0x1  }
0xac: {  	s5 =	simm.s32 @p0 $0x1B8D  }
0xad: {  	_ =	swait.eq @p0 [sflag:s5], $0x1  }
0xae: {  	[sflag:s5] =	ssyncadd.s32 @p0 $0xFFFFFFFF  }
0xaf: {  	s6 =	sshll.u32 @!p0 s1, $0xE  }
0xb0: {  	s6 =	sor.u32 @!p0 $0x4000, s6;
	s5 =	simm.s32 @!p0 $0x1B8D  }
0xb1: {  	s4 =	sshll.u32 @!p0 s4, $0x11;
	s6 =	sadd.s32 @!p0 $0x11B8D, s6;
	_ =	swait.eq @!p0 [sflag:s5], $0x1  }
0xb2: {  	s4 =	sor.u32 @!p0 s4, s6;
	[sflag:s5] =	ssyncadd.s32 @!p0 $0xFFFFFFFF  }
0xb3: {  	s25 =	simm.s32 $0x1B8E;
	s24 =	sld [smem:$0x3FFE];
	[sflag:s4] =	ssyncadd.remote.s32 @!p0 $0x1  }
0xb4: {  	s26 =	simm.s32 $execute0_lowered;
	[smem:$0x3FD2] =	sst s25  }
0xb5: {  	s5 =	sshll.u32 s26, $0x1;
	_ =	strace $0x8000004F;
	[dreg:$0x1] =	wrdreg $0xFFFFFFFF  }
0xb6: {  	s28 =	simm.s32 $_size_execute0_lowered;
	s3 =	sadd.s32 s3, s5;
	[dreg:$0x0] =	wrdreg $0x0  }
0xb7: {  	s5 =	sshll.u32 s28, $0x1;
	[dreg:$0x2] =	wrdreg s3  }
0xb8: {  	[dreg:$0x3] =	wrdreg s5  }
0xb9: {  	[dreg:$0x4] =	wrdreg $0xC0  }
0xba: {  	_ =	task [dreg:s22], $0x5FFFF  }
0xbb: {  	[dreg:$0x1] =	wrdreg $0xFFFFFFFF  }
0xbc: {  	[dreg:$0x0] =	wrdreg $0x60  }
0xbd: {  	[dreg:$0x2] =	wrdreg s24  }
0xbe: {  	[dreg:$0x3] =	wrdreg $0xA8000  }
0xbf: {  	[dreg:$0x4] =	wrdreg $0x9  }
0xc0: {  	_ =	task.clear_ibuf [dreg:s22], $0x5FFFF;
	_ =	strace $0x9000004F  }
0xc1: {  	s29 =	simm.s32 $0x9;
	_ =	strace $0x80000051  }
0xc2: {  	_ =	swait.ge [sflag:s29], $0x1  }
0xc3: {  	[sflag:s29] =	ssyncadd.s32 $0xFFFFFFFF  }
0xc4: {  	_ =	strace $0x90000051  }
0xc5: {  	_ =	sfence  }
0xc6: {  	s30 =	sld [smem:$0x0];
	_ =	sdelay $0x2  }
0xc7: {  	s31 =	sshll.u32 s1, $0xD;
	s1 =	sshrl.u32 s1, $0x2  }
0xc8: {  	s4 =	sand.u32 $0x4000, s31;
	s1 =	sadd.s32 s1, s30  }
0xc9: {  	s0 =	sor.u32 s4, s0;
	s1 =	sshll.u32 s1, $0x11  }
0xca: {  	s0 =	sor.u32 s1, s0  }
0xcb: {  	s0 =	sadd.s32 $0x8F2B, s0  }
0xcc: {  	[sflag:s0] =	ssyncadd.remote.s32 $0x1  }
0xcd: {  	_ =	sfence.sel $0xFFFF  }
0xce: {  	[dreg:$0x0] =	wrdreg $0xFFFFFFFF;
	(pc) =	sbr.abs _section_cstart, $3  }
0xcf: {  	[dreg:$0x1] =	wrdreg $0xFFFFFFFF  }
0xd0: {  	_ =	task.clear_ibuf [dreg:s22], $0x2FFFF;
	_ =	strace $0x9FFFFFFF  }
0xd1: {  	(tm) =	ssettm $0x7FFFFFFF  }
tec
execute0_lowered:
.L_overlay_start_1:
0x0: {  	(tag) =	ssettag $0x1  }
0x1: {  	s1 =	srdreg.scid  }
0x2: {  	s0 =	stileid.u32;
	s6 =	rddreg [dreg:$0x0]  }
0x3: {  	s2 =	rddreg [dreg:$0x1];
	s3 =	simm.s32 $0x0;
	s13 =	simm.s32 $0x1400  }
0x4: {  	s14 =	simm.s32 $0x80;
	s15 =	simm.s32 $0x2800;
	s16 =	simm.s32 $0x6800  }
0x5: {  	s17 =	simm.s32 $0x1;
	s18 =	simm.s32 $0x2;
	s19 =	simm.s32 $0x3  }
0x6: {  	s20 =	simm.s32 $0x4;
	s21 =	simm.s32 $0x2600;
	s22 =	simm.s32 $0x2680  }
0x7: {  	s23 =	simm.s32 $0x1300;
	s28 =	simm.s32 $0x0;
	s5 =	sand.u32 $0x1, s1  }
0x8: {  	s24 =	sshll.u32 s0, $0x1;
	s8 =	smul.u32 $0x13C00, s0;
	[smem:$0x7FF] =	sst s3  }
0x9: {  	s4 =	sadd.s32 $0x177200, s6;
	s30 =	smul.u32 $0x4F000, s0;
	s31 =	sshll.u32 s0, $0x6  }
0xa: {  	s1 =	sor.u32 s5, s24;
	s9 =	smul.u32 $0x13C000, s5;
	s5 =	ssub.s32 $0x2, s5  }
0xb: {  	s24 =	simm.s32 $0x1380;
	s7 =	smul.u32 $0x280, s1;
	s1 =	rddreg [dreg:$0x2]  }
0xc: {  	_ =	strace $0x80000050;
	s25 =	sshrl.u32 s8, $0x3;
	s29 =	sshrl.u32 s5, $0x1  }
0xd: {  	s8 =	sadd.s32 s8, s9;
	s11 =	ssub.s32 s5, s29;
	s10 =	sadd.s32 s7, s6  }
0xe: {  	s7 =	sadd.s32 s25, s6;
	s8 =	sshrl.u32 s8, $0x3;
	s25 =	simm.s32 $0x2700  }
0xf: {  	s26 =	sadd.s32 s8, s6;
	s5 =	sadd.s32 $0x100A00, s7;
	s8 =	sshrl.u32 s30, $0x2  }
0x10: {  	s6 =	sor.u32 $0x1C05, s31;
	s7 =	sadd.s32 $0x266800, s10;
	s12 =	sadd.s32 s8, s2  }
0x11: {  	s8 =	sadd.s32 $0x261800, s10;
	s9 =	sadd.s32 $0x26B800, s26;
	s10 =	smax.u32 s11, $0x1  }
0x12: {  	s26 =	simm.s32 $0x2780;
	s11 =	sshrl.u32 s12, $0x3;
	s12 =	simm.s32 $0x5  }
.LBB2_1:
0x13: {  	[spmem:s11], [sflag:s6] =	dma.local [hbm:s5], $0x2780  }
0x14: {  	_ =	swait.ge [sflag:s12], $0x2780  }
0x15: {  	[sflag:s12] =	ssyncset.done $0x0  }
0x16: {  	[sflag:s12] =	ssyncadd.s32 $0xFFFFD880  }
0x17: {  	[tilespmem:s3], [sflag:$0x5] =	stream.linear.gather [hbm4b:s7+s3], $0x1400, $0x38;
	[tilespmem:$0x1E400] =	vst v63  }
0x18: {  	_ =	swait.ge [sflag:s12], $0x1400  }
0x19: {  	[sflag:s12] =	ssyncset.done $0x0  }
0x1a: {  	[sflag:s12] =	ssyncadd.s32 $0xFFFFEC00  }
0x1b: {  	[tilespmem:s13], [sflag:$0x5] =	stream.linear.gather [hbm4b:s8+s3], $0x1400, $0x38;
	[tilespmem:$0x1E400] =	vst v63  }
0x1c: {  	_ =	swait.ge [sflag:s12], $0x1400  }
0x1d: {  	[sflag:s12] =	ssyncset.done $0x0  }
0x1e: {  	[sflag:s12] =	ssyncadd.s32 $0xFFFFEC00  }
0x1f: {  	[bflag:$0x0] =	sbarrier.arrive $0xFFFF  }
0x20: {  	[tilespmem:s15], [sflag:$0x1] =	stream.indirect.gather [hbm4b:s4+s14], $0x80, s3, s14, $0xb8;
	[tilespmem:$0x1E400] =	vst v63  }
0x21: {  	_ = 	snop  }
0x22: {  	[tilespmem:s16], [sflag:$0x2] =	stream.indirect.gather [hbm4b:s4+s14], $0x80, s14, s14, $0xb8;
	[tilespmem:$0x1E400] =	vst v63  }
0x23: {  	_ =	swait.ge [sflag:s17], $0x4000  }
0x24: {  	[sflag:s17] =	ssyncset.done $0x0  }
0x25: {  	s29 =	simm.s32 $0x1400;
	[sflag:s17] =	ssyncadd.s32 $0xFFFFC000  }
0x26: {  	[spmem:s2] =	stream.indirect.scatter.add.f32 [tilespmem:s15], [sflag:$0x3], $0x80, s29, s14, $0xb8;
	[tilespmem:$0x1E400] =	vst v63  }
0x27: {  	_ =	swait.ge [sflag:s18], $0x4000  }
0x28: {  	[sflag:s18] =	ssyncset.done $0x0  }
0x29: {  	s29 =	simm.s32 $0x1480;
	[sflag:s18] =	ssyncadd.s32 $0xFFFFC000  }
0x2a: {  	[spmem:s2] =	stream.indirect.scatter.add.f32 [tilespmem:s16], [sflag:$0x4], $0x80, s29, s14, $0xb8;
	[tilespmem:$0x1E400] =	vst v63  }
0x2b: {  	_ =	swait.ge [sflag:s19], $0x4000  }
0x2c: {  	[sflag:s19] =	ssyncset.done $0x0  }
0x2d: {  	s29 =	simm.s32 $0x100;
	[sflag:s19] =	ssyncadd.s32 $0xFFFFC000  }
0x2e: {  	[tilespmem:s15], [sflag:$0x1] =	stream.indirect.gather [hbm4b:s4+s14], $0x80, s29, s14, $0xb8;
	[tilespmem:$0x1E400] =	vst v63  }
0x2f: {  	_ =	swait.ge [sflag:s20], $0x4000  }
0x30: {  	[sflag:s20] =	ssyncset.done $0x0  }
0x31: {  	s30 =	simm.s32 $0x180;
	s29 =	simm.s32 $0x400;
	[sflag:s20] =	ssyncadd.s32 $0xFFFFC000  }
.LBB2_2:
0x32: {  	[tilespmem:s16], [sflag:$0x2] =	stream.indirect.gather [hbm4b:s4+s14], $0x80, s30, s14, $0xb8;
	[tilespmem:$0x1E400] =	vst v63  }
0x33: {  	s30 =	smov.u32 s29  }
0x34: {  	p0 =	sne.s32 s29, $0x4400;
	s29 =	sadd.s32 $0x400, s29;
	_ =	swait.ge [sflag:s17], $0x4000  }
0x35: {  	s30 =	sshra.s32 s30, $0x2;
	[sflag:s17] =	ssyncset.done $0x0  }
0x36: {  	s31 =	sadd.s32 $0x1400, s30;
	[sflag:s17] =	ssyncadd.s32 $0xFFFFC000  }
0x37: {  	[spmem:s2] =	stream.indirect.scatter.add.f32 [tilespmem:s15], [sflag:$0x3], $0x80, s31, s14, $0xb8;
	[tilespmem:$0x1E400] =	vst v63  }
0x38: {  	_ =	swait.ge [sflag:s18], $0x4000  }
0x39: {  	[sflag:s18] =	ssyncset.done $0x0  }
0x3a: {  	s31 =	sadd.s32 $0x1480, s30;
	[sflag:s18] =	ssyncadd.s32 $0xFFFFC000  }
0x3b: {  	[spmem:s2] =	stream.indirect.scatter.add.f32 [tilespmem:s16], [sflag:$0x4], $0x80, s31, s14, $0xb8;
	[tilespmem:$0x1E400] =	vst v63  }
0x3c: {  	_ =	swait.ge [sflag:s19], $0x4000  }
0x3d: {  	[sflag:s19] =	ssyncset.done $0x0  }
.Ltmp0:
0x3e: {  	s31 =	sadd.s32 $0x100, s30;
	[sflag:s19] =	ssyncadd.s32 $0xFFFFC000;
	(pc) =	sbr.rel @p0 .LBB2_2-.Ltmp0, $4  }
0x3f: {  	[tilespmem:s15], [sflag:$0x1] =	stream.indirect.gather [hbm4b:s4+s14], $0x80, s31, s14, $0xb8;
	[tilespmem:$0x1E400] =	vst v63  }
0x40: {  	_ =	swait.ge [sflag:s20], $0x4000  }
0x41: {  	[sflag:s20] =	ssyncset.done $0x0  }
0x42: {  	s30 =	sadd.s32 $0x180, s30;
	[sflag:s20] =	ssyncadd.s32 $0xFFFFC000  }
0x43: {  	[tilespmem:s16], [sflag:$0x2] =	stream.indirect.gather [hbm4b:s4+s14], $0x80, s30, s14, $0xb8;
	[tilespmem:$0x1E400] =	vst v63  }
0x44: {  	_ =	swait.ge [sflag:s17], $0x4000  }
0x45: {  	[sflag:s17] =	ssyncset.done $0x0  }
0x46: {  	[sflag:s17] =	ssyncadd.s32 $0xFFFFC000  }
0x47: {  	[spmem:s2] =	stream.indirect.scatter.add.f32 [tilespmem:s15], [sflag:$0x3], $0x80, s21, s14, $0xb8;
	[tilespmem:$0x1E400] =	vst v63  }
0x48: {  	_ =	swait.ge [sflag:s18], $0x4000  }
0x49: {  	[sflag:s18] =	ssyncset.done $0x0  }
0x4a: {  	[sflag:s18] =	ssyncadd.s32 $0xFFFFC000  }
0x4b: {  	[spmem:s2] =	stream.indirect.scatter.add.f32 [tilespmem:s16], [sflag:$0x4], $0x80, s22, s14, $0xb8;
	[tilespmem:$0x1E400] =	vst v63  }
0x4c: {  	_ =	swait.ge [sflag:s19], $0x4000  }
0x4d: {  	[sflag:s19] =	ssyncset.done $0x0  }
0x4e: {  	[sflag:s19] =	ssyncadd.s32 $0xFFFFC000  }
0x4f: {  	[tilespmem:s15], [sflag:$0x1] =	stream.indirect.gather [hbm4b:s4+s14], $0x80, s23, s14, $0xb8;
	[tilespmem:$0x1E400] =	vst v63  }
0x50: {  	_ =	swait.ge [sflag:s20], $0x4000  }
0x51: {  	[sflag:s20] =	ssyncset.done $0x0  }
0x52: {  	[sflag:s20] =	ssyncadd.s32 $0xFFFFC000  }
0x53: {  	[tilespmem:s16], [sflag:$0x2] =	stream.indirect.gather [hbm4b:s4+s14], $0x80, s24, s14, $0xb8;
	[tilespmem:$0x1E400] =	vst v63  }
0x54: {  	_ =	swait.ge [sflag:s17], $0x4000  }
0x55: {  	[sflag:s17] =	ssyncset.done $0x0  }
0x56: {  	[sflag:s17] =	ssyncadd.s32 $0xFFFFC000  }
0x57: {  	[spmem:s2] =	stream.indirect.scatter.add.f32 [tilespmem:s15], [sflag:$0x3], $0x80, s25, s14, $0xb8;
	[tilespmem:$0x1E400] =	vst v63  }
0x58: {  	_ =	swait.ge [sflag:s18], $0x4000  }
0x59: {  	[sflag:s18] =	ssyncset.done $0x0  }
0x5a: {  	[sflag:s18] =	ssyncadd.s32 $0xFFFFC000  }
0x5b: {  	[spmem:s2] =	stream.indirect.scatter.add.f32 [tilespmem:s16], [sflag:$0x4], $0x80, s26, s14, $0xb8;
	[tilespmem:$0x1E400] =	vst v63  }
0x5c: {  	_ =	swait.ge [sflag:s19], $0x4000  }
0x5d: {  	[sflag:s19] =	ssyncset.done $0x0  }
0x5e: {  	[sflag:s19] =	ssyncadd.s32 $0xFFFFC000  }
0x5f: {  	[tilespmem:s15], [sflag:$0x1] =	stream.indirect.gather [hbm4b:s4+s14], $0x80, s24, s14, $0xb8;
	[tilespmem:$0x1E400] =	vst v63  }
0x60: {  	_ =	swait.ge [sflag:s20], $0x4000  }
0x61: {  	[sflag:s20] =	ssyncset.done $0x0  }
0x62: {  	[sflag:s20] =	ssyncadd.s32 $0xFFFFC000  }
0x63: {  	[tilespmem:s16], [sflag:$0x2] =	stream.indirect.gather [hbm4b:s4+s14], $0x80, s24, s14, $0xb8;
	[tilespmem:$0x1E400] =	vst v63  }
0x64: {  	_ =	swait.ge [sflag:s17], $0x4000  }
0x65: {  	[sflag:s17] =	ssyncset.done $0x0  }
0x66: {  	[sflag:s17] =	ssyncadd.s32 $0xFFFFC000  }
0x67: {  	_ =	swait.ge [sflag:s18], $0x4000  }
0x68: {  	s28 =	sadd.s32 $0x1, s28;
	[sflag:s18] =	ssyncset.done $0x0  }
0x69: {  	p0 =	sne.s32 s28, s10;
	[sflag:s18] =	ssyncadd.s32 $0xFFFFC000  }
.Ltmp1:
0x6a: {  	[bflag:$0x0] =	sbarrier.arrive $0xFFFF;
	(pc) =	sbr.rel @p0 .LBB2_1-.Ltmp1, $4  }
0x6b: {  	[hbm:s9], [sflag:s6] =	dma.local [spmem:s11], $0x2780  }
0x6c: {  	_ =	swait.ge [sflag:s12], $0x2780  }
0x6d: {  	[sflag:s12] =	ssyncset.done $0x0  }
0x6e: {  	[sflag:s12] =	ssyncadd.s32 $0xFFFFD880  }
0x6f: {  	_ =	sfence.sel $0x180000  }
0x70: {  	[bflag:$0x0] =	sbarrier.arrive $0xFFFF  }
0x71: {  	p0 =	sne.s32 s0, $0x0;
	_ =	strace $0x90000050  }
0x72: {  	s0 =	sadd.s32 @!p0 $0x100000, s1;
	[bflag:$0x2] =	sbarrier.arrive $0xFFFF  }
0x73: {  	[sflag:s0] =	ssyncadd.tile.s32 @!p0 $0x1;
	_ =	shalt  }
.Lfunc_end2:
_tile_overlayer_lowered:
.L_overlay_start_2:
0x74: {  	(tag) =	ssettag $0x2  }
0x75: {  	s0 =	rddreg [dreg:$0x0];
	s2 =	stileid.u32  }
0x76: {  	s1 =	rddreg [dreg:$0x1];
	p0 =	sne.s32 s2, $0x0  }
0x77: {  	s3 =	rddreg [dreg:$0x2];
	[bflag:$0x3] =	sbarrier.arrive $0xFFFF;
	s2 =	simm.s32 @!p0 $0x1C05  }
0x78: {  	[timem:s3], [sflag:s2] =	dma.local @!p0 [hbm:s0], s1  }
0x79: {  	s0 =	simm.s32 @!p0 $0x5  }
0x7a: {  	_ =	swait.ge @!p0 [sflag:s0], s1  }
0x7b: {  	s1 =	ssub.s32 @!p0 $0x0, s1;
	[sflag:s0] =	ssyncset.done @!p0 $0x0  }
0x7c: {  	[sflag:s0] =	ssyncadd.s32 @!p0 s1  }
0x7d: {  	[bflag:$0x3] =	sbarrier.arrive $0xFFFF  }
0x7e: {  	_ =	shalt  }

// kernel: kernel.49.cloned.1.call-start
scs
__scs_entry_jumppad:
0x0: {  	(pc) =	sbr.rel $0x88, $3  }
0x1: {  	(tag) =	ssettag $0x0;
	lr =	simm.s32 $0x1  }
0x2: {  	[smem:$0x3F6A] =	sst lr;
	_ =	strace $0xD0000000  }
0x3: {  	_ = 	snop  }
0x4: {  	_ = 	snop  }
0x5: {  	_ = 	snop  }
0x6: {  	_ = 	snop  }
0x7: {  	_ = 	snop  }
__scs_overlays_trampoline_lowered:
0x8: {  	[smem:$0x3F79] =	sst s0  }
0x9: {  	[smem:$0x3F7A] =	sst s1  }
0xa: {  	[smem:$0x3F7B] =	sst s2  }
0xb: {  	[smem:$0x3F7C] =	sst s3  }
0xc: {  	[smem:$0x3F7D] =	sst s4  }
0xd: {  	[smem:$0x3F7E] =	sst s5  }
0xe: {  	[smem:$0x3F7F] =	sst s6  }
0xf: {  	[smem:$0x3F80] =	sst s7  }
0x10: {  	[smem:$0x3F81] =	sst s8  }
0x11: {  	[smem:$0x3F82] =	sst s9;
	s0 =	simm.s32 @!p0 $0x0  }
0x12: {  	s1 =	sld [smem:$0x3F68];
	s0 =	simm.s32 @p0 $0x1  }
0x13: {  	[smem:$0x3F83] =	sst s0;
	s0 =	simm.s32 @!p1 $0x0  }
0x14: {  	s2 =	sld [smem:$0x3F67];
	s0 =	simm.s32 @p1 $0x1  }
0x15: {  	[smem:$0x3F84] =	sst s0;
	s0 =	simm.s32 @!p2 $0x0  }
0x16: {  	s3 =	sld [smem:$0x3FDB];
	s0 =	simm.s32 @p2 $0x1  }
0x17: {  	s4 =	simm.s32 $0x1BF5;
	[smem:$0x3F86] =	sst s0  }
0x18: {  	s0 =	sld [smem:$0x3F69];
	_ =	swait.ge [sflag:s4], $0x0  }
0x19: {  	s7 =	sld [smem:$0x3F6A]  }
0x1a: {  	s8 =	sadd.s32 $0xFFFFE003, lr  }
0x1b: {  	s9 =	sadd.s32 $0xFFFFFEF7, lr;
	s5 =	simm.s32 $0xFFFFFFFF;
	p2 =	slt.u32 s8, $0xFFFFF086  }
0x1c: {  	p1 =	slt.u32 s9, $0xF7A;
	s5 =	simm.s32 @!p2 $0x0  }
0x1d: {  	s5 =	simm.s32 @p1 $0x1;
	p0 =	seq.s32 s7, s2  }
0x1e: {  	s7 =	smul.u32 @!p0 $0xF7A, s2;
	p2 =	seq.s32 @!p0 s5, $0x0  }
0x1f: {  	s9 =	smul.u32 $0xF7A, s1;
	s8 =	simm.s32 @!p0 $0x1BF5;
	p2 =	por !p2, p0  }
0x20: {  	[sflag:s8] =	ssyncset.s32 @!p0 $0xFFFFF086;
	s6 =	sadd.s32 @!p0 s3, s7;
	s7 =	simm.s32 @!p0 $0x108  }
0x21: {  	s3 =	sadd.s32 s3, s9;
	s6 =	sadd.s32 @!p0 $0x88, s6;
	s7 =	simm.s32 @p2 $0x1082  }
0x22: {  	[simem:s7], [sflag:s8] =	dma.local @!p0 [hbm:s6], $0xF7A  }
0x23: {  	s9 =	sor.u32 $0xD0000000, s2;
	s6 =	simm.s32 $0x108;
	_ =	swait.ge @!p0 [sflag:s8], $0x0  }
0x24: {  	s3 =	sadd.s32 $0x88, s3;
	s6 =	simm.s32 @!p1 $0x1082;
	[sflag:s4] =	ssyncset.s32 $0xFFFFF086  }
0x25: {  	[simem:s6], [sflag:s4] =	dma.local [hbm:s3], $0xF7A  }
0x26: {  	[smem:$0x3F6A] =	sst s1;
	(tag) =	ssettag s2;
	_ =	strace s9  }
0x27: {  	s1 =	sld [smem:$0x3F7A]  }
0x28: {  	s2 =	sld [smem:$0x3F7B]  }
0x29: {  	s4 =	sld [smem:$0x3F7D]  }
0x2a: {  	p0 =	seq.s32 s5, $0x0;
	s5 =	sld [smem:$0x3F7E]  }
0x2b: {  	s6 =	sld [smem:$0x3F7F]  }
0x2c: {  	s7 =	sld [smem:$0x3F80]  }
0x2d: {  	s3 =	simm.s32 $0x108;
	s8 =	sld [smem:$0x3F81]  }
0x2e: {  	s3 =	simm.s32 @!p0 $0x1082;
	s9 =	sld [smem:$0x3F82]  }
0x2f: {  	lr =	sadd.s32 s0, s3;
	s0 =	sld [smem:$0x3F79]  }
0x30: {  	s3 =	sld [smem:$0x3F7C]  }
0x31: {  	[smem:$0x3F85] =	sst s10  }
0x32: {  	s10 =	sld [smem:$0x3F83];
	_ =	sdelay $0x3  }
0x33: {  	p0 =	seq.s32 s10, $0x1;
	s10 =	sld [smem:$0x3F85];
	_ =	sdelay $0x3  }
0x34: {  	[smem:$0x3F85] =	sst s10  }
0x35: {  	s10 =	sld [smem:$0x3F84];
	_ =	sdelay $0x3  }
0x36: {  	p1 =	seq.s32 s10, $0x1;
	s10 =	sld [smem:$0x3F85];
	_ =	sdelay $0x3  }
0x37: {  	[smem:$0x3F85] =	sst s10  }
0x38: {  	s10 =	sld [smem:$0x3F86]  }
0x39: {  	_ = 	snop;
	(pc) =	sbr.ind lr, $3  }
0x3a: {  	_ = 	snop  }
0x3b: {  	_ = 	snop  }
0x3c: {  	p2 =	seq.s32 s10, $0x1;
	s10 =	sld [smem:$0x3F85]  }
0x3d: {  	_ =	shalt  }
0x3e: {  	_ =	shalt  }
0x3f: {  	_ =	shalt  }
0x40: {  	_ =	shalt  }
0x41: {  	_ =	shalt  }
0x42: {  	_ =	shalt  }
0x43: {  	_ =	shalt  }
0x44: {  	_ =	shalt  }
0x45: {  	_ =	shalt  }
0x46: {  	_ =	shalt  }
0x47: {  	_ =	shalt  }
0x48: {  	_ =	shalt  }
0x49: {  	_ =	shalt  }
0x4a: {  	_ =	shalt  }
0x4b: {  	_ =	shalt  }
0x4c: {  	_ =	shalt  }
0x4d: {  	_ =	shalt  }
0x4e: {  	_ =	shalt  }
0x4f: {  	_ =	shalt  }
0x50: {  	_ =	shalt  }
0x51: {  	_ =	shalt  }
0x52: {  	_ =	shalt  }
0x53: {  	_ =	shalt  }
0x54: {  	_ =	shalt  }
0x55: {  	_ =	shalt  }
0x56: {  	_ =	shalt  }
0x57: {  	_ =	shalt  }
0x58: {  	_ =	shalt  }
0x59: {  	_ =	shalt  }
0x5a: {  	_ =	shalt  }
0x5b: {  	_ =	shalt  }
0x5c: {  	_ =	shalt  }
0x5d: {  	_ =	shalt  }
0x5e: {  	_ =	shalt  }
0x5f: {  	_ =	shalt  }
0x60: {  	_ =	shalt  }
0x61: {  	_ =	shalt  }
0x62: {  	_ =	shalt  }
0x63: {  	_ =	shalt  }
0x64: {  	_ =	shalt  }
0x65: {  	_ =	shalt  }
0x66: {  	_ =	shalt  }
0x67: {  	_ =	shalt  }
0x68: {  	_ =	shalt  }
0x69: {  	_ =	shalt  }
0x6a: {  	_ =	shalt  }
0x6b: {  	_ =	shalt  }
0x6c: {  	_ =	shalt  }
0x6d: {  	_ =	shalt  }
0x6e: {  	_ =	shalt  }
0x6f: {  	_ =	shalt  }
0x70: {  	_ =	shalt  }
0x71: {  	_ =	shalt  }
0x72: {  	_ =	shalt  }
0x73: {  	_ =	shalt  }
0x74: {  	_ =	shalt  }
0x75: {  	_ =	shalt  }
0x76: {  	_ =	shalt  }
0x77: {  	_ =	shalt  }
0x78: {  	_ =	shalt  }
0x79: {  	_ =	shalt  }
0x7a: {  	_ =	shalt  }
0x7b: {  	_ =	shalt  }
0x7c: {  	_ =	shalt  }
0x7d: {  	_ =	shalt  }
0x7e: {  	_ =	shalt  }
0x7f: {  	_ =	shalt  }
0x80: {  	_ =	shalt  }
0x81: {  	_ =	shalt  }
0x82: {  	_ =	shalt  }
0x83: {  	_ =	shalt  }
0x84: {  	_ =	shalt  }
0x85: {  	_ =	shalt  }
0x86: {  	_ =	shalt  }
0x87: {  	_ =	shalt  }
.Lfunc_end0:
.L_simem_size_0:
called_computation.4_lowered:
.L_overlay_start_0:
0x88: {  	s2 =	sld [smem:$0x3FD9]  }
0x89: {  	s3 =	sld [smem:$0x3FFE];
	_ =	sdelay $0x1  }
0x8a: {  	s1 =	srdreg.scid  }
0x8b: {  	s0 =	sand.u32 $0x1, s1  }
0x8c: {  	s17 =	sshll.u32 s0, $0xA;
	s2 =	sadd.s32 s3, s2  }
0x8d: {  	s2 =	sadd.s32 s2, s17  }
0x8e: {  	[smem:$0x3F91] =	sst s2  }
0x8f: {  	_ = 	snop  }
0x90: {  	(tm) =	ssettm $0x1  }
0x91: {  	s18 =	sld [smem:$0x3FFB];
	_ =	sdelay $0x3  }
0x92: {  	_ =	strace s18  }
0x93: {  	s2 =	sld [smem:$0x3FFC];
	_ =	sdelay $0x3  }
0x94: {  	_ =	strace s2  }
0x95: {  	s2 =	sld [smem:$0x3FFD];
	_ =	sdelay $0x3  }
0x96: {  	_ =	strace s2  }
0x97: {  	_ =	strace $0x8FFFFFFF  }
0x98: {  	s19 =	sld [smem:$0x3FDB];
	_ =	sdelay $0x1  }
0x99: {  	s20 =	simm.s32 $_scs_section_size  }
0x9a: {  	s4 =	simm.s32 $_size__tile_overlayer_lowered;
	s5 =	simm.s32 $_tile_overlayer_lowered  }
0x9b: {  	s6 =	simm.s32 $0x1BFF;
	s21 =	sshll.u32 s5, $0x1;
	s3 =	sadd.s32 s20, s19  }
0x9c: {  	s22 =	simm.s32 $0x0;
	s4 =	sshll.u32 s4, $0x1;
	s5 =	sadd.s32 s21, s3  }
0x9d: {  	[timem:s22], [sflag:s6] =	dma.local [hbm:s5], s4  }
0x9e: {  	_ =	swait.ge [sflag:s6], s4  }
0x9f: {  	s4 =	ssub.s32 $0x0, s4;
	[sflag:s6] =	ssyncset.done $0x0  }
0xa0: {  	[sflag:s6] =	ssyncadd.s32 s4;
	_ =	sdelay $0x1  }
0xa1: {  	s23 =	simm.s32 $0x1B8B  }
0xa2: {  	_ =	swait.ge [sflag:s23], $0x1  }
0xa3: {  	[sflag:s23] =	ssyncset.done $0x0  }
0xa4: {  	[sflag:s23] =	ssyncadd.s32 $0xFFFFFFFF  }
0xa5: {  	s4 =	sld [smem:$0x0]  }
0xa6: {  	s5 =	sand.u32 $0xFFFFFFFE, s1  }
0xa7: {  	p0 =	sne.s32 s1, s5  }
0xa8: {  	s5 =	sshll.u32 @p0 s5, $0xE  }
0xa9: {  	s5 =	sadd.s32 @p0 $0x11B8D, s5;
	s6 =	sshll.u32 @p0 s4, $0x11  }
0xaa: {  	s5 =	sor.u32 @p0 s6, s5  }
0xab: {  	[sflag:s5] =	ssyncadd.remote.s32 @p0 $0x1;
	_ =	sdelay $0x1  }
0xac: {  	s5 =	simm.s32 @p0 $0x1B8D  }
0xad: {  	_ =	swait.eq @p0 [sflag:s5], $0x1  }
0xae: {  	[sflag:s5] =	ssyncadd.s32 @p0 $0xFFFFFFFF  }
0xaf: {  	s6 =	sshll.u32 @!p0 s1, $0xE  }
0xb0: {  	s6 =	sor.u32 @!p0 $0x4000, s6;
	s5 =	simm.s32 @!p0 $0x1B8D  }
0xb1: {  	s4 =	sshll.u32 @!p0 s4, $0x11;
	s6 =	sadd.s32 @!p0 $0x11B8D, s6;
	_ =	swait.eq @!p0 [sflag:s5], $0x1  }
0xb2: {  	s4 =	sor.u32 @!p0 s4, s6;
	[sflag:s5] =	ssyncadd.s32 @!p0 $0xFFFFFFFF  }
0xb3: {  	s25 =	simm.s32 $0x1B8E;
	s24 =	sld [smem:$0x3FFE];
	[sflag:s4] =	ssyncadd.remote.s32 @!p0 $0x1  }
0xb4: {  	s26 =	simm.s32 $execute0_lowered;
	[smem:$0x3FD2] =	sst s25  }
0xb5: {  	s5 =	sshll.u32 s26, $0x1;
	_ =	strace $0x80000052;
	[dreg:$0x1] =	wrdreg $0xFFFFFFFF  }
0xb6: {  	s28 =	simm.s32 $_size_execute0_lowered;
	s3 =	sadd.s32 s3, s5;
	[dreg:$0x0] =	wrdreg $0x0  }
0xb7: {  	s5 =	sshll.u32 s28, $0x1;
	[dreg:$0x2] =	wrdreg s3  }
0xb8: {  	[dreg:$0x3] =	wrdreg s5  }
0xb9: {  	[dreg:$0x4] =	wrdreg $0xC0  }
0xba: {  	_ =	task [dreg:s22], $0x5FFFF  }
0xbb: {  	[dreg:$0x1] =	wrdreg $0xFFFFFFFF  }
0xbc: {  	[dreg:$0x0] =	wrdreg $0x60  }
0xbd: {  	[dreg:$0x2] =	wrdreg s24  }
0xbe: {  	[dreg:$0x3] =	wrdreg $0xA8000  }
0xbf: {  	[dreg:$0x4] =	wrdreg $0xA  }
0xc0: {  	_ =	task.clear_ibuf [dreg:s22], $0x5FFFF;
	_ =	strace $0x90000052  }
0xc1: {  	s29 =	simm.s32 $0xA;
	_ =	strace $0x80000054  }
0xc2: {  	_ =	swait.ge [sflag:s29], $0x1  }
0xc3: {  	[sflag:s29] =	ssyncadd.s32 $0xFFFFFFFF  }
0xc4: {  	_ =	strace $0x90000054  }
0xc5: {  	_ =	sfence  }
0xc6: {  	s30 =	sld [smem:$0x0];
	_ =	sdelay $0x2  }
0xc7: {  	s31 =	sshll.u32 s1, $0xD;
	s1 =	sshrl.u32 s1, $0x2  }
0xc8: {  	s4 =	sand.u32 $0x4000, s31;
	s1 =	sadd.s32 s1, s30  }
0xc9: {  	s0 =	sor.u32 s4, s0;
	s1 =	sshll.u32 s1, $0x11  }
0xca: {  	s0 =	sor.u32 s1, s0  }
0xcb: {  	s0 =	sadd.s32 $0x8F2B, s0  }
0xcc: {  	[sflag:s0] =	ssyncadd.remote.s32 $0x1  }
0xcd: {  	_ =	sfence.sel $0xFFFF  }
0xce: {  	[dreg:$0x0] =	wrdreg $0xFFFFFFFF;
	(pc) =	sbr.abs _section_cstart, $3  }
0xcf: {  	[dreg:$0x1] =	wrdreg $0xFFFFFFFF  }
0xd0: {  	_ =	task.clear_ibuf [dreg:s22], $0x2FFFF;
	_ =	strace $0x9FFFFFFF  }
0xd1: {  	(tm) =	ssettm $0x7FFFFFFF  }
tec
execute0_lowered:
.L_overlay_start_1:
0x0: {  	(tag) =	ssettag $0x1  }
0x1: {  	s1 =	srdreg.scid  }
0x2: {  	s0 =	stileid.u32;
	s6 =	rddreg [dreg:$0x0]  }
0x3: {  	s2 =	rddreg [dreg:$0x1];
	s3 =	simm.s32 $0x0;
	s14 =	simm.s32 $0x80  }
0x4: {  	s15 =	simm.s32 $0x2800;
	s16 =	simm.s32 $0x6800;
	s17 =	simm.s32 $0x1  }
0x5: {  	s18 =	simm.s32 $0x2;
	s19 =	simm.s32 $0x3;
	s20 =	simm.s32 $0x4  }
0x6: {  	s21 =	simm.s32 $0x2600;
	s22 =	simm.s32 $0x2680;
	s23 =	simm.s32 $0x1300  }
0x7: {  	s28 =	simm.s32 $0x0;
	s5 =	sand.u32 $0x1, s1;
	s24 =	sshll.u32 s0, $0x1  }
0x8: {  	s8 =	smul.u32 $0x13C00, s0;
	[smem:$0x7FF] =	sst s3;
	s4 =	sadd.s32 $0x16400, s6  }
0x9: {  	s26 =	smul.u32 $0x4F000, s0;
	s31 =	sshll.u32 s0, $0x6;
	s1 =	sor.u32 s5, s24  }
0xa: {  	s9 =	smul.u32 $0x13C000, s5;
	s5 =	ssub.s32 $0x2, s5;
	s24 =	simm.s32 $0x1380  }
0xb: {  	s7 =	smul.u32 $0x280, s1;
	s1 =	rddreg [dreg:$0x2];
	_ =	strace $0x80000053  }
0xc: {  	s25 =	sshrl.u32 s8, $0x3;
	s29 =	sshrl.u32 s5, $0x1;
	s30 =	sshrl.u32 s26, $0x2  }
0xd: {  	s26 =	simm.s32 $0x2780;
	s8 =	sadd.s32 s8, s9;
	s12 =	ssub.s32 s5, s29  }
0xe: {  	s13 =	sadd.s32 s30, s2;
	s10 =	sadd.s32 s7, s6;
	s8 =	sshrl.u32 s8, $0x3  }
0xf: {  	s7 =	sadd.s32 s25, s6;
	s25 =	simm.s32 $0x2700;
	s11 =	sadd.s32 s8, s6  }
0x10: {  	s5 =	sadd.s32 $0x100A00, s7;
	s6 =	sor.u32 $0x1C05, s31;
	s7 =	sadd.s32 $0xC400, s10  }
0x11: {  	s8 =	sadd.s32 $0x11400, s10;
	s10 =	smax.u32 s12, $0x1;
	s12 =	simm.s32 $0x5  }
0x12: {  	s9 =	sadd.s32 $0x128200, s11;
	s11 =	sshrl.u32 s13, $0x3;
	s13 =	simm.s32 $0x1400  }
.LBB2_1:
0x13: {  	[spmem:s11], [sflag:s6] =	dma.local [hbm:s5], $0x2780  }
0x14: {  	_ =	swait.ge [sflag:s12], $0x2780  }
0x15: {  	[sflag:s12] =	ssyncset.done $0x0  }
0x16: {  	[sflag:s12] =	ssyncadd.s32 $0xFFFFD880  }
0x17: {  	[tilespmem:s3], [sflag:$0x5] =	stream.linear.gather [hbm4b:s7+s3], $0x1400, $0x38;
	[tilespmem:$0x1E400] =	vst v63  }
0x18: {  	_ =	swait.ge [sflag:s12], $0x1400  }
0x19: {  	[sflag:s12] =	ssyncset.done $0x0  }
0x1a: {  	[sflag:s12] =	ssyncadd.s32 $0xFFFFEC00  }
0x1b: {  	[tilespmem:s13], [sflag:$0x5] =	stream.linear.gather [hbm4b:s8+s3], $0x1400, $0x38;
	[tilespmem:$0x1E400] =	vst v63  }
0x1c: {  	_ =	swait.ge [sflag:s12], $0x1400  }
0x1d: {  	[sflag:s12] =	ssyncset.done $0x0  }
0x1e: {  	[sflag:s12] =	ssyncadd.s32 $0xFFFFEC00  }
0x1f: {  	[bflag:$0x0] =	sbarrier.arrive $0xFFFF  }
0x20: {  	[tilespmem:s15], [sflag:$0x1] =	stream.indirect.gather [hbm4b:s4+s14], $0x80, s3, s14, $0xb8;
	[tilespmem:$0x1E400] =	vst v63  }
0x21: {  	_ = 	snop  }
0x22: {  	[tilespmem:s16], [sflag:$0x2] =	stream.indirect.gather [hbm4b:s4+s14], $0x80, s14, s14, $0xb8;
	[tilespmem:$0x1E400] =	vst v63  }
0x23: {  	_ =	swait.ge [sflag:s17], $0x4000  }
0x24: {  	[sflag:s17] =	ssyncset.done $0x0  }
0x25: {  	s29 =	simm.s32 $0x1400;
	[sflag:s17] =	ssyncadd.s32 $0xFFFFC000  }
0x26: {  	[spmem:s2] =	stream.indirect.scatter.add.f32 [tilespmem:s15], [sflag:$0x3], $0x80, s29, s14, $0xb8;
	[tilespmem:$0x1E400] =	vst v63  }
0x27: {  	_ =	swait.ge [sflag:s18], $0x4000  }
0x28: {  	[sflag:s18] =	ssyncset.done $0x0  }
0x29: {  	s29 =	simm.s32 $0x1480;
	[sflag:s18] =	ssyncadd.s32 $0xFFFFC000  }
0x2a: {  	[spmem:s2] =	stream.indirect.scatter.add.f32 [tilespmem:s16], [sflag:$0x4], $0x80, s29, s14, $0xb8;
	[tilespmem:$0x1E400] =	vst v63  }
0x2b: {  	_ =	swait.ge [sflag:s19], $0x4000  }
0x2c: {  	[sflag:s19] =	ssyncset.done $0x0  }
0x2d: {  	s29 =	simm.s32 $0x100;
	[sflag:s19] =	ssyncadd.s32 $0xFFFFC000  }
0x2e: {  	[tilespmem:s15], [sflag:$0x1] =	stream.indirect.gather [hbm4b:s4+s14], $0x80, s29, s14, $0xb8;
	[tilespmem:$0x1E400] =	vst v63  }
0x2f: {  	_ =	swait.ge [sflag:s20], $0x4000  }
0x30: {  	[sflag:s20] =	ssyncset.done $0x0  }
0x31: {  	s30 =	simm.s32 $0x180;
	s29 =	simm.s32 $0x400;
	[sflag:s20] =	ssyncadd.s32 $0xFFFFC000  }
.LBB2_2:
0x32: {  	[tilespmem:s16], [sflag:$0x2] =	stream.indirect.gather [hbm4b:s4+s14], $0x80, s30, s14, $0xb8;
	[tilespmem:$0x1E400] =	vst v63  }
0x33: {  	s30 =	smov.u32 s29  }
0x34: {  	p0 =	sne.s32 s29, $0x4400;
	s29 =	sadd.s32 $0x400, s29;
	_ =	swait.ge [sflag:s17], $0x4000  }
0x35: {  	s30 =	sshra.s32 s30, $0x2;
	[sflag:s17] =	ssyncset.done $0x0  }
0x36: {  	s31 =	sadd.s32 $0x1400, s30;
	[sflag:s17] =	ssyncadd.s32 $0xFFFFC000  }
0x37: {  	[spmem:s2] =	stream.indirect.scatter.add.f32 [tilespmem:s15], [sflag:$0x3], $0x80, s31, s14, $0xb8;
	[tilespmem:$0x1E400] =	vst v63  }
0x38: {  	_ =	swait.ge [sflag:s18], $0x4000  }
0x39: {  	[sflag:s18] =	ssyncset.done $0x0  }
0x3a: {  	s31 =	sadd.s32 $0x1480, s30;
	[sflag:s18] =	ssyncadd.s32 $0xFFFFC000  }
0x3b: {  	[spmem:s2] =	stream.indirect.scatter.add.f32 [tilespmem:s16], [sflag:$0x4], $0x80, s31, s14, $0xb8;
	[tilespmem:$0x1E400] =	vst v63  }
0x3c: {  	_ =	swait.ge [sflag:s19], $0x4000  }
0x3d: {  	[sflag:s19] =	ssyncset.done $0x0  }
.Ltmp0:
0x3e: {  	s31 =	sadd.s32 $0x100, s30;
	[sflag:s19] =	ssyncadd.s32 $0xFFFFC000;
	(pc) =	sbr.rel @p0 .LBB2_2-.Ltmp0, $4  }
0x3f: {  	[tilespmem:s15], [sflag:$0x1] =	stream.indirect.gather [hbm4b:s4+s14], $0x80, s31, s14, $0xb8;
	[tilespmem:$0x1E400] =	vst v63  }
0x40: {  	_ =	swait.ge [sflag:s20], $0x4000  }
0x41: {  	[sflag:s20] =	ssyncset.done $0x0  }
0x42: {  	s30 =	sadd.s32 $0x180, s30;
	[sflag:s20] =	ssyncadd.s32 $0xFFFFC000  }
0x43: {  	[tilespmem:s16], [sflag:$0x2] =	stream.indirect.gather [hbm4b:s4+s14], $0x80, s30, s14, $0xb8;
	[tilespmem:$0x1E400] =	vst v63  }
0x44: {  	_ =	swait.ge [sflag:s17], $0x4000  }
0x45: {  	[sflag:s17] =	ssyncset.done $0x0  }
0x46: {  	[sflag:s17] =	ssyncadd.s32 $0xFFFFC000  }
0x47: {  	[spmem:s2] =	stream.indirect.scatter.add.f32 [tilespmem:s15], [sflag:$0x3], $0x80, s21, s14, $0xb8;
	[tilespmem:$0x1E400] =	vst v63  }
0x48: {  	_ =	swait.ge [sflag:s18], $0x4000  }
0x49: {  	[sflag:s18] =	ssyncset.done $0x0  }
0x4a: {  	[sflag:s18] =	ssyncadd.s32 $0xFFFFC000  }
0x4b: {  	[spmem:s2] =	stream.indirect.scatter.add.f32 [tilespmem:s16], [sflag:$0x4], $0x80, s22, s14, $0xb8;
	[tilespmem:$0x1E400] =	vst v63  }
0x4c: {  	_ =	swait.ge [sflag:s19], $0x4000  }
0x4d: {  	[sflag:s19] =	ssyncset.done $0x0  }
0x4e: {  	[sflag:s19] =	ssyncadd.s32 $0xFFFFC000  }
0x4f: {  	[tilespmem:s15], [sflag:$0x1] =	stream.indirect.gather [hbm4b:s4+s14], $0x80, s23, s14, $0xb8;
	[tilespmem:$0x1E400] =	vst v63  }
0x50: {  	_ =	swait.ge [sflag:s20], $0x4000  }
0x51: {  	[sflag:s20] =	ssyncset.done $0x0  }
0x52: {  	[sflag:s20] =	ssyncadd.s32 $0xFFFFC000  }
0x53: {  	[tilespmem:s16], [sflag:$0x2] =	stream.indirect.gather [hbm4b:s4+s14], $0x80, s24, s14, $0xb8;
	[tilespmem:$0x1E400] =	vst v63  }
0x54: {  	_ =	swait.ge [sflag:s17], $0x4000  }
0x55: {  	[sflag:s17] =	ssyncset.done $0x0  }
0x56: {  	[sflag:s17] =	ssyncadd.s32 $0xFFFFC000  }
0x57: {  	[spmem:s2] =	stream.indirect.scatter.add.f32 [tilespmem:s15], [sflag:$0x3], $0x80, s25, s14, $0xb8;
	[tilespmem:$0x1E400] =	vst v63  }
0x58: {  	_ =	swait.ge [sflag:s18], $0x4000  }
0x59: {  	[sflag:s18] =	ssyncset.done $0x0  }
0x5a: {  	[sflag:s18] =	ssyncadd.s32 $0xFFFFC000  }
0x5b: {  	[spmem:s2] =	stream.indirect.scatter.add.f32 [tilespmem:s16], [sflag:$0x4], $0x80, s26, s14, $0xb8;
	[tilespmem:$0x1E400] =	vst v63  }
0x5c: {  	_ =	swait.ge [sflag:s19], $0x4000  }
0x5d: {  	[sflag:s19] =	ssyncset.done $0x0  }
0x5e: {  	[sflag:s19] =	ssyncadd.s32 $0xFFFFC000  }
0x5f: {  	[tilespmem:s15], [sflag:$0x1] =	stream.indirect.gather [hbm4b:s4+s14], $0x80, s24, s14, $0xb8;
	[tilespmem:$0x1E400] =	vst v63  }
0x60: {  	_ =	swait.ge [sflag:s20], $0x4000  }
0x61: {  	[sflag:s20] =	ssyncset.done $0x0  }
0x62: {  	[sflag:s20] =	ssyncadd.s32 $0xFFFFC000  }
0x63: {  	[tilespmem:s16], [sflag:$0x2] =	stream.indirect.gather [hbm4b:s4+s14], $0x80, s24, s14, $0xb8;
	[tilespmem:$0x1E400] =	vst v63  }
0x64: {  	_ =	swait.ge [sflag:s17], $0x4000  }
0x65: {  	[sflag:s17] =	ssyncset.done $0x0  }
0x66: {  	[sflag:s17] =	ssyncadd.s32 $0xFFFFC000  }
0x67: {  	_ =	swait.ge [sflag:s18], $0x4000  }
0x68: {  	s28 =	sadd.s32 $0x1, s28;
	[sflag:s18] =	ssyncset.done $0x0  }
0x69: {  	p0 =	sne.s32 s28, s10;
	[sflag:s18] =	ssyncadd.s32 $0xFFFFC000  }
.Ltmp1:
0x6a: {  	[bflag:$0x0] =	sbarrier.arrive $0xFFFF;
	(pc) =	sbr.rel @p0 .LBB2_1-.Ltmp1, $4  }
0x6b: {  	[hbm:s9], [sflag:s6] =	dma.local [spmem:s11], $0x2780  }
0x6c: {  	_ =	swait.ge [sflag:s12], $0x2780  }
0x6d: {  	[sflag:s12] =	ssyncset.done $0x0  }
0x6e: {  	[sflag:s12] =	ssyncadd.s32 $0xFFFFD880  }
0x6f: {  	_ =	sfence.sel $0x180000  }
0x70: {  	[bflag:$0x0] =	sbarrier.arrive $0xFFFF  }
0x71: {  	p0 =	sne.s32 s0, $0x0;
	_ =	strace $0x90000053  }
0x72: {  	s0 =	sadd.s32 @!p0 $0x100000, s1;
	[bflag:$0x2] =	sbarrier.arrive $0xFFFF  }
0x73: {  	[sflag:s0] =	ssyncadd.tile.s32 @!p0 $0x1;
	_ =	shalt  }
.Lfunc_end2:
_tile_overlayer_lowered:
.L_overlay_start_2:
0x74: {  	(tag) =	ssettag $0x2  }
0x75: {  	s0 =	rddreg [dreg:$0x0];
	s2 =	stileid.u32  }
0x76: {  	s1 =	rddreg [dreg:$0x1];
	p0 =	sne.s32 s2, $0x0  }
0x77: {  	s3 =	rddreg [dreg:$0x2];
	[bflag:$0x3] =	sbarrier.arrive $0xFFFF;
	s2 =	simm.s32 @!p0 $0x1C05  }
0x78: {  	[timem:s3], [sflag:s2] =	dma.local @!p0 [hbm:s0], s1  }
0x79: {  	s0 =	simm.s32 @!p0 $0x5  }
0x7a: {  	_ =	swait.ge @!p0 [sflag:s0], s1  }
0x7b: {  	s1 =	ssub.s32 @!p0 $0x0, s1;
	[sflag:s0] =	ssyncset.done @!p0 $0x0  }
0x7c: {  	[sflag:s0] =	ssyncadd.s32 @!p0 s1  }
0x7d: {  	[bflag:$0x3] =	sbarrier.arrive $0xFFFF  }
0x7e: {  	_ =	shalt  }

// kernel: kernel.52.cloned.1.call-start
scs
__scs_entry_jumppad:
0x0: {  	(pc) =	sbr.rel $0x88, $3  }
0x1: {  	(tag) =	ssettag $0x0;
	lr =	simm.s32 $0x1  }
0x2: {  	[smem:$0x3F6A] =	sst lr;
	_ =	strace $0xD0000000  }
0x3: {  	_ = 	snop  }
0x4: {  	_ = 	snop  }
0x5: {  	_ = 	snop  }
0x6: {  	_ = 	snop  }
0x7: {  	_ = 	snop  }
__scs_overlays_trampoline_lowered:
0x8: {  	[smem:$0x3F79] =	sst s0  }
0x9: {  	[smem:$0x3F7A] =	sst s1  }
0xa: {  	[smem:$0x3F7B] =	sst s2  }
0xb: {  	[smem:$0x3F7C] =	sst s3  }
0xc: {  	[smem:$0x3F7D] =	sst s4  }
0xd: {  	[smem:$0x3F7E] =	sst s5  }
0xe: {  	[smem:$0x3F7F] =	sst s6  }
0xf: {  	[smem:$0x3F80] =	sst s7  }
0x10: {  	[smem:$0x3F81] =	sst s8  }
0x11: {  	[smem:$0x3F82] =	sst s9;
	s0 =	simm.s32 @!p0 $0x0  }
0x12: {  	s1 =	sld [smem:$0x3F68];
	s0 =	simm.s32 @p0 $0x1  }
0x13: {  	[smem:$0x3F83] =	sst s0;
	s0 =	simm.s32 @!p1 $0x0  }
0x14: {  	s2 =	sld [smem:$0x3F67];
	s0 =	simm.s32 @p1 $0x1  }
0x15: {  	[smem:$0x3F84] =	sst s0;
	s0 =	simm.s32 @!p2 $0x0  }
0x16: {  	s3 =	sld [smem:$0x3FDB];
	s0 =	simm.s32 @p2 $0x1  }
0x17: {  	s4 =	simm.s32 $0x1BF5;
	[smem:$0x3F86] =	sst s0  }
0x18: {  	s0 =	sld [smem:$0x3F69];
	_ =	swait.ge [sflag:s4], $0x0  }
0x19: {  	s7 =	sld [smem:$0x3F6A]  }
0x1a: {  	s8 =	sadd.s32 $0xFFFFE003, lr  }
0x1b: {  	s9 =	sadd.s32 $0xFFFFFEF7, lr;
	s5 =	simm.s32 $0xFFFFFFFF;
	p2 =	slt.u32 s8, $0xFFFFF086  }
0x1c: {  	p1 =	slt.u32 s9, $0xF7A;
	s5 =	simm.s32 @!p2 $0x0  }
0x1d: {  	s5 =	simm.s32 @p1 $0x1;
	p0 =	seq.s32 s7, s2  }
0x1e: {  	s7 =	smul.u32 @!p0 $0xF7A, s2;
	p2 =	seq.s32 @!p0 s5, $0x0  }
0x1f: {  	s9 =	smul.u32 $0xF7A, s1;
	s8 =	simm.s32 @!p0 $0x1BF5;
	p2 =	por !p2, p0  }
0x20: {  	[sflag:s8] =	ssyncset.s32 @!p0 $0xFFFFF086;
	s6 =	sadd.s32 @!p0 s3, s7;
	s7 =	simm.s32 @!p0 $0x108  }
0x21: {  	s3 =	sadd.s32 s3, s9;
	s6 =	sadd.s32 @!p0 $0x88, s6;
	s7 =	simm.s32 @p2 $0x1082  }
0x22: {  	[simem:s7], [sflag:s8] =	dma.local @!p0 [hbm:s6], $0xF7A  }
0x23: {  	s9 =	sor.u32 $0xD0000000, s2;
	s6 =	simm.s32 $0x108;
	_ =	swait.ge @!p0 [sflag:s8], $0x0  }
0x24: {  	s3 =	sadd.s32 $0x88, s3;
	s6 =	simm.s32 @!p1 $0x1082;
	[sflag:s4] =	ssyncset.s32 $0xFFFFF086  }
0x25: {  	[simem:s6], [sflag:s4] =	dma.local [hbm:s3], $0xF7A  }
0x26: {  	[smem:$0x3F6A] =	sst s1;
	(tag) =	ssettag s2;
	_ =	strace s9  }
0x27: {  	s1 =	sld [smem:$0x3F7A]  }
0x28: {  	s2 =	sld [smem:$0x3F7B]  }
0x29: {  	s4 =	sld [smem:$0x3F7D]  }
0x2a: {  	p0 =	seq.s32 s5, $0x0;
	s5 =	sld [smem:$0x3F7E]  }
0x2b: {  	s6 =	sld [smem:$0x3F7F]  }
0x2c: {  	s7 =	sld [smem:$0x3F80]  }
0x2d: {  	s3 =	simm.s32 $0x108;
	s8 =	sld [smem:$0x3F81]  }
0x2e: {  	s3 =	simm.s32 @!p0 $0x1082;
	s9 =	sld [smem:$0x3F82]  }
0x2f: {  	lr =	sadd.s32 s0, s3;
	s0 =	sld [smem:$0x3F79]  }
0x30: {  	s3 =	sld [smem:$0x3F7C]  }
0x31: {  	[smem:$0x3F85] =	sst s10  }
0x32: {  	s10 =	sld [smem:$0x3F83];
	_ =	sdelay $0x3  }
0x33: {  	p0 =	seq.s32 s10, $0x1;
	s10 =	sld [smem:$0x3F85];
	_ =	sdelay $0x3  }
0x34: {  	[smem:$0x3F85] =	sst s10  }
0x35: {  	s10 =	sld [smem:$0x3F84];
	_ =	sdelay $0x3  }
0x36: {  	p1 =	seq.s32 s10, $0x1;
	s10 =	sld [smem:$0x3F85];
	_ =	sdelay $0x3  }
0x37: {  	[smem:$0x3F85] =	sst s10  }
0x38: {  	s10 =	sld [smem:$0x3F86]  }
0x39: {  	_ = 	snop;
	(pc) =	sbr.ind lr, $3  }
0x3a: {  	_ = 	snop  }
0x3b: {  	_ = 	snop  }
0x3c: {  	p2 =	seq.s32 s10, $0x1;
	s10 =	sld [smem:$0x3F85]  }
0x3d: {  	_ =	shalt  }
0x3e: {  	_ =	shalt  }
0x3f: {  	_ =	shalt  }
0x40: {  	_ =	shalt  }
0x41: {  	_ =	shalt  }
0x42: {  	_ =	shalt  }
0x43: {  	_ =	shalt  }
0x44: {  	_ =	shalt  }
0x45: {  	_ =	shalt  }
0x46: {  	_ =	shalt  }
0x47: {  	_ =	shalt  }
0x48: {  	_ =	shalt  }
0x49: {  	_ =	shalt  }
0x4a: {  	_ =	shalt  }
0x4b: {  	_ =	shalt  }
0x4c: {  	_ =	shalt  }
0x4d: {  	_ =	shalt  }
0x4e: {  	_ =	shalt  }
0x4f: {  	_ =	shalt  }
0x50: {  	_ =	shalt  }
0x51: {  	_ =	shalt  }
0x52: {  	_ =	shalt  }
0x53: {  	_ =	shalt  }
0x54: {  	_ =	shalt  }
0x55: {  	_ =	shalt  }
0x56: {  	_ =	shalt  }
0x57: {  	_ =	shalt  }
0x58: {  	_ =	shalt  }
0x59: {  	_ =	shalt  }
0x5a: {  	_ =	shalt  }
0x5b: {  	_ =	shalt  }
0x5c: {  	_ =	shalt  }
0x5d: {  	_ =	shalt  }
0x5e: {  	_ =	shalt  }
0x5f: {  	_ =	shalt  }
0x60: {  	_ =	shalt  }
0x61: {  	_ =	shalt  }
0x62: {  	_ =	shalt  }
0x63: {  	_ =	shalt  }
0x64: {  	_ =	shalt  }
0x65: {  	_ =	shalt  }
0x66: {  	_ =	shalt  }
0x67: {  	_ =	shalt  }
0x68: {  	_ =	shalt  }
0x69: {  	_ =	shalt  }
0x6a: {  	_ =	shalt  }
0x6b: {  	_ =	shalt  }
0x6c: {  	_ =	shalt  }
0x6d: {  	_ =	shalt  }
0x6e: {  	_ =	shalt  }
0x6f: {  	_ =	shalt  }
0x70: {  	_ =	shalt  }
0x71: {  	_ =	shalt  }
0x72: {  	_ =	shalt  }
0x73: {  	_ =	shalt  }
0x74: {  	_ =	shalt  }
0x75: {  	_ =	shalt  }
0x76: {  	_ =	shalt  }
0x77: {  	_ =	shalt  }
0x78: {  	_ =	shalt  }
0x79: {  	_ =	shalt  }
0x7a: {  	_ =	shalt  }
0x7b: {  	_ =	shalt  }
0x7c: {  	_ =	shalt  }
0x7d: {  	_ =	shalt  }
0x7e: {  	_ =	shalt  }
0x7f: {  	_ =	shalt  }
0x80: {  	_ =	shalt  }
0x81: {  	_ =	shalt  }
0x82: {  	_ =	shalt  }
0x83: {  	_ =	shalt  }
0x84: {  	_ =	shalt  }
0x85: {  	_ =	shalt  }
0x86: {  	_ =	shalt  }
0x87: {  	_ =	shalt  }
.Lfunc_end0:
.L_simem_size_0:
called_computation.5_lowered:
.L_overlay_start_0:
0x88: {  	s2 =	sld [smem:$0x3FD9]  }
0x89: {  	s3 =	sld [smem:$0x3FFE];
	_ =	sdelay $0x1  }
0x8a: {  	s1 =	srdreg.scid  }
0x8b: {  	s0 =	sand.u32 $0x1, s1  }
0x8c: {  	s17 =	sshll.u32 s0, $0xA;
	s2 =	sadd.s32 s3, s2  }
0x8d: {  	s2 =	sadd.s32 s2, s17  }
0x8e: {  	[smem:$0x3F91] =	sst s2  }
0x8f: {  	_ = 	snop  }
0x90: {  	(tm) =	ssettm $0x1  }
0x91: {  	s18 =	sld [smem:$0x3FFB];
	_ =	sdelay $0x3  }
0x92: {  	_ =	strace s18  }
0x93: {  	s2 =	sld [smem:$0x3FFC];
	_ =	sdelay $0x3  }
0x94: {  	_ =	strace s2  }
0x95: {  	s2 =	sld [smem:$0x3FFD];
	_ =	sdelay $0x3  }
0x96: {  	_ =	strace s2  }
0x97: {  	_ =	strace $0x8FFFFFFF  }
0x98: {  	s19 =	sld [smem:$0x3FDB];
	_ =	sdelay $0x1  }
0x99: {  	s20 =	simm.s32 $_scs_section_size  }
0x9a: {  	s4 =	simm.s32 $_size__tile_overlayer_lowered;
	s5 =	simm.s32 $_tile_overlayer_lowered  }
0x9b: {  	s6 =	simm.s32 $0x1BFF;
	s21 =	sshll.u32 s5, $0x1;
	s3 =	sadd.s32 s20, s19  }
0x9c: {  	s22 =	simm.s32 $0x0;
	s4 =	sshll.u32 s4, $0x1;
	s5 =	sadd.s32 s21, s3  }
0x9d: {  	[timem:s22], [sflag:s6] =	dma.local [hbm:s5], s4  }
0x9e: {  	_ =	swait.ge [sflag:s6], s4  }
0x9f: {  	s4 =	ssub.s32 $0x0, s4;
	[sflag:s6] =	ssyncset.done $0x0  }
0xa0: {  	[sflag:s6] =	ssyncadd.s32 s4;
	_ =	sdelay $0x1  }
0xa1: {  	s23 =	simm.s32 $0x1B8B  }
0xa2: {  	_ =	swait.ge [sflag:s23], $0x1  }
0xa3: {  	[sflag:s23] =	ssyncset.done $0x0  }
0xa4: {  	[sflag:s23] =	ssyncadd.s32 $0xFFFFFFFF  }
0xa5: {  	s4 =	sld [smem:$0x0]  }
0xa6: {  	s5 =	sand.u32 $0xFFFFFFFE, s1  }
0xa7: {  	p0 =	sne.s32 s1, s5  }
0xa8: {  	s5 =	sshll.u32 @p0 s5, $0xE  }
0xa9: {  	s5 =	sadd.s32 @p0 $0x11B8D, s5;
	s6 =	sshll.u32 @p0 s4, $0x11  }
0xaa: {  	s5 =	sor.u32 @p0 s6, s5  }
0xab: {  	[sflag:s5] =	ssyncadd.remote.s32 @p0 $0x1;
	_ =	sdelay $0x1  }
0xac: {  	s5 =	simm.s32 @p0 $0x1B8D  }
0xad: {  	_ =	swait.eq @p0 [sflag:s5], $0x1  }
0xae: {  	[sflag:s5] =	ssyncadd.s32 @p0 $0xFFFFFFFF  }
0xaf: {  	s6 =	sshll.u32 @!p0 s1, $0xE  }
0xb0: {  	s6 =	sor.u32 @!p0 $0x4000, s6;
	s5 =	simm.s32 @!p0 $0x1B8D  }
0xb1: {  	s4 =	sshll.u32 @!p0 s4, $0x11;
	s6 =	sadd.s32 @!p0 $0x11B8D, s6;
	_ =	swait.eq @!p0 [sflag:s5], $0x1  }
0xb2: {  	s4 =	sor.u32 @!p0 s4, s6;
	[sflag:s5] =	ssyncadd.s32 @!p0 $0xFFFFFFFF  }
0xb3: {  	s25 =	simm.s32 $0x1B8E;
	s24 =	sld [smem:$0x3FFE];
	[sflag:s4] =	ssyncadd.remote.s32 @!p0 $0x1  }
0xb4: {  	s26 =	simm.s32 $execute0_lowered;
	[smem:$0x3FD2] =	sst s25  }
0xb5: {  	s5 =	sshll.u32 s26, $0x1;
	_ =	strace $0x80000055;
	[dreg:$0x1] =	wrdreg $0xFFFFFFFF  }
0xb6: {  	s28 =	simm.s32 $_size_execute0_lowered;
	s3 =	sadd.s32 s3, s5;
	[dreg:$0x0] =	wrdreg $0x0  }
0xb7: {  	s5 =	sshll.u32 s28, $0x1;
	[dreg:$0x2] =	wrdreg s3  }
0xb8: {  	[dreg:$0x3] =	wrdreg s5  }
0xb9: {  	[dreg:$0x4] =	wrdreg $0xC0  }
0xba: {  	_ =	task [dreg:s22], $0x5FFFF  }
0xbb: {  	[dreg:$0x1] =	wrdreg $0xFFFFFFFF  }
0xbc: {  	[dreg:$0x0] =	wrdreg $0x60  }
0xbd: {  	[dreg:$0x2] =	wrdreg s24  }
0xbe: {  	[dreg:$0x3] =	wrdreg $0xA8000  }
0xbf: {  	[dreg:$0x4] =	wrdreg $0x9  }
0xc0: {  	_ =	task.clear_ibuf [dreg:s22], $0x5FFFF;
	_ =	strace $0x90000055  }
0xc1: {  	s29 =	simm.s32 $0x9;
	_ =	strace $0x80000057  }
0xc2: {  	_ =	swait.ge [sflag:s29], $0x1  }
0xc3: {  	[sflag:s29] =	ssyncadd.s32 $0xFFFFFFFF  }
0xc4: {  	_ =	strace $0x90000057  }
0xc5: {  	_ =	sfence  }
0xc6: {  	s30 =	sld [smem:$0x0];
	_ =	sdelay $0x2  }
0xc7: {  	s31 =	sshll.u32 s1, $0xD;
	s1 =	sshrl.u32 s1, $0x2  }
0xc8: {  	s4 =	sand.u32 $0x4000, s31;
	s1 =	sadd.s32 s1, s30  }
0xc9: {  	s0 =	sor.u32 s4, s0;
	s1 =	sshll.u32 s1, $0x11  }
0xca: {  	s0 =	sor.u32 s1, s0  }
0xcb: {  	s0 =	sadd.s32 $0x8F2B, s0  }
0xcc: {  	[sflag:s0] =	ssyncadd.remote.s32 $0x1  }
0xcd: {  	_ =	sfence.sel $0xFFFF  }
0xce: {  	[dreg:$0x0] =	wrdreg $0xFFFFFFFF;
	(pc) =	sbr.abs _section_cstart, $3  }
0xcf: {  	[dreg:$0x1] =	wrdreg $0xFFFFFFFF  }
0xd0: {  	_ =	task.clear_ibuf [dreg:s22], $0x2FFFF;
	_ =	strace $0x9FFFFFFF  }
0xd1: {  	(tm) =	ssettm $0x7FFFFFFF  }
tec
execute0_lowered:
.L_overlay_start_1:
0x0: {  	(tag) =	ssettag $0x1  }
0x1: {  	s1 =	srdreg.scid  }
0x2: {  	s0 =	stileid.u32;
	s6 =	rddreg [dreg:$0x0]  }
0x3: {  	s2 =	rddreg [dreg:$0x1];
	s3 =	simm.s32 $0x0;
	s13 =	simm.s32 $0x1400  }
0x4: {  	s14 =	simm.s32 $0x80;
	s15 =	simm.s32 $0x2800;
	s16 =	simm.s32 $0x6800  }
0x5: {  	s17 =	simm.s32 $0x1;
	s18 =	simm.s32 $0x2;
	s19 =	simm.s32 $0x3  }
0x6: {  	s20 =	simm.s32 $0x4;
	s21 =	simm.s32 $0x2600;
	s22 =	simm.s32 $0x2680  }
0x7: {  	s23 =	simm.s32 $0x1300;
	s28 =	simm.s32 $0x0;
	s5 =	sand.u32 $0x1, s1  }
0x8: {  	s24 =	sshll.u32 s0, $0x1;
	s8 =	smul.u32 $0x13C00, s0;
	[smem:$0x7FF] =	sst s3  }
0x9: {  	s4 =	sadd.s32 $0x177200, s6;
	s30 =	smul.u32 $0x4F000, s0;
	s31 =	sshll.u32 s0, $0x6  }
0xa: {  	s1 =	sor.u32 s5, s24;
	s9 =	smul.u32 $0x13C000, s5;
	s5 =	ssub.s32 $0x2, s5  }
0xb: {  	s24 =	simm.s32 $0x1380;
	s7 =	smul.u32 $0x280, s1;
	s1 =	rddreg [dreg:$0x2]  }
0xc: {  	_ =	strace $0x80000056;
	s25 =	sshrl.u32 s8, $0x3;
	s29 =	sshrl.u32 s5, $0x1  }
0xd: {  	s8 =	sadd.s32 s8, s9;
	s11 =	ssub.s32 s5, s29;
	s10 =	sadd.s32 s7, s6  }
0xe: {  	s7 =	sadd.s32 s25, s6;
	s8 =	sshrl.u32 s8, $0x3;
	s25 =	simm.s32 $0x2700  }
0xf: {  	s26 =	sadd.s32 s8, s6;
	s5 =	sadd.s32 $0x100A00, s7;
	s8 =	sshrl.u32 s30, $0x2  }
0x10: {  	s6 =	sor.u32 $0x1C05, s31;
	s7 =	sadd.s32 $0x266800, s10;
	s12 =	sadd.s32 s8, s2  }
0x11: {  	s8 =	sadd.s32 $0x261800, s10;
	s9 =	sadd.s32 $0x26B800, s26;
	s10 =	smax.u32 s11, $0x1  }
0x12: {  	s26 =	simm.s32 $0x2780;
	s11 =	sshrl.u32 s12, $0x3;
	s12 =	simm.s32 $0x5  }
.LBB2_1:
0x13: {  	[spmem:s11], [sflag:s6] =	dma.local [hbm:s5], $0x2780  }
0x14: {  	_ =	swait.ge [sflag:s12], $0x2780  }
0x15: {  	[sflag:s12] =	ssyncset.done $0x0  }
0x16: {  	[sflag:s12] =	ssyncadd.s32 $0xFFFFD880  }
0x17: {  	[tilespmem:s3], [sflag:$0x5] =	stream.linear.gather [hbm4b:s7+s3], $0x1400, $0x38;
	[tilespmem:$0x1E400] =	vst v63  }
0x18: {  	_ =	swait.ge [sflag:s12], $0x1400  }
0x19: {  	[sflag:s12] =	ssyncset.done $0x0  }
0x1a: {  	[sflag:s12] =	ssyncadd.s32 $0xFFFFEC00  }
0x1b: {  	[tilespmem:s13], [sflag:$0x5] =	stream.linear.gather [hbm4b:s8+s3], $0x1400, $0x38;
	[tilespmem:$0x1E400] =	vst v63  }
0x1c: {  	_ =	swait.ge [sflag:s12], $0x1400  }
0x1d: {  	[sflag:s12] =	ssyncset.done $0x0  }
0x1e: {  	[sflag:s12] =	ssyncadd.s32 $0xFFFFEC00  }
0x1f: {  	[bflag:$0x0] =	sbarrier.arrive $0xFFFF  }
0x20: {  	[tilespmem:s15], [sflag:$0x1] =	stream.indirect.gather [hbm4b:s4+s14], $0x80, s3, s14, $0xb8;
	[tilespmem:$0x1E400] =	vst v63  }
0x21: {  	_ = 	snop  }
0x22: {  	[tilespmem:s16], [sflag:$0x2] =	stream.indirect.gather [hbm4b:s4+s14], $0x80, s14, s14, $0xb8;
	[tilespmem:$0x1E400] =	vst v63  }
0x23: {  	_ =	swait.ge [sflag:s17], $0x4000  }
0x24: {  	[sflag:s17] =	ssyncset.done $0x0  }
0x25: {  	s29 =	simm.s32 $0x1400;
	[sflag:s17] =	ssyncadd.s32 $0xFFFFC000  }
0x26: {  	[spmem:s2] =	stream.indirect.scatter.add.f32 [tilespmem:s15], [sflag:$0x3], $0x80, s29, s14, $0xb8;
	[tilespmem:$0x1E400] =	vst v63  }
0x27: {  	_ =	swait.ge [sflag:s18], $0x4000  }
0x28: {  	[sflag:s18] =	ssyncset.done $0x0  }
0x29: {  	s29 =	simm.s32 $0x1480;
	[sflag:s18] =	ssyncadd.s32 $0xFFFFC000  }
0x2a: {  	[spmem:s2] =	stream.indirect.scatter.add.f32 [tilespmem:s16], [sflag:$0x4], $0x80, s29, s14, $0xb8;
	[tilespmem:$0x1E400] =	vst v63  }
0x2b: {  	_ =	swait.ge [sflag:s19], $0x4000  }
0x2c: {  	[sflag:s19] =	ssyncset.done $0x0  }
0x2d: {  	s29 =	simm.s32 $0x100;
	[sflag:s19] =	ssyncadd.s32 $0xFFFFC000  }
0x2e: {  	[tilespmem:s15], [sflag:$0x1] =	stream.indirect.gather [hbm4b:s4+s14], $0x80, s29, s14, $0xb8;
	[tilespmem:$0x1E400] =	vst v63  }
0x2f: {  	_ =	swait.ge [sflag:s20], $0x4000  }
0x30: {  	[sflag:s20] =	ssyncset.done $0x0  }
0x31: {  	s30 =	simm.s32 $0x180;
	s29 =	simm.s32 $0x400;
	[sflag:s20] =	ssyncadd.s32 $0xFFFFC000  }
.LBB2_2:
0x32: {  	[tilespmem:s16], [sflag:$0x2] =	stream.indirect.gather [hbm4b:s4+s14], $0x80, s30, s14, $0xb8;
	[tilespmem:$0x1E400] =	vst v63  }
0x33: {  	s30 =	smov.u32 s29  }
0x34: {  	p0 =	sne.s32 s29, $0x4400;
	s29 =	sadd.s32 $0x400, s29;
	_ =	swait.ge [sflag:s17], $0x4000  }
0x35: {  	s30 =	sshra.s32 s30, $0x2;
	[sflag:s17] =	ssyncset.done $0x0  }
0x36: {  	s31 =	sadd.s32 $0x1400, s30;
	[sflag:s17] =	ssyncadd.s32 $0xFFFFC000  }
0x37: {  	[spmem:s2] =	stream.indirect.scatter.add.f32 [tilespmem:s15], [sflag:$0x3], $0x80, s31, s14, $0xb8;
	[tilespmem:$0x1E400] =	vst v63  }
0x38: {  	_ =	swait.ge [sflag:s18], $0x4000  }
0x39: {  	[sflag:s18] =	ssyncset.done $0x0  }
0x3a: {  	s31 =	sadd.s32 $0x1480, s30;
	[sflag:s18] =	ssyncadd.s32 $0xFFFFC000  }
0x3b: {  	[spmem:s2] =	stream.indirect.scatter.add.f32 [tilespmem:s16], [sflag:$0x4], $0x80, s31, s14, $0xb8;
	[tilespmem:$0x1E400] =	vst v63  }
0x3c: {  	_ =	swait.ge [sflag:s19], $0x4000  }
0x3d: {  	[sflag:s19] =	ssyncset.done $0x0  }
.Ltmp0:
0x3e: {  	s31 =	sadd.s32 $0x100, s30;
	[sflag:s19] =	ssyncadd.s32 $0xFFFFC000;
	(pc) =	sbr.rel @p0 .LBB2_2-.Ltmp0, $4  }
0x3f: {  	[tilespmem:s15], [sflag:$0x1] =	stream.indirect.gather [hbm4b:s4+s14], $0x80, s31, s14, $0xb8;
	[tilespmem:$0x1E400] =	vst v63  }
0x40: {  	_ =	swait.ge [sflag:s20], $0x4000  }
0x41: {  	[sflag:s20] =	ssyncset.done $0x0  }
0x42: {  	s30 =	sadd.s32 $0x180, s30;
	[sflag:s20] =	ssyncadd.s32 $0xFFFFC000  }
0x43: {  	[tilespmem:s16], [sflag:$0x2] =	stream.indirect.gather [hbm4b:s4+s14], $0x80, s30, s14, $0xb8;
	[tilespmem:$0x1E400] =	vst v63  }
0x44: {  	_ =	swait.ge [sflag:s17], $0x4000  }
0x45: {  	[sflag:s17] =	ssyncset.done $0x0  }
0x46: {  	[sflag:s17] =	ssyncadd.s32 $0xFFFFC000  }
0x47: {  	[spmem:s2] =	stream.indirect.scatter.add.f32 [tilespmem:s15], [sflag:$0x3], $0x80, s21, s14, $0xb8;
	[tilespmem:$0x1E400] =	vst v63  }
0x48: {  	_ =	swait.ge [sflag:s18], $0x4000  }
0x49: {  	[sflag:s18] =	ssyncset.done $0x0  }
0x4a: {  	[sflag:s18] =	ssyncadd.s32 $0xFFFFC000  }
0x4b: {  	[spmem:s2] =	stream.indirect.scatter.add.f32 [tilespmem:s16], [sflag:$0x4], $0x80, s22, s14, $0xb8;
	[tilespmem:$0x1E400] =	vst v63  }
0x4c: {  	_ =	swait.ge [sflag:s19], $0x4000  }
0x4d: {  	[sflag:s19] =	ssyncset.done $0x0  }
0x4e: {  	[sflag:s19] =	ssyncadd.s32 $0xFFFFC000  }
0x4f: {  	[tilespmem:s15], [sflag:$0x1] =	stream.indirect.gather [hbm4b:s4+s14], $0x80, s23, s14, $0xb8;
	[tilespmem:$0x1E400] =	vst v63  }
0x50: {  	_ =	swait.ge [sflag:s20], $0x4000  }
0x51: {  	[sflag:s20] =	ssyncset.done $0x0  }
0x52: {  	[sflag:s20] =	ssyncadd.s32 $0xFFFFC000  }
0x53: {  	[tilespmem:s16], [sflag:$0x2] =	stream.indirect.gather [hbm4b:s4+s14], $0x80, s24, s14, $0xb8;
	[tilespmem:$0x1E400] =	vst v63  }
0x54: {  	_ =	swait.ge [sflag:s17], $0x4000  }
0x55: {  	[sflag:s17] =	ssyncset.done $0x0  }
0x56: {  	[sflag:s17] =	ssyncadd.s32 $0xFFFFC000  }
0x57: {  	[spmem:s2] =	stream.indirect.scatter.add.f32 [tilespmem:s15], [sflag:$0x3], $0x80, s25, s14, $0xb8;
	[tilespmem:$0x1E400] =	vst v63  }
0x58: {  	_ =	swait.ge [sflag:s18], $0x4000  }
0x59: {  	[sflag:s18] =	ssyncset.done $0x0  }
0x5a: {  	[sflag:s18] =	ssyncadd.s32 $0xFFFFC000  }
0x5b: {  	[spmem:s2] =	stream.indirect.scatter.add.f32 [tilespmem:s16], [sflag:$0x4], $0x80, s26, s14, $0xb8;
	[tilespmem:$0x1E400] =	vst v63  }
0x5c: {  	_ =	swait.ge [sflag:s19], $0x4000  }
0x5d: {  	[sflag:s19] =	ssyncset.done $0x0  }
0x5e: {  	[sflag:s19] =	ssyncadd.s32 $0xFFFFC000  }
0x5f: {  	[tilespmem:s15], [sflag:$0x1] =	stream.indirect.gather [hbm4b:s4+s14], $0x80, s24, s14, $0xb8;
	[tilespmem:$0x1E400] =	vst v63  }
0x60: {  	_ =	swait.ge [sflag:s20], $0x4000  }
0x61: {  	[sflag:s20] =	ssyncset.done $0x0  }
0x62: {  	[sflag:s20] =	ssyncadd.s32 $0xFFFFC000  }
0x63: {  	[tilespmem:s16], [sflag:$0x2] =	stream.indirect.gather [hbm4b:s4+s14], $0x80, s24, s14, $0xb8;
	[tilespmem:$0x1E400] =	vst v63  }
0x64: {  	_ =	swait.ge [sflag:s17], $0x4000  }
0x65: {  	[sflag:s17] =	ssyncset.done $0x0  }
0x66: {  	[sflag:s17] =	ssyncadd.s32 $0xFFFFC000  }
0x67: {  	_ =	swait.ge [sflag:s18], $0x4000  }
0x68: {  	s28 =	sadd.s32 $0x1, s28;
	[sflag:s18] =	ssyncset.done $0x0  }
0x69: {  	p0 =	sne.s32 s28, s10;
	[sflag:s18] =	ssyncadd.s32 $0xFFFFC000  }
.Ltmp1:
0x6a: {  	[bflag:$0x0] =	sbarrier.arrive $0xFFFF;
	(pc) =	sbr.rel @p0 .LBB2_1-.Ltmp1, $4  }
0x6b: {  	[hbm:s9], [sflag:s6] =	dma.local [spmem:s11], $0x2780  }
0x6c: {  	_ =	swait.ge [sflag:s12], $0x2780  }
0x6d: {  	[sflag:s12] =	ssyncset.done $0x0  }
0x6e: {  	[sflag:s12] =	ssyncadd.s32 $0xFFFFD880  }
0x6f: {  	_ =	sfence.sel $0x180000  }
0x70: {  	[bflag:$0x0] =	sbarrier.arrive $0xFFFF  }
0x71: {  	p0 =	sne.s32 s0, $0x0;
	_ =	strace $0x90000056  }
0x72: {  	s0 =	sadd.s32 @!p0 $0x100000, s1;
	[bflag:$0x2] =	sbarrier.arrive $0xFFFF  }
0x73: {  	[sflag:s0] =	ssyncadd.tile.s32 @!p0 $0x1;
	_ =	shalt  }
.Lfunc_end2:
_tile_overlayer_lowered:
.L_overlay_start_2:
0x74: {  	(tag) =	ssettag $0x2  }
0x75: {  	s0 =	rddreg [dreg:$0x0];
	s2 =	stileid.u32  }
0x76: {  	s1 =	rddreg [dreg:$0x1];
	p0 =	sne.s32 s2, $0x0  }
0x77: {  	s3 =	rddreg [dreg:$0x2];
	[bflag:$0x3] =	sbarrier.arrive $0xFFFF;
	s2 =	simm.s32 @!p0 $0x1C05  }
0x78: {  	[timem:s3], [sflag:s2] =	dma.local @!p0 [hbm:s0], s1  }
0x79: {  	s0 =	simm.s32 @!p0 $0x5  }
0x7a: {  	_ =	swait.ge @!p0 [sflag:s0], s1  }
0x7b: {  	s1 =	ssub.s32 @!p0 $0x0, s1;
	[sflag:s0] =	ssyncset.done @!p0 $0x0  }
0x7c: {  	[sflag:s0] =	ssyncadd.s32 @!p0 s1  }
0x7d: {  	[bflag:$0x3] =	sbarrier.arrive $0xFFFF  }
0x7e: {  	_ =	shalt  }

// kernel: kernel.55.cloned.1.call-start
scs
__scs_entry_jumppad:
0x0: {  	(pc) =	sbr.rel $0x88, $3  }
0x1: {  	(tag) =	ssettag $0x0;
	lr =	simm.s32 $0x1  }
0x2: {  	[smem:$0x3F6A] =	sst lr;
	_ =	strace $0xD0000000  }
0x3: {  	_ = 	snop  }
0x4: {  	_ = 	snop  }
0x5: {  	_ = 	snop  }
0x6: {  	_ = 	snop  }
0x7: {  	_ = 	snop  }
__scs_overlays_trampoline_lowered:
0x8: {  	[smem:$0x3F79] =	sst s0  }
0x9: {  	[smem:$0x3F7A] =	sst s1  }
0xa: {  	[smem:$0x3F7B] =	sst s2  }
0xb: {  	[smem:$0x3F7C] =	sst s3  }
0xc: {  	[smem:$0x3F7D] =	sst s4  }
0xd: {  	[smem:$0x3F7E] =	sst s5  }
0xe: {  	[smem:$0x3F7F] =	sst s6  }
0xf: {  	[smem:$0x3F80] =	sst s7  }
0x10: {  	[smem:$0x3F81] =	sst s8  }
0x11: {  	[smem:$0x3F82] =	sst s9;
	s0 =	simm.s32 @!p0 $0x0  }
0x12: {  	s1 =	sld [smem:$0x3F68];
	s0 =	simm.s32 @p0 $0x1  }
0x13: {  	[smem:$0x3F83] =	sst s0;
	s0 =	simm.s32 @!p1 $0x0  }
0x14: {  	s2 =	sld [smem:$0x3F67];
	s0 =	simm.s32 @p1 $0x1  }
0x15: {  	[smem:$0x3F84] =	sst s0;
	s0 =	simm.s32 @!p2 $0x0  }
0x16: {  	s3 =	sld [smem:$0x3FDB];
	s0 =	simm.s32 @p2 $0x1  }
0x17: {  	s4 =	simm.s32 $0x1BF5;
	[smem:$0x3F86] =	sst s0  }
0x18: {  	s0 =	sld [smem:$0x3F69];
	_ =	swait.ge [sflag:s4], $0x0  }
0x19: {  	s7 =	sld [smem:$0x3F6A]  }
0x1a: {  	s8 =	sadd.s32 $0xFFFFE003, lr  }
0x1b: {  	s9 =	sadd.s32 $0xFFFFFEF7, lr;
	s5 =	simm.s32 $0xFFFFFFFF;
	p2 =	slt.u32 s8, $0xFFFFF086  }
0x1c: {  	p1 =	slt.u32 s9, $0xF7A;
	s5 =	simm.s32 @!p2 $0x0  }
0x1d: {  	s5 =	simm.s32 @p1 $0x1;
	p0 =	seq.s32 s7, s2  }
0x1e: {  	s7 =	smul.u32 @!p0 $0xF7A, s2;
	p2 =	seq.s32 @!p0 s5, $0x0  }
0x1f: {  	s9 =	smul.u32 $0xF7A, s1;
	s8 =	simm.s32 @!p0 $0x1BF5;
	p2 =	por !p2, p0  }
0x20: {  	[sflag:s8] =	ssyncset.s32 @!p0 $0xFFFFF086;
	s6 =	sadd.s32 @!p0 s3, s7;
	s7 =	simm.s32 @!p0 $0x108  }
0x21: {  	s3 =	sadd.s32 s3, s9;
	s6 =	sadd.s32 @!p0 $0x88, s6;
	s7 =	simm.s32 @p2 $0x1082  }
0x22: {  	[simem:s7], [sflag:s8] =	dma.local @!p0 [hbm:s6], $0xF7A  }
0x23: {  	s9 =	sor.u32 $0xD0000000, s2;
	s6 =	simm.s32 $0x108;
	_ =	swait.ge @!p0 [sflag:s8], $0x0  }
0x24: {  	s3 =	sadd.s32 $0x88, s3;
	s6 =	simm.s32 @!p1 $0x1082;
	[sflag:s4] =	ssyncset.s32 $0xFFFFF086  }
0x25: {  	[simem:s6], [sflag:s4] =	dma.local [hbm:s3], $0xF7A  }
0x26: {  	[smem:$0x3F6A] =	sst s1;
	(tag) =	ssettag s2;
	_ =	strace s9  }
0x27: {  	s1 =	sld [smem:$0x3F7A]  }
0x28: {  	s2 =	sld [smem:$0x3F7B]  }
0x29: {  	s4 =	sld [smem:$0x3F7D]  }
0x2a: {  	p0 =	seq.s32 s5, $0x0;
	s5 =	sld [smem:$0x3F7E]  }
0x2b: {  	s6 =	sld [smem:$0x3F7F]  }
0x2c: {  	s7 =	sld [smem:$0x3F80]  }
0x2d: {  	s3 =	simm.s32 $0x108;
	s8 =	sld [smem:$0x3F81]  }
0x2e: {  	s3 =	simm.s32 @!p0 $0x1082;
	s9 =	sld [smem:$0x3F82]  }
0x2f: {  	lr =	sadd.s32 s0, s3;
	s0 =	sld [smem:$0x3F79]  }
0x30: {  	s3 =	sld [smem:$0x3F7C]  }
0x31: {  	[smem:$0x3F85] =	sst s10  }
0x32: {  	s10 =	sld [smem:$0x3F83];
	_ =	sdelay $0x3  }
0x33: {  	p0 =	seq.s32 s10, $0x1;
	s10 =	sld [smem:$0x3F85];
	_ =	sdelay $0x3  }
0x34: {  	[smem:$0x3F85] =	sst s10  }
0x35: {  	s10 =	sld [smem:$0x3F84];
	_ =	sdelay $0x3  }
0x36: {  	p1 =	seq.s32 s10, $0x1;
	s10 =	sld [smem:$0x3F85];
	_ =	sdelay $0x3  }
0x37: {  	[smem:$0x3F85] =	sst s10  }
0x38: {  	s10 =	sld [smem:$0x3F86]  }
0x39: {  	_ = 	snop;
	(pc) =	sbr.ind lr, $3  }
0x3a: {  	_ = 	snop  }
0x3b: {  	_ = 	snop  }
0x3c: {  	p2 =	seq.s32 s10, $0x1;
	s10 =	sld [smem:$0x3F85]  }
0x3d: {  	_ =	shalt  }
0x3e: {  	_ =	shalt  }
0x3f: {  	_ =	shalt  }
0x40: {  	_ =	shalt  }
0x41: {  	_ =	shalt  }
0x42: {  	_ =	shalt  }
0x43: {  	_ =	shalt  }
0x44: {  	_ =	shalt  }
0x45: {  	_ =	shalt  }
0x46: {  	_ =	shalt  }
0x47: {  	_ =	shalt  }
0x48: {  	_ =	shalt  }
0x49: {  	_ =	shalt  }
0x4a: {  	_ =	shalt  }
0x4b: {  	_ =	shalt  }
0x4c: {  	_ =	shalt  }
0x4d: {  	_ =	shalt  }
0x4e: {  	_ =	shalt  }
0x4f: {  	_ =	shalt  }
0x50: {  	_ =	shalt  }
0x51: {  	_ =	shalt  }
0x52: {  	_ =	shalt  }
0x53: {  	_ =	shalt  }
0x54: {  	_ =	shalt  }
0x55: {  	_ =	shalt  }
0x56: {  	_ =	shalt  }
0x57: {  	_ =	shalt  }
0x58: {  	_ =	shalt  }
0x59: {  	_ =	shalt  }
0x5a: {  	_ =	shalt  }
0x5b: {  	_ =	shalt  }
0x5c: {  	_ =	shalt  }
0x5d: {  	_ =	shalt  }
0x5e: {  	_ =	shalt  }
0x5f: {  	_ =	shalt  }
0x60: {  	_ =	shalt  }
0x61: {  	_ =	shalt  }
0x62: {  	_ =	shalt  }
0x63: {  	_ =	shalt  }
0x64: {  	_ =	shalt  }
0x65: {  	_ =	shalt  }
0x66: {  	_ =	shalt  }
0x67: {  	_ =	shalt  }
0x68: {  	_ =	shalt  }
0x69: {  	_ =	shalt  }
0x6a: {  	_ =	shalt  }
0x6b: {  	_ =	shalt  }
0x6c: {  	_ =	shalt  }
0x6d: {  	_ =	shalt  }
0x6e: {  	_ =	shalt  }
0x6f: {  	_ =	shalt  }
0x70: {  	_ =	shalt  }
0x71: {  	_ =	shalt  }
0x72: {  	_ =	shalt  }
0x73: {  	_ =	shalt  }
0x74: {  	_ =	shalt  }
0x75: {  	_ =	shalt  }
0x76: {  	_ =	shalt  }
0x77: {  	_ =	shalt  }
0x78: {  	_ =	shalt  }
0x79: {  	_ =	shalt  }
0x7a: {  	_ =	shalt  }
0x7b: {  	_ =	shalt  }
0x7c: {  	_ =	shalt  }
0x7d: {  	_ =	shalt  }
0x7e: {  	_ =	shalt  }
0x7f: {  	_ =	shalt  }
0x80: {  	_ =	shalt  }
0x81: {  	_ =	shalt  }
0x82: {  	_ =	shalt  }
0x83: {  	_ =	shalt  }
0x84: {  	_ =	shalt  }
0x85: {  	_ =	shalt  }
0x86: {  	_ =	shalt  }
0x87: {  	_ =	shalt  }
.Lfunc_end0:
.L_simem_size_0:
called_computation.6_lowered:
.L_overlay_start_0:
0x88: {  	s2 =	sld [smem:$0x3FD9]  }
0x89: {  	s3 =	sld [smem:$0x3FFE];
	_ =	sdelay $0x1  }
0x8a: {  	s1 =	srdreg.scid  }
0x8b: {  	s0 =	sand.u32 $0x1, s1  }
0x8c: {  	s17 =	sshll.u32 s0, $0xA;
	s2 =	sadd.s32 s3, s2  }
0x8d: {  	s2 =	sadd.s32 s2, s17  }
0x8e: {  	[smem:$0x3F91] =	sst s2  }
0x8f: {  	_ = 	snop  }
0x90: {  	(tm) =	ssettm $0x1  }
0x91: {  	s18 =	sld [smem:$0x3FFB];
	_ =	sdelay $0x3  }
0x92: {  	_ =	strace s18  }
0x93: {  	s2 =	sld [smem:$0x3FFC];
	_ =	sdelay $0x3  }
0x94: {  	_ =	strace s2  }
0x95: {  	s2 =	sld [smem:$0x3FFD];
	_ =	sdelay $0x3  }
0x96: {  	_ =	strace s2  }
0x97: {  	_ =	strace $0x8FFFFFFF  }
0x98: {  	s19 =	sld [smem:$0x3FDB];
	_ =	sdelay $0x1  }
0x99: {  	s20 =	simm.s32 $_scs_section_size  }
0x9a: {  	s4 =	simm.s32 $_size__tile_overlayer_lowered;
	s5 =	simm.s32 $_tile_overlayer_lowered  }
0x9b: {  	s6 =	simm.s32 $0x1BFF;
	s21 =	sshll.u32 s5, $0x1;
	s3 =	sadd.s32 s20, s19  }
0x9c: {  	s22 =	simm.s32 $0x0;
	s4 =	sshll.u32 s4, $0x1;
	s5 =	sadd.s32 s21, s3  }
0x9d: {  	[timem:s22], [sflag:s6] =	dma.local [hbm:s5], s4  }
0x9e: {  	_ =	swait.ge [sflag:s6], s4  }
0x9f: {  	s4 =	ssub.s32 $0x0, s4;
	[sflag:s6] =	ssyncset.done $0x0  }
0xa0: {  	[sflag:s6] =	ssyncadd.s32 s4;
	_ =	sdelay $0x1  }
0xa1: {  	s23 =	simm.s32 $0x1B8B  }
0xa2: {  	_ =	swait.ge [sflag:s23], $0x1  }
0xa3: {  	[sflag:s23] =	ssyncset.done $0x0  }
0xa4: {  	[sflag:s23] =	ssyncadd.s32 $0xFFFFFFFF  }
0xa5: {  	s4 =	sld [smem:$0x0]  }
0xa6: {  	s5 =	sand.u32 $0xFFFFFFFE, s1  }
0xa7: {  	p0 =	sne.s32 s1, s5  }
0xa8: {  	s5 =	sshll.u32 @p0 s5, $0xE  }
0xa9: {  	s5 =	sadd.s32 @p0 $0x11B8D, s5;
	s6 =	sshll.u32 @p0 s4, $0x11  }
0xaa: {  	s5 =	sor.u32 @p0 s6, s5  }
0xab: {  	[sflag:s5] =	ssyncadd.remote.s32 @p0 $0x1;
	_ =	sdelay $0x1  }
0xac: {  	s5 =	simm.s32 @p0 $0x1B8D  }
0xad: {  	_ =	swait.eq @p0 [sflag:s5], $0x1  }
0xae: {  	[sflag:s5] =	ssyncadd.s32 @p0 $0xFFFFFFFF  }
0xaf: {  	s6 =	sshll.u32 @!p0 s1, $0xE  }
0xb0: {  	s6 =	sor.u32 @!p0 $0x4000, s6;
	s5 =	simm.s32 @!p0 $0x1B8D  }
0xb1: {  	s4 =	sshll.u32 @!p0 s4, $0x11;
	s6 =	sadd.s32 @!p0 $0x11B8D, s6;
	_ =	swait.eq @!p0 [sflag:s5], $0x1  }
0xb2: {  	s4 =	sor.u32 @!p0 s4, s6;
	[sflag:s5] =	ssyncadd.s32 @!p0 $0xFFFFFFFF  }
0xb3: {  	s25 =	simm.s32 $0x1B8E;
	s24 =	sld [smem:$0x3FFE];
	[sflag:s4] =	ssyncadd.remote.s32 @!p0 $0x1  }
0xb4: {  	s26 =	simm.s32 $execute0_lowered;
	[smem:$0x3FD2] =	sst s25  }
0xb5: {  	s5 =	sshll.u32 s26, $0x1;
	_ =	strace $0x80000058;
	[dreg:$0x1] =	wrdreg $0xFFFFFFFF  }
0xb6: {  	s28 =	simm.s32 $_size_execute0_lowered;
	s3 =	sadd.s32 s3, s5;
	[dreg:$0x0] =	wrdreg $0x0  }
0xb7: {  	s5 =	sshll.u32 s28, $0x1;
	[dreg:$0x2] =	wrdreg s3  }
0xb8: {  	[dreg:$0x3] =	wrdreg s5  }
0xb9: {  	[dreg:$0x4] =	wrdreg $0xC0  }
0xba: {  	_ =	task [dreg:s22], $0x5FFFF  }
0xbb: {  	[dreg:$0x1] =	wrdreg $0xFFFFFFFF  }
0xbc: {  	[dreg:$0x0] =	wrdreg $0x60  }
0xbd: {  	[dreg:$0x2] =	wrdreg s24  }
0xbe: {  	[dreg:$0x3] =	wrdreg $0xA8000  }
0xbf: {  	[dreg:$0x4] =	wrdreg $0xA  }
0xc0: {  	_ =	task.clear_ibuf [dreg:s22], $0x5FFFF;
	_ =	strace $0x90000058  }
0xc1: {  	s29 =	simm.s32 $0xA;
	_ =	strace $0x8000005A  }
0xc2: {  	_ =	swait.ge [sflag:s29], $0x1  }
0xc3: {  	[sflag:s29] =	ssyncadd.s32 $0xFFFFFFFF  }
0xc4: {  	_ =	strace $0x9000005A  }
0xc5: {  	_ =	sfence  }
0xc6: {  	s30 =	sld [smem:$0x0];
	_ =	sdelay $0x2  }
0xc7: {  	s31 =	sshll.u32 s1, $0xD;
	s1 =	sshrl.u32 s1, $0x2  }
0xc8: {  	s4 =	sand.u32 $0x4000, s31;
	s1 =	sadd.s32 s1, s30  }
0xc9: {  	s0 =	sor.u32 s4, s0;
	s1 =	sshll.u32 s1, $0x11  }
0xca: {  	s0 =	sor.u32 s1, s0  }
0xcb: {  	s0 =	sadd.s32 $0x8F2B, s0  }
0xcc: {  	[sflag:s0] =	ssyncadd.remote.s32 $0x1  }
0xcd: {  	_ =	sfence.sel $0xFFFF  }
0xce: {  	[dreg:$0x0] =	wrdreg $0xFFFFFFFF;
	(pc) =	sbr.abs _section_cstart, $3  }
0xcf: {  	[dreg:$0x1] =	wrdreg $0xFFFFFFFF  }
0xd0: {  	_ =	task.clear_ibuf [dreg:s22], $0x2FFFF;
	_ =	strace $0x9FFFFFFF  }
0xd1: {  	(tm) =	ssettm $0x7FFFFFFF  }
tec
execute0_lowered:
.L_overlay_start_1:
0x0: {  	(tag) =	ssettag $0x1  }
0x1: {  	s1 =	srdreg.scid  }
0x2: {  	s0 =	stileid.u32;
	s6 =	rddreg [dreg:$0x0]  }
0x3: {  	s2 =	rddreg [dreg:$0x1];
	s3 =	simm.s32 $0x0;
	s14 =	simm.s32 $0x80  }
0x4: {  	s15 =	simm.s32 $0x2800;
	s16 =	simm.s32 $0x6800;
	s17 =	simm.s32 $0x1  }
0x5: {  	s18 =	simm.s32 $0x2;
	s19 =	simm.s32 $0x3;
	s20 =	simm.s32 $0x4  }
0x6: {  	s21 =	simm.s32 $0x2600;
	s22 =	simm.s32 $0x2680;
	s23 =	simm.s32 $0x1300  }
0x7: {  	s28 =	simm.s32 $0x0;
	s5 =	sand.u32 $0x1, s1;
	s24 =	sshll.u32 s0, $0x1  }
0x8: {  	s8 =	smul.u32 $0x13C00, s0;
	[smem:$0x7FF] =	sst s3;
	s4 =	sadd.s32 $0x16400, s6  }
0x9: {  	s26 =	smul.u32 $0x4F000, s0;
	s31 =	sshll.u32 s0, $0x6;
	s1 =	sor.u32 s5, s24  }
0xa: {  	s9 =	smul.u32 $0x13C000, s5;
	s5 =	ssub.s32 $0x2, s5;
	s24 =	simm.s32 $0x1380  }
0xb: {  	s7 =	smul.u32 $0x280, s1;
	s1 =	rddreg [dreg:$0x2];
	_ =	strace $0x80000059  }
0xc: {  	s25 =	sshrl.u32 s8, $0x3;
	s29 =	sshrl.u32 s5, $0x1;
	s30 =	sshrl.u32 s26, $0x2  }
0xd: {  	s26 =	simm.s32 $0x2780;
	s8 =	sadd.s32 s8, s9;
	s12 =	ssub.s32 s5, s29  }
0xe: {  	s13 =	sadd.s32 s30, s2;
	s10 =	sadd.s32 s7, s6;
	s8 =	sshrl.u32 s8, $0x3  }
0xf: {  	s7 =	sadd.s32 s25, s6;
	s25 =	simm.s32 $0x2700;
	s11 =	sadd.s32 s8, s6  }
0x10: {  	s5 =	sadd.s32 $0x100A00, s7;
	s6 =	sor.u32 $0x1C05, s31;
	s7 =	sadd.s32 $0xC400, s10  }
0x11: {  	s8 =	sadd.s32 $0x11400, s10;
	s10 =	smax.u32 s12, $0x1;
	s12 =	simm.s32 $0x5  }
0x12: {  	s9 =	sadd.s32 $0x128200, s11;
	s11 =	sshrl.u32 s13, $0x3;
	s13 =	simm.s32 $0x1400  }
.LBB2_1:
0x13: {  	[spmem:s11], [sflag:s6] =	dma.local [hbm:s5], $0x2780  }
0x14: {  	_ =	swait.ge [sflag:s12], $0x2780  }
0x15: {  	[sflag:s12] =	ssyncset.done $0x0  }
0x16: {  	[sflag:s12] =	ssyncadd.s32 $0xFFFFD880  }
0x17: {  	[tilespmem:s3], [sflag:$0x5] =	stream.linear.gather [hbm4b:s7+s3], $0x1400, $0x38;
	[tilespmem:$0x1E400] =	vst v63  }
0x18: {  	_ =	swait.ge [sflag:s12], $0x1400  }
0x19: {  	[sflag:s12] =	ssyncset.done $0x0  }
0x1a: {  	[sflag:s12] =	ssyncadd.s32 $0xFFFFEC00  }
0x1b: {  	[tilespmem:s13], [sflag:$0x5] =	stream.linear.gather [hbm4b:s8+s3], $0x1400, $0x38;
	[tilespmem:$0x1E400] =	vst v63  }
0x1c: {  	_ =	swait.ge [sflag:s12], $0x1400  }
0x1d: {  	[sflag:s12] =	ssyncset.done $0x0  }
0x1e: {  	[sflag:s12] =	ssyncadd.s32 $0xFFFFEC00  }
0x1f: {  	[bflag:$0x0] =	sbarrier.arrive $0xFFFF  }
0x20: {  	[tilespmem:s15], [sflag:$0x1] =	stream.indirect.gather [hbm4b:s4+s14], $0x80, s3, s14, $0xb8;
	[tilespmem:$0x1E400] =	vst v63  }
0x21: {  	_ = 	snop  }
0x22: {  	[tilespmem:s16], [sflag:$0x2] =	stream.indirect.gather [hbm4b:s4+s14], $0x80, s14, s14, $0xb8;
	[tilespmem:$0x1E400] =	vst v63  }
0x23: {  	_ =	swait.ge [sflag:s17], $0x4000  }
0x24: {  	[sflag:s17] =	ssyncset.done $0x0  }
0x25: {  	s29 =	simm.s32 $0x1400;
	[sflag:s17] =	ssyncadd.s32 $0xFFFFC000  }
0x26: {  	[spmem:s2] =	stream.indirect.scatter.add.f32 [tilespmem:s15], [sflag:$0x3], $0x80, s29, s14, $0xb8;
	[tilespmem:$0x1E400] =	vst v63  }
0x27: {  	_ =	swait.ge [sflag:s18], $0x4000  }
0x28: {  	[sflag:s18] =	ssyncset.done $0x0  }
0x29: {  	s29 =	simm.s32 $0x1480;
	[sflag:s18] =	ssyncadd.s32 $0xFFFFC000  }
0x2a: {  	[spmem:s2] =	stream.indirect.scatter.add.f32 [tilespmem:s16], [sflag:$0x4], $0x80, s29, s14, $0xb8;
	[tilespmem:$0x1E400] =	vst v63  }
0x2b: {  	_ =	swait.ge [sflag:s19], $0x4000  }
0x2c: {  	[sflag:s19] =	ssyncset.done $0x0  }
0x2d: {  	s29 =	simm.s32 $0x100;
	[sflag:s19] =	ssyncadd.s32 $0xFFFFC000  }
0x2e: {  	[tilespmem:s15], [sflag:$0x1] =	stream.indirect.gather [hbm4b:s4+s14], $0x80, s29, s14, $0xb8;
	[tilespmem:$0x1E400] =	vst v63  }
0x2f: {  	_ =	swait.ge [sflag:s20], $0x4000  }
0x30: {  	[sflag:s20] =	ssyncset.done $0x0  }
0x31: {  	s30 =	simm.s32 $0x180;
	s29 =	simm.s32 $0x400;
	[sflag:s20] =	ssyncadd.s32 $0xFFFFC000  }
.LBB2_2:
0x32: {  	[tilespmem:s16], [sflag:$0x2] =	stream.indirect.gather [hbm4b:s4+s14], $0x80, s30, s14, $0xb8;
	[tilespmem:$0x1E400] =	vst v63  }
0x33: {  	s30 =	smov.u32 s29  }
0x34: {  	p0 =	sne.s32 s29, $0x4400;
	s29 =	sadd.s32 $0x400, s29;
	_ =	swait.ge [sflag:s17], $0x4000  }
0x35: {  	s30 =	sshra.s32 s30, $0x2;
	[sflag:s17] =	ssyncset.done $0x0  }
0x36: {  	s31 =	sadd.s32 $0x1400, s30;
	[sflag:s17] =	ssyncadd.s32 $0xFFFFC000  }
0x37: {  	[spmem:s2] =	stream.indirect.scatter.add.f32 [tilespmem:s15], [sflag:$0x3], $0x80, s31, s14, $0xb8;
	[tilespmem:$0x1E400] =	vst v63  }
0x38: {  	_ =	swait.ge [sflag:s18], $0x4000  }
0x39: {  	[sflag:s18] =	ssyncset.done $0x0  }
0x3a: {  	s31 =	sadd.s32 $0x1480, s30;
	[sflag:s18] =	ssyncadd.s32 $0xFFFFC000  }
0x3b: {  	[spmem:s2] =	stream.indirect.scatter.add.f32 [tilespmem:s16], [sflag:$0x4], $0x80, s31, s14, $0xb8;
	[tilespmem:$0x1E400] =	vst v63  }
0x3c: {  	_ =	swait.ge [sflag:s19], $0x4000  }
0x3d: {  	[sflag:s19] =	ssyncset.done $0x0  }
.Ltmp0:
0x3e: {  	s31 =	sadd.s32 $0x100, s30;
	[sflag:s19] =	ssyncadd.s32 $0xFFFFC000;
	(pc) =	sbr.rel @p0 .LBB2_2-.Ltmp0, $4  }
0x3f: {  	[tilespmem:s15], [sflag:$0x1] =	stream.indirect.gather [hbm4b:s4+s14], $0x80, s31, s14, $0xb8;
	[tilespmem:$0x1E400] =	vst v63  }
0x40: {  	_ =	swait.ge [sflag:s20], $0x4000  }
0x41: {  	[sflag:s20] =	ssyncset.done $0x0  }
0x42: {  	s30 =	sadd.s32 $0x180, s30;
	[sflag:s20] =	ssyncadd.s32 $0xFFFFC000  }
0x43: {  	[tilespmem:s16], [sflag:$0x2] =	stream.indirect.gather [hbm4b:s4+s14], $0x80, s30, s14, $0xb8;
	[tilespmem:$0x1E400] =	vst v63  }
0x44: {  	_ =	swait.ge [sflag:s17], $0x4000  }
0x45: {  	[sflag:s17] =	ssyncset.done $0x0  }
0x46: {  	[sflag:s17] =	ssyncadd.s32 $0xFFFFC000  }
0x47: {  	[spmem:s2] =	stream.indirect.scatter.add.f32 [tilespmem:s15], [sflag:$0x3], $0x80, s21, s14, $0xb8;
	[tilespmem:$0x1E400] =	vst v63  }
0x48: {  	_ =	swait.ge [sflag:s18], $0x4000  }
0x49: {  	[sflag:s18] =	ssyncset.done $0x0  }
0x4a: {  	[sflag:s18] =	ssyncadd.s32 $0xFFFFC000  }
0x4b: {  	[spmem:s2] =	stream.indirect.scatter.add.f32 [tilespmem:s16], [sflag:$0x4], $0x80, s22, s14, $0xb8;
	[tilespmem:$0x1E400] =	vst v63  }
0x4c: {  	_ =	swait.ge [sflag:s19], $0x4000  }
0x4d: {  	[sflag:s19] =	ssyncset.done $0x0  }
0x4e: {  	[sflag:s19] =	ssyncadd.s32 $0xFFFFC000  }
0x4f: {  	[tilespmem:s15], [sflag:$0x1] =	stream.indirect.gather [hbm4b:s4+s14], $0x80, s23, s14, $0xb8;
	[tilespmem:$0x1E400] =	vst v63  }
0x50: {  	_ =	swait.ge [sflag:s20], $0x4000  }
0x51: {  	[sflag:s20] =	ssyncset.done $0x0  }
0x52: {  	[sflag:s20] =	ssyncadd.s32 $0xFFFFC000  }
0x53: {  	[tilespmem:s16], [sflag:$0x2] =	stream.indirect.gather [hbm4b:s4+s14], $0x80, s24, s14, $0xb8;
	[tilespmem:$0x1E400] =	vst v63  }
0x54: {  	_ =	swait.ge [sflag:s17], $0x4000  }
0x55: {  	[sflag:s17] =	ssyncset.done $0x0  }
0x56: {  	[sflag:s17] =	ssyncadd.s32 $0xFFFFC000  }
0x57: {  	[spmem:s2] =	stream.indirect.scatter.add.f32 [tilespmem:s15], [sflag:$0x3], $0x80, s25, s14, $0xb8;
	[tilespmem:$0x1E400] =	vst v63  }
0x58: {  	_ =	swait.ge [sflag:s18], $0x4000  }
0x59: {  	[sflag:s18] =	ssyncset.done $0x0  }
0x5a: {  	[sflag:s18] =	ssyncadd.s32 $0xFFFFC000  }
0x5b: {  	[spmem:s2] =	stream.indirect.scatter.add.f32 [tilespmem:s16], [sflag:$0x4], $0x80, s26, s14, $0xb8;
	[tilespmem:$0x1E400] =	vst v63  }
0x5c: {  	_ =	swait.ge [sflag:s19], $0x4000  }
0x5d: {  	[sflag:s19] =	ssyncset.done $0x0  }
0x5e: {  	[sflag:s19] =	ssyncadd.s32 $0xFFFFC000  }
0x5f: {  	[tilespmem:s15], [sflag:$0x1] =	stream.indirect.gather [hbm4b:s4+s14], $0x80, s24, s14, $0xb8;
	[tilespmem:$0x1E400] =	vst v63  }
0x60: {  	_ =	swait.ge [sflag:s20], $0x4000  }
0x61: {  	[sflag:s20] =	ssyncset.done $0x0  }
0x62: {  	[sflag:s20] =	ssyncadd.s32 $0xFFFFC000  }
0x63: {  	[tilespmem:s16], [sflag:$0x2] =	stream.indirect.gather [hbm4b:s4+s14], $0x80, s24, s14, $0xb8;
	[tilespmem:$0x1E400] =	vst v63  }
0x64: {  	_ =	swait.ge [sflag:s17], $0x4000  }
0x65: {  	[sflag:s17] =	ssyncset.done $0x0  }
0x66: {  	[sflag:s17] =	ssyncadd.s32 $0xFFFFC000  }
0x67: {  	_ =	swait.ge [sflag:s18], $0x4000  }
0x68: {  	s28 =	sadd.s32 $0x1, s28;
	[sflag:s18] =	ssyncset.done $0x0  }
0x69: {  	p0 =	sne.s32 s28, s10;
	[sflag:s18] =	ssyncadd.s32 $0xFFFFC000  }
.Ltmp1:
0x6a: {  	[bflag:$0x0] =	sbarrier.arrive $0xFFFF;
	(pc) =	sbr.rel @p0 .LBB2_1-.Ltmp1, $4  }
0x6b: {  	[hbm:s9], [sflag:s6] =	dma.local [spmem:s11], $0x2780  }
0x6c: {  	_ =	swait.ge [sflag:s12], $0x2780  }
0x6d: {  	[sflag:s12] =	ssyncset.done $0x0  }
0x6e: {  	[sflag:s12] =	ssyncadd.s32 $0xFFFFD880  }
0x6f: {  	_ =	sfence.sel $0x180000  }
0x70: {  	[bflag:$0x0] =	sbarrier.arrive $0xFFFF  }
0x71: {  	p0 =	sne.s32 s0, $0x0;
	_ =	strace $0x90000059  }
0x72: {  	s0 =	sadd.s32 @!p0 $0x100000, s1;
	[bflag:$0x2] =	sbarrier.arrive $0xFFFF  }
0x73: {  	[sflag:s0] =	ssyncadd.tile.s32 @!p0 $0x1;
	_ =	shalt  }
.Lfunc_end2:
_tile_overlayer_lowered:
.L_overlay_start_2:
0x74: {  	(tag) =	ssettag $0x2  }
0x75: {  	s0 =	rddreg [dreg:$0x0];
	s2 =	stileid.u32  }
0x76: {  	s1 =	rddreg [dreg:$0x1];
	p0 =	sne.s32 s2, $0x0  }
0x77: {  	s3 =	rddreg [dreg:$0x2];
	[bflag:$0x3] =	sbarrier.arrive $0xFFFF;
	s2 =	simm.s32 @!p0 $0x1C05  }
0x78: {  	[timem:s3], [sflag:s2] =	dma.local @!p0 [hbm:s0], s1  }
0x79: {  	s0 =	simm.s32 @!p0 $0x5  }
0x7a: {  	_ =	swait.ge @!p0 [sflag:s0], s1  }
0x7b: {  	s1 =	ssub.s32 @!p0 $0x0, s1;
	[sflag:s0] =	ssyncset.done @!p0 $0x0  }
0x7c: {  	[sflag:s0] =	ssyncadd.s32 @!p0 s1  }
0x7d: {  	[bflag:$0x3] =	sbarrier.arrive $0xFFFF  }
0x7e: {  	_ =	shalt  }

// kernel: kernel.58.cloned.1.call-start
scs
__scs_entry_jumppad:
0x0: {  	(pc) =	sbr.rel $0x88, $3  }
0x1: {  	(tag) =	ssettag $0x0;
	lr =	simm.s32 $0x1  }
0x2: {  	[smem:$0x3F6A] =	sst lr;
	_ =	strace $0xD0000000  }
0x3: {  	_ = 	snop  }
0x4: {  	_ = 	snop  }
0x5: {  	_ = 	snop  }
0x6: {  	_ = 	snop  }
0x7: {  	_ = 	snop  }
__scs_overlays_trampoline_lowered:
0x8: {  	[smem:$0x3F79] =	sst s0  }
0x9: {  	[smem:$0x3F7A] =	sst s1  }
0xa: {  	[smem:$0x3F7B] =	sst s2  }
0xb: {  	[smem:$0x3F7C] =	sst s3  }
0xc: {  	[smem:$0x3F7D] =	sst s4  }
0xd: {  	[smem:$0x3F7E] =	sst s5  }
0xe: {  	[smem:$0x3F7F] =	sst s6  }
0xf: {  	[smem:$0x3F80] =	sst s7  }
0x10: {  	[smem:$0x3F81] =	sst s8  }
0x11: {  	[smem:$0x3F82] =	sst s9;
	s0 =	simm.s32 @!p0 $0x0  }
0x12: {  	s1 =	sld [smem:$0x3F68];
	s0 =	simm.s32 @p0 $0x1  }
0x13: {  	[smem:$0x3F83] =	sst s0;
	s0 =	simm.s32 @!p1 $0x0  }
0x14: {  	s2 =	sld [smem:$0x3F67];
	s0 =	simm.s32 @p1 $0x1  }
0x15: {  	[smem:$0x3F84] =	sst s0;
	s0 =	simm.s32 @!p2 $0x0  }
0x16: {  	s3 =	sld [smem:$0x3FDB];
	s0 =	simm.s32 @p2 $0x1  }
0x17: {  	s4 =	simm.s32 $0x1BF5;
	[smem:$0x3F86] =	sst s0  }
0x18: {  	s0 =	sld [smem:$0x3F69];
	_ =	swait.ge [sflag:s4], $0x0  }
0x19: {  	s7 =	sld [smem:$0x3F6A]  }
0x1a: {  	s8 =	sadd.s32 $0xFFFFE003, lr  }
0x1b: {  	s9 =	sadd.s32 $0xFFFFFEF7, lr;
	s5 =	simm.s32 $0xFFFFFFFF;
	p2 =	slt.u32 s8, $0xFFFFF086  }
0x1c: {  	p1 =	slt.u32 s9, $0xF7A;
	s5 =	simm.s32 @!p2 $0x0  }
0x1d: {  	s5 =	simm.s32 @p1 $0x1;
	p0 =	seq.s32 s7, s2  }
0x1e: {  	s7 =	smul.u32 @!p0 $0xF7A, s2;
	p2 =	seq.s32 @!p0 s5, $0x0  }
0x1f: {  	s9 =	smul.u32 $0xF7A, s1;
	s8 =	simm.s32 @!p0 $0x1BF5;
	p2 =	por !p2, p0  }
0x20: {  	[sflag:s8] =	ssyncset.s32 @!p0 $0xFFFFF086;
	s6 =	sadd.s32 @!p0 s3, s7;
	s7 =	simm.s32 @!p0 $0x108  }
0x21: {  	s3 =	sadd.s32 s3, s9;
	s6 =	sadd.s32 @!p0 $0x88, s6;
	s7 =	simm.s32 @p2 $0x1082  }
0x22: {  	[simem:s7], [sflag:s8] =	dma.local @!p0 [hbm:s6], $0xF7A  }
0x23: {  	s9 =	sor.u32 $0xD0000000, s2;
	s6 =	simm.s32 $0x108;
	_ =	swait.ge @!p0 [sflag:s8], $0x0  }
0x24: {  	s3 =	sadd.s32 $0x88, s3;
	s6 =	simm.s32 @!p1 $0x1082;
	[sflag:s4] =	ssyncset.s32 $0xFFFFF086  }
0x25: {  	[simem:s6], [sflag:s4] =	dma.local [hbm:s3], $0xF7A  }
0x26: {  	[smem:$0x3F6A] =	sst s1;
	(tag) =	ssettag s2;
	_ =	strace s9  }
0x27: {  	s1 =	sld [smem:$0x3F7A]  }
0x28: {  	s2 =	sld [smem:$0x3F7B]  }
0x29: {  	s4 =	sld [smem:$0x3F7D]  }
0x2a: {  	p0 =	seq.s32 s5, $0x0;
	s5 =	sld [smem:$0x3F7E]  }
0x2b: {  	s6 =	sld [smem:$0x3F7F]  }
0x2c: {  	s7 =	sld [smem:$0x3F80]  }
0x2d: {  	s3 =	simm.s32 $0x108;
	s8 =	sld [smem:$0x3F81]  }
0x2e: {  	s3 =	simm.s32 @!p0 $0x1082;
	s9 =	sld [smem:$0x3F82]  }
0x2f: {  	lr =	sadd.s32 s0, s3;
	s0 =	sld [smem:$0x3F79]  }
0x30: {  	s3 =	sld [smem:$0x3F7C]  }
0x31: {  	[smem:$0x3F85] =	sst s10  }
0x32: {  	s10 =	sld [smem:$0x3F83];
	_ =	sdelay $0x3  }
0x33: {  	p0 =	seq.s32 s10, $0x1;
	s10 =	sld [smem:$0x3F85];
	_ =	sdelay $0x3  }
0x34: {  	[smem:$0x3F85] =	sst s10  }
0x35: {  	s10 =	sld [smem:$0x3F84];
	_ =	sdelay $0x3  }
0x36: {  	p1 =	seq.s32 s10, $0x1;
	s10 =	sld [smem:$0x3F85];
	_ =	sdelay $0x3  }
0x37: {  	[smem:$0x3F85] =	sst s10  }
0x38: {  	s10 =	sld [smem:$0x3F86]  }
0x39: {  	_ = 	snop;
	(pc) =	sbr.ind lr, $3  }
0x3a: {  	_ = 	snop  }
0x3b: {  	_ = 	snop  }
0x3c: {  	p2 =	seq.s32 s10, $0x1;
	s10 =	sld [smem:$0x3F85]  }
0x3d: {  	_ =	shalt  }
0x3e: {  	_ =	shalt  }
0x3f: {  	_ =	shalt  }
0x40: {  	_ =	shalt  }
0x41: {  	_ =	shalt  }
0x42: {  	_ =	shalt  }
0x43: {  	_ =	shalt  }
0x44: {  	_ =	shalt  }
0x45: {  	_ =	shalt  }
0x46: {  	_ =	shalt  }
0x47: {  	_ =	shalt  }
0x48: {  	_ =	shalt  }
0x49: {  	_ =	shalt  }
0x4a: {  	_ =	shalt  }
0x4b: {  	_ =	shalt  }
0x4c: {  	_ =	shalt  }
0x4d: {  	_ =	shalt  }
0x4e: {  	_ =	shalt  }
0x4f: {  	_ =	shalt  }
0x50: {  	_ =	shalt  }
0x51: {  	_ =	shalt  }
0x52: {  	_ =	shalt  }
0x53: {  	_ =	shalt  }
0x54: {  	_ =	shalt  }
0x55: {  	_ =	shalt  }
0x56: {  	_ =	shalt  }
0x57: {  	_ =	shalt  }
0x58: {  	_ =	shalt  }
0x59: {  	_ =	shalt  }
0x5a: {  	_ =	shalt  }
0x5b: {  	_ =	shalt  }
0x5c: {  	_ =	shalt  }
0x5d: {  	_ =	shalt  }
0x5e: {  	_ =	shalt  }
0x5f: {  	_ =	shalt  }
0x60: {  	_ =	shalt  }
0x61: {  	_ =	shalt  }
0x62: {  	_ =	shalt  }
0x63: {  	_ =	shalt  }
0x64: {  	_ =	shalt  }
0x65: {  	_ =	shalt  }
0x66: {  	_ =	shalt  }
0x67: {  	_ =	shalt  }
0x68: {  	_ =	shalt  }
0x69: {  	_ =	shalt  }
0x6a: {  	_ =	shalt  }
0x6b: {  	_ =	shalt  }
0x6c: {  	_ =	shalt  }
0x6d: {  	_ =	shalt  }
0x6e: {  	_ =	shalt  }
0x6f: {  	_ =	shalt  }
0x70: {  	_ =	shalt  }
0x71: {  	_ =	shalt  }
0x72: {  	_ =	shalt  }
0x73: {  	_ =	shalt  }
0x74: {  	_ =	shalt  }
0x75: {  	_ =	shalt  }
0x76: {  	_ =	shalt  }
0x77: {  	_ =	shalt  }
0x78: {  	_ =	shalt  }
0x79: {  	_ =	shalt  }
0x7a: {  	_ =	shalt  }
0x7b: {  	_ =	shalt  }
0x7c: {  	_ =	shalt  }
0x7d: {  	_ =	shalt  }
0x7e: {  	_ =	shalt  }
0x7f: {  	_ =	shalt  }
0x80: {  	_ =	shalt  }
0x81: {  	_ =	shalt  }
0x82: {  	_ =	shalt  }
0x83: {  	_ =	shalt  }
0x84: {  	_ =	shalt  }
0x85: {  	_ =	shalt  }
0x86: {  	_ =	shalt  }
0x87: {  	_ =	shalt  }
.Lfunc_end0:
.L_simem_size_0:
called_computation.7_lowered:
.L_overlay_start_0:
0x88: {  	s2 =	sld [smem:$0x3FD9]  }
0x89: {  	s3 =	sld [smem:$0x3FFE];
	_ =	sdelay $0x1  }
0x8a: {  	s1 =	srdreg.scid  }
0x8b: {  	s0 =	sand.u32 $0x1, s1  }
0x8c: {  	s17 =	sshll.u32 s0, $0xA;
	s2 =	sadd.s32 s3, s2  }
0x8d: {  	s2 =	sadd.s32 s2, s17  }
0x8e: {  	[smem:$0x3F91] =	sst s2  }
0x8f: {  	_ = 	snop  }
0x90: {  	(tm) =	ssettm $0x1  }
0x91: {  	s18 =	sld [smem:$0x3FFB];
	_ =	sdelay $0x3  }
0x92: {  	_ =	strace s18  }
0x93: {  	s2 =	sld [smem:$0x3FFC];
	_ =	sdelay $0x3  }
0x94: {  	_ =	strace s2  }
0x95: {  	s2 =	sld [smem:$0x3FFD];
	_ =	sdelay $0x3  }
0x96: {  	_ =	strace s2  }
0x97: {  	_ =	strace $0x8FFFFFFF  }
0x98: {  	s19 =	sld [smem:$0x3FDB];
	_ =	sdelay $0x1  }
0x99: {  	s20 =	simm.s32 $_scs_section_size  }
0x9a: {  	s4 =	simm.s32 $_size__tile_overlayer_lowered;
	s5 =	simm.s32 $_tile_overlayer_lowered  }
0x9b: {  	s6 =	simm.s32 $0x1BFF;
	s21 =	sshll.u32 s5, $0x1;
	s3 =	sadd.s32 s20, s19  }
0x9c: {  	s22 =	simm.s32 $0x0;
	s4 =	sshll.u32 s4, $0x1;
	s5 =	sadd.s32 s21, s3  }
0x9d: {  	[timem:s22], [sflag:s6] =	dma.local [hbm:s5], s4  }
0x9e: {  	_ =	swait.ge [sflag:s6], s4  }
0x9f: {  	s4 =	ssub.s32 $0x0, s4;
	[sflag:s6] =	ssyncset.done $0x0  }
0xa0: {  	[sflag:s6] =	ssyncadd.s32 s4;
	_ =	sdelay $0x1  }
0xa1: {  	s23 =	simm.s32 $0x1B8B  }
0xa2: {  	_ =	swait.ge [sflag:s23], $0x1  }
0xa3: {  	[sflag:s23] =	ssyncset.done $0x0  }
0xa4: {  	[sflag:s23] =	ssyncadd.s32 $0xFFFFFFFF  }
0xa5: {  	s4 =	sld [smem:$0x0]  }
0xa6: {  	s5 =	sand.u32 $0xFFFFFFFE, s1  }
0xa7: {  	p0 =	sne.s32 s1, s5  }
0xa8: {  	s5 =	sshll.u32 @p0 s5, $0xE  }
0xa9: {  	s5 =	sadd.s32 @p0 $0x11B8D, s5;
	s6 =	sshll.u32 @p0 s4, $0x11  }
0xaa: {  	s5 =	sor.u32 @p0 s6, s5  }
0xab: {  	[sflag:s5] =	ssyncadd.remote.s32 @p0 $0x1;
	_ =	sdelay $0x1  }
0xac: {  	s5 =	simm.s32 @p0 $0x1B8D  }
0xad: {  	_ =	swait.eq @p0 [sflag:s5], $0x1  }
0xae: {  	[sflag:s5] =	ssyncadd.s32 @p0 $0xFFFFFFFF  }
0xaf: {  	s6 =	sshll.u32 @!p0 s1, $0xE  }
0xb0: {  	s6 =	sor.u32 @!p0 $0x4000, s6;
	s5 =	simm.s32 @!p0 $0x1B8D  }
0xb1: {  	s4 =	sshll.u32 @!p0 s4, $0x11;
	s6 =	sadd.s32 @!p0 $0x11B8D, s6;
	_ =	swait.eq @!p0 [sflag:s5], $0x1  }
0xb2: {  	s4 =	sor.u32 @!p0 s4, s6;
	[sflag:s5] =	ssyncadd.s32 @!p0 $0xFFFFFFFF  }
0xb3: {  	s25 =	simm.s32 $0x1B8E;
	s24 =	sld [smem:$0x3FFE];
	[sflag:s4] =	ssyncadd.remote.s32 @!p0 $0x1  }
0xb4: {  	s26 =	simm.s32 $execute0_lowered;
	[smem:$0x3FD2] =	sst s25  }
0xb5: {  	s5 =	sshll.u32 s26, $0x1;
	_ =	strace $0x8000005B;
	[dreg:$0x1] =	wrdreg $0xFFFFFFFF  }
0xb6: {  	s28 =	simm.s32 $_size_execute0_lowered;
	s3 =	sadd.s32 s3, s5;
	[dreg:$0x0] =	wrdreg $0x0  }
0xb7: {  	s5 =	sshll.u32 s28, $0x1;
	[dreg:$0x2] =	wrdreg s3  }
0xb8: {  	[dreg:$0x3] =	wrdreg s5  }
0xb9: {  	[dreg:$0x4] =	wrdreg $0xC0  }
0xba: {  	_ =	task [dreg:s22], $0x5FFFF  }
0xbb: {  	[dreg:$0x1] =	wrdreg $0xFFFFFFFF  }
0xbc: {  	[dreg:$0x0] =	wrdreg $0x60  }
0xbd: {  	[dreg:$0x2] =	wrdreg s24  }
0xbe: {  	[dreg:$0x3] =	wrdreg $0xA8000  }
0xbf: {  	[dreg:$0x4] =	wrdreg $0x9  }
0xc0: {  	_ =	task.clear_ibuf [dreg:s22], $0x5FFFF;
	_ =	strace $0x9000005B  }
0xc1: {  	s29 =	simm.s32 $0x9;
	_ =	strace $0x8000005D  }
0xc2: {  	_ =	swait.ge [sflag:s29], $0x1  }
0xc3: {  	[sflag:s29] =	ssyncadd.s32 $0xFFFFFFFF  }
0xc4: {  	_ =	strace $0x9000005D  }
0xc5: {  	_ =	sfence  }
0xc6: {  	s30 =	sld [smem:$0x0];
	_ =	sdelay $0x2  }
0xc7: {  	s31 =	sshll.u32 s1, $0xD;
	s1 =	sshrl.u32 s1, $0x2  }
0xc8: {  	s4 =	sand.u32 $0x4000, s31;
	s1 =	sadd.s32 s1, s30  }
0xc9: {  	s0 =	sor.u32 s4, s0;
	s1 =	sshll.u32 s1, $0x11  }
0xca: {  	s0 =	sor.u32 s1, s0  }
0xcb: {  	s0 =	sadd.s32 $0x8F2B, s0  }
0xcc: {  	[sflag:s0] =	ssyncadd.remote.s32 $0x1  }
0xcd: {  	_ =	sfence.sel $0xFFFF  }
0xce: {  	[dreg:$0x0] =	wrdreg $0xFFFFFFFF;
	(pc) =	sbr.abs _section_cstart, $3  }
0xcf: {  	[dreg:$0x1] =	wrdreg $0xFFFFFFFF  }
0xd0: {  	_ =	task.clear_ibuf [dreg:s22], $0x2FFFF;
	_ =	strace $0x9FFFFFFF  }
0xd1: {  	(tm) =	ssettm $0x7FFFFFFF  }
tec
execute0_lowered:
.L_overlay_start_1:
0x0: {  	(tag) =	ssettag $0x1  }
0x1: {  	s1 =	srdreg.scid  }
0x2: {  	s0 =	stileid.u32;
	s6 =	rddreg [dreg:$0x0]  }
0x3: {  	s2 =	rddreg [dreg:$0x1];
	s3 =	simm.s32 $0x0;
	s13 =	simm.s32 $0x1400  }
0x4: {  	s14 =	simm.s32 $0x80;
	s15 =	simm.s32 $0x2800;
	s16 =	simm.s32 $0x6800  }
0x5: {  	s17 =	simm.s32 $0x1;
	s18 =	simm.s32 $0x2;
	s19 =	simm.s32 $0x3  }
0x6: {  	s20 =	simm.s32 $0x4;
	s21 =	simm.s32 $0x2600;
	s22 =	simm.s32 $0x2680  }
0x7: {  	s23 =	simm.s32 $0x1300;
	s28 =	simm.s32 $0x0;
	s5 =	sand.u32 $0x1, s1  }
0x8: {  	s24 =	sshll.u32 s0, $0x1;
	s8 =	smul.u32 $0x13C00, s0;
	[smem:$0x7FF] =	sst s3  }
0x9: {  	s4 =	sadd.s32 $0x177200, s6;
	s30 =	smul.u32 $0x4F000, s0;
	s31 =	sshll.u32 s0, $0x6  }
0xa: {  	s1 =	sor.u32 s5, s24;
	s9 =	smul.u32 $0x13C000, s5;
	s5 =	ssub.s32 $0x2, s5  }
0xb: {  	s24 =	simm.s32 $0x1380;
	s7 =	smul.u32 $0x280, s1;
	s1 =	rddreg [dreg:$0x2]  }
0xc: {  	_ =	strace $0x8000005C;
	s25 =	sshrl.u32 s8, $0x3;
	s29 =	sshrl.u32 s5, $0x1  }
0xd: {  	s8 =	sadd.s32 s8, s9;
	s11 =	ssub.s32 s5, s29;
	s10 =	sadd.s32 s7, s6  }
0xe: {  	s7 =	sadd.s32 s25, s6;
	s8 =	sshrl.u32 s8, $0x3;
	s25 =	simm.s32 $0x2700  }
0xf: {  	s26 =	sadd.s32 s8, s6;
	s5 =	sadd.s32 $0x100A00, s7;
	s8 =	sshrl.u32 s30, $0x2  }
0x10: {  	s6 =	sor.u32 $0x1C05, s31;
	s7 =	sadd.s32 $0x266800, s10;
	s12 =	sadd.s32 s8, s2  }
0x11: {  	s8 =	sadd.s32 $0x261800, s10;
	s9 =	sadd.s32 $0x292A00, s26;
	s10 =	smax.u32 s11, $0x1  }
0x12: {  	s26 =	simm.s32 $0x2780;
	s11 =	sshrl.u32 s12, $0x3;
	s12 =	simm.s32 $0x5  }
.LBB2_1:
0x13: {  	[spmem:s11], [sflag:s6] =	dma.local [hbm:s5], $0x2780  }
0x14: {  	_ =	swait.ge [sflag:s12], $0x2780  }
0x15: {  	[sflag:s12] =	ssyncset.done $0x0  }
0x16: {  	[sflag:s12] =	ssyncadd.s32 $0xFFFFD880  }
0x17: {  	[tilespmem:s3], [sflag:$0x5] =	stream.linear.gather [hbm4b:s7+s3], $0x1400, $0x38;
	[tilespmem:$0x1E400] =	vst v63  }
0x18: {  	_ =	swait.ge [sflag:s12], $0x1400  }
0x19: {  	[sflag:s12] =	ssyncset.done $0x0  }
0x1a: {  	[sflag:s12] =	ssyncadd.s32 $0xFFFFEC00  }
0x1b: {  	[tilespmem:s13], [sflag:$0x5] =	stream.linear.gather [hbm4b:s8+s3], $0x1400, $0x38;
	[tilespmem:$0x1E400] =	vst v63  }
0x1c: {  	_ =	swait.ge [sflag:s12], $0x1400  }
0x1d: {  	[sflag:s12] =	ssyncset.done $0x0  }
0x1e: {  	[sflag:s12] =	ssyncadd.s32 $0xFFFFEC00  }
0x1f: {  	[bflag:$0x0] =	sbarrier.arrive $0xFFFF  }
0x20: {  	[tilespmem:s15], [sflag:$0x1] =	stream.indirect.gather [hbm4b:s4+s14], $0x80, s3, s14, $0xb8;
	[tilespmem:$0x1E400] =	vst v63  }
0x21: {  	_ = 	snop  }
0x22: {  	[tilespmem:s16], [sflag:$0x2] =	stream.indirect.gather [hbm4b:s4+s14], $0x80, s14, s14, $0xb8;
	[tilespmem:$0x1E400] =	vst v63  }
0x23: {  	_ =	swait.ge [sflag:s17], $0x4000  }
0x24: {  	[sflag:s17] =	ssyncset.done $0x0  }
0x25: {  	s29 =	simm.s32 $0x1400;
	[sflag:s17] =	ssyncadd.s32 $0xFFFFC000  }
0x26: {  	[spmem:s2] =	stream.indirect.scatter.add.f32 [tilespmem:s15], [sflag:$0x3], $0x80, s29, s14, $0xb8;
	[tilespmem:$0x1E400] =	vst v63  }
0x27: {  	_ =	swait.ge [sflag:s18], $0x4000  }
0x28: {  	[sflag:s18] =	ssyncset.done $0x0  }
0x29: {  	s29 =	simm.s32 $0x1480;
	[sflag:s18] =	ssyncadd.s32 $0xFFFFC000  }
0x2a: {  	[spmem:s2] =	stream.indirect.scatter.add.f32 [tilespmem:s16], [sflag:$0x4], $0x80, s29, s14, $0xb8;
	[tilespmem:$0x1E400] =	vst v63  }
0x2b: {  	_ =	swait.ge [sflag:s19], $0x4000  }
0x2c: {  	[sflag:s19] =	ssyncset.done $0x0  }
0x2d: {  	s29 =	simm.s32 $0x100;
	[sflag:s19] =	ssyncadd.s32 $0xFFFFC000  }
0x2e: {  	[tilespmem:s15], [sflag:$0x1] =	stream.indirect.gather [hbm4b:s4+s14], $0x80, s29, s14, $0xb8;
	[tilespmem:$0x1E400] =	vst v63  }
0x2f: {  	_ =	swait.ge [sflag:s20], $0x4000  }
0x30: {  	[sflag:s20] =	ssyncset.done $0x0  }
0x31: {  	s30 =	simm.s32 $0x180;
	s29 =	simm.s32 $0x400;
	[sflag:s20] =	ssyncadd.s32 $0xFFFFC000  }
.LBB2_2:
0x32: {  	[tilespmem:s16], [sflag:$0x2] =	stream.indirect.gather [hbm4b:s4+s14], $0x80, s30, s14, $0xb8;
	[tilespmem:$0x1E400] =	vst v63  }
0x33: {  	s30 =	smov.u32 s29  }
0x34: {  	p0 =	sne.s32 s29, $0x4400;
	s29 =	sadd.s32 $0x400, s29;
	_ =	swait.ge [sflag:s17], $0x4000  }
0x35: {  	s30 =	sshra.s32 s30, $0x2;
	[sflag:s17] =	ssyncset.done $0x0  }
0x36: {  	s31 =	sadd.s32 $0x1400, s30;
	[sflag:s17] =	ssyncadd.s32 $0xFFFFC000  }
0x37: {  	[spmem:s2] =	stream.indirect.scatter.add.f32 [tilespmem:s15], [sflag:$0x3], $0x80, s31, s14, $0xb8;
	[tilespmem:$0x1E400] =	vst v63  }
0x38: {  	_ =	swait.ge [sflag:s18], $0x4000  }
0x39: {  	[sflag:s18] =	ssyncset.done $0x0  }
0x3a: {  	s31 =	sadd.s32 $0x1480, s30;
	[sflag:s18] =	ssyncadd.s32 $0xFFFFC000  }
0x3b: {  	[spmem:s2] =	stream.indirect.scatter.add.f32 [tilespmem:s16], [sflag:$0x4], $0x80, s31, s14, $0xb8;
	[tilespmem:$0x1E400] =	vst v63  }
0x3c: {  	_ =	swait.ge [sflag:s19], $0x4000  }
0x3d: {  	[sflag:s19] =	ssyncset.done $0x0  }
.Ltmp0:
0x3e: {  	s31 =	sadd.s32 $0x100, s30;
	[sflag:s19] =	ssyncadd.s32 $0xFFFFC000;
	(pc) =	sbr.rel @p0 .LBB2_2-.Ltmp0, $4  }
0x3f: {  	[tilespmem:s15], [sflag:$0x1] =	stream.indirect.gather [hbm4b:s4+s14], $0x80, s31, s14, $0xb8;
	[tilespmem:$0x1E400] =	vst v63  }
0x40: {  	_ =	swait.ge [sflag:s20], $0x4000  }
0x41: {  	[sflag:s20] =	ssyncset.done $0x0  }
0x42: {  	s30 =	sadd.s32 $0x180, s30;
	[sflag:s20] =	ssyncadd.s32 $0xFFFFC000  }
0x43: {  	[tilespmem:s16], [sflag:$0x2] =	stream.indirect.gather [hbm4b:s4+s14], $0x80, s30, s14, $0xb8;
	[tilespmem:$0x1E400] =	vst v63  }
0x44: {  	_ =	swait.ge [sflag:s17], $0x4000  }
0x45: {  	[sflag:s17] =	ssyncset.done $0x0  }
0x46: {  	[sflag:s17] =	ssyncadd.s32 $0xFFFFC000  }
0x47: {  	[spmem:s2] =	stream.indirect.scatter.add.f32 [tilespmem:s15], [sflag:$0x3], $0x80, s21, s14, $0xb8;
	[tilespmem:$0x1E400] =	vst v63  }
0x48: {  	_ =	swait.ge [sflag:s18], $0x4000  }
0x49: {  	[sflag:s18] =	ssyncset.done $0x0  }
0x4a: {  	[sflag:s18] =	ssyncadd.s32 $0xFFFFC000  }
0x4b: {  	[spmem:s2] =	stream.indirect.scatter.add.f32 [tilespmem:s16], [sflag:$0x4], $0x80, s22, s14, $0xb8;
	[tilespmem:$0x1E400] =	vst v63  }
0x4c: {  	_ =	swait.ge [sflag:s19], $0x4000  }
0x4d: {  	[sflag:s19] =	ssyncset.done $0x0  }
0x4e: {  	[sflag:s19] =	ssyncadd.s32 $0xFFFFC000  }
0x4f: {  	[tilespmem:s15], [sflag:$0x1] =	stream.indirect.gather [hbm4b:s4+s14], $0x80, s23, s14, $0xb8;
	[tilespmem:$0x1E400] =	vst v63  }
0x50: {  	_ =	swait.ge [sflag:s20], $0x4000  }
0x51: {  	[sflag:s20] =	ssyncset.done $0x0  }
0x52: {  	[sflag:s20] =	ssyncadd.s32 $0xFFFFC000  }
0x53: {  	[tilespmem:s16], [sflag:$0x2] =	stream.indirect.gather [hbm4b:s4+s14], $0x80, s24, s14, $0xb8;
	[tilespmem:$0x1E400] =	vst v63  }
0x54: {  	_ =	swait.ge [sflag:s17], $0x4000  }
0x55: {  	[sflag:s17] =	ssyncset.done $0x0  }
0x56: {  	[sflag:s17] =	ssyncadd.s32 $0xFFFFC000  }
0x57: {  	[spmem:s2] =	stream.indirect.scatter.add.f32 [tilespmem:s15], [sflag:$0x3], $0x80, s25, s14, $0xb8;
	[tilespmem:$0x1E400] =	vst v63  }
0x58: {  	_ =	swait.ge [sflag:s18], $0x4000  }
0x59: {  	[sflag:s18] =	ssyncset.done $0x0  }
0x5a: {  	[sflag:s18] =	ssyncadd.s32 $0xFFFFC000  }
0x5b: {  	[spmem:s2] =	stream.indirect.scatter.add.f32 [tilespmem:s16], [sflag:$0x4], $0x80, s26, s14, $0xb8;
	[tilespmem:$0x1E400] =	vst v63  }
0x5c: {  	_ =	swait.ge [sflag:s19], $0x4000  }
0x5d: {  	[sflag:s19] =	ssyncset.done $0x0  }
0x5e: {  	[sflag:s19] =	ssyncadd.s32 $0xFFFFC000  }
0x5f: {  	[tilespmem:s15], [sflag:$0x1] =	stream.indirect.gather [hbm4b:s4+s14], $0x80, s24, s14, $0xb8;
	[tilespmem:$0x1E400] =	vst v63  }
0x60: {  	_ =	swait.ge [sflag:s20], $0x4000  }
0x61: {  	[sflag:s20] =	ssyncset.done $0x0  }
0x62: {  	[sflag:s20] =	ssyncadd.s32 $0xFFFFC000  }
0x63: {  	[tilespmem:s16], [sflag:$0x2] =	stream.indirect.gather [hbm4b:s4+s14], $0x80, s24, s14, $0xb8;
	[tilespmem:$0x1E400] =	vst v63  }
0x64: {  	_ =	swait.ge [sflag:s17], $0x4000  }
0x65: {  	[sflag:s17] =	ssyncset.done $0x0  }
0x66: {  	[sflag:s17] =	ssyncadd.s32 $0xFFFFC000  }
0x67: {  	_ =	swait.ge [sflag:s18], $0x4000  }
0x68: {  	s28 =	sadd.s32 $0x1, s28;
	[sflag:s18] =	ssyncset.done $0x0  }
0x69: {  	p0 =	sne.s32 s28, s10;
	[sflag:s18] =	ssyncadd.s32 $0xFFFFC000  }
.Ltmp1:
0x6a: {  	[bflag:$0x0] =	sbarrier.arrive $0xFFFF;
	(pc) =	sbr.rel @p0 .LBB2_1-.Ltmp1, $4  }
0x6b: {  	[hbm:s9], [sflag:s6] =	dma.local [spmem:s11], $0x2780  }
0x6c: {  	_ =	swait.ge [sflag:s12], $0x2780  }
0x6d: {  	[sflag:s12] =	ssyncset.done $0x0  }
0x6e: {  	[sflag:s12] =	ssyncadd.s32 $0xFFFFD880  }
0x6f: {  	_ =	sfence.sel $0x180000  }
0x70: {  	[bflag:$0x0] =	sbarrier.arrive $0xFFFF  }
0x71: {  	p0 =	sne.s32 s0, $0x0;
	_ =	strace $0x9000005C  }
0x72: {  	s0 =	sadd.s32 @!p0 $0x100000, s1;
	[bflag:$0x2] =	sbarrier.arrive $0xFFFF  }
0x73: {  	[sflag:s0] =	ssyncadd.tile.s32 @!p0 $0x1;
	_ =	shalt  }
.Lfunc_end2:
_tile_overlayer_lowered:
.L_overlay_start_2:
0x74: {  	(tag) =	ssettag $0x2  }
0x75: {  	s0 =	rddreg [dreg:$0x0];
	s2 =	stileid.u32  }
0x76: {  	s1 =	rddreg [dreg:$0x1];
	p0 =	sne.s32 s2, $0x0  }
0x77: {  	s3 =	rddreg [dreg:$0x2];
	[bflag:$0x3] =	sbarrier.arrive $0xFFFF;
	s2 =	simm.s32 @!p0 $0x1C05  }
0x78: {  	[timem:s3], [sflag:s2] =	dma.local @!p0 [hbm:s0], s1  }
0x79: {  	s0 =	simm.s32 @!p0 $0x5  }
0x7a: {  	_ =	swait.ge @!p0 [sflag:s0], s1  }
0x7b: {  	s1 =	ssub.s32 @!p0 $0x0, s1;
	[sflag:s0] =	ssyncset.done @!p0 $0x0  }
0x7c: {  	[sflag:s0] =	ssyncadd.s32 @!p0 s1  }
0x7d: {  	[bflag:$0x3] =	sbarrier.arrive $0xFFFF  }
0x7e: {  	_ =	shalt  }

// kernel: kernel.61.cloned.1.call-start
scs
__scs_entry_jumppad:
0x0: {  	(pc) =	sbr.rel $0x88, $3  }
0x1: {  	(tag) =	ssettag $0x0;
	lr =	simm.s32 $0x1  }
0x2: {  	[smem:$0x3F6A] =	sst lr;
	_ =	strace $0xD0000000  }
0x3: {  	_ = 	snop  }
0x4: {  	_ = 	snop  }
0x5: {  	_ = 	snop  }
0x6: {  	_ = 	snop  }
0x7: {  	_ = 	snop  }
__scs_overlays_trampoline_lowered:
0x8: {  	[smem:$0x3F79] =	sst s0  }
0x9: {  	[smem:$0x3F7A] =	sst s1  }
0xa: {  	[smem:$0x3F7B] =	sst s2  }
0xb: {  	[smem:$0x3F7C] =	sst s3  }
0xc: {  	[smem:$0x3F7D] =	sst s4  }
0xd: {  	[smem:$0x3F7E] =	sst s5  }
0xe: {  	[smem:$0x3F7F] =	sst s6  }
0xf: {  	[smem:$0x3F80] =	sst s7  }
0x10: {  	[smem:$0x3F81] =	sst s8  }
0x11: {  	[smem:$0x3F82] =	sst s9;
	s0 =	simm.s32 @!p0 $0x0  }
0x12: {  	s1 =	sld [smem:$0x3F68];
	s0 =	simm.s32 @p0 $0x1  }
0x13: {  	[smem:$0x3F83] =	sst s0;
	s0 =	simm.s32 @!p1 $0x0  }
0x14: {  	s2 =	sld [smem:$0x3F67];
	s0 =	simm.s32 @p1 $0x1  }
0x15: {  	[smem:$0x3F84] =	sst s0;
	s0 =	simm.s32 @!p2 $0x0  }
0x16: {  	s3 =	sld [smem:$0x3FDB];
	s0 =	simm.s32 @p2 $0x1  }
0x17: {  	s4 =	simm.s32 $0x1BF5;
	[smem:$0x3F86] =	sst s0  }
0x18: {  	s0 =	sld [smem:$0x3F69];
	_ =	swait.ge [sflag:s4], $0x0  }
0x19: {  	s7 =	sld [smem:$0x3F6A]  }
0x1a: {  	s8 =	sadd.s32 $0xFFFFE003, lr  }
0x1b: {  	s9 =	sadd.s32 $0xFFFFFEF7, lr;
	s5 =	simm.s32 $0xFFFFFFFF;
	p2 =	slt.u32 s8, $0xFFFFF086  }
0x1c: {  	p1 =	slt.u32 s9, $0xF7A;
	s5 =	simm.s32 @!p2 $0x0  }
0x1d: {  	s5 =	simm.s32 @p1 $0x1;
	p0 =	seq.s32 s7, s2  }
0x1e: {  	s7 =	smul.u32 @!p0 $0xF7A, s2;
	p2 =	seq.s32 @!p0 s5, $0x0  }
0x1f: {  	s9 =	smul.u32 $0xF7A, s1;
	s8 =	simm.s32 @!p0 $0x1BF5;
	p2 =	por !p2, p0  }
0x20: {  	[sflag:s8] =	ssyncset.s32 @!p0 $0xFFFFF086;
	s6 =	sadd.s32 @!p0 s3, s7;
	s7 =	simm.s32 @!p0 $0x108  }
0x21: {  	s3 =	sadd.s32 s3, s9;
	s6 =	sadd.s32 @!p0 $0x88, s6;
	s7 =	simm.s32 @p2 $0x1082  }
0x22: {  	[simem:s7], [sflag:s8] =	dma.local @!p0 [hbm:s6], $0xF7A  }
0x23: {  	s9 =	sor.u32 $0xD0000000, s2;
	s6 =	simm.s32 $0x108;
	_ =	swait.ge @!p0 [sflag:s8], $0x0  }
0x24: {  	s3 =	sadd.s32 $0x88, s3;
	s6 =	simm.s32 @!p1 $0x1082;
	[sflag:s4] =	ssyncset.s32 $0xFFFFF086  }
0x25: {  	[simem:s6], [sflag:s4] =	dma.local [hbm:s3], $0xF7A  }
0x26: {  	[smem:$0x3F6A] =	sst s1;
	(tag) =	ssettag s2;
	_ =	strace s9  }
0x27: {  	s1 =	sld [smem:$0x3F7A]  }
0x28: {  	s2 =	sld [smem:$0x3F7B]  }
0x29: {  	s4 =	sld [smem:$0x3F7D]  }
0x2a: {  	p0 =	seq.s32 s5, $0x0;
	s5 =	sld [smem:$0x3F7E]  }
0x2b: {  	s6 =	sld [smem:$0x3F7F]  }
0x2c: {  	s7 =	sld [smem:$0x3F80]  }
0x2d: {  	s3 =	simm.s32 $0x108;
	s8 =	sld [smem:$0x3F81]  }
0x2e: {  	s3 =	simm.s32 @!p0 $0x1082;
	s9 =	sld [smem:$0x3F82]  }
0x2f: {  	lr =	sadd.s32 s0, s3;
	s0 =	sld [smem:$0x3F79]  }
0x30: {  	s3 =	sld [smem:$0x3F7C]  }
0x31: {  	[smem:$0x3F85] =	sst s10  }
0x32: {  	s10 =	sld [smem:$0x3F83];
	_ =	sdelay $0x3  }
0x33: {  	p0 =	seq.s32 s10, $0x1;
	s10 =	sld [smem:$0x3F85];
	_ =	sdelay $0x3  }
0x34: {  	[smem:$0x3F85] =	sst s10  }
0x35: {  	s10 =	sld [smem:$0x3F84];
	_ =	sdelay $0x3  }
0x36: {  	p1 =	seq.s32 s10, $0x1;
	s10 =	sld [smem:$0x3F85];
	_ =	sdelay $0x3  }
0x37: {  	[smem:$0x3F85] =	sst s10  }
0x38: {  	s10 =	sld [smem:$0x3F86]  }
0x39: {  	_ = 	snop;
	(pc) =	sbr.ind lr, $3  }
0x3a: {  	_ = 	snop  }
0x3b: {  	_ = 	snop  }
0x3c: {  	p2 =	seq.s32 s10, $0x1;
	s10 =	sld [smem:$0x3F85]  }
0x3d: {  	_ =	shalt  }
0x3e: {  	_ =	shalt  }
0x3f: {  	_ =	shalt  }
0x40: {  	_ =	shalt  }
0x41: {  	_ =	shalt  }
0x42: {  	_ =	shalt  }
0x43: {  	_ =	shalt  }
0x44: {  	_ =	shalt  }
0x45: {  	_ =	shalt  }
0x46: {  	_ =	shalt  }
0x47: {  	_ =	shalt  }
0x48: {  	_ =	shalt  }
0x49: {  	_ =	shalt  }
0x4a: {  	_ =	shalt  }
0x4b: {  	_ =	shalt  }
0x4c: {  	_ =	shalt  }
0x4d: {  	_ =	shalt  }
0x4e: {  	_ =	shalt  }
0x4f: {  	_ =	shalt  }
0x50: {  	_ =	shalt  }
0x51: {  	_ =	shalt  }
0x52: {  	_ =	shalt  }
0x53: {  	_ =	shalt  }
0x54: {  	_ =	shalt  }
0x55: {  	_ =	shalt  }
0x56: {  	_ =	shalt  }
0x57: {  	_ =	shalt  }
0x58: {  	_ =	shalt  }
0x59: {  	_ =	shalt  }
0x5a: {  	_ =	shalt  }
0x5b: {  	_ =	shalt  }
0x5c: {  	_ =	shalt  }
0x5d: {  	_ =	shalt  }
0x5e: {  	_ =	shalt  }
0x5f: {  	_ =	shalt  }
0x60: {  	_ =	shalt  }
0x61: {  	_ =	shalt  }
0x62: {  	_ =	shalt  }
0x63: {  	_ =	shalt  }
0x64: {  	_ =	shalt  }
0x65: {  	_ =	shalt  }
0x66: {  	_ =	shalt  }
0x67: {  	_ =	shalt  }
0x68: {  	_ =	shalt  }
0x69: {  	_ =	shalt  }
0x6a: {  	_ =	shalt  }
0x6b: {  	_ =	shalt  }
0x6c: {  	_ =	shalt  }
0x6d: {  	_ =	shalt  }
0x6e: {  	_ =	shalt  }
0x6f: {  	_ =	shalt  }
0x70: {  	_ =	shalt  }
0x71: {  	_ =	shalt  }
0x72: {  	_ =	shalt  }
0x73: {  	_ =	shalt  }
0x74: {  	_ =	shalt  }
0x75: {  	_ =	shalt  }
0x76: {  	_ =	shalt  }
0x77: {  	_ =	shalt  }
0x78: {  	_ =	shalt  }
0x79: {  	_ =	shalt  }
0x7a: {  	_ =	shalt  }
0x7b: {  	_ =	shalt  }
0x7c: {  	_ =	shalt  }
0x7d: {  	_ =	shalt  }
0x7e: {  	_ =	shalt  }
0x7f: {  	_ =	shalt  }
0x80: {  	_ =	shalt  }
0x81: {  	_ =	shalt  }
0x82: {  	_ =	shalt  }
0x83: {  	_ =	shalt  }
0x84: {  	_ =	shalt  }
0x85: {  	_ =	shalt  }
0x86: {  	_ =	shalt  }
0x87: {  	_ =	shalt  }
.Lfunc_end0:
.L_simem_size_0:
called_computation.8_lowered:
.L_overlay_start_0:
0x88: {  	s2 =	sld [smem:$0x3FD9]  }
0x89: {  	s3 =	sld [smem:$0x3FFE];
	_ =	sdelay $0x1  }
0x8a: {  	s1 =	srdreg.scid  }
0x8b: {  	s0 =	sand.u32 $0x1, s1  }
0x8c: {  	s17 =	sshll.u32 s0, $0xA;
	s2 =	sadd.s32 s3, s2  }
0x8d: {  	s2 =	sadd.s32 s2, s17  }
0x8e: {  	[smem:$0x3F91] =	sst s2  }
0x8f: {  	_ = 	snop  }
0x90: {  	(tm) =	ssettm $0x1  }
0x91: {  	s18 =	sld [smem:$0x3FFB];
	_ =	sdelay $0x3  }
0x92: {  	_ =	strace s18  }
0x93: {  	s2 =	sld [smem:$0x3FFC];
	_ =	sdelay $0x3  }
0x94: {  	_ =	strace s2  }
0x95: {  	s2 =	sld [smem:$0x3FFD];
	_ =	sdelay $0x3  }
0x96: {  	_ =	strace s2  }
0x97: {  	_ =	strace $0x8FFFFFFF  }
0x98: {  	s19 =	sld [smem:$0x3FDB];
	_ =	sdelay $0x1  }
0x99: {  	s20 =	simm.s32 $_scs_section_size  }
0x9a: {  	s4 =	simm.s32 $_size__tile_overlayer_lowered;
	s5 =	simm.s32 $_tile_overlayer_lowered  }
0x9b: {  	s6 =	simm.s32 $0x1BFF;
	s21 =	sshll.u32 s5, $0x1;
	s3 =	sadd.s32 s20, s19  }
0x9c: {  	s22 =	simm.s32 $0x0;
	s4 =	sshll.u32 s4, $0x1;
	s5 =	sadd.s32 s21, s3  }
0x9d: {  	[timem:s22], [sflag:s6] =	dma.local [hbm:s5], s4  }
0x9e: {  	_ =	swait.ge [sflag:s6], s4  }
0x9f: {  	s4 =	ssub.s32 $0x0, s4;
	[sflag:s6] =	ssyncset.done $0x0  }
0xa0: {  	[sflag:s6] =	ssyncadd.s32 s4;
	_ =	sdelay $0x1  }
0xa1: {  	s23 =	simm.s32 $0x1B8B  }
0xa2: {  	_ =	swait.ge [sflag:s23], $0x1  }
0xa3: {  	[sflag:s23] =	ssyncset.done $0x0  }
0xa4: {  	[sflag:s23] =	ssyncadd.s32 $0xFFFFFFFF  }
0xa5: {  	s4 =	sld [smem:$0x0]  }
0xa6: {  	s5 =	sand.u32 $0xFFFFFFFE, s1  }
0xa7: {  	p0 =	sne.s32 s1, s5  }
0xa8: {  	s5 =	sshll.u32 @p0 s5, $0xE  }
0xa9: {  	s5 =	sadd.s32 @p0 $0x11B8D, s5;
	s6 =	sshll.u32 @p0 s4, $0x11  }
0xaa: {  	s5 =	sor.u32 @p0 s6, s5  }
0xab: {  	[sflag:s5] =	ssyncadd.remote.s32 @p0 $0x1;
	_ =	sdelay $0x1  }
0xac: {  	s5 =	simm.s32 @p0 $0x1B8D  }
0xad: {  	_ =	swait.eq @p0 [sflag:s5], $0x1  }
0xae: {  	[sflag:s5] =	ssyncadd.s32 @p0 $0xFFFFFFFF  }
0xaf: {  	s6 =	sshll.u32 @!p0 s1, $0xE  }
0xb0: {  	s6 =	sor.u32 @!p0 $0x4000, s6;
	s5 =	simm.s32 @!p0 $0x1B8D  }
0xb1: {  	s4 =	sshll.u32 @!p0 s4, $0x11;
	s6 =	sadd.s32 @!p0 $0x11B8D, s6;
	_ =	swait.eq @!p0 [sflag:s5], $0x1  }
0xb2: {  	s4 =	sor.u32 @!p0 s4, s6;
	[sflag:s5] =	ssyncadd.s32 @!p0 $0xFFFFFFFF  }
0xb3: {  	s25 =	simm.s32 $0x1B8E;
	s24 =	sld [smem:$0x3FFE];
	[sflag:s4] =	ssyncadd.remote.s32 @!p0 $0x1  }
0xb4: {  	s26 =	simm.s32 $execute0_lowered;
	[smem:$0x3FD2] =	sst s25  }
0xb5: {  	s5 =	sshll.u32 s26, $0x1;
	_ =	strace $0x8000005E;
	[dreg:$0x1] =	wrdreg $0xFFFFFFFF  }
0xb6: {  	s28 =	simm.s32 $_size_execute0_lowered;
	s3 =	sadd.s32 s3, s5;
	[dreg:$0x0] =	wrdreg $0x0  }
0xb7: {  	s5 =	sshll.u32 s28, $0x1;
	[dreg:$0x2] =	wrdreg s3  }
0xb8: {  	[dreg:$0x3] =	wrdreg s5  }
0xb9: {  	[dreg:$0x4] =	wrdreg $0xC0  }
0xba: {  	_ =	task [dreg:s22], $0x5FFFF  }
0xbb: {  	[dreg:$0x1] =	wrdreg $0xFFFFFFFF  }
0xbc: {  	[dreg:$0x0] =	wrdreg $0x60  }
0xbd: {  	[dreg:$0x2] =	wrdreg s24  }
0xbe: {  	[dreg:$0x3] =	wrdreg $0xA8000  }
0xbf: {  	[dreg:$0x4] =	wrdreg $0xA  }
0xc0: {  	_ =	task.clear_ibuf [dreg:s22], $0x5FFFF;
	_ =	strace $0x9000005E  }
0xc1: {  	s29 =	simm.s32 $0xA;
	_ =	strace $0x80000060  }
0xc2: {  	_ =	swait.ge [sflag:s29], $0x1  }
0xc3: {  	[sflag:s29] =	ssyncadd.s32 $0xFFFFFFFF  }
0xc4: {  	_ =	strace $0x90000060  }
0xc5: {  	_ =	sfence  }
0xc6: {  	s30 =	sld [smem:$0x0];
	_ =	sdelay $0x2  }
0xc7: {  	s31 =	sshll.u32 s1, $0xD;
	s1 =	sshrl.u32 s1, $0x2  }
0xc8: {  	s4 =	sand.u32 $0x4000, s31;
	s1 =	sadd.s32 s1, s30  }
0xc9: {  	s0 =	sor.u32 s4, s0;
	s1 =	sshll.u32 s1, $0x11  }
0xca: {  	s0 =	sor.u32 s1, s0  }
0xcb: {  	s0 =	sadd.s32 $0x8F2B, s0  }
0xcc: {  	[sflag:s0] =	ssyncadd.remote.s32 $0x1  }
0xcd: {  	_ =	sfence.sel $0xFFFF  }
0xce: {  	[dreg:$0x0] =	wrdreg $0xFFFFFFFF;
	(pc) =	sbr.abs _section_cstart, $3  }
0xcf: {  	[dreg:$0x1] =	wrdreg $0xFFFFFFFF  }
0xd0: {  	_ =	task.clear_ibuf [dreg:s22], $0x2FFFF;
	_ =	strace $0x9FFFFFFF  }
0xd1: {  	(tm) =	ssettm $0x7FFFFFFF  }
tec
execute0_lowered:
.L_overlay_start_1:
0x0: {  	(tag) =	ssettag $0x1  }
0x1: {  	s1 =	srdreg.scid  }
0x2: {  	s0 =	stileid.u32;
	s6 =	rddreg [dreg:$0x0]  }
0x3: {  	s2 =	rddreg [dreg:$0x1];
	s3 =	simm.s32 $0x0;
	s14 =	simm.s32 $0x80  }
0x4: {  	s15 =	simm.s32 $0x2800;
	s16 =	simm.s32 $0x6800;
	s17 =	simm.s32 $0x1  }
0x5: {  	s18 =	simm.s32 $0x2;
	s19 =	simm.s32 $0x3;
	s20 =	simm.s32 $0x4  }
0x6: {  	s21 =	simm.s32 $0x2600;
	s22 =	simm.s32 $0x2680;
	s23 =	simm.s32 $0x1300  }
0x7: {  	s28 =	simm.s32 $0x0;
	s5 =	sand.u32 $0x1, s1;
	s24 =	sshll.u32 s0, $0x1  }
0x8: {  	s8 =	smul.u32 $0x13C00, s0;
	[smem:$0x7FF] =	sst s3;
	s4 =	sadd.s32 $0x16400, s6  }
0x9: {  	s26 =	smul.u32 $0x4F000, s0;
	s31 =	sshll.u32 s0, $0x6;
	s1 =	sor.u32 s5, s24  }
0xa: {  	s9 =	smul.u32 $0x13C000, s5;
	s5 =	ssub.s32 $0x2, s5;
	s24 =	simm.s32 $0x1380  }
0xb: {  	s7 =	smul.u32 $0x280, s1;
	s1 =	rddreg [dreg:$0x2];
	_ =	strace $0x8000005F  }
0xc: {  	s25 =	sshrl.u32 s8, $0x3;
	s29 =	sshrl.u32 s5, $0x1;
	s30 =	sshrl.u32 s26, $0x2  }
0xd: {  	s26 =	simm.s32 $0x2780;
	s8 =	sadd.s32 s8, s9;
	s12 =	ssub.s32 s5, s29  }
0xe: {  	s13 =	sadd.s32 s30, s2;
	s10 =	sadd.s32 s7, s6;
	s8 =	sshrl.u32 s8, $0x3  }
0xf: {  	s7 =	sadd.s32 s25, s6;
	s25 =	simm.s32 $0x2700;
	s11 =	sadd.s32 s8, s6  }
0x10: {  	s5 =	sadd.s32 $0x100A00, s7;
	s6 =	sor.u32 $0x1C05, s31;
	s7 =	sadd.s32 $0xC400, s10  }
0x11: {  	s8 =	sadd.s32 $0x11400, s10;
	s10 =	smax.u32 s12, $0x1;
	s12 =	simm.s32 $0x5  }
0x12: {  	s9 =	sadd.s32 $0x128200, s11;
	s11 =	sshrl.u32 s13, $0x3;
	s13 =	simm.s32 $0x1400  }
.LBB2_1:
0x13: {  	[spmem:s11], [sflag:s6] =	dma.local [hbm:s5], $0x2780  }
0x14: {  	_ =	swait.ge [sflag:s12], $0x2780  }
0x15: {  	[sflag:s12] =	ssyncset.done $0x0  }
0x16: {  	[sflag:s12] =	ssyncadd.s32 $0xFFFFD880  }
0x17: {  	[tilespmem:s3], [sflag:$0x5] =	stream.linear.gather [hbm4b:s7+s3], $0x1400, $0x38;
	[tilespmem:$0x1E400] =	vst v63  }
0x18: {  	_ =	swait.ge [sflag:s12], $0x1400  }
0x19: {  	[sflag:s12] =	ssyncset.done $0x0  }
0x1a: {  	[sflag:s12] =	ssyncadd.s32 $0xFFFFEC00  }
0x1b: {  	[tilespmem:s13], [sflag:$0x5] =	stream.linear.gather [hbm4b:s8+s3], $0x1400, $0x38;
	[tilespmem:$0x1E400] =	vst v63  }
0x1c: {  	_ =	swait.ge [sflag:s12], $0x1400  }
0x1d: {  	[sflag:s12] =	ssyncset.done $0x0  }
0x1e: {  	[sflag:s12] =	ssyncadd.s32 $0xFFFFEC00  }
0x1f: {  	[bflag:$0x0] =	sbarrier.arrive $0xFFFF  }
0x20: {  	[tilespmem:s15], [sflag:$0x1] =	stream.indirect.gather [hbm4b:s4+s14], $0x80, s3, s14, $0xb8;
	[tilespmem:$0x1E400] =	vst v63  }
0x21: {  	_ = 	snop  }
0x22: {  	[tilespmem:s16], [sflag:$0x2] =	stream.indirect.gather [hbm4b:s4+s14], $0x80, s14, s14, $0xb8;
	[tilespmem:$0x1E400] =	vst v63  }
0x23: {  	_ =	swait.ge [sflag:s17], $0x4000  }
0x24: {  	[sflag:s17] =	ssyncset.done $0x0  }
0x25: {  	s29 =	simm.s32 $0x1400;
	[sflag:s17] =	ssyncadd.s32 $0xFFFFC000  }
0x26: {  	[spmem:s2] =	stream.indirect.scatter.add.f32 [tilespmem:s15], [sflag:$0x3], $0x80, s29, s14, $0xb8;
	[tilespmem:$0x1E400] =	vst v63  }
0x27: {  	_ =	swait.ge [sflag:s18], $0x4000  }
0x28: {  	[sflag:s18] =	ssyncset.done $0x0  }
0x29: {  	s29 =	simm.s32 $0x1480;
	[sflag:s18] =	ssyncadd.s32 $0xFFFFC000  }
0x2a: {  	[spmem:s2] =	stream.indirect.scatter.add.f32 [tilespmem:s16], [sflag:$0x4], $0x80, s29, s14, $0xb8;
	[tilespmem:$0x1E400] =	vst v63  }
0x2b: {  	_ =	swait.ge [sflag:s19], $0x4000  }
0x2c: {  	[sflag:s19] =	ssyncset.done $0x0  }
0x2d: {  	s29 =	simm.s32 $0x100;
	[sflag:s19] =	ssyncadd.s32 $0xFFFFC000  }
0x2e: {  	[tilespmem:s15], [sflag:$0x1] =	stream.indirect.gather [hbm4b:s4+s14], $0x80, s29, s14, $0xb8;
	[tilespmem:$0x1E400] =	vst v63  }
0x2f: {  	_ =	swait.ge [sflag:s20], $0x4000  }
0x30: {  	[sflag:s20] =	ssyncset.done $0x0  }
0x31: {  	s30 =	simm.s32 $0x180;
	s29 =	simm.s32 $0x400;
	[sflag:s20] =	ssyncadd.s32 $0xFFFFC000  }
.LBB2_2:
0x32: {  	[tilespmem:s16], [sflag:$0x2] =	stream.indirect.gather [hbm4b:s4+s14], $0x80, s30, s14, $0xb8;
	[tilespmem:$0x1E400] =	vst v63  }
0x33: {  	s30 =	smov.u32 s29  }
0x34: {  	p0 =	sne.s32 s29, $0x4400;
	s29 =	sadd.s32 $0x400, s29;
	_ =	swait.ge [sflag:s17], $0x4000  }
0x35: {  	s30 =	sshra.s32 s30, $0x2;
	[sflag:s17] =	ssyncset.done $0x0  }
0x36: {  	s31 =	sadd.s32 $0x1400, s30;
	[sflag:s17] =	ssyncadd.s32 $0xFFFFC000  }
0x37: {  	[spmem:s2] =	stream.indirect.scatter.add.f32 [tilespmem:s15], [sflag:$0x3], $0x80, s31, s14, $0xb8;
	[tilespmem:$0x1E400] =	vst v63  }
0x38: {  	_ =	swait.ge [sflag:s18], $0x4000  }
0x39: {  	[sflag:s18] =	ssyncset.done $0x0  }
0x3a: {  	s31 =	sadd.s32 $0x1480, s30;
	[sflag:s18] =	ssyncadd.s32 $0xFFFFC000  }
0x3b: {  	[spmem:s2] =	stream.indirect.scatter.add.f32 [tilespmem:s16], [sflag:$0x4], $0x80, s31, s14, $0xb8;
	[tilespmem:$0x1E400] =	vst v63  }
0x3c: {  	_ =	swait.ge [sflag:s19], $0x4000  }
0x3d: {  	[sflag:s19] =	ssyncset.done $0x0  }
.Ltmp0:
0x3e: {  	s31 =	sadd.s32 $0x100, s30;
	[sflag:s19] =	ssyncadd.s32 $0xFFFFC000;
	(pc) =	sbr.rel @p0 .LBB2_2-.Ltmp0, $4  }
0x3f: {  	[tilespmem:s15], [sflag:$0x1] =	stream.indirect.gather [hbm4b:s4+s14], $0x80, s31, s14, $0xb8;
	[tilespmem:$0x1E400] =	vst v63  }
0x40: {  	_ =	swait.ge [sflag:s20], $0x4000  }
0x41: {  	[sflag:s20] =	ssyncset.done $0x0  }
0x42: {  	s30 =	sadd.s32 $0x180, s30;
	[sflag:s20] =	ssyncadd.s32 $0xFFFFC000  }
0x43: {  	[tilespmem:s16], [sflag:$0x2] =	stream.indirect.gather [hbm4b:s4+s14], $0x80, s30, s14, $0xb8;
	[tilespmem:$0x1E400] =	vst v63  }
0x44: {  	_ =	swait.ge [sflag:s17], $0x4000  }
0x45: {  	[sflag:s17] =	ssyncset.done $0x0  }
0x46: {  	[sflag:s17] =	ssyncadd.s32 $0xFFFFC000  }
0x47: {  	[spmem:s2] =	stream.indirect.scatter.add.f32 [tilespmem:s15], [sflag:$0x3], $0x80, s21, s14, $0xb8;
	[tilespmem:$0x1E400] =	vst v63  }
0x48: {  	_ =	swait.ge [sflag:s18], $0x4000  }
0x49: {  	[sflag:s18] =	ssyncset.done $0x0  }
0x4a: {  	[sflag:s18] =	ssyncadd.s32 $0xFFFFC000  }
0x4b: {  	[spmem:s2] =	stream.indirect.scatter.add.f32 [tilespmem:s16], [sflag:$0x4], $0x80, s22, s14, $0xb8;
	[tilespmem:$0x1E400] =	vst v63  }
0x4c: {  	_ =	swait.ge [sflag:s19], $0x4000  }
0x4d: {  	[sflag:s19] =	ssyncset.done $0x0  }
0x4e: {  	[sflag:s19] =	ssyncadd.s32 $0xFFFFC000  }
0x4f: {  	[tilespmem:s15], [sflag:$0x1] =	stream.indirect.gather [hbm4b:s4+s14], $0x80, s23, s14, $0xb8;
	[tilespmem:$0x1E400] =	vst v63  }
0x50: {  	_ =	swait.ge [sflag:s20], $0x4000  }
0x51: {  	[sflag:s20] =	ssyncset.done $0x0  }
0x52: {  	[sflag:s20] =	ssyncadd.s32 $0xFFFFC000  }
0x53: {  	[tilespmem:s16], [sflag:$0x2] =	stream.indirect.gather [hbm4b:s4+s14], $0x80, s24, s14, $0xb8;
	[tilespmem:$0x1E400] =	vst v63  }
0x54: {  	_ =	swait.ge [sflag:s17], $0x4000  }
0x55: {  	[sflag:s17] =	ssyncset.done $0x0  }
0x56: {  	[sflag:s17] =	ssyncadd.s32 $0xFFFFC000  }
0x57: {  	[spmem:s2] =	stream.indirect.scatter.add.f32 [tilespmem:s15], [sflag:$0x3], $0x80, s25, s14, $0xb8;
	[tilespmem:$0x1E400] =	vst v63  }
0x58: {  	_ =	swait.ge [sflag:s18], $0x4000  }
0x59: {  	[sflag:s18] =	ssyncset.done $0x0  }
0x5a: {  	[sflag:s18] =	ssyncadd.s32 $0xFFFFC000  }
0x5b: {  	[spmem:s2] =	stream.indirect.scatter.add.f32 [tilespmem:s16], [sflag:$0x4], $0x80, s26, s14, $0xb8;
	[tilespmem:$0x1E400] =	vst v63  }
0x5c: {  	_ =	swait.ge [sflag:s19], $0x4000  }
0x5d: {  	[sflag:s19] =	ssyncset.done $0x0  }
0x5e: {  	[sflag:s19] =	ssyncadd.s32 $0xFFFFC000  }
0x5f: {  	[tilespmem:s15], [sflag:$0x1] =	stream.indirect.gather [hbm4b:s4+s14], $0x80, s24, s14, $0xb8;
	[tilespmem:$0x1E400] =	vst v63  }
0x60: {  	_ =	swait.ge [sflag:s20], $0x4000  }
0x61: {  	[sflag:s20] =	ssyncset.done $0x0  }
0x62: {  	[sflag:s20] =	ssyncadd.s32 $0xFFFFC000  }
0x63: {  	[tilespmem:s16], [sflag:$0x2] =	stream.indirect.gather [hbm4b:s4+s14], $0x80, s24, s14, $0xb8;
	[tilespmem:$0x1E400] =	vst v63  }
0x64: {  	_ =	swait.ge [sflag:s17], $0x4000  }
0x65: {  	[sflag:s17] =	ssyncset.done $0x0  }
0x66: {  	[sflag:s17] =	ssyncadd.s32 $0xFFFFC000  }
0x67: {  	_ =	swait.ge [sflag:s18], $0x4000  }
0x68: {  	s28 =	sadd.s32 $0x1, s28;
	[sflag:s18] =	ssyncset.done $0x0  }
0x69: {  	p0 =	sne.s32 s28, s10;
	[sflag:s18] =	ssyncadd.s32 $0xFFFFC000  }
.Ltmp1:
0x6a: {  	[bflag:$0x0] =	sbarrier.arrive $0xFFFF;
	(pc) =	sbr.rel @p0 .LBB2_1-.Ltmp1, $4  }
0x6b: {  	[hbm:s9], [sflag:s6] =	dma.local [spmem:s11], $0x2780  }
0x6c: {  	_ =	swait.ge [sflag:s12], $0x2780  }
0x6d: {  	[sflag:s12] =	ssyncset.done $0x0  }
0x6e: {  	[sflag:s12] =	ssyncadd.s32 $0xFFFFD880  }
0x6f: {  	_ =	sfence.sel $0x180000  }
0x70: {  	[bflag:$0x0] =	sbarrier.arrive $0xFFFF  }
0x71: {  	p0 =	sne.s32 s0, $0x0;
	_ =	strace $0x9000005F  }
0x72: {  	s0 =	sadd.s32 @!p0 $0x100000, s1;
	[bflag:$0x2] =	sbarrier.arrive $0xFFFF  }
0x73: {  	[sflag:s0] =	ssyncadd.tile.s32 @!p0 $0x1;
	_ =	shalt  }
.Lfunc_end2:
_tile_overlayer_lowered:
.L_overlay_start_2:
0x74: {  	(tag) =	ssettag $0x2  }
0x75: {  	s0 =	rddreg [dreg:$0x0];
	s2 =	stileid.u32  }
0x76: {  	s1 =	rddreg [dreg:$0x1];
	p0 =	sne.s32 s2, $0x0  }
0x77: {  	s3 =	rddreg [dreg:$0x2];
	[bflag:$0x3] =	sbarrier.arrive $0xFFFF;
	s2 =	simm.s32 @!p0 $0x1C05  }
0x78: {  	[timem:s3], [sflag:s2] =	dma.local @!p0 [hbm:s0], s1  }
0x79: {  	s0 =	simm.s32 @!p0 $0x5  }
0x7a: {  	_ =	swait.ge @!p0 [sflag:s0], s1  }
0x7b: {  	s1 =	ssub.s32 @!p0 $0x0, s1;
	[sflag:s0] =	ssyncset.done @!p0 $0x0  }
0x7c: {  	[sflag:s0] =	ssyncadd.s32 @!p0 s1  }
0x7d: {  	[bflag:$0x3] =	sbarrier.arrive $0xFFFF  }
0x7e: {  	_ =	shalt  }

// kernel: kernel.64.cloned.1.call-start
scs
__scs_entry_jumppad:
0x0: {  	(pc) =	sbr.rel $0x88, $3  }
0x1: {  	(tag) =	ssettag $0x0;
	lr =	simm.s32 $0x1  }
0x2: {  	[smem:$0x3F6A] =	sst lr;
	_ =	strace $0xD0000000  }
0x3: {  	_ = 	snop  }
0x4: {  	_ = 	snop  }
0x5: {  	_ = 	snop  }
0x6: {  	_ = 	snop  }
0x7: {  	_ = 	snop  }
__scs_overlays_trampoline_lowered:
0x8: {  	[smem:$0x3F79] =	sst s0  }
0x9: {  	[smem:$0x3F7A] =	sst s1  }
0xa: {  	[smem:$0x3F7B] =	sst s2  }
0xb: {  	[smem:$0x3F7C] =	sst s3  }
0xc: {  	[smem:$0x3F7D] =	sst s4  }
0xd: {  	[smem:$0x3F7E] =	sst s5  }
0xe: {  	[smem:$0x3F7F] =	sst s6  }
0xf: {  	[smem:$0x3F80] =	sst s7  }
0x10: {  	[smem:$0x3F81] =	sst s8  }
0x11: {  	[smem:$0x3F82] =	sst s9;
	s0 =	simm.s32 @!p0 $0x0  }
0x12: {  	s1 =	sld [smem:$0x3F68];
	s0 =	simm.s32 @p0 $0x1  }
0x13: {  	[smem:$0x3F83] =	sst s0;
	s0 =	simm.s32 @!p1 $0x0  }
0x14: {  	s2 =	sld [smem:$0x3F67];
	s0 =	simm.s32 @p1 $0x1  }
0x15: {  	[smem:$0x3F84] =	sst s0;
	s0 =	simm.s32 @!p2 $0x0  }
0x16: {  	s3 =	sld [smem:$0x3FDB];
	s0 =	simm.s32 @p2 $0x1  }
0x17: {  	s4 =	simm.s32 $0x1BF5;
	[smem:$0x3F86] =	sst s0  }
0x18: {  	s0 =	sld [smem:$0x3F69];
	_ =	swait.ge [sflag:s4], $0x0  }
0x19: {  	s7 =	sld [smem:$0x3F6A]  }
0x1a: {  	s8 =	sadd.s32 $0xFFFFE003, lr  }
0x1b: {  	s9 =	sadd.s32 $0xFFFFFEF7, lr;
	s5 =	simm.s32 $0xFFFFFFFF;
	p2 =	slt.u32 s8, $0xFFFFF086  }
0x1c: {  	p1 =	slt.u32 s9, $0xF7A;
	s5 =	simm.s32 @!p2 $0x0  }
0x1d: {  	s5 =	simm.s32 @p1 $0x1;
	p0 =	seq.s32 s7, s2  }
0x1e: {  	s7 =	smul.u32 @!p0 $0xF7A, s2;
	p2 =	seq.s32 @!p0 s5, $0x0  }
0x1f: {  	s9 =	smul.u32 $0xF7A, s1;
	s8 =	simm.s32 @!p0 $0x1BF5;
	p2 =	por !p2, p0  }
0x20: {  	[sflag:s8] =	ssyncset.s32 @!p0 $0xFFFFF086;
	s6 =	sadd.s32 @!p0 s3, s7;
	s7 =	simm.s32 @!p0 $0x108  }
0x21: {  	s3 =	sadd.s32 s3, s9;
	s6 =	sadd.s32 @!p0 $0x88, s6;
	s7 =	simm.s32 @p2 $0x1082  }
0x22: {  	[simem:s7], [sflag:s8] =	dma.local @!p0 [hbm:s6], $0xF7A  }
0x23: {  	s9 =	sor.u32 $0xD0000000, s2;
	s6 =	simm.s32 $0x108;
	_ =	swait.ge @!p0 [sflag:s8], $0x0  }
0x24: {  	s3 =	sadd.s32 $0x88, s3;
	s6 =	simm.s32 @!p1 $0x1082;
	[sflag:s4] =	ssyncset.s32 $0xFFFFF086  }
0x25: {  	[simem:s6], [sflag:s4] =	dma.local [hbm:s3], $0xF7A  }
0x26: {  	[smem:$0x3F6A] =	sst s1;
	(tag) =	ssettag s2;
	_ =	strace s9  }
0x27: {  	s1 =	sld [smem:$0x3F7A]  }
0x28: {  	s2 =	sld [smem:$0x3F7B]  }
0x29: {  	s4 =	sld [smem:$0x3F7D]  }
0x2a: {  	p0 =	seq.s32 s5, $0x0;
	s5 =	sld [smem:$0x3F7E]  }
0x2b: {  	s6 =	sld [smem:$0x3F7F]  }
0x2c: {  	s7 =	sld [smem:$0x3F80]  }
0x2d: {  	s3 =	simm.s32 $0x108;
	s8 =	sld [smem:$0x3F81]  }
0x2e: {  	s3 =	simm.s32 @!p0 $0x1082;
	s9 =	sld [smem:$0x3F82]  }
0x2f: {  	lr =	sadd.s32 s0, s3;
	s0 =	sld [smem:$0x3F79]  }
0x30: {  	s3 =	sld [smem:$0x3F7C]  }
0x31: {  	[smem:$0x3F85] =	sst s10  }
0x32: {  	s10 =	sld [smem:$0x3F83];
	_ =	sdelay $0x3  }
0x33: {  	p0 =	seq.s32 s10, $0x1;
	s10 =	sld [smem:$0x3F85];
	_ =	sdelay $0x3  }
0x34: {  	[smem:$0x3F85] =	sst s10  }
0x35: {  	s10 =	sld [smem:$0x3F84];
	_ =	sdelay $0x3  }
0x36: {  	p1 =	seq.s32 s10, $0x1;
	s10 =	sld [smem:$0x3F85];
	_ =	sdelay $0x3  }
0x37: {  	[smem:$0x3F85] =	sst s10  }
0x38: {  	s10 =	sld [smem:$0x3F86]  }
0x39: {  	_ = 	snop;
	(pc) =	sbr.ind lr, $3  }
0x3a: {  	_ = 	snop  }
0x3b: {  	_ = 	snop  }
0x3c: {  	p2 =	seq.s32 s10, $0x1;
	s10 =	sld [smem:$0x3F85]  }
0x3d: {  	_ =	shalt  }
0x3e: {  	_ =	shalt  }
0x3f: {  	_ =	shalt  }
0x40: {  	_ =	shalt  }
0x41: {  	_ =	shalt  }
0x42: {  	_ =	shalt  }
0x43: {  	_ =	shalt  }
0x44: {  	_ =	shalt  }
0x45: {  	_ =	shalt  }
0x46: {  	_ =	shalt  }
0x47: {  	_ =	shalt  }
0x48: {  	_ =	shalt  }
0x49: {  	_ =	shalt  }
0x4a: {  	_ =	shalt  }
0x4b: {  	_ =	shalt  }
0x4c: {  	_ =	shalt  }
0x4d: {  	_ =	shalt  }
0x4e: {  	_ =	shalt  }
0x4f: {  	_ =	shalt  }
0x50: {  	_ =	shalt  }
0x51: {  	_ =	shalt  }
0x52: {  	_ =	shalt  }
0x53: {  	_ =	shalt  }
0x54: {  	_ =	shalt  }
0x55: {  	_ =	shalt  }
0x56: {  	_ =	shalt  }
0x57: {  	_ =	shalt  }
0x58: {  	_ =	shalt  }
0x59: {  	_ =	shalt  }
0x5a: {  	_ =	shalt  }
0x5b: {  	_ =	shalt  }
0x5c: {  	_ =	shalt  }
0x5d: {  	_ =	shalt  }
0x5e: {  	_ =	shalt  }
0x5f: {  	_ =	shalt  }
0x60: {  	_ =	shalt  }
0x61: {  	_ =	shalt  }
0x62: {  	_ =	shalt  }
0x63: {  	_ =	shalt  }
0x64: {  	_ =	shalt  }
0x65: {  	_ =	shalt  }
0x66: {  	_ =	shalt  }
0x67: {  	_ =	shalt  }
0x68: {  	_ =	shalt  }
0x69: {  	_ =	shalt  }
0x6a: {  	_ =	shalt  }
0x6b: {  	_ =	shalt  }
0x6c: {  	_ =	shalt  }
0x6d: {  	_ =	shalt  }
0x6e: {  	_ =	shalt  }
0x6f: {  	_ =	shalt  }
0x70: {  	_ =	shalt  }
0x71: {  	_ =	shalt  }
0x72: {  	_ =	shalt  }
0x73: {  	_ =	shalt  }
0x74: {  	_ =	shalt  }
0x75: {  	_ =	shalt  }
0x76: {  	_ =	shalt  }
0x77: {  	_ =	shalt  }
0x78: {  	_ =	shalt  }
0x79: {  	_ =	shalt  }
0x7a: {  	_ =	shalt  }
0x7b: {  	_ =	shalt  }
0x7c: {  	_ =	shalt  }
0x7d: {  	_ =	shalt  }
0x7e: {  	_ =	shalt  }
0x7f: {  	_ =	shalt  }
0x80: {  	_ =	shalt  }
0x81: {  	_ =	shalt  }
0x82: {  	_ =	shalt  }
0x83: {  	_ =	shalt  }
0x84: {  	_ =	shalt  }
0x85: {  	_ =	shalt  }
0x86: {  	_ =	shalt  }
0x87: {  	_ =	shalt  }
.Lfunc_end0:
.L_simem_size_0:
called_computation.9_lowered:
.L_overlay_start_0:
0x88: {  	s2 =	sld [smem:$0x3FD9]  }
0x89: {  	s3 =	sld [smem:$0x3FFE];
	_ =	sdelay $0x1  }
0x8a: {  	s1 =	srdreg.scid  }
0x8b: {  	s0 =	sand.u32 $0x1, s1  }
0x8c: {  	s17 =	sshll.u32 s0, $0xA;
	s2 =	sadd.s32 s3, s2  }
0x8d: {  	s2 =	sadd.s32 s2, s17  }
0x8e: {  	[smem:$0x3F91] =	sst s2  }
0x8f: {  	_ = 	snop  }
0x90: {  	(tm) =	ssettm $0x1  }
0x91: {  	s18 =	sld [smem:$0x3FFB];
	_ =	sdelay $0x3  }
0x92: {  	_ =	strace s18  }
0x93: {  	s2 =	sld [smem:$0x3FFC];
	_ =	sdelay $0x3  }
0x94: {  	_ =	strace s2  }
0x95: {  	s2 =	sld [smem:$0x3FFD];
	_ =	sdelay $0x3  }
0x96: {  	_ =	strace s2  }
0x97: {  	_ =	strace $0x8FFFFFFF  }
0x98: {  	s19 =	sld [smem:$0x3FDB];
	_ =	sdelay $0x1  }
0x99: {  	s20 =	simm.s32 $_scs_section_size  }
0x9a: {  	s4 =	simm.s32 $_size__tile_overlayer_lowered;
	s5 =	simm.s32 $_tile_overlayer_lowered  }
0x9b: {  	s6 =	simm.s32 $0x1BFF;
	s21 =	sshll.u32 s5, $0x1;
	s3 =	sadd.s32 s20, s19  }
0x9c: {  	s22 =	simm.s32 $0x0;
	s4 =	sshll.u32 s4, $0x1;
	s5 =	sadd.s32 s21, s3  }
0x9d: {  	[timem:s22], [sflag:s6] =	dma.local [hbm:s5], s4  }
0x9e: {  	_ =	swait.ge [sflag:s6], s4  }
0x9f: {  	s4 =	ssub.s32 $0x0, s4;
	[sflag:s6] =	ssyncset.done $0x0  }
0xa0: {  	[sflag:s6] =	ssyncadd.s32 s4;
	_ =	sdelay $0x1  }
0xa1: {  	s23 =	simm.s32 $0x1B8B  }
0xa2: {  	_ =	swait.ge [sflag:s23], $0x1  }
0xa3: {  	[sflag:s23] =	ssyncset.done $0x0  }
0xa4: {  	[sflag:s23] =	ssyncadd.s32 $0xFFFFFFFF  }
0xa5: {  	s4 =	sld [smem:$0x0]  }
0xa6: {  	s5 =	sand.u32 $0xFFFFFFFE, s1  }
0xa7: {  	p0 =	sne.s32 s1, s5  }
0xa8: {  	s5 =	sshll.u32 @p0 s5, $0xE  }
0xa9: {  	s5 =	sadd.s32 @p0 $0x11B8D, s5;
	s6 =	sshll.u32 @p0 s4, $0x11  }
0xaa: {  	s5 =	sor.u32 @p0 s6, s5  }
0xab: {  	[sflag:s5] =	ssyncadd.remote.s32 @p0 $0x1;
	_ =	sdelay $0x1  }
0xac: {  	s5 =	simm.s32 @p0 $0x1B8D  }
0xad: {  	_ =	swait.eq @p0 [sflag:s5], $0x1  }
0xae: {  	[sflag:s5] =	ssyncadd.s32 @p0 $0xFFFFFFFF  }
0xaf: {  	s6 =	sshll.u32 @!p0 s1, $0xE  }
0xb0: {  	s6 =	sor.u32 @!p0 $0x4000, s6;
	s5 =	simm.s32 @!p0 $0x1B8D  }
0xb1: {  	s4 =	sshll.u32 @!p0 s4, $0x11;
	s6 =	sadd.s32 @!p0 $0x11B8D, s6;
	_ =	swait.eq @!p0 [sflag:s5], $0x1  }
0xb2: {  	s4 =	sor.u32 @!p0 s4, s6;
	[sflag:s5] =	ssyncadd.s32 @!p0 $0xFFFFFFFF  }
0xb3: {  	s25 =	simm.s32 $0x1B8E;
	s24 =	sld [smem:$0x3FFE];
	[sflag:s4] =	ssyncadd.remote.s32 @!p0 $0x1  }
0xb4: {  	s26 =	simm.s32 $execute0_lowered;
	[smem:$0x3FD2] =	sst s25  }
0xb5: {  	s5 =	sshll.u32 s26, $0x1;
	_ =	strace $0x80000061;
	[dreg:$0x1] =	wrdreg $0xFFFFFFFF  }
0xb6: {  	s28 =	simm.s32 $_size_execute0_lowered;
	s3 =	sadd.s32 s3, s5;
	[dreg:$0x0] =	wrdreg $0x0  }
0xb7: {  	s5 =	sshll.u32 s28, $0x1;
	[dreg:$0x2] =	wrdreg s3  }
0xb8: {  	[dreg:$0x3] =	wrdreg s5  }
0xb9: {  	[dreg:$0x4] =	wrdreg $0xC0  }
0xba: {  	_ =	task [dreg:s22], $0x5FFFF  }
0xbb: {  	[dreg:$0x1] =	wrdreg $0xFFFFFFFF  }
0xbc: {  	[dreg:$0x0] =	wrdreg $0x60  }
0xbd: {  	[dreg:$0x2] =	wrdreg s24  }
0xbe: {  	[dreg:$0x3] =	wrdreg $0xA8000  }
0xbf: {  	[dreg:$0x4] =	wrdreg $0x9  }
0xc0: {  	_ =	task.clear_ibuf [dreg:s22], $0x5FFFF;
	_ =	strace $0x90000061  }
0xc1: {  	s29 =	simm.s32 $0x9;
	_ =	strace $0x80000063  }
0xc2: {  	_ =	swait.ge [sflag:s29], $0x1  }
0xc3: {  	[sflag:s29] =	ssyncadd.s32 $0xFFFFFFFF  }
0xc4: {  	_ =	strace $0x90000063  }
0xc5: {  	_ =	sfence  }
0xc6: {  	s30 =	sld [smem:$0x0];
	_ =	sdelay $0x2  }
0xc7: {  	s31 =	sshll.u32 s1, $0xD;
	s1 =	sshrl.u32 s1, $0x2  }
0xc8: {  	s4 =	sand.u32 $0x4000, s31;
	s1 =	sadd.s32 s1, s30  }
0xc9: {  	s0 =	sor.u32 s4, s0;
	s1 =	sshll.u32 s1, $0x11  }
0xca: {  	s0 =	sor.u32 s1, s0  }
0xcb: {  	s0 =	sadd.s32 $0x8F2B, s0  }
0xcc: {  	[sflag:s0] =	ssyncadd.remote.s32 $0x1  }
0xcd: {  	_ =	sfence.sel $0xFFFF  }
0xce: {  	[dreg:$0x0] =	wrdreg $0xFFFFFFFF;
	(pc) =	sbr.abs _section_cstart, $3  }
0xcf: {  	[dreg:$0x1] =	wrdreg $0xFFFFFFFF  }
0xd0: {  	_ =	task.clear_ibuf [dreg:s22], $0x2FFFF;
	_ =	strace $0x9FFFFFFF  }
0xd1: {  	(tm) =	ssettm $0x7FFFFFFF  }
tec
execute0_lowered:
.L_overlay_start_1:
0x0: {  	(tag) =	ssettag $0x1  }
0x1: {  	s1 =	srdreg.scid  }
0x2: {  	s0 =	stileid.u32;
	s6 =	rddreg [dreg:$0x0]  }
0x3: {  	s2 =	rddreg [dreg:$0x1];
	s3 =	simm.s32 $0x0;
	s13 =	simm.s32 $0x1400  }
0x4: {  	s14 =	simm.s32 $0x80;
	s15 =	simm.s32 $0x2800;
	s16 =	simm.s32 $0x6800  }
0x5: {  	s17 =	simm.s32 $0x1;
	s18 =	simm.s32 $0x2;
	s19 =	simm.s32 $0x3  }
0x6: {  	s20 =	simm.s32 $0x4;
	s21 =	simm.s32 $0x2600;
	s22 =	simm.s32 $0x2680  }
0x7: {  	s23 =	simm.s32 $0x1300;
	s28 =	simm.s32 $0x0;
	s5 =	sand.u32 $0x1, s1  }
0x8: {  	s24 =	sshll.u32 s0, $0x1;
	s8 =	smul.u32 $0x13C00, s0;
	[smem:$0x7FF] =	sst s3  }
0x9: {  	s4 =	sadd.s32 $0x177200, s6;
	s30 =	smul.u32 $0x4F000, s0;
	s31 =	sshll.u32 s0, $0x6  }
0xa: {  	s1 =	sor.u32 s5, s24;
	s9 =	smul.u32 $0x13C000, s5;
	s5 =	ssub.s32 $0x2, s5  }
0xb: {  	s24 =	simm.s32 $0x1380;
	s7 =	smul.u32 $0x280, s1;
	s1 =	rddreg [dreg:$0x2]  }
0xc: {  	_ =	strace $0x80000062;
	s25 =	sshrl.u32 s8, $0x3;
	s29 =	sshrl.u32 s5, $0x1  }
0xd: {  	s8 =	sadd.s32 s8, s9;
	s11 =	ssub.s32 s5, s29;
	s10 =	sadd.s32 s7, s6  }
0xe: {  	s7 =	sadd.s32 s25, s6;
	s8 =	sshrl.u32 s8, $0x3;
	s25 =	simm.s32 $0x2700  }
0xf: {  	s26 =	sadd.s32 s8, s6;
	s5 =	sadd.s32 $0x100A00, s7;
	s8 =	sshrl.u32 s30, $0x2  }
0x10: {  	s6 =	sor.u32 $0x1C05, s31;
	s7 =	sadd.s32 $0x266800, s10;
	s12 =	sadd.s32 s8, s2  }
0x11: {  	s8 =	sadd.s32 $0x261800, s10;
	s9 =	sadd.s32 $0x26B800, s26;
	s10 =	smax.u32 s11, $0x1  }
0x12: {  	s26 =	simm.s32 $0x2780;
	s11 =	sshrl.u32 s12, $0x3;
	s12 =	simm.s32 $0x5  }
.LBB2_1:
0x13: {  	[spmem:s11], [sflag:s6] =	dma.local [hbm:s5], $0x2780  }
0x14: {  	_ =	swait.ge [sflag:s12], $0x2780  }
0x15: {  	[sflag:s12] =	ssyncset.done $0x0  }
0x16: {  	[sflag:s12] =	ssyncadd.s32 $0xFFFFD880  }
0x17: {  	[tilespmem:s3], [sflag:$0x5] =	stream.linear.gather [hbm4b:s7+s3], $0x1400, $0x38;
	[tilespmem:$0x1E400] =	vst v63  }
0x18: {  	_ =	swait.ge [sflag:s12], $0x1400  }
0x19: {  	[sflag:s12] =	ssyncset.done $0x0  }
0x1a: {  	[sflag:s12] =	ssyncadd.s32 $0xFFFFEC00  }
0x1b: {  	[tilespmem:s13], [sflag:$0x5] =	stream.linear.gather [hbm4b:s8+s3], $0x1400, $0x38;
	[tilespmem:$0x1E400] =	vst v63  }
0x1c: {  	_ =	swait.ge [sflag:s12], $0x1400  }
0x1d: {  	[sflag:s12] =	ssyncset.done $0x0  }
0x1e: {  	[sflag:s12] =	ssyncadd.s32 $0xFFFFEC00  }
0x1f: {  	[bflag:$0x0] =	sbarrier.arrive $0xFFFF  }
0x20: {  	[tilespmem:s15], [sflag:$0x1] =	stream.indirect.gather [hbm4b:s4+s14], $0x80, s3, s14, $0xb8;
	[tilespmem:$0x1E400] =	vst v63  }
0x21: {  	_ = 	snop  }
0x22: {  	[tilespmem:s16], [sflag:$0x2] =	stream.indirect.gather [hbm4b:s4+s14], $0x80, s14, s14, $0xb8;
	[tilespmem:$0x1E400] =	vst v63  }
0x23: {  	_ =	swait.ge [sflag:s17], $0x4000  }
0x24: {  	[sflag:s17] =	ssyncset.done $0x0  }
0x25: {  	s29 =	simm.s32 $0x1400;
	[sflag:s17] =	ssyncadd.s32 $0xFFFFC000  }
0x26: {  	[spmem:s2] =	stream.indirect.scatter.add.f32 [tilespmem:s15], [sflag:$0x3], $0x80, s29, s14, $0xb8;
	[tilespmem:$0x1E400] =	vst v63  }
0x27: {  	_ =	swait.ge [sflag:s18], $0x4000  }
0x28: {  	[sflag:s18] =	ssyncset.done $0x0  }
0x29: {  	s29 =	simm.s32 $0x1480;
	[sflag:s18] =	ssyncadd.s32 $0xFFFFC000  }
0x2a: {  	[spmem:s2] =	stream.indirect.scatter.add.f32 [tilespmem:s16], [sflag:$0x4], $0x80, s29, s14, $0xb8;
	[tilespmem:$0x1E400] =	vst v63  }
0x2b: {  	_ =	swait.ge [sflag:s19], $0x4000  }
0x2c: {  	[sflag:s19] =	ssyncset.done $0x0  }
0x2d: {  	s29 =	simm.s32 $0x100;
	[sflag:s19] =	ssyncadd.s32 $0xFFFFC000  }
0x2e: {  	[tilespmem:s15], [sflag:$0x1] =	stream.indirect.gather [hbm4b:s4+s14], $0x80, s29, s14, $0xb8;
	[tilespmem:$0x1E400] =	vst v63  }
0x2f: {  	_ =	swait.ge [sflag:s20], $0x4000  }
0x30: {  	[sflag:s20] =	ssyncset.done $0x0  }
0x31: {  	s30 =	simm.s32 $0x180;
	s29 =	simm.s32 $0x400;
	[sflag:s20] =	ssyncadd.s32 $0xFFFFC000  }
.LBB2_2:
0x32: {  	[tilespmem:s16], [sflag:$0x2] =	stream.indirect.gather [hbm4b:s4+s14], $0x80, s30, s14, $0xb8;
	[tilespmem:$0x1E400] =	vst v63  }
0x33: {  	s30 =	smov.u32 s29  }
0x34: {  	p0 =	sne.s32 s29, $0x4400;
	s29 =	sadd.s32 $0x400, s29;
	_ =	swait.ge [sflag:s17], $0x4000  }
0x35: {  	s30 =	sshra.s32 s30, $0x2;
	[sflag:s17] =	ssyncset.done $0x0  }
0x36: {  	s31 =	sadd.s32 $0x1400, s30;
	[sflag:s17] =	ssyncadd.s32 $0xFFFFC000  }
0x37: {  	[spmem:s2] =	stream.indirect.scatter.add.f32 [tilespmem:s15], [sflag:$0x3], $0x80, s31, s14, $0xb8;
	[tilespmem:$0x1E400] =	vst v63  }
0x38: {  	_ =	swait.ge [sflag:s18], $0x4000  }
0x39: {  	[sflag:s18] =	ssyncset.done $0x0  }
0x3a: {  	s31 =	sadd.s32 $0x1480, s30;
	[sflag:s18] =	ssyncadd.s32 $0xFFFFC000  }
0x3b: {  	[spmem:s2] =	stream.indirect.scatter.add.f32 [tilespmem:s16], [sflag:$0x4], $0x80, s31, s14, $0xb8;
	[tilespmem:$0x1E400] =	vst v63  }
0x3c: {  	_ =	swait.ge [sflag:s19], $0x4000  }
0x3d: {  	[sflag:s19] =	ssyncset.done $0x0  }
.Ltmp0:
0x3e: {  	s31 =	sadd.s32 $0x100, s30;
	[sflag:s19] =	ssyncadd.s32 $0xFFFFC000;
	(pc) =	sbr.rel @p0 .LBB2_2-.Ltmp0, $4  }
0x3f: {  	[tilespmem:s15], [sflag:$0x1] =	stream.indirect.gather [hbm4b:s4+s14], $0x80, s31, s14, $0xb8;
	[tilespmem:$0x1E400] =	vst v63  }
0x40: {  	_ =	swait.ge [sflag:s20], $0x4000  }
0x41: {  	[sflag:s20] =	ssyncset.done $0x0  }
0x42: {  	s30 =	sadd.s32 $0x180, s30;
	[sflag:s20] =	ssyncadd.s32 $0xFFFFC000  }
0x43: {  	[tilespmem:s16], [sflag:$0x2] =	stream.indirect.gather [hbm4b:s4+s14], $0x80, s30, s14, $0xb8;
	[tilespmem:$0x1E400] =	vst v63  }
0x44: {  	_ =	swait.ge [sflag:s17], $0x4000  }
0x45: {  	[sflag:s17] =	ssyncset.done $0x0  }
0x46: {  	[sflag:s17] =	ssyncadd.s32 $0xFFFFC000  }
0x47: {  	[spmem:s2] =	stream.indirect.scatter.add.f32 [tilespmem:s15], [sflag:$0x3], $0x80, s21, s14, $0xb8;
	[tilespmem:$0x1E400] =	vst v63  }
0x48: {  	_ =	swait.ge [sflag:s18], $0x4000  }
0x49: {  	[sflag:s18] =	ssyncset.done $0x0  }
0x4a: {  	[sflag:s18] =	ssyncadd.s32 $0xFFFFC000  }
0x4b: {  	[spmem:s2] =	stream.indirect.scatter.add.f32 [tilespmem:s16], [sflag:$0x4], $0x80, s22, s14, $0xb8;
	[tilespmem:$0x1E400] =	vst v63  }
0x4c: {  	_ =	swait.ge [sflag:s19], $0x4000  }
0x4d: {  	[sflag:s19] =	ssyncset.done $0x0  }
0x4e: {  	[sflag:s19] =	ssyncadd.s32 $0xFFFFC000  }
0x4f: {  	[tilespmem:s15], [sflag:$0x1] =	stream.indirect.gather [hbm4b:s4+s14], $0x80, s23, s14, $0xb8;
	[tilespmem:$0x1E400] =	vst v63  }
0x50: {  	_ =	swait.ge [sflag:s20], $0x4000  }
0x51: {  	[sflag:s20] =	ssyncset.done $0x0  }
0x52: {  	[sflag:s20] =	ssyncadd.s32 $0xFFFFC000  }
0x53: {  	[tilespmem:s16], [sflag:$0x2] =	stream.indirect.gather [hbm4b:s4+s14], $0x80, s24, s14, $0xb8;
	[tilespmem:$0x1E400] =	vst v63  }
0x54: {  	_ =	swait.ge [sflag:s17], $0x4000  }
0x55: {  	[sflag:s17] =	ssyncset.done $0x0  }
0x56: {  	[sflag:s17] =	ssyncadd.s32 $0xFFFFC000  }
0x57: {  	[spmem:s2] =	stream.indirect.scatter.add.f32 [tilespmem:s15], [sflag:$0x3], $0x80, s25, s14, $0xb8;
	[tilespmem:$0x1E400] =	vst v63  }
0x58: {  	_ =	swait.ge [sflag:s18], $0x4000  }
0x59: {  	[sflag:s18] =	ssyncset.done $0x0  }
0x5a: {  	[sflag:s18] =	ssyncadd.s32 $0xFFFFC000  }
0x5b: {  	[spmem:s2] =	stream.indirect.scatter.add.f32 [tilespmem:s16], [sflag:$0x4], $0x80, s26, s14, $0xb8;
	[tilespmem:$0x1E400] =	vst v63  }
0x5c: {  	_ =	swait.ge [sflag:s19], $0x4000  }
0x5d: {  	[sflag:s19] =	ssyncset.done $0x0  }
0x5e: {  	[sflag:s19] =	ssyncadd.s32 $0xFFFFC000  }
0x5f: {  	[tilespmem:s15], [sflag:$0x1] =	stream.indirect.gather [hbm4b:s4+s14], $0x80, s24, s14, $0xb8;
	[tilespmem:$0x1E400] =	vst v63  }
0x60: {  	_ =	swait.ge [sflag:s20], $0x4000  }
0x61: {  	[sflag:s20] =	ssyncset.done $0x0  }
0x62: {  	[sflag:s20] =	ssyncadd.s32 $0xFFFFC000  }
0x63: {  	[tilespmem:s16], [sflag:$0x2] =	stream.indirect.gather [hbm4b:s4+s14], $0x80, s24, s14, $0xb8;
	[tilespmem:$0x1E400] =	vst v63  }
0x64: {  	_ =	swait.ge [sflag:s17], $0x4000  }
0x65: {  	[sflag:s17] =	ssyncset.done $0x0  }
0x66: {  	[sflag:s17] =	ssyncadd.s32 $0xFFFFC000  }
0x67: {  	_ =	swait.ge [sflag:s18], $0x4000  }
0x68: {  	s28 =	sadd.s32 $0x1, s28;
	[sflag:s18] =	ssyncset.done $0x0  }
0x69: {  	p0 =	sne.s32 s28, s10;
	[sflag:s18] =	ssyncadd.s32 $0xFFFFC000  }
.Ltmp1:
0x6a: {  	[bflag:$0x0] =	sbarrier.arrive $0xFFFF;
	(pc) =	sbr.rel @p0 .LBB2_1-.Ltmp1, $4  }
0x6b: {  	[hbm:s9], [sflag:s6] =	dma.local [spmem:s11], $0x2780  }
0x6c: {  	_ =	swait.ge [sflag:s12], $0x2780  }
0x6d: {  	[sflag:s12] =	ssyncset.done $0x0  }
0x6e: {  	[sflag:s12] =	ssyncadd.s32 $0xFFFFD880  }
0x6f: {  	_ =	sfence.sel $0x180000  }
0x70: {  	[bflag:$0x0] =	sbarrier.arrive $0xFFFF  }
0x71: {  	p0 =	sne.s32 s0, $0x0;
	_ =	strace $0x90000062  }
0x72: {  	s0 =	sadd.s32 @!p0 $0x100000, s1;
	[bflag:$0x2] =	sbarrier.arrive $0xFFFF  }
0x73: {  	[sflag:s0] =	ssyncadd.tile.s32 @!p0 $0x1;
	_ =	shalt  }
.Lfunc_end2:
_tile_overlayer_lowered:
.L_overlay_start_2:
0x74: {  	(tag) =	ssettag $0x2  }
0x75: {  	s0 =	rddreg [dreg:$0x0];
	s2 =	stileid.u32  }
0x76: {  	s1 =	rddreg [dreg:$0x1];
	p0 =	sne.s32 s2, $0x0  }
0x77: {  	s3 =	rddreg [dreg:$0x2];
	[bflag:$0x3] =	sbarrier.arrive $0xFFFF;
	s2 =	simm.s32 @!p0 $0x1C05  }
0x78: {  	[timem:s3], [sflag:s2] =	dma.local @!p0 [hbm:s0], s1  }
0x79: {  	s0 =	simm.s32 @!p0 $0x5  }
0x7a: {  	_ =	swait.ge @!p0 [sflag:s0], s1  }
0x7b: {  	s1 =	ssub.s32 @!p0 $0x0, s1;
	[sflag:s0] =	ssyncset.done @!p0 $0x0  }
0x7c: {  	[sflag:s0] =	ssyncadd.s32 @!p0 s1  }
0x7d: {  	[bflag:$0x3] =	sbarrier.arrive $0xFFFF  }
0x7e: {  	_ =	shalt  }

</sc_bundles>
